<compile_context>
chip_gen: v7x
topology: tpu7x:2x2x1
jax: 0.10.2.dev20260603
libtpu: 0.0.44.dev20260713+nightly
codegen_flags: <defaults>
</compile_context>

<pallas_src>
import functools

import jax
import jax.numpy as jnp
from jax import lax
from jax.experimental import pallas as pl
from jax.experimental.pallas import tpu as pltpu
from jax.experimental.pallas import tpu_sc as plsc

_N = 10000
_E = 320000
_C = 128
_G = 64
_K = 128
_NCHUNK = _E // _K
_NTILE = 16
_NW = 2 * _NTILE
_NP = 10240
_RPT = _NP // _NTILE
_ZR = 128

_mesh = plsc.VectorSubcoreMesh(core_axis_name="c", subcore_axis_name="s")



_EP = 327680
_NCHUNK2 = _EP // _K
_NSLOT = 2
_NSS = _NCHUNK2 // (_NW * _NSLOT)


_CPT = _NCHUNK2 // _NW


@functools.partial(
    pl.kernel,
    out_type=jax.ShapeDtypeStruct((2, _NP, _C), jnp.float32),
    mesh=_mesh,
    scratch_types=[
        pltpu.VMEM((_CPT, _K), jnp.int32),
        pltpu.VMEM((_CPT, _K), jnp.int32),
        pltpu.VMEM((_K, _C), jnp.float32),
        pltpu.VMEM_SHARED((_NP, _C), jnp.float32),
        pltpu.SemaphoreType.DMA,
        pltpu.SemaphoreType.DMA,
    ],
)
def _agg_kernel(h_hbm, src_hbm, dst_hbm, out_hbm,
                sbuf, dbuf, rows, acc, gsem, wsem):
    cid = lax.axis_index("c")
    sid = lax.axis_index("s")
    wid = sid * 2 + cid

    pltpu.sync_copy(src_hbm.at[wid], sbuf)
    pltpu.sync_copy(dst_hbm.at[wid], dbuf)

    zero = jnp.zeros((16,), jnp.float32)

    def zrow(i, _):
        def zcol(j, _):
            rows[i, pl.ds(j * 16, 16)] = zero
            return 0
        lax.fori_loop(0, _C // 16, zcol, 0)
        return 0
    lax.fori_loop(0, _K, zrow, 0)

    row0 = sid * _RPT
    for k in range(_RPT // _ZR):
        pltpu.sync_copy(rows, acc.at[pl.ds(row0 + k * _ZR, _ZR)])
    plsc.subcore_barrier()

    def body(t, _):
        pltpu.async_copy(h_hbm.at[sbuf.at[t]], rows, gsem).wait()
        pltpu.sync_copy(rows, acc.at[dbuf.at[t]], add=True)
        return 0
    lax.fori_loop(0, _CPT, body, 0)
    plsc.subcore_barrier()

    for k in range(_RPT // _ZR):
        r = row0 + k * _ZR
        pltpu.async_copy(acc.at[pl.ds(r, _ZR)], out_hbm.at[cid, pl.ds(r, _ZR)], wsem)
    for k in range(_RPT // _ZR):
        r = row0 + k * _ZR
        pltpu.make_async_copy(acc.at[pl.ds(r, _ZR)], out_hbm.at[cid, pl.ds(r, _ZR)], wsem).wait()



_NB = 1024
_NBLK = _NP // _NB


def _t1_body(deg_ref, x_ref, w_ref, dinv_ref, h_ref):
    deg = deg_ref[0, :, 0:1] + deg_ref[1, :, 0:1] + 1.0
    dinv = lax.rsqrt(deg)
    dinv_ref[...] = dinv
    h_ref[...] = jnp.dot(x_ref[...], w_ref[...],
                         preferred_element_type=jnp.float32) * dinv


_t1 = pl.pallas_call(
    _t1_body,
    grid=(_NBLK,),
    in_specs=[
        pl.BlockSpec((2, _NB, _C), lambda i: (0, i, 0)),
        pl.BlockSpec((_NB, _C), lambda i: (i, 0)),
        pl.BlockSpec((_C, _C), lambda i: (0, 0)),
    ],
    out_specs=[
        pl.BlockSpec((_NB, 1), lambda i: (i, 0)),
        pl.BlockSpec((_NB, _C), lambda i: (i, 0)),
    ],
    out_shape=[
        jax.ShapeDtypeStruct((_NP, 1), jnp.float32),
        jax.ShapeDtypeStruct((_NP, _C), jnp.float32),
    ],
)


def _tmid_body(p_ref, hprev_ref, dinv_ref, b_ref, w_ref, h_ref):
    dinv = dinv_ref[...]
    agg = p_ref[0] + p_ref[1] + hprev_ref[...]
    x = jnp.maximum(dinv * agg + b_ref[...], 0.0)
    h_ref[...] = jnp.dot(x, w_ref[...],
                         preferred_element_type=jnp.float32) * dinv


_tmid = pl.pallas_call(
    _tmid_body,
    grid=(_NBLK,),
    in_specs=[
        pl.BlockSpec((2, _NB, _C), lambda i: (0, i, 0)),
        pl.BlockSpec((_NB, _C), lambda i: (i, 0)),
        pl.BlockSpec((_NB, 1), lambda i: (i, 0)),
        pl.BlockSpec((1, _C), lambda i: (0, 0)),
        pl.BlockSpec((_C, _C), lambda i: (0, 0)),
    ],
    out_specs=pl.BlockSpec((_NB, _C), lambda i: (i, 0)),
    out_shape=jax.ShapeDtypeStruct((_NP, _C), jnp.float32),
)


def _t6_body(p_ref, hprev_ref, dinv_ref, b_ref, batch_ref,
             fc1w_ref, fc1b_ref, fc2w_ref, fc2b_ref,
             out_ref, pool_acc, cnt_acc):
    i = pl.program_id(0)

    @pl.when(i == 0)
    def _():
        pool_acc[...] = jnp.zeros_like(pool_acc)
        cnt_acc[...] = jnp.zeros_like(cnt_acc)

    dinv = dinv_ref[...]
    agg = p_ref[0] + p_ref[1] + hprev_ref[...]
    x = jnp.maximum(dinv * agg + b_ref[...], 0.0)

    bt = batch_ref[0, 0, :]
    onehot = (bt[None, :] ==
              lax.broadcasted_iota(jnp.int32, (_G, _NB), 0)
              ).astype(jnp.float32)
    pool_acc[...] += jnp.dot(onehot, x, preferred_element_type=jnp.float32)
    cnt_acc[...] += jnp.sum(onehot, axis=1, keepdims=True)

    @pl.when(i == _NBLK - 1)
    def _():
        pooled = pool_acc[...] / jnp.maximum(cnt_acc[...], 1.0)
        g = jnp.maximum(
            jnp.dot(pooled, fc1w_ref[...],
                    preferred_element_type=jnp.float32) + fc1b_ref[...], 0.0)
        out_ref[...] = jnp.dot(
            g, fc2w_ref[...], preferred_element_type=jnp.float32) + fc2b_ref[...]


_t6 = pl.pallas_call(
    _t6_body,
    grid=(_NBLK,),
    in_specs=[
        pl.BlockSpec((2, _NB, _C), lambda i: (0, i, 0)),
        pl.BlockSpec((_NB, _C), lambda i: (i, 0)),
        pl.BlockSpec((_NB, 1), lambda i: (i, 0)),
        pl.BlockSpec((1, _C), lambda i: (0, 0)),
        pl.BlockSpec((1, 1, _NB), lambda i: (i, 0, 0)),
        pl.BlockSpec((_C, _C), lambda i: (0, 0)),
        pl.BlockSpec((1, _C), lambda i: (0, 0)),
        pl.BlockSpec((_C, _C), lambda i: (0, 0)),
        pl.BlockSpec((1, _C), lambda i: (0, 0)),
    ],
    out_specs=pl.BlockSpec((_G, _C), lambda i: (0, 0)),
    out_shape=jax.ShapeDtypeStruct((_G, _C), jnp.float32),
    scratch_shapes=[
        pltpu.VMEM((_G, _C), jnp.float32),
        pltpu.VMEM((_G, 1), jnp.float32),
    ],
)


@jax.jit
def kernel(x, edge_index, batch,
           W1, b1, W2, b2, W3, b3, W4, b4, W5, b5,
           fc1_W, fc1_b, fc2_W, fc2_b):
    pad = _EP - _E
    src = jnp.concatenate(
        [edge_index[0], jnp.full((pad,), _NP - 1, jnp.int32)]).reshape(_NW, _CPT, _K)
    dst = jnp.concatenate(
        [edge_index[1], jnp.full((pad,), _NP - 1, jnp.int32)]).reshape(_NW, _CPT, _K)
    xp = jnp.pad(x, ((0, _NP - _N), (0, 0)))
    bp = jnp.pad(batch, (0, _NP - _N), constant_values=_G)

    ones = jnp.ones((_NP, _C), jnp.float32)
    degp = _agg_kernel(ones, src, dst)
    dinv, h = _t1(degp, xp, W1)

    for (b_prev, w_next) in ((b1, W2), (b2, W3), (b3, W4), (b4, W5)):
        p = _agg_kernel(h, src, dst)
        h = _tmid(p, h, dinv, b_prev[None, :], w_next)

    p = _agg_kernel(h, src, dst)
    out = _t6(p, h, dinv, b5[None, :], bp.reshape(_NBLK, 1, _NB),
              fc1_W, fc1_b[None, :], fc2_W, fc2_b[None, :])
    return out

# --- scband reference (transcript-rebuilt; emitter-appended) ---
"""Pipeline reference for scband-gcn-2843268350429 (READ-ONLY COPY).

The authoritative reference and input builder live on the scoring server;
editing this copy changes nothing except your own understanding.
"""

import jax, jax.numpy as jnp
import numpy as np

N_NODES = 10000
N_EDGES = 320000
IN_CH = 128
HID = 128
OUT_CH = 128
N_GRAPHS = 64


def _glorot(key, shape):
    fan_in, fan_out = shape[0], shape[1]
    limit = jnp.sqrt(6.0 / (fan_in + fan_out))
    return jax.random.uniform(key, shape, minval=-limit, maxval=limit, dtype=jnp.float32)


def setup_inputs(seed: int = 0) -> dict:
    key = jax.random.key(seed)
    ks = jax.random.split(key, 20)
    x = jax.random.normal(ks[0], (N_NODES, IN_CH), dtype=jnp.float32)
    edge_index = jax.random.randint(ks[1], (2, N_EDGES), 0, N_NODES, dtype=jnp.int32)
    batch = jnp.sort(jax.random.randint(ks[2], (N_NODES,), 0, N_GRAPHS, dtype=jnp.int32))
    inp = {"x": x, "edge_index": edge_index, "batch": batch}
    dims = [(IN_CH, HID), (HID, HID), (HID, HID), (HID, HID), (HID, HID)]
    for i, (di, do) in enumerate(dims):
        inp[f"W{i+1}"] = _glorot(ks[3 + i], (di, do))
        inp[f"b{i+1}"] = jnp.zeros((do,), dtype=jnp.float32)
    inp["fc1_W"] = _glorot(ks[10], (HID, HID))
    inp["fc1_b"] = jnp.zeros((HID,), dtype=jnp.float32)
    inp["fc2_W"] = _glorot(ks[11], (HID, OUT_CH))
    inp["fc2_b"] = jnp.zeros((OUT_CH,), dtype=jnp.float32)
    return inp


def _gcn_conv(x, src, dst, norm, W, b):
    # PyG GCNConv: h = x @ W, message = h[src] * norm, aggregate sum at dst, add bias
    h = x @ W
    msg = h[src] * norm[:, None]
    out = jax.ops.segment_sum(msg, dst, num_segments=N_NODES)
    return out + b


def reference(x, edge_index, batch, W1, b1, W2, b2, W3, b3, W4, b4, W5, b5, fc1_W, fc1_b, fc2_W, fc2_b):
    # add self loops once; edge structure is identical for all 5 conv layers
    loop = jnp.arange(N_NODES, dtype=edge_index.dtype)
    src = jnp.concatenate([edge_index[0], loop])
    dst = jnp.concatenate([edge_index[1], loop])
    # symmetric normalization with edge_weight = 1
    deg = jax.ops.segment_sum(jnp.ones_like(src, dtype=jnp.float32), dst, num_segments=N_NODES)
    dinv = jnp.where(deg > 0, jax.lax.rsqrt(jnp.maximum(deg, 1e-12)), 0.0)
    norm = dinv[src] * dinv[dst]

    h = jax.nn.relu(_gcn_conv(x, src, dst, norm, W1, b1))
    h = jax.nn.relu(_gcn_conv(h, src, dst, norm, W2, b2))
    h = jax.nn.relu(_gcn_conv(h, src, dst, norm, W3, b3))
    h = jax.nn.relu(_gcn_conv(h, src, dst, norm, W4, b4))
    h = jax.nn.relu(_gcn_conv(h, src, dst, norm, W5, b5))

    # global_mean_pool over graph ids
    sums = jax.ops.segment_sum(h, batch, num_segments=N_GRAPHS)
    counts = jax.ops.segment_sum(jnp.ones((N_NODES,), dtype=jnp.float32), batch, num_segments=N_GRAPHS)
    pooled = sums / jnp.maximum(counts, 1.0)[:, None]

    g = jax.nn.relu(pooled @ fc1_W + fc1_b)
    # dropout(p=0.5) is identity in eval mode
    out = g @ fc2_W + fc2_b
    return out

if __name__ == "__main__":
    import jax
    _d = setup_inputs()
    print(jax.jit(kernel)(*tuple(_d.values())))

</pallas_src>

<mosaic_0001>
#map = affine_map<(d0, d1) -> (0, 0)>
#map1 = affine_map<(d0, d1) -> (0, 0, 0)>
module attributes {stable_mosaic.version = 14 : i64} {
  func.func @_agg_kernel(%arg0: i32, %arg1: i32, %arg2: memref<10240x128xf32, #tpu.memory_space<hbm>>, %arg3: memref<32x80x128xi32, #tpu.memory_space<hbm>>, %arg4: memref<32x80x128xi32, #tpu.memory_space<hbm>>, %arg5: memref<2x10240x128xf32, #tpu.memory_space<hbm>>, %arg6: memref<80x128xi32, #tpu.memory_space<vmem>>, %arg7: memref<80x128xi32, #tpu.memory_space<vmem>>, %arg8: memref<128x128xf32, #tpu.memory_space<vmem>>, %arg9: memref<10240x128xf32, #tpu.memory_space<vmem_shared>>, %arg10: memref<!tpu.dma_semaphore, #tpu.memory_space<semaphore_mem>>, %arg11: memref<!tpu.dma_semaphore, #tpu.memory_space<semaphore_mem>>) attributes {dimension_semantics = [#tpu.dimension_semantics<core_parallel>, #tpu.dimension_semantics<subcore_parallel>], iteration_bounds = array<i64: 2, 16>, scalar_prefetch = 0 : i64, scratch_operands = 6 : i64, tpu.core_type = #tpu.core_type<sc_vector_subcore>, window_params = [{transform_indices = #map}, {transform_indices = #map1}, {transform_indices = #map1}, {transform_indices = #map1}]} {
    %mul3A = arith.constant 2 : i32
    %mul3A_0 = arith.muli %arg1, %mul3A : i32
    %add3A = arith.addi %mul3A_0, %arg0 : i32
    "tpu.region"() ({
      %run_scoped3A = tpu.sem_alloc : memref<!tpu.dma_semaphore, #tpu.memory_space<semaphore_mem>>
      %dma_start3A_96 = arith.constant 0 : i32
      %dma_start3A_97 = arith.constant 0 : i32
      %dma_start3A_98 = tpu.memref_slice %arg3[%add3A, %dma_start3A_96, %dma_start3A_97] : memref<32x80x128xi32, #tpu.memory_space<hbm>> -> memref<1x80x128xi32, #tpu.memory_space<hbm>>
      %dma_start3A_99 = tpu.memref_squeeze %dma_start3A_98 : memref<1x80x128xi32, #tpu.memory_space<hbm>> -> memref<80x128xi32, #tpu.memory_space<hbm>>
      %dma_start3A_100 = arith.constant 0 : i32
      %dma_start3A_101 = arith.constant 0 : i32
      %dma_start3A_102 = tpu.memref_slice %arg3[%add3A, %dma_start3A_100, %dma_start3A_101] : memref<32x80x128xi32, #tpu.memory_space<hbm>> -> memref<1x80x128xi32, #tpu.memory_space<hbm>>
      %dma_start3A_103 = tpu.memref_squeeze %dma_start3A_102 : memref<1x80x128xi32, #tpu.memory_space<hbm>> -> memref<80x128xi32, #tpu.memory_space<hbm>>
      tpu.enqueue_dma source(%dma_start3A_103 : memref<80x128xi32, #tpu.memory_space<hbm>>) target(%arg6 : memref<80x128xi32, #tpu.memory_space<vmem>>) target_semaphore(%run_scoped3A : memref<!tpu.dma_semaphore, #tpu.memory_space<semaphore_mem>>)
      %dma_wait3A_104 = arith.constant 0 : i32
      %dma_wait3A_105 = arith.constant 0 : i32
      %dma_wait3A_106 = tpu.memref_slice %arg3[%add3A, %dma_wait3A_104, %dma_wait3A_105] : memref<32x80x128xi32, #tpu.memory_space<hbm>> -> memref<1x80x128xi32, #tpu.memory_space<hbm>>
      %dma_wait3A_107 = tpu.memref_squeeze %dma_wait3A_106 : memref<1x80x128xi32, #tpu.memory_space<hbm>> -> memref<80x128xi32, #tpu.memory_space<hbm>>
      %dma_wait3A_108 = arith.constant 0 : i32
      %dma_wait3A_109 = arith.constant 0 : i32
      %dma_wait3A_110 = tpu.memref_slice %arg3[%add3A, %dma_wait3A_108, %dma_wait3A_109] : memref<32x80x128xi32, #tpu.memory_space<hbm>> -> memref<1x80x128xi32, #tpu.memory_space<hbm>>
      %dma_wait3A_111 = tpu.memref_squeeze %dma_wait3A_110 : memref<1x80x128xi32, #tpu.memory_space<hbm>> -> memref<80x128xi32, #tpu.memory_space<hbm>>
      tpu.wait_dma2 semaphore(%run_scoped3A : memref<!tpu.dma_semaphore, #tpu.memory_space<semaphore_mem>>) src(%dma_wait3A_111 : memref<80x128xi32, #tpu.memory_space<hbm>>) dst(%arg6 : memref<80x128xi32, #tpu.memory_space<vmem>>)
      tpu.yield
    }) : () -> ()
    "tpu.region"() ({
      %run_scoped3A = tpu.sem_alloc : memref<!tpu.dma_semaphore, #tpu.memory_space<semaphore_mem>>
      %dma_start3A_96 = arith.constant 0 : i32
      %dma_start3A_97 = arith.constant 0 : i32
      %dma_start3A_98 = tpu.memref_slice %arg4[%add3A, %dma_start3A_96, %dma_start3A_97] : memref<32x80x128xi32, #tpu.memory_space<hbm>> -> memref<1x80x128xi32, #tpu.memory_space<hbm>>
      %dma_start3A_99 = tpu.memref_squeeze %dma_start3A_98 : memref<1x80x128xi32, #tpu.memory_space<hbm>> -> memref<80x128xi32, #tpu.memory_space<hbm>>
      %dma_start3A_100 = arith.constant 0 : i32
      %dma_start3A_101 = arith.constant 0 : i32
      %dma_start3A_102 = tpu.memref_slice %arg4[%add3A, %dma_start3A_100, %dma_start3A_101] : memref<32x80x128xi32, #tpu.memory_space<hbm>> -> memref<1x80x128xi32, #tpu.memory_space<hbm>>
      %dma_start3A_103 = tpu.memref_squeeze %dma_start3A_102 : memref<1x80x128xi32, #tpu.memory_space<hbm>> -> memref<80x128xi32, #tpu.memory_space<hbm>>
      tpu.enqueue_dma source(%dma_start3A_103 : memref<80x128xi32, #tpu.memory_space<hbm>>) target(%arg7 : memref<80x128xi32, #tpu.memory_space<vmem>>) target_semaphore(%run_scoped3A : memref<!tpu.dma_semaphore, #tpu.memory_space<semaphore_mem>>)
      %dma_wait3A_104 = arith.constant 0 : i32
      %dma_wait3A_105 = arith.constant 0 : i32
      %dma_wait3A_106 = tpu.memref_slice %arg4[%add3A, %dma_wait3A_104, %dma_wait3A_105] : memref<32x80x128xi32, #tpu.memory_space<hbm>> -> memref<1x80x128xi32, #tpu.memory_space<hbm>>
      %dma_wait3A_107 = tpu.memref_squeeze %dma_wait3A_106 : memref<1x80x128xi32, #tpu.memory_space<hbm>> -> memref<80x128xi32, #tpu.memory_space<hbm>>
      %dma_wait3A_108 = arith.constant 0 : i32
      %dma_wait3A_109 = arith.constant 0 : i32
      %dma_wait3A_110 = tpu.memref_slice %arg4[%add3A, %dma_wait3A_108, %dma_wait3A_109] : memref<32x80x128xi32, #tpu.memory_space<hbm>> -> memref<1x80x128xi32, #tpu.memory_space<hbm>>
      %dma_wait3A_111 = tpu.memref_squeeze %dma_wait3A_110 : memref<1x80x128xi32, #tpu.memory_space<hbm>> -> memref<80x128xi32, #tpu.memory_space<hbm>>
      tpu.wait_dma2 semaphore(%run_scoped3A : memref<!tpu.dma_semaphore, #tpu.memory_space<semaphore_mem>>) src(%dma_wait3A_111 : memref<80x128xi32, #tpu.memory_space<hbm>>) dst(%arg7 : memref<80x128xi32, #tpu.memory_space<vmem>>)
      tpu.yield
    }) : () -> ()
    %broadcast_in_dim3A = arith.constant 0.000000e+00 : f32
    %broadcast_in_dim3A_1 = vector.broadcast %broadcast_in_dim3A : f32 to vector<16xf32>
    %scan3A = arith.constant 0 : i32
    %scan3A_2 = arith.constant 0 : i32
    %scan3A_3 = arith.constant 128 : i32
    %scan3A_4 = arith.addi %scan3A_2, %scan3A_3 : i32
    %scan3A_5 = arith.constant 1 : i32
    %scan3A_6 = scf.for %scan3A_96 = %scan3A_2 to %scan3A_4 step %scan3A_5 iter_args(%scan3A_97 = %scan3A) -> (i32)  : i32 {
      %scan3A_98 = arith.constant 0 : i32
      %scan3A_99 = arith.constant 0 : i32
      %scan3A_100 = arith.constant 8 : i32
      %scan3A_101 = arith.addi %scan3A_99, %scan3A_100 : i32
      %scan3A_102 = arith.constant 1 : i32
      %scan3A_103 = scf.for %scan3A_106 = %scan3A_99 to %scan3A_101 step %scan3A_102 iter_args(%scan3A_107 = %scan3A_98) -> (i32)  : i32 {
        %mul3A_108 = arith.constant 16 : i32
        %mul3A_109 = arith.muli %scan3A_106, %mul3A_108 : i32
        %swap3A = arith.index_cast %scan3A_96 : i32 to index
        %swap3A_110 = arith.index_cast %mul3A_109 : i32 to index
        %swap3A_111 = tpu.vector_load %arg8[%swap3A, %swap3A_110] {strides = array<i32>} : memref<128x128xf32, #tpu.memory_space<vmem>>, vector<1x16xf32>,
        %swap3A_112 = vector.shape_cast %swap3A_111 : vector<1x16xf32> to vector<16xf32>
        %swap3A_113 = vector.shape_cast %broadcast_in_dim3A_1 : vector<16xf32> to vector<1x16xf32>
        tpu.vector_store %arg8[%swap3A, %swap3A_110], %swap3A_113 {strides = array<i32>} : memref<128x128xf32, #tpu.memory_space<vmem>>, vector<1x16xf32>,
        %scan3A_114 = arith.constant 0 : i32
        scf.yield %scan3A_114 : i32
      }
      %scan3A_104 = arith.constant 8 : i32
      %scan3A_105 = arith.constant 0 : i32
      scf.yield %scan3A_105 : i32
    }
    %scan3A_7 = arith.constant 128 : i32
    %mul3A_8 = arith.constant 640 : i32
    %mul3A_9 = arith.muli %arg1, %mul3A_8 : i32
    %add3A_10 = arith.constant 0 : i32
    %add3A_11 = arith.addi %mul3A_9, %add3A_10 : i32
    "tpu.region"() ({
      %run_scoped3A = tpu.sem_alloc : memref<!tpu.dma_semaphore, #tpu.memory_space<semaphore_mem>>
      %dma_start3A_96 = arith.constant 0 : i32
      %dma_start3A_97 = tpu.memref_slice %arg9[%add3A_11, %dma_start3A_96] : memref<10240x128xf32, #tpu.memory_space<vmem_shared>> -> memref<128x128xf32, #tpu.memory_space<vmem_shared>>
      %dma_start3A_98 = arith.constant 0 : i32
      %dma_start3A_99 = tpu.memref_slice %arg9[%add3A_11, %dma_start3A_98] : memref<10240x128xf32, #tpu.memory_space<vmem_shared>> -> memref<128x128xf32, #tpu.memory_space<vmem_shared>>
      tpu.enqueue_dma source(%arg8 : memref<128x128xf32, #tpu.memory_space<vmem>>) target(%dma_start3A_99 : memref<128x128xf32, #tpu.memory_space<vmem_shared>>) target_semaphore(%run_scoped3A : memref<!tpu.dma_semaphore, #tpu.memory_space<semaphore_mem>>)
      %dma_wait3A_100 = arith.constant 0 : i32
      %dma_wait3A_101 = tpu.memref_slice %arg9[%add3A_11, %dma_wait3A_100] : memref<10240x128xf32, #tpu.memory_space<vmem_shared>> -> memref<128x128xf32, #tpu.memory_space<vmem_shared>>
      %dma_wait3A_102 = arith.constant 0 : i32
      %dma_wait3A_103 = tpu.memref_slice %arg9[%add3A_11, %dma_wait3A_102] : memref<10240x128xf32, #tpu.memory_space<vmem_shared>> -> memref<128x128xf32, #tpu.memory_space<vmem_shared>>
      tpu.wait_dma2 semaphore(%run_scoped3A : memref<!tpu.dma_semaphore, #tpu.memory_space<semaphore_mem>>) src(%arg8 : memref<128x128xf32, #tpu.memory_space<vmem>>) dst(%dma_wait3A_103 : memref<128x128xf32, #tpu.memory_space<vmem_shared>>)
      tpu.yield
    }) : () -> ()
    %add3A_12 = arith.constant 128 : i32
    %add3A_13 = arith.addi %mul3A_9, %add3A_12 : i32
    "tpu.region"() ({
      %run_scoped3A = tpu.sem_alloc : memref<!tpu.dma_semaphore, #tpu.memory_space<semaphore_mem>>
      %dma_start3A_96 = arith.constant 0 : i32
      %dma_start3A_97 = tpu.memref_slice %arg9[%add3A_13, %dma_start3A_96] : memref<10240x128xf32, #tpu.memory_space<vmem_shared>> -> memref<128x128xf32, #tpu.memory_space<vmem_shared>>
      %dma_start3A_98 = arith.constant 0 : i32
      %dma_start3A_99 = tpu.memref_slice %arg9[%add3A_13, %dma_start3A_98] : memref<10240x128xf32, #tpu.memory_space<vmem_shared>> -> memref<128x128xf32, #tpu.memory_space<vmem_shared>>
      tpu.enqueue_dma source(%arg8 : memref<128x128xf32, #tpu.memory_space<vmem>>) target(%dma_start3A_99 : memref<128x128xf32, #tpu.memory_space<vmem_shared>>) target_semaphore(%run_scoped3A : memref<!tpu.dma_semaphore, #tpu.memory_space<semaphore_mem>>)
      %dma_wait3A_100 = arith.constant 0 : i32
      %dma_wait3A_101 = tpu.memref_slice %arg9[%add3A_13, %dma_wait3A_100] : memref<10240x128xf32, #tpu.memory_space<vmem_shared>> -> memref<128x128xf32, #tpu.memory_space<vmem_shared>>
      %dma_wait3A_102 = arith.constant 0 : i32
      %dma_wait3A_103 = tpu.memref_slice %arg9[%add3A_13, %dma_wait3A_102] : memref<10240x128xf32, #tpu.memory_space<vmem_shared>> -> memref<128x128xf32, #tpu.memory_space<vmem_shared>>
      tpu.wait_dma2 semaphore(%run_scoped3A : memref<!tpu.dma_semaphore, #tpu.memory_space<semaphore_mem>>) src(%arg8 : memref<128x128xf32, #tpu.memory_space<vmem>>) dst(%dma_wait3A_103 : memref<128x128xf32, #tpu.memory_space<vmem_shared>>)
      tpu.yield
    }) : () -> ()
    %add3A_14 = arith.constant 256 : i32
    %add3A_15 = arith.addi %mul3A_9, %add3A_14 : i32
    "tpu.region"() ({
      %run_scoped3A = tpu.sem_alloc : memref<!tpu.dma_semaphore, #tpu.memory_space<semaphore_mem>>
      %dma_start3A_96 = arith.constant 0 : i32
      %dma_start3A_97 = tpu.memref_slice %arg9[%add3A_15, %dma_start3A_96] : memref<10240x128xf32, #tpu.memory_space<vmem_shared>> -> memref<128x128xf32, #tpu.memory_space<vmem_shared>>
      %dma_start3A_98 = arith.constant 0 : i32
      %dma_start3A_99 = tpu.memref_slice %arg9[%add3A_15, %dma_start3A_98] : memref<10240x128xf32, #tpu.memory_space<vmem_shared>> -> memref<128x128xf32, #tpu.memory_space<vmem_shared>>
      tpu.enqueue_dma source(%arg8 : memref<128x128xf32, #tpu.memory_space<vmem>>) target(%dma_start3A_99 : memref<128x128xf32, #tpu.memory_space<vmem_shared>>) target_semaphore(%run_scoped3A : memref<!tpu.dma_semaphore, #tpu.memory_space<semaphore_mem>>)
      %dma_wait3A_100 = arith.constant 0 : i32
      %dma_wait3A_101 = tpu.memref_slice %arg9[%add3A_15, %dma_wait3A_100] : memref<10240x128xf32, #tpu.memory_space<vmem_shared>> -> memref<128x128xf32, #tpu.memory_space<vmem_shared>>
      %dma_wait3A_102 = arith.constant 0 : i32
      %dma_wait3A_103 = tpu.memref_slice %arg9[%add3A_15, %dma_wait3A_102] : memref<10240x128xf32, #tpu.memory_space<vmem_shared>> -> memref<128x128xf32, #tpu.memory_space<vmem_shared>>
      tpu.wait_dma2 semaphore(%run_scoped3A : memref<!tpu.dma_semaphore, #tpu.memory_space<semaphore_mem>>) src(%arg8 : memref<128x128xf32, #tpu.memory_space<vmem>>) dst(%dma_wait3A_103 : memref<128x128xf32, #tpu.memory_space<vmem_shared>>)
      tpu.yield
    }) : () -> ()
    %add3A_16 = arith.constant 384 : i32
    %add3A_17 = arith.addi %mul3A_9, %add3A_16 : i32
    "tpu.region"() ({
      %run_scoped3A = tpu.sem_alloc : memref<!tpu.dma_semaphore, #tpu.memory_space<semaphore_mem>>
      %dma_start3A_96 = arith.constant 0 : i32
      %dma_start3A_97 = tpu.memref_slice %arg9[%add3A_17, %dma_start3A_96] : memref<10240x128xf32, #tpu.memory_space<vmem_shared>> -> memref<128x128xf32, #tpu.memory_space<vmem_shared>>
      %dma_start3A_98 = arith.constant 0 : i32
      %dma_start3A_99 = tpu.memref_slice %arg9[%add3A_17, %dma_start3A_98] : memref<10240x128xf32, #tpu.memory_space<vmem_shared>> -> memref<128x128xf32, #tpu.memory_space<vmem_shared>>
      tpu.enqueue_dma source(%arg8 : memref<128x128xf32, #tpu.memory_space<vmem>>) target(%dma_start3A_99 : memref<128x128xf32, #tpu.memory_space<vmem_shared>>) target_semaphore(%run_scoped3A : memref<!tpu.dma_semaphore, #tpu.memory_space<semaphore_mem>>)
      %dma_wait3A_100 = arith.constant 0 : i32
      %dma_wait3A_101 = tpu.memref_slice %arg9[%add3A_17, %dma_wait3A_100] : memref<10240x128xf32, #tpu.memory_space<vmem_shared>> -> memref<128x128xf32, #tpu.memory_space<vmem_shared>>
      %dma_wait3A_102 = arith.constant 0 : i32
      %dma_wait3A_103 = tpu.memref_slice %arg9[%add3A_17, %dma_wait3A_102] : memref<10240x128xf32, #tpu.memory_space<vmem_shared>> -> memref<128x128xf32, #tpu.memory_space<vmem_shared>>
      tpu.wait_dma2 semaphore(%run_scoped3A : memref<!tpu.dma_semaphore, #tpu.memory_space<semaphore_mem>>) src(%arg8 : memref<128x128xf32, #tpu.memory_space<vmem>>) dst(%dma_wait3A_103 : memref<128x128xf32, #tpu.memory_space<vmem_shared>>)
      tpu.yield
    }) : () -> ()
    %add3A_18 = arith.constant 512 : i32
    %add3A_19 = arith.addi %mul3A_9, %add3A_18 : i32
    "tpu.region"() ({
      %run_scoped3A = tpu.sem_alloc : memref<!tpu.dma_semaphore, #tpu.memory_space<semaphore_mem>>
      %dma_start3A_96 = arith.constant 0 : i32
      %dma_start3A_97 = tpu.memref_slice %arg9[%add3A_19, %dma_start3A_96] : memref<10240x128xf32, #tpu.memory_space<vmem_shared>> -> memref<128x128xf32, #tpu.memory_space<vmem_shared>>
      %dma_start3A_98 = arith.constant 0 : i32
      %dma_start3A_99 = tpu.memref_slice %arg9[%add3A_19, %dma_start3A_98] : memref<10240x128xf32, #tpu.memory_space<vmem_shared>> -> memref<128x128xf32, #tpu.memory_space<vmem_shared>>
      tpu.enqueue_dma source(%arg8 : memref<128x128xf32, #tpu.memory_space<vmem>>) target(%dma_start3A_99 : memref<128x128xf32, #tpu.memory_space<vmem_shared>>) target_semaphore(%run_scoped3A : memref<!tpu.dma_semaphore, #tpu.memory_space<semaphore_mem>>)
      %dma_wait3A_100 = arith.constant 0 : i32
      %dma_wait3A_101 = tpu.memref_slice %arg9[%add3A_19, %dma_wait3A_100] : memref<10240x128xf32, #tpu.memory_space<vmem_shared>> -> memref<128x128xf32, #tpu.memory_space<vmem_shared>>
      %dma_wait3A_102 = arith.constant 0 : i32
      %dma_wait3A_103 = tpu.memref_slice %arg9[%add3A_19, %dma_wait3A_102] : memref<10240x128xf32, #tpu.memory_space<vmem_shared>> -> memref<128x128xf32, #tpu.memory_space<vmem_shared>>
      tpu.wait_dma2 semaphore(%run_scoped3A : memref<!tpu.dma_semaphore, #tpu.memory_space<semaphore_mem>>) src(%arg8 : memref<128x128xf32, #tpu.memory_space<vmem>>) dst(%dma_wait3A_103 : memref<128x128xf32, #tpu.memory_space<vmem_shared>>)
      tpu.yield
    }) : () -> ()
    %barrier3A = arith.constant 0 : index
    tpu.barrier barrier_id(%barrier3A)
    %scan3A_20 = arith.constant 0 : i32
    %scan3A_21 = arith.constant 0 : i32
    %scan3A_22 = arith.constant 80 : i32
    %scan3A_23 = arith.addi %scan3A_21, %scan3A_22 : i32
    %scan3A_24 = arith.constant 1 : i32
    %scan3A_25 = scf.for %scan3A_96 = %scan3A_21 to %scan3A_23 step %scan3A_24 iter_args(%scan3A_97 = %scan3A_20) -> (i32)  : i32 {
      %dma_start3A_98 = arith.constant 0 : i32
      %dma_start3A_99 = tpu.memref_slice %arg6[%scan3A_96, %dma_start3A_98] : memref<80x128xi32, #tpu.memory_space<vmem>> -> memref<1x128xi32, #tpu.memory_space<vmem>>
      %dma_start3A_100 = tpu.memref_squeeze %dma_start3A_99 : memref<1x128xi32, #tpu.memory_space<vmem>> -> memref<128xi32, #tpu.memory_space<vmem>>
      %dma_start3A_101 = arith.constant 0 : i32
      %dma_start3A_102 = arith.constant 0 : i32
      %dma_start3A_103 = tpu.memref_slice %arg2[%dma_start3A_101, %dma_start3A_102] : memref<10240x128xf32, #tpu.memory_space<hbm>> -> memref<10240x128xf32, #tpu.memory_space<hbm>>
      tpu.enqueue_indirect_dma source(%dma_start3A_103 : memref<10240x128xf32, #tpu.memory_space<hbm>>) target(%arg8 : memref<128x128xf32, #tpu.memory_space<vmem>>) offsets(%dma_start3A_100 : memref<128xi32, #tpu.memory_space<vmem>>) semaphore(%arg10 : memref<!tpu.dma_semaphore, #tpu.memory_space<semaphore_mem>>)
      %dma_wait3A_104 = arith.constant 0 : i32
      %dma_wait3A_105 = tpu.memref_slice %arg6[%scan3A_96, %dma_wait3A_104] : memref<80x128xi32, #tpu.memory_space<vmem>> -> memref<1x128xi32, #tpu.memory_space<vmem>>
      %dma_wait3A_106 = tpu.memref_squeeze %dma_wait3A_105 : memref<1x128xi32, #tpu.memory_space<vmem>> -> memref<128xi32, #tpu.memory_space<vmem>>
      %dma_wait3A_107 = arith.constant 0 : i32
      %dma_wait3A_108 = arith.constant 0 : i32
      %dma_wait3A_109 = tpu.memref_slice %arg2[%dma_wait3A_107, %dma_wait3A_108] : memref<10240x128xf32, #tpu.memory_space<hbm>> -> memref<10240x128xf32, #tpu.memory_space<hbm>>
      tpu.wait_indirect_dma semaphore(%arg10 : memref<!tpu.dma_semaphore, #tpu.memory_space<semaphore_mem>>) src(%dma_wait3A_109 : memref<10240x128xf32, #tpu.memory_space<hbm>>) dst(%arg8 : memref<128x128xf32, #tpu.memory_space<vmem>>)
      "tpu.region"() ({
        %run_scoped3A = tpu.sem_alloc : memref<!tpu.dma_semaphore, #tpu.memory_space<semaphore_mem>>
        %dma_start3A_111 = arith.constant 0 : i32
        %dma_start3A_112 = tpu.memref_slice %arg7[%scan3A_96, %dma_start3A_111] : memref<80x128xi32, #tpu.memory_space<vmem>> -> memref<1x128xi32, #tpu.memory_space<vmem>>
        %dma_start3A_113 = tpu.memref_squeeze %dma_start3A_112 : memref<1x128xi32, #tpu.memory_space<vmem>> -> memref<128xi32, #tpu.memory_space<vmem>>
        %dma_start3A_114 = arith.constant 0 : i32
        %dma_start3A_115 = arith.constant 0 : i32
        %dma_start3A_116 = tpu.memref_slice %arg9[%dma_start3A_114, %dma_start3A_115] : memref<10240x128xf32, #tpu.memory_space<vmem_shared>> -> memref<10240x128xf32, #tpu.memory_space<vmem_shared>>
        tpu.enqueue_indirect_dma source(%arg8 : memref<128x128xf32, #tpu.memory_space<vmem>>) target(%dma_start3A_116 : memref<10240x128xf32, #tpu.memory_space<vmem_shared>>) offsets(%dma_start3A_113 : memref<128xi32, #tpu.memory_space<vmem>>) semaphore(%run_scoped3A : memref<!tpu.dma_semaphore, #tpu.memory_space<semaphore_mem>>) {add = true}
        %dma_wait3A_117 = arith.constant 0 : i32
        %dma_wait3A_118 = tpu.memref_slice %arg7[%scan3A_96, %dma_wait3A_117] : memref<80x128xi32, #tpu.memory_space<vmem>> -> memref<1x128xi32, #tpu.memory_space<vmem>>
        %dma_wait3A_119 = tpu.memref_squeeze %dma_wait3A_118 : memref<1x128xi32, #tpu.memory_space<vmem>> -> memref<128xi32, #tpu.memory_space<vmem>>
        %dma_wait3A_120 = arith.constant 0 : i32
        %dma_wait3A_121 = arith.constant 0 : i32
        %dma_wait3A_122 = tpu.memref_slice %arg9[%dma_wait3A_120, %dma_wait3A_121] : memref<10240x128xf32, #tpu.memory_space<vmem_shared>> -> memref<10240x128xf32, #tpu.memory_space<vmem_shared>>
        tpu.wait_indirect_dma semaphore(%run_scoped3A : memref<!tpu.dma_semaphore, #tpu.memory_space<semaphore_mem>>) src(%arg8 : memref<128x128xf32, #tpu.memory_space<vmem>>) dst(%dma_wait3A_122 : memref<10240x128xf32, #tpu.memory_space<vmem_shared>>)
        tpu.yield
      }) : () -> ()
      %scan3A_110 = arith.constant 0 : i32
      scf.yield %scan3A_110 : i32
    }
    %scan3A_26 = arith.constant 80 : i32
    %barrier3A_27 = arith.constant 0 : index
    tpu.barrier barrier_id(%barrier3A_27)
    %add3A_28 = arith.constant 0 : i32
    %add3A_29 = arith.addi %mul3A_9, %add3A_28 : i32
    %dma_start3A = arith.constant 0 : i32
    %dma_start3A_30 = tpu.memref_slice %arg5[%arg0, %add3A_29, %dma_start3A] : memref<2x10240x128xf32, #tpu.memory_space<hbm>> -> memref<1x128x128xf32, #tpu.memory_space<hbm>>
    %dma_start3A_31 = tpu.memref_squeeze %dma_start3A_30 : memref<1x128x128xf32, #tpu.memory_space<hbm>> -> memref<128x128xf32, #tpu.memory_space<hbm>>
    %dma_start3A_32 = arith.constant 0 : i32
    %dma_start3A_33 = tpu.memref_slice %arg9[%add3A_29, %dma_start3A_32] : memref<10240x128xf32, #tpu.memory_space<vmem_shared>> -> memref<128x128xf32, #tpu.memory_space<vmem_shared>>
    tpu.enqueue_dma source(%dma_start3A_33 : memref<128x128xf32, #tpu.memory_space<vmem_shared>>) target(%dma_start3A_31 : memref<128x128xf32, #tpu.memory_space<hbm>>) target_semaphore(%arg11 : memref<!tpu.dma_semaphore, #tpu.memory_space<semaphore_mem>>)
    %add3A_34 = arith.constant 128 : i32
    %add3A_35 = arith.addi %mul3A_9, %add3A_34 : i32
    %dma_start3A_36 = arith.constant 0 : i32
    %dma_start3A_37 = tpu.memref_slice %arg5[%arg0, %add3A_35, %dma_start3A_36] : memref<2x10240x128xf32, #tpu.memory_space<hbm>> -> memref<1x128x128xf32, #tpu.memory_space<hbm>>
    %dma_start3A_38 = tpu.memref_squeeze %dma_start3A_37 : memref<1x128x128xf32, #tpu.memory_space<hbm>> -> memref<128x128xf32, #tpu.memory_space<hbm>>
    %dma_start3A_39 = arith.constant 0 : i32
    %dma_start3A_40 = tpu.memref_slice %arg9[%add3A_35, %dma_start3A_39] : memref<10240x128xf32, #tpu.memory_space<vmem_shared>> -> memref<128x128xf32, #tpu.memory_space<vmem_shared>>
    tpu.enqueue_dma source(%dma_start3A_40 : memref<128x128xf32, #tpu.memory_space<vmem_shared>>) target(%dma_start3A_38 : memref<128x128xf32, #tpu.memory_space<hbm>>) target_semaphore(%arg11 : memref<!tpu.dma_semaphore, #tpu.memory_space<semaphore_mem>>)
    %add3A_41 = arith.constant 256 : i32
    %add3A_42 = arith.addi %mul3A_9, %add3A_41 : i32
    %dma_start3A_43 = arith.constant 0 : i32
    %dma_start3A_44 = tpu.memref_slice %arg5[%arg0, %add3A_42, %dma_start3A_43] : memref<2x10240x128xf32, #tpu.memory_space<hbm>> -> memref<1x128x128xf32, #tpu.memory_space<hbm>>
    %dma_start3A_45 = tpu.memref_squeeze %dma_start3A_44 : memref<1x128x128xf32, #tpu.memory_space<hbm>> -> memref<128x128xf32, #tpu.memory_space<hbm>>
    %dma_start3A_46 = arith.constant 0 : i32
    %dma_start3A_47 = tpu.memref_slice %arg9[%add3A_42, %dma_start3A_46] : memref<10240x128xf32, #tpu.memory_space<vmem_shared>> -> memref<128x128xf32, #tpu.memory_space<vmem_shared>>
    tpu.enqueue_dma source(%dma_start3A_47 : memref<128x128xf32, #tpu.memory_space<vmem_shared>>) target(%dma_start3A_45 : memref<128x128xf32, #tpu.memory_space<hbm>>) target_semaphore(%arg11 : memref<!tpu.dma_semaphore, #tpu.memory_space<semaphore_mem>>)
    %add3A_48 = arith.constant 384 : i32
    %add3A_49 = arith.addi %mul3A_9, %add3A_48 : i32
    %dma_start3A_50 = arith.constant 0 : i32
    %dma_start3A_51 = tpu.memref_slice %arg5[%arg0, %add3A_49, %dma_start3A_50] : memref<2x10240x128xf32, #tpu.memory_space<hbm>> -> memref<1x128x128xf32, #tpu.memory_space<hbm>>
    %dma_start3A_52 = tpu.memref_squeeze %dma_start3A_51 : memref<1x128x128xf32, #tpu.memory_space<hbm>> -> memref<128x128xf32, #tpu.memory_space<hbm>>
    %dma_start3A_53 = arith.constant 0 : i32
    %dma_start3A_54 = tpu.memref_slice %arg9[%add3A_49, %dma_start3A_53] : memref<10240x128xf32, #tpu.memory_space<vmem_shared>> -> memref<128x128xf32, #tpu.memory_space<vmem_shared>>
    tpu.enqueue_dma source(%dma_start3A_54 : memref<128x128xf32, #tpu.memory_space<vmem_shared>>) target(%dma_start3A_52 : memref<128x128xf32, #tpu.memory_space<hbm>>) target_semaphore(%arg11 : memref<!tpu.dma_semaphore, #tpu.memory_space<semaphore_mem>>)
    %add3A_55 = arith.constant 512 : i32
    %add3A_56 = arith.addi %mul3A_9, %add3A_55 : i32
    %dma_start3A_57 = arith.constant 0 : i32
    %dma_start3A_58 = tpu.memref_slice %arg5[%arg0, %add3A_56, %dma_start3A_57] : memref<2x10240x128xf32, #tpu.memory_space<hbm>> -> memref<1x128x128xf32, #tpu.memory_space<hbm>>
    %dma_start3A_59 = tpu.memref_squeeze %dma_start3A_58 : memref<1x128x128xf32, #tpu.memory_space<hbm>> -> memref<128x128xf32, #tpu.memory_space<hbm>>
    %dma_start3A_60 = arith.constant 0 : i32
    %dma_start3A_61 = tpu.memref_slice %arg9[%add3A_56, %dma_start3A_60] : memref<10240x128xf32, #tpu.memory_space<vmem_shared>> -> memref<128x128xf32, #tpu.memory_space<vmem_shared>>
    tpu.enqueue_dma source(%dma_start3A_61 : memref<128x128xf32, #tpu.memory_space<vmem_shared>>) target(%dma_start3A_59 : memref<128x128xf32, #tpu.memory_space<hbm>>) target_semaphore(%arg11 : memref<!tpu.dma_semaphore, #tpu.memory_space<semaphore_mem>>)
    %add3A_62 = arith.constant 0 : i32
    %add3A_63 = arith.addi %mul3A_9, %add3A_62 : i32
    %dma_wait3A = arith.constant 0 : i32
    %dma_wait3A_64 = tpu.memref_slice %arg5[%arg0, %add3A_63, %dma_wait3A] : memref<2x10240x128xf32, #tpu.memory_space<hbm>> -> memref<1x128x128xf32, #tpu.memory_space<hbm>>
    %dma_wait3A_65 = tpu.memref_squeeze %dma_wait3A_64 : memref<1x128x128xf32, #tpu.memory_space<hbm>> -> memref<128x128xf32, #tpu.memory_space<hbm>>
    %dma_wait3A_66 = arith.constant 0 : i32
    %dma_wait3A_67 = tpu.memref_slice %arg9[%add3A_63, %dma_wait3A_66] : memref<10240x128xf32, #tpu.memory_space<vmem_shared>> -> memref<128x128xf32, #tpu.memory_space<vmem_shared>>
    tpu.wait_dma2 semaphore(%arg11 : memref<!tpu.dma_semaphore, #tpu.memory_space<semaphore_mem>>) src(%dma_wait3A_67 : memref<128x128xf32, #tpu.memory_space<vmem_shared>>) dst(%dma_wait3A_65 : memref<128x128xf32, #tpu.memory_space<hbm>>)
    %add3A_68 = arith.constant 128 : i32
    %add3A_69 = arith.addi %mul3A_9, %add3A_68 : i32
    %dma_wait3A_70 = arith.constant 0 : i32
    %dma_wait3A_71 = tpu.memref_slice %arg5[%arg0, %add3A_69, %dma_wait3A_70] : memref<2x10240x128xf32, #tpu.memory_space<hbm>> -> memref<1x128x128xf32, #tpu.memory_space<hbm>>
    %dma_wait3A_72 = tpu.memref_squeeze %dma_wait3A_71 : memref<1x128x128xf32, #tpu.memory_space<hbm>> -> memref<128x128xf32, #tpu.memory_space<hbm>>
    %dma_wait3A_73 = arith.constant 0 : i32
    %dma_wait3A_74 = tpu.memref_slice %arg9[%add3A_69, %dma_wait3A_73] : memref<10240x128xf32, #tpu.memory_space<vmem_shared>> -> memref<128x128xf32, #tpu.memory_space<vmem_shared>>
    tpu.wait_dma2 semaphore(%arg11 : memref<!tpu.dma_semaphore, #tpu.memory_space<semaphore_mem>>) src(%dma_wait3A_74 : memref<128x128xf32, #tpu.memory_space<vmem_shared>>) dst(%dma_wait3A_72 : memref<128x128xf32, #tpu.memory_space<hbm>>)
    %add3A_75 = arith.constant 256 : i32
    %add3A_76 = arith.addi %mul3A_9, %add3A_75 : i32
    %dma_wait3A_77 = arith.constant 0 : i32
    %dma_wait3A_78 = tpu.memref_slice %arg5[%arg0, %add3A_76, %dma_wait3A_77] : memref<2x10240x128xf32, #tpu.memory_space<hbm>> -> memref<1x128x128xf32, #tpu.memory_space<hbm>>
    %dma_wait3A_79 = tpu.memref_squeeze %dma_wait3A_78 : memref<1x128x128xf32, #tpu.memory_space<hbm>> -> memref<128x128xf32, #tpu.memory_space<hbm>>
    %dma_wait3A_80 = arith.constant 0 : i32
    %dma_wait3A_81 = tpu.memref_slice %arg9[%add3A_76, %dma_wait3A_80] : memref<10240x128xf32, #tpu.memory_space<vmem_shared>> -> memref<128x128xf32, #tpu.memory_space<vmem_shared>>
    tpu.wait_dma2 semaphore(%arg11 : memref<!tpu.dma_semaphore, #tpu.memory_space<semaphore_mem>>) src(%dma_wait3A_81 : memref<128x128xf32, #tpu.memory_space<vmem_shared>>) dst(%dma_wait3A_79 : memref<128x128xf32, #tpu.memory_space<hbm>>)
    %add3A_82 = arith.constant 384 : i32
    %add3A_83 = arith.addi %mul3A_9, %add3A_82 : i32
    %dma_wait3A_84 = arith.constant 0 : i32
    %dma_wait3A_85 = tpu.memref_slice %arg5[%arg0, %add3A_83, %dma_wait3A_84] : memref<2x10240x128xf32, #tpu.memory_space<hbm>> -> memref<1x128x128xf32, #tpu.memory_space<hbm>>
    %dma_wait3A_86 = tpu.memref_squeeze %dma_wait3A_85 : memref<1x128x128xf32, #tpu.memory_space<hbm>> -> memref<128x128xf32, #tpu.memory_space<hbm>>
    %dma_wait3A_87 = arith.constant 0 : i32
    %dma_wait3A_88 = tpu.memref_slice %arg9[%add3A_83, %dma_wait3A_87] : memref<10240x128xf32, #tpu.memory_space<vmem_shared>> -> memref<128x128xf32, #tpu.memory_space<vmem_shared>>
    tpu.wait_dma2 semaphore(%arg11 : memref<!tpu.dma_semaphore, #tpu.memory_space<semaphore_mem>>) src(%dma_wait3A_88 : memref<128x128xf32, #tpu.memory_space<vmem_shared>>) dst(%dma_wait3A_86 : memref<128x128xf32, #tpu.memory_space<hbm>>)
    %add3A_89 = arith.constant 512 : i32
    %add3A_90 = arith.addi %mul3A_9, %add3A_89 : i32
    %dma_wait3A_91 = arith.constant 0 : i32
    %dma_wait3A_92 = tpu.memref_slice %arg5[%arg0, %add3A_90, %dma_wait3A_91] : memref<2x10240x128xf32, #tpu.memory_space<hbm>> -> memref<1x128x128xf32, #tpu.memory_space<hbm>>
    %dma_wait3A_93 = tpu.memref_squeeze %dma_wait3A_92 : memref<1x128x128xf32, #tpu.memory_space<hbm>> -> memref<128x128xf32, #tpu.memory_space<hbm>>
    %dma_wait3A_94 = arith.constant 0 : i32
    %dma_wait3A_95 = tpu.memref_slice %arg9[%add3A_90, %dma_wait3A_94] : memref<10240x128xf32, #tpu.memory_space<vmem_shared>> -> memref<128x128xf32, #tpu.memory_space<vmem_shared>>
    tpu.wait_dma2 semaphore(%arg11 : memref<!tpu.dma_semaphore, #tpu.memory_space<semaphore_mem>>) src(%dma_wait3A_95 : memref<128x128xf32, #tpu.memory_space<vmem_shared>>) dst(%dma_wait3A_93 : memref<128x128xf32, #tpu.memory_space<hbm>>)
    return
  }
}

#map = affine_map<(d0, d1) -> (0, 0)>
#map1 = affine_map<(d0, d1) -> (0, 0, 0)>
module attributes {stable_mosaic.version = 14 : i64} {
  func.func @_agg_kernel(%arg0: i32, %arg1: i32, %arg2: memref<10240x128xf32, #tpu.memory_space<hbm>>, %arg3: memref<32x80x128xi32, #tpu.memory_space<hbm>>, %arg4: memref<32x80x128xi32, #tpu.memory_space<hbm>>, %arg5: memref<2x10240x128xf32, #tpu.memory_space<hbm>>, %arg6: memref<80x128xi32, #tpu.memory_space<vmem>>, %arg7: memref<80x128xi32, #tpu.memory_space<vmem>>, %arg8: memref<128x128xf32, #tpu.memory_space<vmem>>, %arg9: memref<10240x128xf32, #tpu.memory_space<vmem_shared>>, %arg10: memref<!tpu.dma_semaphore, #tpu.memory_space<semaphore_mem>>, %arg11: memref<!tpu.dma_semaphore, #tpu.memory_space<semaphore_mem>>) attributes {dimension_semantics = [#tpu.dimension_semantics<core_parallel>, #tpu.dimension_semantics<subcore_parallel>], iteration_bounds = array<i64: 2, 16>, scalar_prefetch = 0 : i64, scratch_operands = 6 : i64, tpu.core_type = #tpu.core_type<sc_vector_subcore>, window_params = [{transform_indices = #map}, {transform_indices = #map1}, {transform_indices = #map1}, {transform_indices = #map1}]} {
    %mul3A = arith.constant 2 : i32
    %mul3A_0 = arith.muli %arg1, %mul3A : i32
    %add3A = arith.addi %mul3A_0, %arg0 : i32
    "tpu.region"() ({
      %run_scoped3A = tpu.sem_alloc : memref<!tpu.dma_semaphore, #tpu.memory_space<semaphore_mem>>
      %dma_start3A_96 = arith.constant 0 : i32
      %dma_start3A_97 = arith.constant 0 : i32
      %dma_start3A_98 = tpu.memref_slice %arg3[%add3A, %dma_start3A_96, %dma_start3A_97] : memref<32x80x128xi32, #tpu.memory_space<hbm>> -> memref<1x80x128xi32, #tpu.memory_space<hbm>>
      %dma_start3A_99 = tpu.memref_squeeze %dma_start3A_98 : memref<1x80x128xi32, #tpu.memory_space<hbm>> -> memref<80x128xi32, #tpu.memory_space<hbm>>
      %dma_start3A_100 = arith.constant 0 : i32
      %dma_start3A_101 = arith.constant 0 : i32
      %dma_start3A_102 = tpu.memref_slice %arg3[%add3A, %dma_start3A_100, %dma_start3A_101] : memref<32x80x128xi32, #tpu.memory_space<hbm>> -> memref<1x80x128xi32, #tpu.memory_space<hbm>>
      %dma_start3A_103 = tpu.memref_squeeze %dma_start3A_102 : memref<1x80x128xi32, #tpu.memory_space<hbm>> -> memref<80x128xi32, #tpu.memory_space<hbm>>
      tpu.enqueue_dma source(%dma_start3A_103 : memref<80x128xi32, #tpu.memory_space<hbm>>) target(%arg6 : memref<80x128xi32, #tpu.memory_space<vmem>>) target_semaphore(%run_scoped3A : memref<!tpu.dma_semaphore, #tpu.memory_space<semaphore_mem>>)
      %dma_wait3A_104 = arith.constant 0 : i32
      %dma_wait3A_105 = arith.constant 0 : i32
      %dma_wait3A_106 = tpu.memref_slice %arg3[%add3A, %dma_wait3A_104, %dma_wait3A_105] : memref<32x80x128xi32, #tpu.memory_space<hbm>> -> memref<1x80x128xi32, #tpu.memory_space<hbm>>
      %dma_wait3A_107 = tpu.memref_squeeze %dma_wait3A_106 : memref<1x80x128xi32, #tpu.memory_space<hbm>> -> memref<80x128xi32, #tpu.memory_space<hbm>>
      %dma_wait3A_108 = arith.constant 0 : i32
      %dma_wait3A_109 = arith.constant 0 : i32
      %dma_wait3A_110 = tpu.memref_slice %arg3[%add3A, %dma_wait3A_108, %dma_wait3A_109] : memref<32x80x128xi32, #tpu.memory_space<hbm>> -> memref<1x80x128xi32, #tpu.memory_space<hbm>>
      %dma_wait3A_111 = tpu.memref_squeeze %dma_wait3A_110 : memref<1x80x128xi32, #tpu.memory_space<hbm>> -> memref<80x128xi32, #tpu.memory_space<hbm>>
      tpu.wait_dma2 semaphore(%run_scoped3A : memref<!tpu.dma_semaphore, #tpu.memory_space<semaphore_mem>>) src(%dma_wait3A_111 : memref<80x128xi32, #tpu.memory_space<hbm>>) dst(%arg6 : memref<80x128xi32, #tpu.memory_space<vmem>>)
      tpu.yield
    }) : () -> ()
    "tpu.region"() ({
      %run_scoped3A = tpu.sem_alloc : memref<!tpu.dma_semaphore, #tpu.memory_space<semaphore_mem>>
      %dma_start3A_96 = arith.constant 0 : i32
      %dma_start3A_97 = arith.constant 0 : i32
      %dma_start3A_98 = tpu.memref_slice %arg4[%add3A, %dma_start3A_96, %dma_start3A_97] : memref<32x80x128xi32, #tpu.memory_space<hbm>> -> memref<1x80x128xi32, #tpu.memory_space<hbm>>
      %dma_start3A_99 = tpu.memref_squeeze %dma_start3A_98 : memref<1x80x128xi32, #tpu.memory_space<hbm>> -> memref<80x128xi32, #tpu.memory_space<hbm>>
      %dma_start3A_100 = arith.constant 0 : i32
      %dma_start3A_101 = arith.constant 0 : i32
      %dma_start3A_102 = tpu.memref_slice %arg4[%add3A, %dma_start3A_100, %dma_start3A_101] : memref<32x80x128xi32, #tpu.memory_space<hbm>> -> memref<1x80x128xi32, #tpu.memory_space<hbm>>
      %dma_start3A_103 = tpu.memref_squeeze %dma_start3A_102 : memref<1x80x128xi32, #tpu.memory_space<hbm>> -> memref<80x128xi32, #tpu.memory_space<hbm>>
      tpu.enqueue_dma source(%dma_start3A_103 : memref<80x128xi32, #tpu.memory_space<hbm>>) target(%arg7 : memref<80x128xi32, #tpu.memory_space<vmem>>) target_semaphore(%run_scoped3A : memref<!tpu.dma_semaphore, #tpu.memory_space<semaphore_mem>>)
      %dma_wait3A_104 = arith.constant 0 : i32
      %dma_wait3A_105 = arith.constant 0 : i32
      %dma_wait3A_106 = tpu.memref_slice %arg4[%add3A, %dma_wait3A_104, %dma_wait3A_105] : memref<32x80x128xi32, #tpu.memory_space<hbm>> -> memref<1x80x128xi32, #tpu.memory_space<hbm>>
      %dma_wait3A_107 = tpu.memref_squeeze %dma_wait3A_106 : memref<1x80x128xi32, #tpu.memory_space<hbm>> -> memref<80x128xi32, #tpu.memory_space<hbm>>
      %dma_wait3A_108 = arith.constant 0 : i32
      %dma_wait3A_109 = arith.constant 0 : i32
      %dma_wait3A_110 = tpu.memref_slice %arg4[%add3A, %dma_wait3A_108, %dma_wait3A_109] : memref<32x80x128xi32, #tpu.memory_space<hbm>> -> memref<1x80x128xi32, #tpu.memory_space<hbm>>
      %dma_wait3A_111 = tpu.memref_squeeze %dma_wait3A_110 : memref<1x80x128xi32, #tpu.memory_space<hbm>> -> memref<80x128xi32, #tpu.memory_space<hbm>>
      tpu.wait_dma2 semaphore(%run_scoped3A : memref<!tpu.dma_semaphore, #tpu.memory_space<semaphore_mem>>) src(%dma_wait3A_111 : memref<80x128xi32, #tpu.memory_space<hbm>>) dst(%arg7 : memref<80x128xi32, #tpu.memory_space<vmem>>)
      tpu.yield
    }) : () -> ()
    %broadcast_in_dim3A = arith.constant 0.000000e+00 : f32
    %broadcast_in_dim3A_1 = vector.broadcast %broadcast_in_dim3A : f32 to vector<16xf32>
    %scan3A = arith.constant 0 : i32
    %scan3A_2 = arith.constant 0 : i32
    %scan3A_3 = arith.constant 128 : i32
    %scan3A_4 = arith.addi %scan3A_2, %scan3A_3 : i32
    %scan3A_5 = arith.constant 1 : i32
    %scan3A_6 = scf.for %scan3A_96 = %scan3A_2 to %scan3A_4 step %scan3A_5 iter_args(%scan3A_97 = %scan3A) -> (i32)  : i32 {
      %scan3A_98 = arith.constant 0 : i32
      %scan3A_99 = arith.constant 0 : i32
      %scan3A_100 = arith.constant 8 : i32
      %scan3A_101 = arith.addi %scan3A_99, %scan3A_100 : i32
      %scan3A_102 = arith.constant 1 : i32
      %scan3A_103 = scf.for %scan3A_106 = %scan3A_99 to %scan3A_101 step %scan3A_102 iter_args(%scan3A_107 = %scan3A_98) -> (i32)  : i32 {
        %mul3A_108 = arith.constant 16 : i32
        %mul3A_109 = arith.muli %scan3A_106, %mul3A_108 : i32
        %swap3A = arith.index_cast %scan3A_96 : i32 to index
        %swap3A_110 = arith.index_cast %mul3A_109 : i32 to index
        %swap3A_111 = tpu.vector_load %arg8[%swap3A, %swap3A_110] {strides = array<i32>} : memref<128x128xf32, #tpu.memory_space<vmem>>, vector<1x16xf32>,
        %swap3A_112 = vector.shape_cast %swap3A_111 : vector<1x16xf32> to vector<16xf32>
        %swap3A_113 = vector.shape_cast %broadcast_in_dim3A_1 : vector<16xf32> to vector<1x16xf32>
        tpu.vector_store %arg8[%swap3A, %swap3A_110], %swap3A_113 {strides = array<i32>} : memref<128x128xf32, #tpu.memory_space<vmem>>, vector<1x16xf32>,
        %scan3A_114 = arith.constant 0 : i32
        scf.yield %scan3A_114 : i32
      }
      %scan3A_104 = arith.constant 8 : i32
      %scan3A_105 = arith.constant 0 : i32
      scf.yield %scan3A_105 : i32
    }
    %scan3A_7 = arith.constant 128 : i32
    %mul3A_8 = arith.constant 640 : i32
    %mul3A_9 = arith.muli %arg1, %mul3A_8 : i32
    %add3A_10 = arith.constant 0 : i32
    %add3A_11 = arith.addi %mul3A_9, %add3A_10 : i32
    "tpu.region"() ({
      %run_scoped3A = tpu.sem_alloc : memref<!tpu.dma_semaphore, #tpu.memory_space<semaphore_mem>>
      %dma_start3A_96 = arith.constant 0 : i32
      %dma_start3A_97 = tpu.memref_slice %arg9[%add3A_11, %dma_start3A_96] : memref<10240x128xf32, #tpu.memory_space<vmem_shared>> -> memref<128x128xf32, #tpu.memory_space<vmem_shared>>
      %dma_start3A_98 = arith.constant 0 : i32
      %dma_start3A_99 = tpu.memref_slice %arg9[%add3A_11, %dma_start3A_98] : memref<10240x128xf32, #tpu.memory_space<vmem_shared>> -> memref<128x128xf32, #tpu.memory_space<vmem_shared>>
      tpu.enqueue_dma source(%arg8 : memref<128x128xf32, #tpu.memory_space<vmem>>) target(%dma_start3A_99 : memref<128x128xf32, #tpu.memory_space<vmem_shared>>) target_semaphore(%run_scoped3A : memref<!tpu.dma_semaphore, #tpu.memory_space<semaphore_mem>>)
      %dma_wait3A_100 = arith.constant 0 : i32
      %dma_wait3A_101 = tpu.memref_slice %arg9[%add3A_11, %dma_wait3A_100] : memref<10240x128xf32, #tpu.memory_space<vmem_shared>> -> memref<128x128xf32, #tpu.memory_space<vmem_shared>>
      %dma_wait3A_102 = arith.constant 0 : i32
      %dma_wait3A_103 = tpu.memref_slice %arg9[%add3A_11, %dma_wait3A_102] : memref<10240x128xf32, #tpu.memory_space<vmem_shared>> -> memref<128x128xf32, #tpu.memory_space<vmem_shared>>
      tpu.wait_dma2 semaphore(%run_scoped3A : memref<!tpu.dma_semaphore, #tpu.memory_space<semaphore_mem>>) src(%arg8 : memref<128x128xf32, #tpu.memory_space<vmem>>) dst(%dma_wait3A_103 : memref<128x128xf32, #tpu.memory_space<vmem_shared>>)
      tpu.yield
    }) : () -> ()
    %add3A_12 = arith.constant 128 : i32
    %add3A_13 = arith.addi %mul3A_9, %add3A_12 : i32
    "tpu.region"() ({
      %run_scoped3A = tpu.sem_alloc : memref<!tpu.dma_semaphore, #tpu.memory_space<semaphore_mem>>
      %dma_start3A_96 = arith.constant 0 : i32
      %dma_start3A_97 = tpu.memref_slice %arg9[%add3A_13, %dma_start3A_96] : memref<10240x128xf32, #tpu.memory_space<vmem_shared>> -> memref<128x128xf32, #tpu.memory_space<vmem_shared>>
      %dma_start3A_98 = arith.constant 0 : i32
      %dma_start3A_99 = tpu.memref_slice %arg9[%add3A_13, %dma_start3A_98] : memref<10240x128xf32, #tpu.memory_space<vmem_shared>> -> memref<128x128xf32, #tpu.memory_space<vmem_shared>>
      tpu.enqueue_dma source(%arg8 : memref<128x128xf32, #tpu.memory_space<vmem>>) target(%dma_start3A_99 : memref<128x128xf32, #tpu.memory_space<vmem_shared>>) target_semaphore(%run_scoped3A : memref<!tpu.dma_semaphore, #tpu.memory_space<semaphore_mem>>)
      %dma_wait3A_100 = arith.constant 0 : i32
      %dma_wait3A_101 = tpu.memref_slice %arg9[%add3A_13, %dma_wait3A_100] : memref<10240x128xf32, #tpu.memory_space<vmem_shared>> -> memref<128x128xf32, #tpu.memory_space<vmem_shared>>
      %dma_wait3A_102 = arith.constant 0 : i32
      %dma_wait3A_103 = tpu.memref_slice %arg9[%add3A_13, %dma_wait3A_102] : memref<10240x128xf32, #tpu.memory_space<vmem_shared>> -> memref<128x128xf32, #tpu.memory_space<vmem_shared>>
      tpu.wait_dma2 semaphore(%run_scoped3A : memref<!tpu.dma_semaphore, #tpu.memory_space<semaphore_mem>>) src(%arg8 : memref<128x128xf32, #tpu.memory_space<vmem>>) dst(%dma_wait3A_103 : memref<128x128xf32, #tpu.memory_space<vmem_shared>>)
      tpu.yield
    }) : () -> ()
    %add3A_14 = arith.constant 256 : i32
    %add3A_15 = arith.addi %mul3A_9, %add3A_14 : i32
    "tpu.region"() ({
      %run_scoped3A = tpu.sem_alloc : memref<!tpu.dma_semaphore, #tpu.memory_space<semaphore_mem>>
      %dma_start3A_96 = arith.constant 0 : i32
      %dma_start3A_97 = tpu.memref_slice %arg9[%add3A_15, %dma_start3A_96] : memref<10240x128xf32, #tpu.memory_space<vmem_shared>> -> memref<128x128xf32, #tpu.memory_space<vmem_shared>>
      %dma_start3A_98 = arith.constant 0 : i32
      %dma_start3A_99 = tpu.memref_slice %arg9[%add3A_15, %dma_start3A_98] : memref<10240x128xf32, #tpu.memory_space<vmem_shared>> -> memref<128x128xf32, #tpu.memory_space<vmem_shared>>
      tpu.enqueue_dma source(%arg8 : memref<128x128xf32, #tpu.memory_space<vmem>>) target(%dma_start3A_99 : memref<128x128xf32, #tpu.memory_space<vmem_shared>>) target_semaphore(%run_scoped3A : memref<!tpu.dma_semaphore, #tpu.memory_space<semaphore_mem>>)
      %dma_wait3A_100 = arith.constant 0 : i32
      %dma_wait3A_101 = tpu.memref_slice %arg9[%add3A_15, %dma_wait3A_100] : memref<10240x128xf32, #tpu.memory_space<vmem_shared>> -> memref<128x128xf32, #tpu.memory_space<vmem_shared>>
      %dma_wait3A_102 = arith.constant 0 : i32
      %dma_wait3A_103 = tpu.memref_slice %arg9[%add3A_15, %dma_wait3A_102] : memref<10240x128xf32, #tpu.memory_space<vmem_shared>> -> memref<128x128xf32, #tpu.memory_space<vmem_shared>>
      tpu.wait_dma2 semaphore(%run_scoped3A : memref<!tpu.dma_semaphore, #tpu.memory_space<semaphore_mem>>) src(%arg8 : memref<128x128xf32, #tpu.memory_space<vmem>>) dst(%dma_wait3A_103 : memref<128x128xf32, #tpu.memory_space<vmem_shared>>)
      tpu.yield
    }) : () -> ()
    %add3A_16 = arith.constant 384 : i32
    %add3A_17 = arith.addi %mul3A_9, %add3A_16 : i32
    "tpu.region"() ({
      %run_scoped3A = tpu.sem_alloc : memref<!tpu.dma_semaphore, #tpu.memory_space<semaphore_mem>>
      %dma_start3A_96 = arith.constant 0 : i32
      %dma_start3A_97 = tpu.memref_slice %arg9[%add3A_17, %dma_start3A_96] : memref<10240x128xf32, #tpu.memory_space<vmem_shared>> -> memref<128x128xf32, #tpu.memory_space<vmem_shared>>
      %dma_start3A_98 = arith.constant 0 : i32
      %dma_start3A_99 = tpu.memref_slice %arg9[%add3A_17, %dma_start3A_98] : memref<10240x128xf32, #tpu.memory_space<vmem_shared>> -> memref<128x128xf32, #tpu.memory_space<vmem_shared>>
      tpu.enqueue_dma source(%arg8 : memref<128x128xf32, #tpu.memory_space<vmem>>) target(%dma_start3A_99 : memref<128x128xf32, #tpu.memory_space<vmem_shared>>) target_semaphore(%run_scoped3A : memref<!tpu.dma_semaphore, #tpu.memory_space<semaphore_mem>>)
      %dma_wait3A_100 = arith.constant 0 : i32
      %dma_wait3A_101 = tpu.memref_slice %arg9[%add3A_17, %dma_wait3A_100] : memref<10240x128xf32, #tpu.memory_space<vmem_shared>> -> memref<128x128xf32, #tpu.memory_space<vmem_shared>>
      %dma_wait3A_102 = arith.constant 0 : i32
      %dma_wait3A_103 = tpu.memref_slice %arg9[%add3A_17, %dma_wait3A_102] : memref<10240x128xf32, #tpu.memory_space<vmem_shared>> -> memref<128x128xf32, #tpu.memory_space<vmem_shared>>
      tpu.wait_dma2 semaphore(%run_scoped3A : memref<!tpu.dma_semaphore, #tpu.memory_space<semaphore_mem>>) src(%arg8 : memref<128x128xf32, #tpu.memory_space<vmem>>) dst(%dma_wait3A_103 : memref<128x128xf32, #tpu.memory_space<vmem_shared>>)
      tpu.yield
    }) : () -> ()
    %add3A_18 = arith.constant 512 : i32
    %add3A_19 = arith.addi %mul3A_9, %add3A_18 : i32
    "tpu.region"() ({
      %run_scoped3A = tpu.sem_alloc : memref<!tpu.dma_semaphore, #tpu.memory_space<semaphore_mem>>
      %dma_start3A_96 = arith.constant 0 : i32
      %dma_start3A_97 = tpu.memref_slice %arg9[%add3A_19, %dma_start3A_96] : memref<10240x128xf32, #tpu.memory_space<vmem_shared>> -> memref<128x128xf32, #tpu.memory_space<vmem_shared>>
      %dma_start3A_98 = arith.constant 0 : i32
      %dma_start3A_99 = tpu.memref_slice %arg9[%add3A_19, %dma_start3A_98] : memref<10240x128xf32, #tpu.memory_space<vmem_shared>> -> memref<128x128xf32, #tpu.memory_space<vmem_shared>>
      tpu.enqueue_dma source(%arg8 : memref<128x128xf32, #tpu.memory_space<vmem>>) target(%dma_start3A_99 : memref<128x128xf32, #tpu.memory_space<vmem_shared>>) target_semaphore(%run_scoped3A : memref<!tpu.dma_semaphore, #tpu.memory_space<semaphore_mem>>)
      %dma_wait3A_100 = arith.constant 0 : i32
      %dma_wait3A_101 = tpu.memref_slice %arg9[%add3A_19, %dma_wait3A_100] : memref<10240x128xf32, #tpu.memory_space<vmem_shared>> -> memref<128x128xf32, #tpu.memory_space<vmem_shared>>
      %dma_wait3A_102 = arith.constant 0 : i32
      %dma_wait3A_103 = tpu.memref_slice %arg9[%add3A_19, %dma_wait3A_102] : memref<10240x128xf32, #tpu.memory_space<vmem_shared>> -> memref<128x128xf32, #tpu.memory_space<vmem_shared>>
      tpu.wait_dma2 semaphore(%run_scoped3A : memref<!tpu.dma_semaphore, #tpu.memory_space<semaphore_mem>>) src(%arg8 : memref<128x128xf32, #tpu.memory_space<vmem>>) dst(%dma_wait3A_103 : memref<128x128xf32, #tpu.memory_space<vmem_shared>>)
      tpu.yield
    }) : () -> ()
    %barrier3A = arith.constant 0 : index
    tpu.barrier barrier_id(%barrier3A)
    %scan3A_20 = arith.constant 0 : i32
    %scan3A_21 = arith.constant 0 : i32
    %scan3A_22 = arith.constant 80 : i32
    %scan3A_23 = arith.addi %scan3A_21, %scan3A_22 : i32
    %scan3A_24 = arith.constant 1 : i32
    %scan3A_25 = scf.for %scan3A_96 = %scan3A_21 to %scan3A_23 step %scan3A_24 iter_args(%scan3A_97 = %scan3A_20) -> (i32)  : i32 {
      %dma_start3A_98 = arith.constant 0 : i32
      %dma_start3A_99 = tpu.memref_slice %arg6[%scan3A_96, %dma_start3A_98] : memref<80x128xi32, #tpu.memory_space<vmem>> -> memref<1x128xi32, #tpu.memory_space<vmem>>
      %dma_start3A_100 = tpu.memref_squeeze %dma_start3A_99 : memref<1x128xi32, #tpu.memory_space<vmem>> -> memref<128xi32, #tpu.memory_space<vmem>>
      %dma_start3A_101 = arith.constant 0 : i32
      %dma_start3A_102 = arith.constant 0 : i32
      %dma_start3A_103 = tpu.memref_slice %arg2[%dma_start3A_101, %dma_start3A_102] : memref<10240x128xf32, #tpu.memory_space<hbm>> -> memref<10240x128xf32, #tpu.memory_space<hbm>>
      tpu.enqueue_indirect_dma source(%dma_start3A_103 : memref<10240x128xf32, #tpu.memory_space<hbm>>) target(%arg8 : memref<128x128xf32, #tpu.memory_space<vmem>>) offsets(%dma_start3A_100 : memref<128xi32, #tpu.memory_space<vmem>>) semaphore(%arg10 : memref<!tpu.dma_semaphore, #tpu.memory_space<semaphore_mem>>)
      %dma_wait3A_104 = arith.constant 0 : i32
      %dma_wait3A_105 = tpu.memref_slice %arg6[%scan3A_96, %dma_wait3A_104] : memref<80x128xi32, #tpu.memory_space<vmem>> -> memref<1x128xi32, #tpu.memory_space<vmem>>
      %dma_wait3A_106 = tpu.memref_squeeze %dma_wait3A_105 : memref<1x128xi32, #tpu.memory_space<vmem>> -> memref<128xi32, #tpu.memory_space<vmem>>
      %dma_wait3A_107 = arith.constant 0 : i32
      %dma_wait3A_108 = arith.constant 0 : i32
      %dma_wait3A_109 = tpu.memref_slice %arg2[%dma_wait3A_107, %dma_wait3A_108] : memref<10240x128xf32, #tpu.memory_space<hbm>> -> memref<10240x128xf32, #tpu.memory_space<hbm>>
      tpu.wait_indirect_dma semaphore(%arg10 : memref<!tpu.dma_semaphore, #tpu.memory_space<semaphore_mem>>) src(%dma_wait3A_109 : memref<10240x128xf32, #tpu.memory_space<hbm>>) dst(%arg8 : memref<128x128xf32, #tpu.memory_space<vmem>>)
      "tpu.region"() ({
        %run_scoped3A = tpu.sem_alloc : memref<!tpu.dma_semaphore, #tpu.memory_space<semaphore_mem>>
        %dma_start3A_111 = arith.constant 0 : i32
        %dma_start3A_112 = tpu.memref_slice %arg7[%scan3A_96, %dma_start3A_111] : memref<80x128xi32, #tpu.memory_space<vmem>> -> memref<1x128xi32, #tpu.memory_space<vmem>>
        %dma_start3A_113 = tpu.memref_squeeze %dma_start3A_112 : memref<1x128xi32, #tpu.memory_space<vmem>> -> memref<128xi32, #tpu.memory_space<vmem>>
        %dma_start3A_114 = arith.constant 0 : i32
        %dma_start3A_115 = arith.constant 0 : i32
        %dma_start3A_116 = tpu.memref_slice %arg9[%dma_start3A_114, %dma_start3A_115] : memref<10240x128xf32, #tpu.memory_space<vmem_shared>> -> memref<10240x128xf32, #tpu.memory_space<vmem_shared>>
        tpu.enqueue_indirect_dma source(%arg8 : memref<128x128xf32, #tpu.memory_space<vmem>>) target(%dma_start3A_116 : memref<10240x128xf32, #tpu.memory_space<vmem_shared>>) offsets(%dma_start3A_113 : memref<128xi32, #tpu.memory_space<vmem>>) semaphore(%run_scoped3A : memref<!tpu.dma_semaphore, #tpu.memory_space<semaphore_mem>>) {add = true}
        %dma_wait3A_117 = arith.constant 0 : i32
        %dma_wait3A_118 = tpu.memref_slice %arg7[%scan3A_96, %dma_wait3A_117] : memref<80x128xi32, #tpu.memory_space<vmem>> -> memref<1x128xi32, #tpu.memory_space<vmem>>
        %dma_wait3A_119 = tpu.memref_squeeze %dma_wait3A_118 : memref<1x128xi32, #tpu.memory_space<vmem>> -> memref<128xi32, #tpu.memory_space<vmem>>
        %dma_wait3A_120 = arith.constant 0 : i32
        %dma_wait3A_121 = arith.constant 0 : i32
        %dma_wait3A_122 = tpu.memref_slice %arg9[%dma_wait3A_120, %dma_wait3A_121] : memref<10240x128xf32, #tpu.memory_space<vmem_shared>> -> memref<10240x128xf32, #tpu.memory_space<vmem_shared>>
        tpu.wait_indirect_dma semaphore(%run_scoped3A : memref<!tpu.dma_semaphore, #tpu.memory_space<semaphore_mem>>) src(%arg8 : memref<128x128xf32, #tpu.memory_space<vmem>>) dst(%dma_wait3A_122 : memref<10240x128xf32, #tpu.memory_space<vmem_shared>>)
        tpu.yield
      }) : () -> ()
      %scan3A_110 = arith.constant 0 : i32
      scf.yield %scan3A_110 : i32
    }
    %scan3A_26 = arith.constant 80 : i32
    %barrier3A_27 = arith.constant 0 : index
    tpu.barrier barrier_id(%barrier3A_27)
    %add3A_28 = arith.constant 0 : i32
    %add3A_29 = arith.addi %mul3A_9, %add3A_28 : i32
    %dma_start3A = arith.constant 0 : i32
    %dma_start3A_30 = tpu.memref_slice %arg5[%arg0, %add3A_29, %dma_start3A] : memref<2x10240x128xf32, #tpu.memory_space<hbm>> -> memref<1x128x128xf32, #tpu.memory_space<hbm>>
    %dma_start3A_31 = tpu.memref_squeeze %dma_start3A_30 : memref<1x128x128xf32, #tpu.memory_space<hbm>> -> memref<128x128xf32, #tpu.memory_space<hbm>>
    %dma_start3A_32 = arith.constant 0 : i32
    %dma_start3A_33 = tpu.memref_slice %arg9[%add3A_29, %dma_start3A_32] : memref<10240x128xf32, #tpu.memory_space<vmem_shared>> -> memref<128x128xf32, #tpu.memory_space<vmem_shared>>
    tpu.enqueue_dma source(%dma_start3A_33 : memref<128x128xf32, #tpu.memory_space<vmem_shared>>) target(%dma_start3A_31 : memref<128x128xf32, #tpu.memory_space<hbm>>) target_semaphore(%arg11 : memref<!tpu.dma_semaphore, #tpu.memory_space<semaphore_mem>>)
    %add3A_34 = arith.constant 128 : i32
    %add3A_35 = arith.addi %mul3A_9, %add3A_34 : i32
    %dma_start3A_36 = arith.constant 0 : i32
    %dma_start3A_37 = tpu.memref_slice %arg5[%arg0, %add3A_35, %dma_start3A_36] : memref<2x10240x128xf32, #tpu.memory_space<hbm>> -> memref<1x128x128xf32, #tpu.memory_space<hbm>>
    %dma_start3A_38 = tpu.memref_squeeze %dma_start3A_37 : memref<1x128x128xf32, #tpu.memory_space<hbm>> -> memref<128x128xf32, #tpu.memory_space<hbm>>
    %dma_start3A_39 = arith.constant 0 : i32
    %dma_start3A_40 = tpu.memref_slice %arg9[%add3A_35, %dma_start3A_39] : memref<10240x128xf32, #tpu.memory_space<vmem_shared>> -> memref<128x128xf32, #tpu.memory_space<vmem_shared>>
    tpu.enqueue_dma source(%dma_start3A_40 : memref<128x128xf32, #tpu.memory_space<vmem_shared>>) target(%dma_start3A_38 : memref<128x128xf32, #tpu.memory_space<hbm>>) target_semaphore(%arg11 : memref<!tpu.dma_semaphore, #tpu.memory_space<semaphore_mem>>)
    %add3A_41 = arith.constant 256 : i32
    %add3A_42 = arith.addi %mul3A_9, %add3A_41 : i32
    %dma_start3A_43 = arith.constant 0 : i32
    %dma_start3A_44 = tpu.memref_slice %arg5[%arg0, %add3A_42, %dma_start3A_43] : memref<2x10240x128xf32, #tpu.memory_space<hbm>> -> memref<1x128x128xf32, #tpu.memory_space<hbm>>
    %dma_start3A_45 = tpu.memref_squeeze %dma_start3A_44 : memref<1x128x128xf32, #tpu.memory_space<hbm>> -> memref<128x128xf32, #tpu.memory_space<hbm>>
    %dma_start3A_46 = arith.constant 0 : i32
    %dma_start3A_47 = tpu.memref_slice %arg9[%add3A_42, %dma_start3A_46] : memref<10240x128xf32, #tpu.memory_space<vmem_shared>> -> memref<128x128xf32, #tpu.memory_space<vmem_shared>>
    tpu.enqueue_dma source(%dma_start3A_47 : memref<128x128xf32, #tpu.memory_space<vmem_shared>>) target(%dma_start3A_45 : memref<128x128xf32, #tpu.memory_space<hbm>>) target_semaphore(%arg11 : memref<!tpu.dma_semaphore, #tpu.memory_space<semaphore_mem>>)
    %add3A_48 = arith.constant 384 : i32
    %add3A_49 = arith.addi %mul3A_9, %add3A_48 : i32
    %dma_start3A_50 = arith.constant 0 : i32
    %dma_start3A_51 = tpu.memref_slice %arg5[%arg0, %add3A_49, %dma_start3A_50] : memref<2x10240x128xf32, #tpu.memory_space<hbm>> -> memref<1x128x128xf32, #tpu.memory_space<hbm>>
    %dma_start3A_52 = tpu.memref_squeeze %dma_start3A_51 : memref<1x128x128xf32, #tpu.memory_space<hbm>> -> memref<128x128xf32, #tpu.memory_space<hbm>>
    %dma_start3A_53 = arith.constant 0 : i32
    %dma_start3A_54 = tpu.memref_slice %arg9[%add3A_49, %dma_start3A_53] : memref<10240x128xf32, #tpu.memory_space<vmem_shared>> -> memref<128x128xf32, #tpu.memory_space<vmem_shared>>
    tpu.enqueue_dma source(%dma_start3A_54 : memref<128x128xf32, #tpu.memory_space<vmem_shared>>) target(%dma_start3A_52 : memref<128x128xf32, #tpu.memory_space<hbm>>) target_semaphore(%arg11 : memref<!tpu.dma_semaphore, #tpu.memory_space<semaphore_mem>>)
    %add3A_55 = arith.constant 512 : i32
    %add3A_56 = arith.addi %mul3A_9, %add3A_55 : i32
    %dma_start3A_57 = arith.constant 0 : i32
    %dma_start3A_58 = tpu.memref_slice %arg5[%arg0, %add3A_56, %dma_start3A_57] : memref<2x10240x128xf32, #tpu.memory_space<hbm>> -> memref<1x128x128xf32, #tpu.memory_space<hbm>>
    %dma_start3A_59 = tpu.memref_squeeze %dma_start3A_58 : memref<1x128x128xf32, #tpu.memory_space<hbm>> -> memref<128x128xf32, #tpu.memory_space<hbm>>
    %dma_start3A_60 = arith.constant 0 : i32
    %dma_start3A_61 = tpu.memref_slice %arg9[%add3A_56, %dma_start3A_60] : memref<10240x128xf32, #tpu.memory_space<vmem_shared>> -> memref<128x128xf32, #tpu.memory_space<vmem_shared>>
    tpu.enqueue_dma source(%dma_start3A_61 : memref<128x128xf32, #tpu.memory_space<vmem_shared>>) target(%dma_start3A_59 : memref<128x128xf32, #tpu.memory_space<hbm>>) target_semaphore(%arg11 : memref<!tpu.dma_semaphore, #tpu.memory_space<semaphore_mem>>)
    %add3A_62 = arith.constant 0 : i32
    %add3A_63 = arith.addi %mul3A_9, %add3A_62 : i32
    %dma_wait3A = arith.constant 0 : i32
    %dma_wait3A_64 = tpu.memref_slice %arg5[%arg0, %add3A_63, %dma_wait3A] : memref<2x10240x128xf32, #tpu.memory_space<hbm>> -> memref<1x128x128xf32, #tpu.memory_space<hbm>>
    %dma_wait3A_65 = tpu.memref_squeeze %dma_wait3A_64 : memref<1x128x128xf32, #tpu.memory_space<hbm>> -> memref<128x128xf32, #tpu.memory_space<hbm>>
    %dma_wait3A_66 = arith.constant 0 : i32
    %dma_wait3A_67 = tpu.memref_slice %arg9[%add3A_63, %dma_wait3A_66] : memref<10240x128xf32, #tpu.memory_space<vmem_shared>> -> memref<128x128xf32, #tpu.memory_space<vmem_shared>>
    tpu.wait_dma2 semaphore(%arg11 : memref<!tpu.dma_semaphore, #tpu.memory_space<semaphore_mem>>) src(%dma_wait3A_67 : memref<128x128xf32, #tpu.memory_space<vmem_shared>>) dst(%dma_wait3A_65 : memref<128x128xf32, #tpu.memory_space<hbm>>)
    %add3A_68 = arith.constant 128 : i32
    %add3A_69 = arith.addi %mul3A_9, %add3A_68 : i32
    %dma_wait3A_70 = arith.constant 0 : i32
    %dma_wait3A_71 = tpu.memref_slice %arg5[%arg0, %add3A_69, %dma_wait3A_70] : memref<2x10240x128xf32, #tpu.memory_space<hbm>> -> memref<1x128x128xf32, #tpu.memory_space<hbm>>
    %dma_wait3A_72 = tpu.memref_squeeze %dma_wait3A_71 : memref<1x128x128xf32, #tpu.memory_space<hbm>> -> memref<128x128xf32, #tpu.memory_space<hbm>>
    %dma_wait3A_73 = arith.constant 0 : i32
    %dma_wait3A_74 = tpu.memref_slice %arg9[%add3A_69, %dma_wait3A_73] : memref<10240x128xf32, #tpu.memory_space<vmem_shared>> -> memref<128x128xf32, #tpu.memory_space<vmem_shared>>
    tpu.wait_dma2 semaphore(%arg11 : memref<!tpu.dma_semaphore, #tpu.memory_space<semaphore_mem>>) src(%dma_wait3A_74 : memref<128x128xf32, #tpu.memory_space<vmem_shared>>) dst(%dma_wait3A_72 : memref<128x128xf32, #tpu.memory_space<hbm>>)
    %add3A_75 = arith.constant 256 : i32
    %add3A_76 = arith.addi %mul3A_9, %add3A_75 : i32
    %dma_wait3A_77 = arith.constant 0 : i32
    %dma_wait3A_78 = tpu.memref_slice %arg5[%arg0, %add3A_76, %dma_wait3A_77] : memref<2x10240x128xf32, #tpu.memory_space<hbm>> -> memref<1x128x128xf32, #tpu.memory_space<hbm>>
    %dma_wait3A_79 = tpu.memref_squeeze %dma_wait3A_78 : memref<1x128x128xf32, #tpu.memory_space<hbm>> -> memref<128x128xf32, #tpu.memory_space<hbm>>
    %dma_wait3A_80 = arith.constant 0 : i32
    %dma_wait3A_81 = tpu.memref_slice %arg9[%add3A_76, %dma_wait3A_80] : memref<10240x128xf32, #tpu.memory_space<vmem_shared>> -> memref<128x128xf32, #tpu.memory_space<vmem_shared>>
    tpu.wait_dma2 semaphore(%arg11 : memref<!tpu.dma_semaphore, #tpu.memory_space<semaphore_mem>>) src(%dma_wait3A_81 : memref<128x128xf32, #tpu.memory_space<vmem_shared>>) dst(%dma_wait3A_79 : memref<128x128xf32, #tpu.memory_space<hbm>>)
    %add3A_82 = arith.constant 384 : i32
    %add3A_83 = arith.addi %mul3A_9, %add3A_82 : i32
    %dma_wait3A_84 = arith.constant 0 : i32
    %dma_wait3A_85 = tpu.memref_slice %arg5[%arg0, %add3A_83, %dma_wait3A_84] : memref<2x10240x128xf32, #tpu.memory_space<hbm>> -> memref<1x128x128xf32, #tpu.memory_space<hbm>>
    %dma_wait3A_86 = tpu.memref_squeeze %dma_wait3A_85 : memref<1x128x128xf32, #tpu.memory_space<hbm>> -> memref<128x128xf32, #tpu.memory_space<hbm>>
    %dma_wait3A_87 = arith.constant 0 : i32
    %dma_wait3A_88 = tpu.memref_slice %arg9[%add3A_83, %dma_wait3A_87] : memref<10240x128xf32, #tpu.memory_space<vmem_shared>> -> memref<128x128xf32, #tpu.memory_space<vmem_shared>>
    tpu.wait_dma2 semaphore(%arg11 : memref<!tpu.dma_semaphore, #tpu.memory_space<semaphore_mem>>) src(%dma_wait3A_88 : memref<128x128xf32, #tpu.memory_space<vmem_shared>>) dst(%dma_wait3A_86 : memref<128x128xf32, #tpu.memory_space<hbm>>)
    %add3A_89 = arith.constant 512 : i32
    %add3A_90 = arith.addi %mul3A_9, %add3A_89 : i32
    %dma_wait3A_91 = arith.constant 0 : i32
    %dma_wait3A_92 = tpu.memref_slice %arg5[%arg0, %add3A_90, %dma_wait3A_91] : memref<2x10240x128xf32, #tpu.memory_space<hbm>> -> memref<1x128x128xf32, #tpu.memory_space<hbm>>
    %dma_wait3A_93 = tpu.memref_squeeze %dma_wait3A_92 : memref<1x128x128xf32, #tpu.memory_space<hbm>> -> memref<128x128xf32, #tpu.memory_space<hbm>>
    %dma_wait3A_94 = arith.constant 0 : i32
    %dma_wait3A_95 = tpu.memref_slice %arg9[%add3A_90, %dma_wait3A_94] : memref<10240x128xf32, #tpu.memory_space<vmem_shared>> -> memref<128x128xf32, #tpu.memory_space<vmem_shared>>
    tpu.wait_dma2 semaphore(%arg11 : memref<!tpu.dma_semaphore, #tpu.memory_space<semaphore_mem>>) src(%dma_wait3A_95 : memref<128x128xf32, #tpu.memory_space<vmem_shared>>) dst(%dma_wait3A_93 : memref<128x128xf32, #tpu.memory_space<hbm>>)
    return
  }
}

#map = affine_map<(d0, d1) -> (0, 0)>
#map1 = affine_map<(d0, d1) -> (0, 0, 0)>
module attributes {stable_mosaic.version = 14 : i64} {
  func.func @_agg_kernel(%arg0: i32, %arg1: i32, %arg2: memref<10240x128xf32, #tpu.memory_space<hbm>>, %arg3: memref<32x80x128xi32, #tpu.memory_space<hbm>>, %arg4: memref<32x80x128xi32, #tpu.memory_space<hbm>>, %arg5: memref<2x10240x128xf32, #tpu.memory_space<hbm>>, %arg6: memref<80x128xi32, #tpu.memory_space<vmem>>, %arg7: memref<80x128xi32, #tpu.memory_space<vmem>>, %arg8: memref<128x128xf32, #tpu.memory_space<vmem>>, %arg9: memref<10240x128xf32, #tpu.memory_space<vmem_shared>>, %arg10: memref<!tpu.dma_semaphore, #tpu.memory_space<semaphore_mem>>, %arg11: memref<!tpu.dma_semaphore, #tpu.memory_space<semaphore_mem>>) attributes {dimension_semantics = [#tpu.dimension_semantics<core_parallel>, #tpu.dimension_semantics<subcore_parallel>], iteration_bounds = array<i64: 2, 16>, scalar_prefetch = 0 : i64, scratch_operands = 6 : i64, tpu.core_type = #tpu.core_type<sc_vector_subcore>, window_params = [{transform_indices = #map}, {transform_indices = #map1}, {transform_indices = #map1}, {transform_indices = #map1}]} {
    %mul3A = arith.constant 2 : i32
    %mul3A_0 = arith.muli %arg1, %mul3A : i32
    %add3A = arith.addi %mul3A_0, %arg0 : i32
    "tpu.region"() ({
      %run_scoped3A = tpu.sem_alloc : memref<!tpu.dma_semaphore, #tpu.memory_space<semaphore_mem>>
      %dma_start3A_96 = arith.constant 0 : i32
      %dma_start3A_97 = arith.constant 0 : i32
      %dma_start3A_98 = tpu.memref_slice %arg3[%add3A, %dma_start3A_96, %dma_start3A_97] : memref<32x80x128xi32, #tpu.memory_space<hbm>> -> memref<1x80x128xi32, #tpu.memory_space<hbm>>
      %dma_start3A_99 = tpu.memref_squeeze %dma_start3A_98 : memref<1x80x128xi32, #tpu.memory_space<hbm>> -> memref<80x128xi32, #tpu.memory_space<hbm>>
      %dma_start3A_100 = arith.constant 0 : i32
      %dma_start3A_101 = arith.constant 0 : i32
      %dma_start3A_102 = tpu.memref_slice %arg3[%add3A, %dma_start3A_100, %dma_start3A_101] : memref<32x80x128xi32, #tpu.memory_space<hbm>> -> memref<1x80x128xi32, #tpu.memory_space<hbm>>
      %dma_start3A_103 = tpu.memref_squeeze %dma_start3A_102 : memref<1x80x128xi32, #tpu.memory_space<hbm>> -> memref<80x128xi32, #tpu.memory_space<hbm>>
      tpu.enqueue_dma source(%dma_start3A_103 : memref<80x128xi32, #tpu.memory_space<hbm>>) target(%arg6 : memref<80x128xi32, #tpu.memory_space<vmem>>) target_semaphore(%run_scoped3A : memref<!tpu.dma_semaphore, #tpu.memory_space<semaphore_mem>>)
      %dma_wait3A_104 = arith.constant 0 : i32
      %dma_wait3A_105 = arith.constant 0 : i32
      %dma_wait3A_106 = tpu.memref_slice %arg3[%add3A, %dma_wait3A_104, %dma_wait3A_105] : memref<32x80x128xi32, #tpu.memory_space<hbm>> -> memref<1x80x128xi32, #tpu.memory_space<hbm>>
      %dma_wait3A_107 = tpu.memref_squeeze %dma_wait3A_106 : memref<1x80x128xi32, #tpu.memory_space<hbm>> -> memref<80x128xi32, #tpu.memory_space<hbm>>
      %dma_wait3A_108 = arith.constant 0 : i32
      %dma_wait3A_109 = arith.constant 0 : i32
      %dma_wait3A_110 = tpu.memref_slice %arg3[%add3A, %dma_wait3A_108, %dma_wait3A_109] : memref<32x80x128xi32, #tpu.memory_space<hbm>> -> memref<1x80x128xi32, #tpu.memory_space<hbm>>
      %dma_wait3A_111 = tpu.memref_squeeze %dma_wait3A_110 : memref<1x80x128xi32, #tpu.memory_space<hbm>> -> memref<80x128xi32, #tpu.memory_space<hbm>>
      tpu.wait_dma2 semaphore(%run_scoped3A : memref<!tpu.dma_semaphore, #tpu.memory_space<semaphore_mem>>) src(%dma_wait3A_111 : memref<80x128xi32, #tpu.memory_space<hbm>>) dst(%arg6 : memref<80x128xi32, #tpu.memory_space<vmem>>)
      tpu.yield
    }) : () -> ()
    "tpu.region"() ({
      %run_scoped3A = tpu.sem_alloc : memref<!tpu.dma_semaphore, #tpu.memory_space<semaphore_mem>>
      %dma_start3A_96 = arith.constant 0 : i32
      %dma_start3A_97 = arith.constant 0 : i32
      %dma_start3A_98 = tpu.memref_slice %arg4[%add3A, %dma_start3A_96, %dma_start3A_97] : memref<32x80x128xi32, #tpu.memory_space<hbm>> -> memref<1x80x128xi32, #tpu.memory_space<hbm>>
      %dma_start3A_99 = tpu.memref_squeeze %dma_start3A_98 : memref<1x80x128xi32, #tpu.memory_space<hbm>> -> memref<80x128xi32, #tpu.memory_space<hbm>>
      %dma_start3A_100 = arith.constant 0 : i32
      %dma_start3A_101 = arith.constant 0 : i32
      %dma_start3A_102 = tpu.memref_slice %arg4[%add3A, %dma_start3A_100, %dma_start3A_101] : memref<32x80x128xi32, #tpu.memory_space<hbm>> -> memref<1x80x128xi32, #tpu.memory_space<hbm>>
      %dma_start3A_103 = tpu.memref_squeeze %dma_start3A_102 : memref<1x80x128xi32, #tpu.memory_space<hbm>> -> memref<80x128xi32, #tpu.memory_space<hbm>>
      tpu.enqueue_dma source(%dma_start3A_103 : memref<80x128xi32, #tpu.memory_space<hbm>>) target(%arg7 : memref<80x128xi32, #tpu.memory_space<vmem>>) target_semaphore(%run_scoped3A : memref<!tpu.dma_semaphore, #tpu.memory_space<semaphore_mem>>)
      %dma_wait3A_104 = arith.constant 0 : i32
      %dma_wait3A_105 = arith.constant 0 : i32
      %dma_wait3A_106 = tpu.memref_slice %arg4[%add3A, %dma_wait3A_104, %dma_wait3A_105] : memref<32x80x128xi32, #tpu.memory_space<hbm>> -> memref<1x80x128xi32, #tpu.memory_space<hbm>>
      %dma_wait3A_107 = tpu.memref_squeeze %dma_wait3A_106 : memref<1x80x128xi32, #tpu.memory_space<hbm>> -> memref<80x128xi32, #tpu.memory_space<hbm>>
      %dma_wait3A_108 = arith.constant 0 : i32
      %dma_wait3A_109 = arith.constant 0 : i32
      %dma_wait3A_110 = tpu.memref_slice %arg4[%add3A, %dma_wait3A_108, %dma_wait3A_109] : memref<32x80x128xi32, #tpu.memory_space<hbm>> -> memref<1x80x128xi32, #tpu.memory_space<hbm>>
      %dma_wait3A_111 = tpu.memref_squeeze %dma_wait3A_110 : memref<1x80x128xi32, #tpu.memory_space<hbm>> -> memref<80x128xi32, #tpu.memory_space<hbm>>
      tpu.wait_dma2 semaphore(%run_scoped3A : memref<!tpu.dma_semaphore, #tpu.memory_space<semaphore_mem>>) src(%dma_wait3A_111 : memref<80x128xi32, #tpu.memory_space<hbm>>) dst(%arg7 : memref<80x128xi32, #tpu.memory_space<vmem>>)
      tpu.yield
    }) : () -> ()
    %broadcast_in_dim3A = arith.constant 0.000000e+00 : f32
    %broadcast_in_dim3A_1 = vector.broadcast %broadcast_in_dim3A : f32 to vector<16xf32>
    %scan3A = arith.constant 0 : i32
    %scan3A_2 = arith.constant 0 : i32
    %scan3A_3 = arith.constant 128 : i32
    %scan3A_4 = arith.addi %scan3A_2, %scan3A_3 : i32
    %scan3A_5 = arith.constant 1 : i32
    %scan3A_6 = scf.for %scan3A_96 = %scan3A_2 to %scan3A_4 step %scan3A_5 iter_args(%scan3A_97 = %scan3A) -> (i32)  : i32 {
      %scan3A_98 = arith.constant 0 : i32
      %scan3A_99 = arith.constant 0 : i32
      %scan3A_100 = arith.constant 8 : i32
      %scan3A_101 = arith.addi %scan3A_99, %scan3A_100 : i32
      %scan3A_102 = arith.constant 1 : i32
      %scan3A_103 = scf.for %scan3A_106 = %scan3A_99 to %scan3A_101 step %scan3A_102 iter_args(%scan3A_107 = %scan3A_98) -> (i32)  : i32 {
        %mul3A_108 = arith.constant 16 : i32
        %mul3A_109 = arith.muli %scan3A_106, %mul3A_108 : i32
        %swap3A = arith.index_cast %scan3A_96 : i32 to index
        %swap3A_110 = arith.index_cast %mul3A_109 : i32 to index
        %swap3A_111 = tpu.vector_load %arg8[%swap3A, %swap3A_110] {strides = array<i32>} : memref<128x128xf32, #tpu.memory_space<vmem>>, vector<1x16xf32>,
        %swap3A_112 = vector.shape_cast %swap3A_111 : vector<1x16xf32> to vector<16xf32>
        %swap3A_113 = vector.shape_cast %broadcast_in_dim3A_1 : vector<16xf32> to vector<1x16xf32>
        tpu.vector_store %arg8[%swap3A, %swap3A_110], %swap3A_113 {strides = array<i32>} : memref<128x128xf32, #tpu.memory_space<vmem>>, vector<1x16xf32>,
        %scan3A_114 = arith.constant 0 : i32
        scf.yield %scan3A_114 : i32
      }
      %scan3A_104 = arith.constant 8 : i32
      %scan3A_105 = arith.constant 0 : i32
      scf.yield %scan3A_105 : i32
    }
    %scan3A_7 = arith.constant 128 : i32
    %mul3A_8 = arith.constant 640 : i32
    %mul3A_9 = arith.muli %arg1, %mul3A_8 : i32
    %add3A_10 = arith.constant 0 : i32
    %add3A_11 = arith.addi %mul3A_9, %add3A_10 : i32
    "tpu.region"() ({
      %run_scoped3A = tpu.sem_alloc : memref<!tpu.dma_semaphore, #tpu.memory_space<semaphore_mem>>
      %dma_start3A_96 = arith.constant 0 : i32
      %dma_start3A_97 = tpu.memref_slice %arg9[%add3A_11, %dma_start3A_96] : memref<10240x128xf32, #tpu.memory_space<vmem_shared>> -> memref<128x128xf32, #tpu.memory_space<vmem_shared>>
      %dma_start3A_98 = arith.constant 0 : i32
      %dma_start3A_99 = tpu.memref_slice %arg9[%add3A_11, %dma_start3A_98] : memref<10240x128xf32, #tpu.memory_space<vmem_shared>> -> memref<128x128xf32, #tpu.memory_space<vmem_shared>>
      tpu.enqueue_dma source(%arg8 : memref<128x128xf32, #tpu.memory_space<vmem>>) target(%dma_start3A_99 : memref<128x128xf32, #tpu.memory_space<vmem_shared>>) target_semaphore(%run_scoped3A : memref<!tpu.dma_semaphore, #tpu.memory_space<semaphore_mem>>)
      %dma_wait3A_100 = arith.constant 0 : i32
      %dma_wait3A_101 = tpu.memref_slice %arg9[%add3A_11, %dma_wait3A_100] : memref<10240x128xf32, #tpu.memory_space<vmem_shared>> -> memref<128x128xf32, #tpu.memory_space<vmem_shared>>
      %dma_wait3A_102 = arith.constant 0 : i32
      %dma_wait3A_103 = tpu.memref_slice %arg9[%add3A_11, %dma_wait3A_102] : memref<10240x128xf32, #tpu.memory_space<vmem_shared>> -> memref<128x128xf32, #tpu.memory_space<vmem_shared>>
      tpu.wait_dma2 semaphore(%run_scoped3A : memref<!tpu.dma_semaphore, #tpu.memory_space<semaphore_mem>>) src(%arg8 : memref<128x128xf32, #tpu.memory_space<vmem>>) dst(%dma_wait3A_103 : memref<128x128xf32, #tpu.memory_space<vmem_shared>>)
      tpu.yield
    }) : () -> ()
    %add3A_12 = arith.constant 128 : i32
    %add3A_13 = arith.addi %mul3A_9, %add3A_12 : i32
    "tpu.region"() ({
      %run_scoped3A = tpu.sem_alloc : memref<!tpu.dma_semaphore, #tpu.memory_space<semaphore_mem>>
      %dma_start3A_96 = arith.constant 0 : i32
      %dma_start3A_97 = tpu.memref_slice %arg9[%add3A_13, %dma_start3A_96] : memref<10240x128xf32, #tpu.memory_space<vmem_shared>> -> memref<128x128xf32, #tpu.memory_space<vmem_shared>>
      %dma_start3A_98 = arith.constant 0 : i32
      %dma_start3A_99 = tpu.memref_slice %arg9[%add3A_13, %dma_start3A_98] : memref<10240x128xf32, #tpu.memory_space<vmem_shared>> -> memref<128x128xf32, #tpu.memory_space<vmem_shared>>
      tpu.enqueue_dma source(%arg8 : memref<128x128xf32, #tpu.memory_space<vmem>>) target(%dma_start3A_99 : memref<128x128xf32, #tpu.memory_space<vmem_shared>>) target_semaphore(%run_scoped3A : memref<!tpu.dma_semaphore, #tpu.memory_space<semaphore_mem>>)
      %dma_wait3A_100 = arith.constant 0 : i32
      %dma_wait3A_101 = tpu.memref_slice %arg9[%add3A_13, %dma_wait3A_100] : memref<10240x128xf32, #tpu.memory_space<vmem_shared>> -> memref<128x128xf32, #tpu.memory_space<vmem_shared>>
      %dma_wait3A_102 = arith.constant 0 : i32
      %dma_wait3A_103 = tpu.memref_slice %arg9[%add3A_13, %dma_wait3A_102] : memref<10240x128xf32, #tpu.memory_space<vmem_shared>> -> memref<128x128xf32, #tpu.memory_space<vmem_shared>>
      tpu.wait_dma2 semaphore(%run_scoped3A : memref<!tpu.dma_semaphore, #tpu.memory_space<semaphore_mem>>) src(%arg8 : memref<128x128xf32, #tpu.memory_space<vmem>>) dst(%dma_wait3A_103 : memref<128x128xf32, #tpu.memory_space<vmem_shared>>)
      tpu.yield
    }) : () -> ()
    %add3A_14 = arith.constant 256 : i32
    %add3A_15 = arith.addi %mul3A_9, %add3A_14 : i32
    "tpu.region"() ({
      %run_scoped3A = tpu.sem_alloc : memref<!tpu.dma_semaphore, #tpu.memory_space<semaphore_mem>>
      %dma_start3A_96 = arith.constant 0 : i32
      %dma_start3A_97 = tpu.memref_slice %arg9[%add3A_15, %dma_start3A_96] : memref<10240x128xf32, #tpu.memory_space<vmem_shared>> -> memref<128x128xf32, #tpu.memory_space<vmem_shared>>
      %dma_start3A_98 = arith.constant 0 : i32
      %dma_start3A_99 = tpu.memref_slice %arg9[%add3A_15, %dma_start3A_98] : memref<10240x128xf32, #tpu.memory_space<vmem_shared>> -> memref<128x128xf32, #tpu.memory_space<vmem_shared>>
      tpu.enqueue_dma source(%arg8 : memref<128x128xf32, #tpu.memory_space<vmem>>) target(%dma_start3A_99 : memref<128x128xf32, #tpu.memory_space<vmem_shared>>) target_semaphore(%run_scoped3A : memref<!tpu.dma_semaphore, #tpu.memory_space<semaphore_mem>>)
      %dma_wait3A_100 = arith.constant 0 : i32
      %dma_wait3A_101 = tpu.memref_slice %arg9[%add3A_15, %dma_wait3A_100] : memref<10240x128xf32, #tpu.memory_space<vmem_shared>> -> memref<128x128xf32, #tpu.memory_space<vmem_shared>>
      %dma_wait3A_102 = arith.constant 0 : i32
      %dma_wait3A_103 = tpu.memref_slice %arg9[%add3A_15, %dma_wait3A_102] : memref<10240x128xf32, #tpu.memory_space<vmem_shared>> -> memref<128x128xf32, #tpu.memory_space<vmem_shared>>
      tpu.wait_dma2 semaphore(%run_scoped3A : memref<!tpu.dma_semaphore, #tpu.memory_space<semaphore_mem>>) src(%arg8 : memref<128x128xf32, #tpu.memory_space<vmem>>) dst(%dma_wait3A_103 : memref<128x128xf32, #tpu.memory_space<vmem_shared>>)
      tpu.yield
    }) : () -> ()
    %add3A_16 = arith.constant 384 : i32
    %add3A_17 = arith.addi %mul3A_9, %add3A_16 : i32
    "tpu.region"() ({
      %run_scoped3A = tpu.sem_alloc : memref<!tpu.dma_semaphore, #tpu.memory_space<semaphore_mem>>
      %dma_start3A_96 = arith.constant 0 : i32
      %dma_start3A_97 = tpu.memref_slice %arg9[%add3A_17, %dma_start3A_96] : memref<10240x128xf32, #tpu.memory_space<vmem_shared>> -> memref<128x128xf32, #tpu.memory_space<vmem_shared>>
      %dma_start3A_98 = arith.constant 0 : i32
      %dma_start3A_99 = tpu.memref_slice %arg9[%add3A_17, %dma_start3A_98] : memref<10240x128xf32, #tpu.memory_space<vmem_shared>> -> memref<128x128xf32, #tpu.memory_space<vmem_shared>>
      tpu.enqueue_dma source(%arg8 : memref<128x128xf32, #tpu.memory_space<vmem>>) target(%dma_start3A_99 : memref<128x128xf32, #tpu.memory_space<vmem_shared>>) target_semaphore(%run_scoped3A : memref<!tpu.dma_semaphore, #tpu.memory_space<semaphore_mem>>)
      %dma_wait3A_100 = arith.constant 0 : i32
      %dma_wait3A_101 = tpu.memref_slice %arg9[%add3A_17, %dma_wait3A_100] : memref<10240x128xf32, #tpu.memory_space<vmem_shared>> -> memref<128x128xf32, #tpu.memory_space<vmem_shared>>
      %dma_wait3A_102 = arith.constant 0 : i32
      %dma_wait3A_103 = tpu.memref_slice %arg9[%add3A_17, %dma_wait3A_102] : memref<10240x128xf32, #tpu.memory_space<vmem_shared>> -> memref<128x128xf32, #tpu.memory_space<vmem_shared>>
      tpu.wait_dma2 semaphore(%run_scoped3A : memref<!tpu.dma_semaphore, #tpu.memory_space<semaphore_mem>>) src(%arg8 : memref<128x128xf32, #tpu.memory_space<vmem>>) dst(%dma_wait3A_103 : memref<128x128xf32, #tpu.memory_space<vmem_shared>>)
      tpu.yield
    }) : () -> ()
    %add3A_18 = arith.constant 512 : i32
    %add3A_19 = arith.addi %mul3A_9, %add3A_18 : i32
    "tpu.region"() ({
      %run_scoped3A = tpu.sem_alloc : memref<!tpu.dma_semaphore, #tpu.memory_space<semaphore_mem>>
      %dma_start3A_96 = arith.constant 0 : i32
      %dma_start3A_97 = tpu.memref_slice %arg9[%add3A_19, %dma_start3A_96] : memref<10240x128xf32, #tpu.memory_space<vmem_shared>> -> memref<128x128xf32, #tpu.memory_space<vmem_shared>>
      %dma_start3A_98 = arith.constant 0 : i32
      %dma_start3A_99 = tpu.memref_slice %arg9[%add3A_19, %dma_start3A_98] : memref<10240x128xf32, #tpu.memory_space<vmem_shared>> -> memref<128x128xf32, #tpu.memory_space<vmem_shared>>
      tpu.enqueue_dma source(%arg8 : memref<128x128xf32, #tpu.memory_space<vmem>>) target(%dma_start3A_99 : memref<128x128xf32, #tpu.memory_space<vmem_shared>>) target_semaphore(%run_scoped3A : memref<!tpu.dma_semaphore, #tpu.memory_space<semaphore_mem>>)
      %dma_wait3A_100 = arith.constant 0 : i32
      %dma_wait3A_101 = tpu.memref_slice %arg9[%add3A_19, %dma_wait3A_100] : memref<10240x128xf32, #tpu.memory_space<vmem_shared>> -> memref<128x128xf32, #tpu.memory_space<vmem_shared>>
      %dma_wait3A_102 = arith.constant 0 : i32
      %dma_wait3A_103 = tpu.memref_slice %arg9[%add3A_19, %dma_wait3A_102] : memref<10240x128xf32, #tpu.memory_space<vmem_shared>> -> memref<128x128xf32, #tpu.memory_space<vmem_shared>>
      tpu.wait_dma2 semaphore(%run_scoped3A : memref<!tpu.dma_semaphore, #tpu.memory_space<semaphore_mem>>) src(%arg8 : memref<128x128xf32, #tpu.memory_space<vmem>>) dst(%dma_wait3A_103 : memref<128x128xf32, #tpu.memory_space<vmem_shared>>)
      tpu.yield
    }) : () -> ()
    %barrier3A = arith.constant 0 : index
    tpu.barrier barrier_id(%barrier3A)
    %scan3A_20 = arith.constant 0 : i32
    %scan3A_21 = arith.constant 0 : i32
    %scan3A_22 = arith.constant 80 : i32
    %scan3A_23 = arith.addi %scan3A_21, %scan3A_22 : i32
    %scan3A_24 = arith.constant 1 : i32
    %scan3A_25 = scf.for %scan3A_96 = %scan3A_21 to %scan3A_23 step %scan3A_24 iter_args(%scan3A_97 = %scan3A_20) -> (i32)  : i32 {
      %dma_start3A_98 = arith.constant 0 : i32
      %dma_start3A_99 = tpu.memref_slice %arg6[%scan3A_96, %dma_start3A_98] : memref<80x128xi32, #tpu.memory_space<vmem>> -> memref<1x128xi32, #tpu.memory_space<vmem>>
      %dma_start3A_100 = tpu.memref_squeeze %dma_start3A_99 : memref<1x128xi32, #tpu.memory_space<vmem>> -> memref<128xi32, #tpu.memory_space<vmem>>
      %dma_start3A_101 = arith.constant 0 : i32
      %dma_start3A_102 = arith.constant 0 : i32
      %dma_start3A_103 = tpu.memref_slice %arg2[%dma_start3A_101, %dma_start3A_102] : memref<10240x128xf32, #tpu.memory_space<hbm>> -> memref<10240x128xf32, #tpu.memory_space<hbm>>
      tpu.enqueue_indirect_dma source(%dma_start3A_103 : memref<10240x128xf32, #tpu.memory_space<hbm>>) target(%arg8 : memref<128x128xf32, #tpu.memory_space<vmem>>) offsets(%dma_start3A_100 : memref<128xi32, #tpu.memory_space<vmem>>) semaphore(%arg10 : memref<!tpu.dma_semaphore, #tpu.memory_space<semaphore_mem>>)
      %dma_wait3A_104 = arith.constant 0 : i32
      %dma_wait3A_105 = tpu.memref_slice %arg6[%scan3A_96, %dma_wait3A_104] : memref<80x128xi32, #tpu.memory_space<vmem>> -> memref<1x128xi32, #tpu.memory_space<vmem>>
      %dma_wait3A_106 = tpu.memref_squeeze %dma_wait3A_105 : memref<1x128xi32, #tpu.memory_space<vmem>> -> memref<128xi32, #tpu.memory_space<vmem>>
      %dma_wait3A_107 = arith.constant 0 : i32
      %dma_wait3A_108 = arith.constant 0 : i32
      %dma_wait3A_109 = tpu.memref_slice %arg2[%dma_wait3A_107, %dma_wait3A_108] : memref<10240x128xf32, #tpu.memory_space<hbm>> -> memref<10240x128xf32, #tpu.memory_space<hbm>>
      tpu.wait_indirect_dma semaphore(%arg10 : memref<!tpu.dma_semaphore, #tpu.memory_space<semaphore_mem>>) src(%dma_wait3A_109 : memref<10240x128xf32, #tpu.memory_space<hbm>>) dst(%arg8 : memref<128x128xf32, #tpu.memory_space<vmem>>)
      "tpu.region"() ({
        %run_scoped3A = tpu.sem_alloc : memref<!tpu.dma_semaphore, #tpu.memory_space<semaphore_mem>>
        %dma_start3A_111 = arith.constant 0 : i32
        %dma_start3A_112 = tpu.memref_slice %arg7[%scan3A_96, %dma_start3A_111] : memref<80x128xi32, #tpu.memory_space<vmem>> -> memref<1x128xi32, #tpu.memory_space<vmem>>
        %dma_start3A_113 = tpu.memref_squeeze %dma_start3A_112 : memref<1x128xi32, #tpu.memory_space<vmem>> -> memref<128xi32, #tpu.memory_space<vmem>>
        %dma_start3A_114 = arith.constant 0 : i32
        %dma_start3A_115 = arith.constant 0 : i32
        %dma_start3A_116 = tpu.memref_slice %arg9[%dma_start3A_114, %dma_start3A_115] : memref<10240x128xf32, #tpu.memory_space<vmem_shared>> -> memref<10240x128xf32, #tpu.memory_space<vmem_shared>>
        tpu.enqueue_indirect_dma source(%arg8 : memref<128x128xf32, #tpu.memory_space<vmem>>) target(%dma_start3A_116 : memref<10240x128xf32, #tpu.memory_space<vmem_shared>>) offsets(%dma_start3A_113 : memref<128xi32, #tpu.memory_space<vmem>>) semaphore(%run_scoped3A : memref<!tpu.dma_semaphore, #tpu.memory_space<semaphore_mem>>) {add = true}
        %dma_wait3A_117 = arith.constant 0 : i32
        %dma_wait3A_118 = tpu.memref_slice %arg7[%scan3A_96, %dma_wait3A_117] : memref<80x128xi32, #tpu.memory_space<vmem>> -> memref<1x128xi32, #tpu.memory_space<vmem>>
        %dma_wait3A_119 = tpu.memref_squeeze %dma_wait3A_118 : memref<1x128xi32, #tpu.memory_space<vmem>> -> memref<128xi32, #tpu.memory_space<vmem>>
        %dma_wait3A_120 = arith.constant 0 : i32
        %dma_wait3A_121 = arith.constant 0 : i32
        %dma_wait3A_122 = tpu.memref_slice %arg9[%dma_wait3A_120, %dma_wait3A_121] : memref<10240x128xf32, #tpu.memory_space<vmem_shared>> -> memref<10240x128xf32, #tpu.memory_space<vmem_shared>>
        tpu.wait_indirect_dma semaphore(%run_scoped3A : memref<!tpu.dma_semaphore, #tpu.memory_space<semaphore_mem>>) src(%arg8 : memref<128x128xf32, #tpu.memory_space<vmem>>) dst(%dma_wait3A_122 : memref<10240x128xf32, #tpu.memory_space<vmem_shared>>)
        tpu.yield
      }) : () -> ()
      %scan3A_110 = arith.constant 0 : i32
      scf.yield %scan3A_110 : i32
    }
    %scan3A_26 = arith.constant 80 : i32
    %barrier3A_27 = arith.constant 0 : index
    tpu.barrier barrier_id(%barrier3A_27)
    %add3A_28 = arith.constant 0 : i32
    %add3A_29 = arith.addi %mul3A_9, %add3A_28 : i32
    %dma_start3A = arith.constant 0 : i32
    %dma_start3A_30 = tpu.memref_slice %arg5[%arg0, %add3A_29, %dma_start3A] : memref<2x10240x128xf32, #tpu.memory_space<hbm>> -> memref<1x128x128xf32, #tpu.memory_space<hbm>>
    %dma_start3A_31 = tpu.memref_squeeze %dma_start3A_30 : memref<1x128x128xf32, #tpu.memory_space<hbm>> -> memref<128x128xf32, #tpu.memory_space<hbm>>
    %dma_start3A_32 = arith.constant 0 : i32
    %dma_start3A_33 = tpu.memref_slice %arg9[%add3A_29, %dma_start3A_32] : memref<10240x128xf32, #tpu.memory_space<vmem_shared>> -> memref<128x128xf32, #tpu.memory_space<vmem_shared>>
    tpu.enqueue_dma source(%dma_start3A_33 : memref<128x128xf32, #tpu.memory_space<vmem_shared>>) target(%dma_start3A_31 : memref<128x128xf32, #tpu.memory_space<hbm>>) target_semaphore(%arg11 : memref<!tpu.dma_semaphore, #tpu.memory_space<semaphore_mem>>)
    %add3A_34 = arith.constant 128 : i32
    %add3A_35 = arith.addi %mul3A_9, %add3A_34 : i32
    %dma_start3A_36 = arith.constant 0 : i32
    %dma_start3A_37 = tpu.memref_slice %arg5[%arg0, %add3A_35, %dma_start3A_36] : memref<2x10240x128xf32, #tpu.memory_space<hbm>> -> memref<1x128x128xf32, #tpu.memory_space<hbm>>
    %dma_start3A_38 = tpu.memref_squeeze %dma_start3A_37 : memref<1x128x128xf32, #tpu.memory_space<hbm>> -> memref<128x128xf32, #tpu.memory_space<hbm>>
    %dma_start3A_39 = arith.constant 0 : i32
    %dma_start3A_40 = tpu.memref_slice %arg9[%add3A_35, %dma_start3A_39] : memref<10240x128xf32, #tpu.memory_space<vmem_shared>> -> memref<128x128xf32, #tpu.memory_space<vmem_shared>>
    tpu.enqueue_dma source(%dma_start3A_40 : memref<128x128xf32, #tpu.memory_space<vmem_shared>>) target(%dma_start3A_38 : memref<128x128xf32, #tpu.memory_space<hbm>>) target_semaphore(%arg11 : memref<!tpu.dma_semaphore, #tpu.memory_space<semaphore_mem>>)
    %add3A_41 = arith.constant 256 : i32
    %add3A_42 = arith.addi %mul3A_9, %add3A_41 : i32
    %dma_start3A_43 = arith.constant 0 : i32
    %dma_start3A_44 = tpu.memref_slice %arg5[%arg0, %add3A_42, %dma_start3A_43] : memref<2x10240x128xf32, #tpu.memory_space<hbm>> -> memref<1x128x128xf32, #tpu.memory_space<hbm>>
    %dma_start3A_45 = tpu.memref_squeeze %dma_start3A_44 : memref<1x128x128xf32, #tpu.memory_space<hbm>> -> memref<128x128xf32, #tpu.memory_space<hbm>>
    %dma_start3A_46 = arith.constant 0 : i32
    %dma_start3A_47 = tpu.memref_slice %arg9[%add3A_42, %dma_start3A_46] : memref<10240x128xf32, #tpu.memory_space<vmem_shared>> -> memref<128x128xf32, #tpu.memory_space<vmem_shared>>
    tpu.enqueue_dma source(%dma_start3A_47 : memref<128x128xf32, #tpu.memory_space<vmem_shared>>) target(%dma_start3A_45 : memref<128x128xf32, #tpu.memory_space<hbm>>) target_semaphore(%arg11 : memref<!tpu.dma_semaphore, #tpu.memory_space<semaphore_mem>>)
    %add3A_48 = arith.constant 384 : i32
    %add3A_49 = arith.addi %mul3A_9, %add3A_48 : i32
    %dma_start3A_50 = arith.constant 0 : i32
    %dma_start3A_51 = tpu.memref_slice %arg5[%arg0, %add3A_49, %dma_start3A_50] : memref<2x10240x128xf32, #tpu.memory_space<hbm>> -> memref<1x128x128xf32, #tpu.memory_space<hbm>>
    %dma_start3A_52 = tpu.memref_squeeze %dma_start3A_51 : memref<1x128x128xf32, #tpu.memory_space<hbm>> -> memref<128x128xf32, #tpu.memory_space<hbm>>
    %dma_start3A_53 = arith.constant 0 : i32
    %dma_start3A_54 = tpu.memref_slice %arg9[%add3A_49, %dma_start3A_53] : memref<10240x128xf32, #tpu.memory_space<vmem_shared>> -> memref<128x128xf32, #tpu.memory_space<vmem_shared>>
    tpu.enqueue_dma source(%dma_start3A_54 : memref<128x128xf32, #tpu.memory_space<vmem_shared>>) target(%dma_start3A_52 : memref<128x128xf32, #tpu.memory_space<hbm>>) target_semaphore(%arg11 : memref<!tpu.dma_semaphore, #tpu.memory_space<semaphore_mem>>)
    %add3A_55 = arith.constant 512 : i32
    %add3A_56 = arith.addi %mul3A_9, %add3A_55 : i32
    %dma_start3A_57 = arith.constant 0 : i32
    %dma_start3A_58 = tpu.memref_slice %arg5[%arg0, %add3A_56, %dma_start3A_57] : memref<2x10240x128xf32, #tpu.memory_space<hbm>> -> memref<1x128x128xf32, #tpu.memory_space<hbm>>
    %dma_start3A_59 = tpu.memref_squeeze %dma_start3A_58 : memref<1x128x128xf32, #tpu.memory_space<hbm>> -> memref<128x128xf32, #tpu.memory_space<hbm>>
    %dma_start3A_60 = arith.constant 0 : i32
    %dma_start3A_61 = tpu.memref_slice %arg9[%add3A_56, %dma_start3A_60] : memref<10240x128xf32, #tpu.memory_space<vmem_shared>> -> memref<128x128xf32, #tpu.memory_space<vmem_shared>>
    tpu.enqueue_dma source(%dma_start3A_61 : memref<128x128xf32, #tpu.memory_space<vmem_shared>>) target(%dma_start3A_59 : memref<128x128xf32, #tpu.memory_space<hbm>>) target_semaphore(%arg11 : memref<!tpu.dma_semaphore, #tpu.memory_space<semaphore_mem>>)
    %add3A_62 = arith.constant 0 : i32
    %add3A_63 = arith.addi %mul3A_9, %add3A_62 : i32
    %dma_wait3A = arith.constant 0 : i32
    %dma_wait3A_64 = tpu.memref_slice %arg5[%arg0, %add3A_63, %dma_wait3A] : memref<2x10240x128xf32, #tpu.memory_space<hbm>> -> memref<1x128x128xf32, #tpu.memory_space<hbm>>
    %dma_wait3A_65 = tpu.memref_squeeze %dma_wait3A_64 : memref<1x128x128xf32, #tpu.memory_space<hbm>> -> memref<128x128xf32, #tpu.memory_space<hbm>>
    %dma_wait3A_66 = arith.constant 0 : i32
    %dma_wait3A_67 = tpu.memref_slice %arg9[%add3A_63, %dma_wait3A_66] : memref<10240x128xf32, #tpu.memory_space<vmem_shared>> -> memref<128x128xf32, #tpu.memory_space<vmem_shared>>
    tpu.wait_dma2 semaphore(%arg11 : memref<!tpu.dma_semaphore, #tpu.memory_space<semaphore_mem>>) src(%dma_wait3A_67 : memref<128x128xf32, #tpu.memory_space<vmem_shared>>) dst(%dma_wait3A_65 : memref<128x128xf32, #tpu.memory_space<hbm>>)
    %add3A_68 = arith.constant 128 : i32
    %add3A_69 = arith.addi %mul3A_9, %add3A_68 : i32
    %dma_wait3A_70 = arith.constant 0 : i32
    %dma_wait3A_71 = tpu.memref_slice %arg5[%arg0, %add3A_69, %dma_wait3A_70] : memref<2x10240x128xf32, #tpu.memory_space<hbm>> -> memref<1x128x128xf32, #tpu.memory_space<hbm>>
    %dma_wait3A_72 = tpu.memref_squeeze %dma_wait3A_71 : memref<1x128x128xf32, #tpu.memory_space<hbm>> -> memref<128x128xf32, #tpu.memory_space<hbm>>
    %dma_wait3A_73 = arith.constant 0 : i32
    %dma_wait3A_74 = tpu.memref_slice %arg9[%add3A_69, %dma_wait3A_73] : memref<10240x128xf32, #tpu.memory_space<vmem_shared>> -> memref<128x128xf32, #tpu.memory_space<vmem_shared>>
    tpu.wait_dma2 semaphore(%arg11 : memref<!tpu.dma_semaphore, #tpu.memory_space<semaphore_mem>>) src(%dma_wait3A_74 : memref<128x128xf32, #tpu.memory_space<vmem_shared>>) dst(%dma_wait3A_72 : memref<128x128xf32, #tpu.memory_space<hbm>>)
    %add3A_75 = arith.constant 256 : i32
    %add3A_76 = arith.addi %mul3A_9, %add3A_75 : i32
    %dma_wait3A_77 = arith.constant 0 : i32
    %dma_wait3A_78 = tpu.memref_slice %arg5[%arg0, %add3A_76, %dma_wait3A_77] : memref<2x10240x128xf32, #tpu.memory_space<hbm>> -> memref<1x128x128xf32, #tpu.memory_space<hbm>>
    %dma_wait3A_79 = tpu.memref_squeeze %dma_wait3A_78 : memref<1x128x128xf32, #tpu.memory_space<hbm>> -> memref<128x128xf32, #tpu.memory_space<hbm>>
    %dma_wait3A_80 = arith.constant 0 : i32
    %dma_wait3A_81 = tpu.memref_slice %arg9[%add3A_76, %dma_wait3A_80] : memref<10240x128xf32, #tpu.memory_space<vmem_shared>> -> memref<128x128xf32, #tpu.memory_space<vmem_shared>>
    tpu.wait_dma2 semaphore(%arg11 : memref<!tpu.dma_semaphore, #tpu.memory_space<semaphore_mem>>) src(%dma_wait3A_81 : memref<128x128xf32, #tpu.memory_space<vmem_shared>>) dst(%dma_wait3A_79 : memref<128x128xf32, #tpu.memory_space<hbm>>)
    %add3A_82 = arith.constant 384 : i32
    %add3A_83 = arith.addi %mul3A_9, %add3A_82 : i32
    %dma_wait3A_84 = arith.constant 0 : i32
    %dma_wait3A_85 = tpu.memref_slice %arg5[%arg0, %add3A_83, %dma_wait3A_84] : memref<2x10240x128xf32, #tpu.memory_space<hbm>> -> memref<1x128x128xf32, #tpu.memory_space<hbm>>
    %dma_wait3A_86 = tpu.memref_squeeze %dma_wait3A_85 : memref<1x128x128xf32, #tpu.memory_space<hbm>> -> memref<128x128xf32, #tpu.memory_space<hbm>>
    %dma_wait3A_87 = arith.constant 0 : i32
    %dma_wait3A_88 = tpu.memref_slice %arg9[%add3A_83, %dma_wait3A_87] : memref<10240x128xf32, #tpu.memory_space<vmem_shared>> -> memref<128x128xf32, #tpu.memory_space<vmem_shared>>
    tpu.wait_dma2 semaphore(%arg11 : memref<!tpu.dma_semaphore, #tpu.memory_space<semaphore_mem>>) src(%dma_wait3A_88 : memref<128x128xf32, #tpu.memory_space<vmem_shared>>) dst(%dma_wait3A_86 : memref<128x128xf32, #tpu.memory_space<hbm>>)
    %add3A_89 = arith.constant 512 : i32
    %add3A_90 = arith.addi %mul3A_9, %add3A_89 : i32
    %dma_wait3A_91 = arith.constant 0 : i32
    %dma_wait3A_92 = tpu.memref_slice %arg5[%arg0, %add3A_90, %dma_wait3A_91] : memref<2x10240x128xf32, #tpu.memory_space<hbm>> -> memref<1x128x128xf32, #tpu.memory_space<hbm>>
    %dma_wait3A_93 = tpu.memref_squeeze %dma_wait3A_92 : memref<1x128x128xf32, #tpu.memory_space<hbm>> -> memref<128x128xf32, #tpu.memory_space<hbm>>
    %dma_wait3A_94 = arith.constant 0 : i32
    %dma_wait3A_95 = tpu.memref_slice %arg9[%add3A_90, %dma_wait3A_94] : memref<10240x128xf32, #tpu.memory_space<vmem_shared>> -> memref<128x128xf32, #tpu.memory_space<vmem_shared>>
    tpu.wait_dma2 semaphore(%arg11 : memref<!tpu.dma_semaphore, #tpu.memory_space<semaphore_mem>>) src(%dma_wait3A_95 : memref<128x128xf32, #tpu.memory_space<vmem_shared>>) dst(%dma_wait3A_93 : memref<128x128xf32, #tpu.memory_space<hbm>>)
    return
  }
}

#map = affine_map<(d0, d1) -> (0, 0)>
#map1 = affine_map<(d0, d1) -> (0, 0, 0)>
module attributes {stable_mosaic.version = 14 : i64} {
  func.func @_agg_kernel(%arg0: i32, %arg1: i32, %arg2: memref<10240x128xf32, #tpu.memory_space<hbm>>, %arg3: memref<32x80x128xi32, #tpu.memory_space<hbm>>, %arg4: memref<32x80x128xi32, #tpu.memory_space<hbm>>, %arg5: memref<2x10240x128xf32, #tpu.memory_space<hbm>>, %arg6: memref<80x128xi32, #tpu.memory_space<vmem>>, %arg7: memref<80x128xi32, #tpu.memory_space<vmem>>, %arg8: memref<128x128xf32, #tpu.memory_space<vmem>>, %arg9: memref<10240x128xf32, #tpu.memory_space<vmem_shared>>, %arg10: memref<!tpu.dma_semaphore, #tpu.memory_space<semaphore_mem>>, %arg11: memref<!tpu.dma_semaphore, #tpu.memory_space<semaphore_mem>>) attributes {dimension_semantics = [#tpu.dimension_semantics<core_parallel>, #tpu.dimension_semantics<subcore_parallel>], iteration_bounds = array<i64: 2, 16>, scalar_prefetch = 0 : i64, scratch_operands = 6 : i64, tpu.core_type = #tpu.core_type<sc_vector_subcore>, window_params = [{transform_indices = #map}, {transform_indices = #map1}, {transform_indices = #map1}, {transform_indices = #map1}]} {
    %mul3A = arith.constant 2 : i32
    %mul3A_0 = arith.muli %arg1, %mul3A : i32
    %add3A = arith.addi %mul3A_0, %arg0 : i32
    "tpu.region"() ({
      %run_scoped3A = tpu.sem_alloc : memref<!tpu.dma_semaphore, #tpu.memory_space<semaphore_mem>>
      %dma_start3A_96 = arith.constant 0 : i32
      %dma_start3A_97 = arith.constant 0 : i32
      %dma_start3A_98 = tpu.memref_slice %arg3[%add3A, %dma_start3A_96, %dma_start3A_97] : memref<32x80x128xi32, #tpu.memory_space<hbm>> -> memref<1x80x128xi32, #tpu.memory_space<hbm>>
      %dma_start3A_99 = tpu.memref_squeeze %dma_start3A_98 : memref<1x80x128xi32, #tpu.memory_space<hbm>> -> memref<80x128xi32, #tpu.memory_space<hbm>>
      %dma_start3A_100 = arith.constant 0 : i32
      %dma_start3A_101 = arith.constant 0 : i32
      %dma_start3A_102 = tpu.memref_slice %arg3[%add3A, %dma_start3A_100, %dma_start3A_101] : memref<32x80x128xi32, #tpu.memory_space<hbm>> -> memref<1x80x128xi32, #tpu.memory_space<hbm>>
      %dma_start3A_103 = tpu.memref_squeeze %dma_start3A_102 : memref<1x80x128xi32, #tpu.memory_space<hbm>> -> memref<80x128xi32, #tpu.memory_space<hbm>>
      tpu.enqueue_dma source(%dma_start3A_103 : memref<80x128xi32, #tpu.memory_space<hbm>>) target(%arg6 : memref<80x128xi32, #tpu.memory_space<vmem>>) target_semaphore(%run_scoped3A : memref<!tpu.dma_semaphore, #tpu.memory_space<semaphore_mem>>)
      %dma_wait3A_104 = arith.constant 0 : i32
      %dma_wait3A_105 = arith.constant 0 : i32
      %dma_wait3A_106 = tpu.memref_slice %arg3[%add3A, %dma_wait3A_104, %dma_wait3A_105] : memref<32x80x128xi32, #tpu.memory_space<hbm>> -> memref<1x80x128xi32, #tpu.memory_space<hbm>>
      %dma_wait3A_107 = tpu.memref_squeeze %dma_wait3A_106 : memref<1x80x128xi32, #tpu.memory_space<hbm>> -> memref<80x128xi32, #tpu.memory_space<hbm>>
      %dma_wait3A_108 = arith.constant 0 : i32
      %dma_wait3A_109 = arith.constant 0 : i32
      %dma_wait3A_110 = tpu.memref_slice %arg3[%add3A, %dma_wait3A_108, %dma_wait3A_109] : memref<32x80x128xi32, #tpu.memory_space<hbm>> -> memref<1x80x128xi32, #tpu.memory_space<hbm>>
      %dma_wait3A_111 = tpu.memref_squeeze %dma_wait3A_110 : memref<1x80x128xi32, #tpu.memory_space<hbm>> -> memref<80x128xi32, #tpu.memory_space<hbm>>
      tpu.wait_dma2 semaphore(%run_scoped3A : memref<!tpu.dma_semaphore, #tpu.memory_space<semaphore_mem>>) src(%dma_wait3A_111 : memref<80x128xi32, #tpu.memory_space<hbm>>) dst(%arg6 : memref<80x128xi32, #tpu.memory_space<vmem>>)
      tpu.yield
    }) : () -> ()
    "tpu.region"() ({
      %run_scoped3A = tpu.sem_alloc : memref<!tpu.dma_semaphore, #tpu.memory_space<semaphore_mem>>
      %dma_start3A_96 = arith.constant 0 : i32
      %dma_start3A_97 = arith.constant 0 : i32
      %dma_start3A_98 = tpu.memref_slice %arg4[%add3A, %dma_start3A_96, %dma_start3A_97] : memref<32x80x128xi32, #tpu.memory_space<hbm>> -> memref<1x80x128xi32, #tpu.memory_space<hbm>>
      %dma_start3A_99 = tpu.memref_squeeze %dma_start3A_98 : memref<1x80x128xi32, #tpu.memory_space<hbm>> -> memref<80x128xi32, #tpu.memory_space<hbm>>
      %dma_start3A_100 = arith.constant 0 : i32
      %dma_start3A_101 = arith.constant 0 : i32
      %dma_start3A_102 = tpu.memref_slice %arg4[%add3A, %dma_start3A_100, %dma_start3A_101] : memref<32x80x128xi32, #tpu.memory_space<hbm>> -> memref<1x80x128xi32, #tpu.memory_space<hbm>>
      %dma_start3A_103 = tpu.memref_squeeze %dma_start3A_102 : memref<1x80x128xi32, #tpu.memory_space<hbm>> -> memref<80x128xi32, #tpu.memory_space<hbm>>
      tpu.enqueue_dma source(%dma_start3A_103 : memref<80x128xi32, #tpu.memory_space<hbm>>) target(%arg7 : memref<80x128xi32, #tpu.memory_space<vmem>>) target_semaphore(%run_scoped3A : memref<!tpu.dma_semaphore, #tpu.memory_space<semaphore_mem>>)
      %dma_wait3A_104 = arith.constant 0 : i32
      %dma_wait3A_105 = arith.constant 0 : i32
      %dma_wait3A_106 = tpu.memref_slice %arg4[%add3A, %dma_wait3A_104, %dma_wait3A_105] : memref<32x80x128xi32, #tpu.memory_space<hbm>> -> memref<1x80x128xi32, #tpu.memory_space<hbm>>
      %dma_wait3A_107 = tpu.memref_squeeze %dma_wait3A_106 : memref<1x80x128xi32, #tpu.memory_space<hbm>> -> memref<80x128xi32, #tpu.memory_space<hbm>>
      %dma_wait3A_108 = arith.constant 0 : i32
      %dma_wait3A_109 = arith.constant 0 : i32
      %dma_wait3A_110 = tpu.memref_slice %arg4[%add3A, %dma_wait3A_108, %dma_wait3A_109] : memref<32x80x128xi32, #tpu.memory_space<hbm>> -> memref<1x80x128xi32, #tpu.memory_space<hbm>>
      %dma_wait3A_111 = tpu.memref_squeeze %dma_wait3A_110 : memref<1x80x128xi32, #tpu.memory_space<hbm>> -> memref<80x128xi32, #tpu.memory_space<hbm>>
      tpu.wait_dma2 semaphore(%run_scoped3A : memref<!tpu.dma_semaphore, #tpu.memory_space<semaphore_mem>>) src(%dma_wait3A_111 : memref<80x128xi32, #tpu.memory_space<hbm>>) dst(%arg7 : memref<80x128xi32, #tpu.memory_space<vmem>>)
      tpu.yield
    }) : () -> ()
    %broadcast_in_dim3A = arith.constant 0.000000e+00 : f32
    %broadcast_in_dim3A_1 = vector.broadcast %broadcast_in_dim3A : f32 to vector<16xf32>
    %scan3A = arith.constant 0 : i32
    %scan3A_2 = arith.constant 0 : i32
    %scan3A_3 = arith.constant 128 : i32
    %scan3A_4 = arith.addi %scan3A_2, %scan3A_3 : i32
    %scan3A_5 = arith.constant 1 : i32
    %scan3A_6 = scf.for %scan3A_96 = %scan3A_2 to %scan3A_4 step %scan3A_5 iter_args(%scan3A_97 = %scan3A) -> (i32)  : i32 {
      %scan3A_98 = arith.constant 0 : i32
      %scan3A_99 = arith.constant 0 : i32
      %scan3A_100 = arith.constant 8 : i32
      %scan3A_101 = arith.addi %scan3A_99, %scan3A_100 : i32
      %scan3A_102 = arith.constant 1 : i32
      %scan3A_103 = scf.for %scan3A_106 = %scan3A_99 to %scan3A_101 step %scan3A_102 iter_args(%scan3A_107 = %scan3A_98) -> (i32)  : i32 {
        %mul3A_108 = arith.constant 16 : i32
        %mul3A_109 = arith.muli %scan3A_106, %mul3A_108 : i32
        %swap3A = arith.index_cast %scan3A_96 : i32 to index
        %swap3A_110 = arith.index_cast %mul3A_109 : i32 to index
        %swap3A_111 = tpu.vector_load %arg8[%swap3A, %swap3A_110] {strides = array<i32>} : memref<128x128xf32, #tpu.memory_space<vmem>>, vector<1x16xf32>,
        %swap3A_112 = vector.shape_cast %swap3A_111 : vector<1x16xf32> to vector<16xf32>
        %swap3A_113 = vector.shape_cast %broadcast_in_dim3A_1 : vector<16xf32> to vector<1x16xf32>
        tpu.vector_store %arg8[%swap3A, %swap3A_110], %swap3A_113 {strides = array<i32>} : memref<128x128xf32, #tpu.memory_space<vmem>>, vector<1x16xf32>,
        %scan3A_114 = arith.constant 0 : i32
        scf.yield %scan3A_114 : i32
      }
      %scan3A_104 = arith.constant 8 : i32
      %scan3A_105 = arith.constant 0 : i32
      scf.yield %scan3A_105 : i32
    }
    %scan3A_7 = arith.constant 128 : i32
    %mul3A_8 = arith.constant 640 : i32
    %mul3A_9 = arith.muli %arg1, %mul3A_8 : i32
    %add3A_10 = arith.constant 0 : i32
    %add3A_11 = arith.addi %mul3A_9, %add3A_10 : i32
    "tpu.region"() ({
      %run_scoped3A = tpu.sem_alloc : memref<!tpu.dma_semaphore, #tpu.memory_space<semaphore_mem>>
      %dma_start3A_96 = arith.constant 0 : i32
      %dma_start3A_97 = tpu.memref_slice %arg9[%add3A_11, %dma_start3A_96] : memref<10240x128xf32, #tpu.memory_space<vmem_shared>> -> memref<128x128xf32, #tpu.memory_space<vmem_shared>>
      %dma_start3A_98 = arith.constant 0 : i32
      %dma_start3A_99 = tpu.memref_slice %arg9[%add3A_11, %dma_start3A_98] : memref<10240x128xf32, #tpu.memory_space<vmem_shared>> -> memref<128x128xf32, #tpu.memory_space<vmem_shared>>
      tpu.enqueue_dma source(%arg8 : memref<128x128xf32, #tpu.memory_space<vmem>>) target(%dma_start3A_99 : memref<128x128xf32, #tpu.memory_space<vmem_shared>>) target_semaphore(%run_scoped3A : memref<!tpu.dma_semaphore, #tpu.memory_space<semaphore_mem>>)
      %dma_wait3A_100 = arith.constant 0 : i32
      %dma_wait3A_101 = tpu.memref_slice %arg9[%add3A_11, %dma_wait3A_100] : memref<10240x128xf32, #tpu.memory_space<vmem_shared>> -> memref<128x128xf32, #tpu.memory_space<vmem_shared>>
      %dma_wait3A_102 = arith.constant 0 : i32
      %dma_wait3A_103 = tpu.memref_slice %arg9[%add3A_11, %dma_wait3A_102] : memref<10240x128xf32, #tpu.memory_space<vmem_shared>> -> memref<128x128xf32, #tpu.memory_space<vmem_shared>>
      tpu.wait_dma2 semaphore(%run_scoped3A : memref<!tpu.dma_semaphore, #tpu.memory_space<semaphore_mem>>) src(%arg8 : memref<128x128xf32, #tpu.memory_space<vmem>>) dst(%dma_wait3A_103 : memref<128x128xf32, #tpu.memory_space<vmem_shared>>)
      tpu.yield
    }) : () -> ()
    %add3A_12 = arith.constant 128 : i32
    %add3A_13 = arith.addi %mul3A_9, %add3A_12 : i32
    "tpu.region"() ({
      %run_scoped3A = tpu.sem_alloc : memref<!tpu.dma_semaphore, #tpu.memory_space<semaphore_mem>>
      %dma_start3A_96 = arith.constant 0 : i32
      %dma_start3A_97 = tpu.memref_slice %arg9[%add3A_13, %dma_start3A_96] : memref<10240x128xf32, #tpu.memory_space<vmem_shared>> -> memref<128x128xf32, #tpu.memory_space<vmem_shared>>
      %dma_start3A_98 = arith.constant 0 : i32
      %dma_start3A_99 = tpu.memref_slice %arg9[%add3A_13, %dma_start3A_98] : memref<10240x128xf32, #tpu.memory_space<vmem_shared>> -> memref<128x128xf32, #tpu.memory_space<vmem_shared>>
      tpu.enqueue_dma source(%arg8 : memref<128x128xf32, #tpu.memory_space<vmem>>) target(%dma_start3A_99 : memref<128x128xf32, #tpu.memory_space<vmem_shared>>) target_semaphore(%run_scoped3A : memref<!tpu.dma_semaphore, #tpu.memory_space<semaphore_mem>>)
      %dma_wait3A_100 = arith.constant 0 : i32
      %dma_wait3A_101 = tpu.memref_slice %arg9[%add3A_13, %dma_wait3A_100] : memref<10240x128xf32, #tpu.memory_space<vmem_shared>> -> memref<128x128xf32, #tpu.memory_space<vmem_shared>>
      %dma_wait3A_102 = arith.constant 0 : i32
      %dma_wait3A_103 = tpu.memref_slice %arg9[%add3A_13, %dma_wait3A_102] : memref<10240x128xf32, #tpu.memory_space<vmem_shared>> -> memref<128x128xf32, #tpu.memory_space<vmem_shared>>
      tpu.wait_dma2 semaphore(%run_scoped3A : memref<!tpu.dma_semaphore, #tpu.memory_space<semaphore_mem>>) src(%arg8 : memref<128x128xf32, #tpu.memory_space<vmem>>) dst(%dma_wait3A_103 : memref<128x128xf32, #tpu.memory_space<vmem_shared>>)
      tpu.yield
    }) : () -> ()
    %add3A_14 = arith.constant 256 : i32
    %add3A_15 = arith.addi %mul3A_9, %add3A_14 : i32
    "tpu.region"() ({
      %run_scoped3A = tpu.sem_alloc : memref<!tpu.dma_semaphore, #tpu.memory_space<semaphore_mem>>
      %dma_start3A_96 = arith.constant 0 : i32
      %dma_start3A_97 = tpu.memref_slice %arg9[%add3A_15, %dma_start3A_96] : memref<10240x128xf32, #tpu.memory_space<vmem_shared>> -> memref<128x128xf32, #tpu.memory_space<vmem_shared>>
      %dma_start3A_98 = arith.constant 0 : i32
      %dma_start3A_99 = tpu.memref_slice %arg9[%add3A_15, %dma_start3A_98] : memref<10240x128xf32, #tpu.memory_space<vmem_shared>> -> memref<128x128xf32, #tpu.memory_space<vmem_shared>>
      tpu.enqueue_dma source(%arg8 : memref<128x128xf32, #tpu.memory_space<vmem>>) target(%dma_start3A_99 : memref<128x128xf32, #tpu.memory_space<vmem_shared>>) target_semaphore(%run_scoped3A : memref<!tpu.dma_semaphore, #tpu.memory_space<semaphore_mem>>)
      %dma_wait3A_100 = arith.constant 0 : i32
      %dma_wait3A_101 = tpu.memref_slice %arg9[%add3A_15, %dma_wait3A_100] : memref<10240x128xf32, #tpu.memory_space<vmem_shared>> -> memref<128x128xf32, #tpu.memory_space<vmem_shared>>
      %dma_wait3A_102 = arith.constant 0 : i32
      %dma_wait3A_103 = tpu.memref_slice %arg9[%add3A_15, %dma_wait3A_102] : memref<10240x128xf32, #tpu.memory_space<vmem_shared>> -> memref<128x128xf32, #tpu.memory_space<vmem_shared>>
      tpu.wait_dma2 semaphore(%run_scoped3A : memref<!tpu.dma_semaphore, #tpu.memory_space<semaphore_mem>>) src(%arg8 : memref<128x128xf32, #tpu.memory_space<vmem>>) dst(%dma_wait3A_103 : memref<128x128xf32, #tpu.memory_space<vmem_shared>>)
      tpu.yield
    }) : () -> ()
    %add3A_16 = arith.constant 384 : i32
    %add3A_17 = arith.addi %mul3A_9, %add3A_16 : i32
    "tpu.region"() ({
      %run_scoped3A = tpu.sem_alloc : memref<!tpu.dma_semaphore, #tpu.memory_space<semaphore_mem>>
      %dma_start3A_96 = arith.constant 0 : i32
      %dma_start3A_97 = tpu.memref_slice %arg9[%add3A_17, %dma_start3A_96] : memref<10240x128xf32, #tpu.memory_space<vmem_shared>> -> memref<128x128xf32, #tpu.memory_space<vmem_shared>>
      %dma_start3A_98 = arith.constant 0 : i32
      %dma_start3A_99 = tpu.memref_slice %arg9[%add3A_17, %dma_start3A_98] : memref<10240x128xf32, #tpu.memory_space<vmem_shared>> -> memref<128x128xf32, #tpu.memory_space<vmem_shared>>
      tpu.enqueue_dma source(%arg8 : memref<128x128xf32, #tpu.memory_space<vmem>>) target(%dma_start3A_99 : memref<128x128xf32, #tpu.memory_space<vmem_shared>>) target_semaphore(%run_scoped3A : memref<!tpu.dma_semaphore, #tpu.memory_space<semaphore_mem>>)
      %dma_wait3A_100 = arith.constant 0 : i32
      %dma_wait3A_101 = tpu.memref_slice %arg9[%add3A_17, %dma_wait3A_100] : memref<10240x128xf32, #tpu.memory_space<vmem_shared>> -> memref<128x128xf32, #tpu.memory_space<vmem_shared>>
      %dma_wait3A_102 = arith.constant 0 : i32
      %dma_wait3A_103 = tpu.memref_slice %arg9[%add3A_17, %dma_wait3A_102] : memref<10240x128xf32, #tpu.memory_space<vmem_shared>> -> memref<128x128xf32, #tpu.memory_space<vmem_shared>>
      tpu.wait_dma2 semaphore(%run_scoped3A : memref<!tpu.dma_semaphore, #tpu.memory_space<semaphore_mem>>) src(%arg8 : memref<128x128xf32, #tpu.memory_space<vmem>>) dst(%dma_wait3A_103 : memref<128x128xf32, #tpu.memory_space<vmem_shared>>)
      tpu.yield
    }) : () -> ()
    %add3A_18 = arith.constant 512 : i32
    %add3A_19 = arith.addi %mul3A_9, %add3A_18 : i32
    "tpu.region"() ({
      %run_scoped3A = tpu.sem_alloc : memref<!tpu.dma_semaphore, #tpu.memory_space<semaphore_mem>>
      %dma_start3A_96 = arith.constant 0 : i32
      %dma_start3A_97 = tpu.memref_slice %arg9[%add3A_19, %dma_start3A_96] : memref<10240x128xf32, #tpu.memory_space<vmem_shared>> -> memref<128x128xf32, #tpu.memory_space<vmem_shared>>
      %dma_start3A_98 = arith.constant 0 : i32
      %dma_start3A_99 = tpu.memref_slice %arg9[%add3A_19, %dma_start3A_98] : memref<10240x128xf32, #tpu.memory_space<vmem_shared>> -> memref<128x128xf32, #tpu.memory_space<vmem_shared>>
      tpu.enqueue_dma source(%arg8 : memref<128x128xf32, #tpu.memory_space<vmem>>) target(%dma_start3A_99 : memref<128x128xf32, #tpu.memory_space<vmem_shared>>) target_semaphore(%run_scoped3A : memref<!tpu.dma_semaphore, #tpu.memory_space<semaphore_mem>>)
      %dma_wait3A_100 = arith.constant 0 : i32
      %dma_wait3A_101 = tpu.memref_slice %arg9[%add3A_19, %dma_wait3A_100] : memref<10240x128xf32, #tpu.memory_space<vmem_shared>> -> memref<128x128xf32, #tpu.memory_space<vmem_shared>>
      %dma_wait3A_102 = arith.constant 0 : i32
      %dma_wait3A_103 = tpu.memref_slice %arg9[%add3A_19, %dma_wait3A_102] : memref<10240x128xf32, #tpu.memory_space<vmem_shared>> -> memref<128x128xf32, #tpu.memory_space<vmem_shared>>
      tpu.wait_dma2 semaphore(%run_scoped3A : memref<!tpu.dma_semaphore, #tpu.memory_space<semaphore_mem>>) src(%arg8 : memref<128x128xf32, #tpu.memory_space<vmem>>) dst(%dma_wait3A_103 : memref<128x128xf32, #tpu.memory_space<vmem_shared>>)
      tpu.yield
    }) : () -> ()
    %barrier3A = arith.constant 0 : index
    tpu.barrier barrier_id(%barrier3A)
    %scan3A_20 = arith.constant 0 : i32
    %scan3A_21 = arith.constant 0 : i32
    %scan3A_22 = arith.constant 80 : i32
    %scan3A_23 = arith.addi %scan3A_21, %scan3A_22 : i32
    %scan3A_24 = arith.constant 1 : i32
    %scan3A_25 = scf.for %scan3A_96 = %scan3A_21 to %scan3A_23 step %scan3A_24 iter_args(%scan3A_97 = %scan3A_20) -> (i32)  : i32 {
      %dma_start3A_98 = arith.constant 0 : i32
      %dma_start3A_99 = tpu.memref_slice %arg6[%scan3A_96, %dma_start3A_98] : memref<80x128xi32, #tpu.memory_space<vmem>> -> memref<1x128xi32, #tpu.memory_space<vmem>>
      %dma_start3A_100 = tpu.memref_squeeze %dma_start3A_99 : memref<1x128xi32, #tpu.memory_space<vmem>> -> memref<128xi32, #tpu.memory_space<vmem>>
      %dma_start3A_101 = arith.constant 0 : i32
      %dma_start3A_102 = arith.constant 0 : i32
      %dma_start3A_103 = tpu.memref_slice %arg2[%dma_start3A_101, %dma_start3A_102] : memref<10240x128xf32, #tpu.memory_space<hbm>> -> memref<10240x128xf32, #tpu.memory_space<hbm>>
      tpu.enqueue_indirect_dma source(%dma_start3A_103 : memref<10240x128xf32, #tpu.memory_space<hbm>>) target(%arg8 : memref<128x128xf32, #tpu.memory_space<vmem>>) offsets(%dma_start3A_100 : memref<128xi32, #tpu.memory_space<vmem>>) semaphore(%arg10 : memref<!tpu.dma_semaphore, #tpu.memory_space<semaphore_mem>>)
      %dma_wait3A_104 = arith.constant 0 : i32
      %dma_wait3A_105 = tpu.memref_slice %arg6[%scan3A_96, %dma_wait3A_104] : memref<80x128xi32, #tpu.memory_space<vmem>> -> memref<1x128xi32, #tpu.memory_space<vmem>>
      %dma_wait3A_106 = tpu.memref_squeeze %dma_wait3A_105 : memref<1x128xi32, #tpu.memory_space<vmem>> -> memref<128xi32, #tpu.memory_space<vmem>>
      %dma_wait3A_107 = arith.constant 0 : i32
      %dma_wait3A_108 = arith.constant 0 : i32
      %dma_wait3A_109 = tpu.memref_slice %arg2[%dma_wait3A_107, %dma_wait3A_108] : memref<10240x128xf32, #tpu.memory_space<hbm>> -> memref<10240x128xf32, #tpu.memory_space<hbm>>
      tpu.wait_indirect_dma semaphore(%arg10 : memref<!tpu.dma_semaphore, #tpu.memory_space<semaphore_mem>>) src(%dma_wait3A_109 : memref<10240x128xf32, #tpu.memory_space<hbm>>) dst(%arg8 : memref<128x128xf32, #tpu.memory_space<vmem>>)
      "tpu.region"() ({
        %run_scoped3A = tpu.sem_alloc : memref<!tpu.dma_semaphore, #tpu.memory_space<semaphore_mem>>
        %dma_start3A_111 = arith.constant 0 : i32
        %dma_start3A_112 = tpu.memref_slice %arg7[%scan3A_96, %dma_start3A_111] : memref<80x128xi32, #tpu.memory_space<vmem>> -> memref<1x128xi32, #tpu.memory_space<vmem>>
        %dma_start3A_113 = tpu.memref_squeeze %dma_start3A_112 : memref<1x128xi32, #tpu.memory_space<vmem>> -> memref<128xi32, #tpu.memory_space<vmem>>
        %dma_start3A_114 = arith.constant 0 : i32
        %dma_start3A_115 = arith.constant 0 : i32
        %dma_start3A_116 = tpu.memref_slice %arg9[%dma_start3A_114, %dma_start3A_115] : memref<10240x128xf32, #tpu.memory_space<vmem_shared>> -> memref<10240x128xf32, #tpu.memory_space<vmem_shared>>
        tpu.enqueue_indirect_dma source(%arg8 : memref<128x128xf32, #tpu.memory_space<vmem>>) target(%dma_start3A_116 : memref<10240x128xf32, #tpu.memory_space<vmem_shared>>) offsets(%dma_start3A_113 : memref<128xi32, #tpu.memory_space<vmem>>) semaphore(%run_scoped3A : memref<!tpu.dma_semaphore, #tpu.memory_space<semaphore_mem>>) {add = true}
        %dma_wait3A_117 = arith.constant 0 : i32
        %dma_wait3A_118 = tpu.memref_slice %arg7[%scan3A_96, %dma_wait3A_117] : memref<80x128xi32, #tpu.memory_space<vmem>> -> memref<1x128xi32, #tpu.memory_space<vmem>>
        %dma_wait3A_119 = tpu.memref_squeeze %dma_wait3A_118 : memref<1x128xi32, #tpu.memory_space<vmem>> -> memref<128xi32, #tpu.memory_space<vmem>>
        %dma_wait3A_120 = arith.constant 0 : i32
        %dma_wait3A_121 = arith.constant 0 : i32
        %dma_wait3A_122 = tpu.memref_slice %arg9[%dma_wait3A_120, %dma_wait3A_121] : memref<10240x128xf32, #tpu.memory_space<vmem_shared>> -> memref<10240x128xf32, #tpu.memory_space<vmem_shared>>
        tpu.wait_indirect_dma semaphore(%run_scoped3A : memref<!tpu.dma_semaphore, #tpu.memory_space<semaphore_mem>>) src(%arg8 : memref<128x128xf32, #tpu.memory_space<vmem>>) dst(%dma_wait3A_122 : memref<10240x128xf32, #tpu.memory_space<vmem_shared>>)
        tpu.yield
      }) : () -> ()
      %scan3A_110 = arith.constant 0 : i32
      scf.yield %scan3A_110 : i32
    }
    %scan3A_26 = arith.constant 80 : i32
    %barrier3A_27 = arith.constant 0 : index
    tpu.barrier barrier_id(%barrier3A_27)
    %add3A_28 = arith.constant 0 : i32
    %add3A_29 = arith.addi %mul3A_9, %add3A_28 : i32
    %dma_start3A = arith.constant 0 : i32
    %dma_start3A_30 = tpu.memref_slice %arg5[%arg0, %add3A_29, %dma_start3A] : memref<2x10240x128xf32, #tpu.memory_space<hbm>> -> memref<1x128x128xf32, #tpu.memory_space<hbm>>
    %dma_start3A_31 = tpu.memref_squeeze %dma_start3A_30 : memref<1x128x128xf32, #tpu.memory_space<hbm>> -> memref<128x128xf32, #tpu.memory_space<hbm>>
    %dma_start3A_32 = arith.constant 0 : i32
    %dma_start3A_33 = tpu.memref_slice %arg9[%add3A_29, %dma_start3A_32] : memref<10240x128xf32, #tpu.memory_space<vmem_shared>> -> memref<128x128xf32, #tpu.memory_space<vmem_shared>>
    tpu.enqueue_dma source(%dma_start3A_33 : memref<128x128xf32, #tpu.memory_space<vmem_shared>>) target(%dma_start3A_31 : memref<128x128xf32, #tpu.memory_space<hbm>>) target_semaphore(%arg11 : memref<!tpu.dma_semaphore, #tpu.memory_space<semaphore_mem>>)
    %add3A_34 = arith.constant 128 : i32
    %add3A_35 = arith.addi %mul3A_9, %add3A_34 : i32
    %dma_start3A_36 = arith.constant 0 : i32
    %dma_start3A_37 = tpu.memref_slice %arg5[%arg0, %add3A_35, %dma_start3A_36] : memref<2x10240x128xf32, #tpu.memory_space<hbm>> -> memref<1x128x128xf32, #tpu.memory_space<hbm>>
    %dma_start3A_38 = tpu.memref_squeeze %dma_start3A_37 : memref<1x128x128xf32, #tpu.memory_space<hbm>> -> memref<128x128xf32, #tpu.memory_space<hbm>>
    %dma_start3A_39 = arith.constant 0 : i32
    %dma_start3A_40 = tpu.memref_slice %arg9[%add3A_35, %dma_start3A_39] : memref<10240x128xf32, #tpu.memory_space<vmem_shared>> -> memref<128x128xf32, #tpu.memory_space<vmem_shared>>
    tpu.enqueue_dma source(%dma_start3A_40 : memref<128x128xf32, #tpu.memory_space<vmem_shared>>) target(%dma_start3A_38 : memref<128x128xf32, #tpu.memory_space<hbm>>) target_semaphore(%arg11 : memref<!tpu.dma_semaphore, #tpu.memory_space<semaphore_mem>>)
    %add3A_41 = arith.constant 256 : i32
    %add3A_42 = arith.addi %mul3A_9, %add3A_41 : i32
    %dma_start3A_43 = arith.constant 0 : i32
    %dma_start3A_44 = tpu.memref_slice %arg5[%arg0, %add3A_42, %dma_start3A_43] : memref<2x10240x128xf32, #tpu.memory_space<hbm>> -> memref<1x128x128xf32, #tpu.memory_space<hbm>>
    %dma_start3A_45 = tpu.memref_squeeze %dma_start3A_44 : memref<1x128x128xf32, #tpu.memory_space<hbm>> -> memref<128x128xf32, #tpu.memory_space<hbm>>
    %dma_start3A_46 = arith.constant 0 : i32
    %dma_start3A_47 = tpu.memref_slice %arg9[%add3A_42, %dma_start3A_46] : memref<10240x128xf32, #tpu.memory_space<vmem_shared>> -> memref<128x128xf32, #tpu.memory_space<vmem_shared>>
    tpu.enqueue_dma source(%dma_start3A_47 : memref<128x128xf32, #tpu.memory_space<vmem_shared>>) target(%dma_start3A_45 : memref<128x128xf32, #tpu.memory_space<hbm>>) target_semaphore(%arg11 : memref<!tpu.dma_semaphore, #tpu.memory_space<semaphore_mem>>)
    %add3A_48 = arith.constant 384 : i32
    %add3A_49 = arith.addi %mul3A_9, %add3A_48 : i32
    %dma_start3A_50 = arith.constant 0 : i32
    %dma_start3A_51 = tpu.memref_slice %arg5[%arg0, %add3A_49, %dma_start3A_50] : memref<2x10240x128xf32, #tpu.memory_space<hbm>> -> memref<1x128x128xf32, #tpu.memory_space<hbm>>
    %dma_start3A_52 = tpu.memref_squeeze %dma_start3A_51 : memref<1x128x128xf32, #tpu.memory_space<hbm>> -> memref<128x128xf32, #tpu.memory_space<hbm>>
    %dma_start3A_53 = arith.constant 0 : i32
    %dma_start3A_54 = tpu.memref_slice %arg9[%add3A_49, %dma_start3A_53] : memref<10240x128xf32, #tpu.memory_space<vmem_shared>> -> memref<128x128xf32, #tpu.memory_space<vmem_shared>>
    tpu.enqueue_dma source(%dma_start3A_54 : memref<128x128xf32, #tpu.memory_space<vmem_shared>>) target(%dma_start3A_52 : memref<128x128xf32, #tpu.memory_space<hbm>>) target_semaphore(%arg11 : memref<!tpu.dma_semaphore, #tpu.memory_space<semaphore_mem>>)
    %add3A_55 = arith.constant 512 : i32
    %add3A_56 = arith.addi %mul3A_9, %add3A_55 : i32
    %dma_start3A_57 = arith.constant 0 : i32
    %dma_start3A_58 = tpu.memref_slice %arg5[%arg0, %add3A_56, %dma_start3A_57] : memref<2x10240x128xf32, #tpu.memory_space<hbm>> -> memref<1x128x128xf32, #tpu.memory_space<hbm>>
    %dma_start3A_59 = tpu.memref_squeeze %dma_start3A_58 : memref<1x128x128xf32, #tpu.memory_space<hbm>> -> memref<128x128xf32, #tpu.memory_space<hbm>>
    %dma_start3A_60 = arith.constant 0 : i32
    %dma_start3A_61 = tpu.memref_slice %arg9[%add3A_56, %dma_start3A_60] : memref<10240x128xf32, #tpu.memory_space<vmem_shared>> -> memref<128x128xf32, #tpu.memory_space<vmem_shared>>
    tpu.enqueue_dma source(%dma_start3A_61 : memref<128x128xf32, #tpu.memory_space<vmem_shared>>) target(%dma_start3A_59 : memref<128x128xf32, #tpu.memory_space<hbm>>) target_semaphore(%arg11 : memref<!tpu.dma_semaphore, #tpu.memory_space<semaphore_mem>>)
    %add3A_62 = arith.constant 0 : i32
    %add3A_63 = arith.addi %mul3A_9, %add3A_62 : i32
    %dma_wait3A = arith.constant 0 : i32
    %dma_wait3A_64 = tpu.memref_slice %arg5[%arg0, %add3A_63, %dma_wait3A] : memref<2x10240x128xf32, #tpu.memory_space<hbm>> -> memref<1x128x128xf32, #tpu.memory_space<hbm>>
    %dma_wait3A_65 = tpu.memref_squeeze %dma_wait3A_64 : memref<1x128x128xf32, #tpu.memory_space<hbm>> -> memref<128x128xf32, #tpu.memory_space<hbm>>
    %dma_wait3A_66 = arith.constant 0 : i32
    %dma_wait3A_67 = tpu.memref_slice %arg9[%add3A_63, %dma_wait3A_66] : memref<10240x128xf32, #tpu.memory_space<vmem_shared>> -> memref<128x128xf32, #tpu.memory_space<vmem_shared>>
    tpu.wait_dma2 semaphore(%arg11 : memref<!tpu.dma_semaphore, #tpu.memory_space<semaphore_mem>>) src(%dma_wait3A_67 : memref<128x128xf32, #tpu.memory_space<vmem_shared>>) dst(%dma_wait3A_65 : memref<128x128xf32, #tpu.memory_space<hbm>>)
    %add3A_68 = arith.constant 128 : i32
    %add3A_69 = arith.addi %mul3A_9, %add3A_68 : i32
    %dma_wait3A_70 = arith.constant 0 : i32
    %dma_wait3A_71 = tpu.memref_slice %arg5[%arg0, %add3A_69, %dma_wait3A_70] : memref<2x10240x128xf32, #tpu.memory_space<hbm>> -> memref<1x128x128xf32, #tpu.memory_space<hbm>>
    %dma_wait3A_72 = tpu.memref_squeeze %dma_wait3A_71 : memref<1x128x128xf32, #tpu.memory_space<hbm>> -> memref<128x128xf32, #tpu.memory_space<hbm>>
    %dma_wait3A_73 = arith.constant 0 : i32
    %dma_wait3A_74 = tpu.memref_slice %arg9[%add3A_69, %dma_wait3A_73] : memref<10240x128xf32, #tpu.memory_space<vmem_shared>> -> memref<128x128xf32, #tpu.memory_space<vmem_shared>>
    tpu.wait_dma2 semaphore(%arg11 : memref<!tpu.dma_semaphore, #tpu.memory_space<semaphore_mem>>) src(%dma_wait3A_74 : memref<128x128xf32, #tpu.memory_space<vmem_shared>>) dst(%dma_wait3A_72 : memref<128x128xf32, #tpu.memory_space<hbm>>)
    %add3A_75 = arith.constant 256 : i32
    %add3A_76 = arith.addi %mul3A_9, %add3A_75 : i32
    %dma_wait3A_77 = arith.constant 0 : i32
    %dma_wait3A_78 = tpu.memref_slice %arg5[%arg0, %add3A_76, %dma_wait3A_77] : memref<2x10240x128xf32, #tpu.memory_space<hbm>> -> memref<1x128x128xf32, #tpu.memory_space<hbm>>
    %dma_wait3A_79 = tpu.memref_squeeze %dma_wait3A_78 : memref<1x128x128xf32, #tpu.memory_space<hbm>> -> memref<128x128xf32, #tpu.memory_space<hbm>>
    %dma_wait3A_80 = arith.constant 0 : i32
    %dma_wait3A_81 = tpu.memref_slice %arg9[%add3A_76, %dma_wait3A_80] : memref<10240x128xf32, #tpu.memory_space<vmem_shared>> -> memref<128x128xf32, #tpu.memory_space<vmem_shared>>
    tpu.wait_dma2 semaphore(%arg11 : memref<!tpu.dma_semaphore, #tpu.memory_space<semaphore_mem>>) src(%dma_wait3A_81 : memref<128x128xf32, #tpu.memory_space<vmem_shared>>) dst(%dma_wait3A_79 : memref<128x128xf32, #tpu.memory_space<hbm>>)
    %add3A_82 = arith.constant 384 : i32
    %add3A_83 = arith.addi %mul3A_9, %add3A_82 : i32
    %dma_wait3A_84 = arith.constant 0 : i32
    %dma_wait3A_85 = tpu.memref_slice %arg5[%arg0, %add3A_83, %dma_wait3A_84] : memref<2x10240x128xf32, #tpu.memory_space<hbm>> -> memref<1x128x128xf32, #tpu.memory_space<hbm>>
    %dma_wait3A_86 = tpu.memref_squeeze %dma_wait3A_85 : memref<1x128x128xf32, #tpu.memory_space<hbm>> -> memref<128x128xf32, #tpu.memory_space<hbm>>
    %dma_wait3A_87 = arith.constant 0 : i32
    %dma_wait3A_88 = tpu.memref_slice %arg9[%add3A_83, %dma_wait3A_87] : memref<10240x128xf32, #tpu.memory_space<vmem_shared>> -> memref<128x128xf32, #tpu.memory_space<vmem_shared>>
    tpu.wait_dma2 semaphore(%arg11 : memref<!tpu.dma_semaphore, #tpu.memory_space<semaphore_mem>>) src(%dma_wait3A_88 : memref<128x128xf32, #tpu.memory_space<vmem_shared>>) dst(%dma_wait3A_86 : memref<128x128xf32, #tpu.memory_space<hbm>>)
    %add3A_89 = arith.constant 512 : i32
    %add3A_90 = arith.addi %mul3A_9, %add3A_89 : i32
    %dma_wait3A_91 = arith.constant 0 : i32
    %dma_wait3A_92 = tpu.memref_slice %arg5[%arg0, %add3A_90, %dma_wait3A_91] : memref<2x10240x128xf32, #tpu.memory_space<hbm>> -> memref<1x128x128xf32, #tpu.memory_space<hbm>>
    %dma_wait3A_93 = tpu.memref_squeeze %dma_wait3A_92 : memref<1x128x128xf32, #tpu.memory_space<hbm>> -> memref<128x128xf32, #tpu.memory_space<hbm>>
    %dma_wait3A_94 = arith.constant 0 : i32
    %dma_wait3A_95 = tpu.memref_slice %arg9[%add3A_90, %dma_wait3A_94] : memref<10240x128xf32, #tpu.memory_space<vmem_shared>> -> memref<128x128xf32, #tpu.memory_space<vmem_shared>>
    tpu.wait_dma2 semaphore(%arg11 : memref<!tpu.dma_semaphore, #tpu.memory_space<semaphore_mem>>) src(%dma_wait3A_95 : memref<128x128xf32, #tpu.memory_space<vmem_shared>>) dst(%dma_wait3A_93 : memref<128x128xf32, #tpu.memory_space<hbm>>)
    return
  }
}

#map = affine_map<(d0, d1) -> (0, 0)>
#map1 = affine_map<(d0, d1) -> (0, 0, 0)>
module attributes {stable_mosaic.version = 14 : i64} {
  func.func @_agg_kernel(%arg0: i32, %arg1: i32, %arg2: memref<10240x128xf32, #tpu.memory_space<hbm>>, %arg3: memref<32x80x128xi32, #tpu.memory_space<hbm>>, %arg4: memref<32x80x128xi32, #tpu.memory_space<hbm>>, %arg5: memref<2x10240x128xf32, #tpu.memory_space<hbm>>, %arg6: memref<80x128xi32, #tpu.memory_space<vmem>>, %arg7: memref<80x128xi32, #tpu.memory_space<vmem>>, %arg8: memref<128x128xf32, #tpu.memory_space<vmem>>, %arg9: memref<10240x128xf32, #tpu.memory_space<vmem_shared>>, %arg10: memref<!tpu.dma_semaphore, #tpu.memory_space<semaphore_mem>>, %arg11: memref<!tpu.dma_semaphore, #tpu.memory_space<semaphore_mem>>) attributes {dimension_semantics = [#tpu.dimension_semantics<core_parallel>, #tpu.dimension_semantics<subcore_parallel>], iteration_bounds = array<i64: 2, 16>, scalar_prefetch = 0 : i64, scratch_operands = 6 : i64, tpu.core_type = #tpu.core_type<sc_vector_subcore>, window_params = [{transform_indices = #map}, {transform_indices = #map1}, {transform_indices = #map1}, {transform_indices = #map1}]} {
    %mul3A = arith.constant 2 : i32
    %mul3A_0 = arith.muli %arg1, %mul3A : i32
    %add3A = arith.addi %mul3A_0, %arg0 : i32
    "tpu.region"() ({
      %run_scoped3A = tpu.sem_alloc : memref<!tpu.dma_semaphore, #tpu.memory_space<semaphore_mem>>
      %dma_start3A_96 = arith.constant 0 : i32
      %dma_start3A_97 = arith.constant 0 : i32
      %dma_start3A_98 = tpu.memref_slice %arg3[%add3A, %dma_start3A_96, %dma_start3A_97] : memref<32x80x128xi32, #tpu.memory_space<hbm>> -> memref<1x80x128xi32, #tpu.memory_space<hbm>>
      %dma_start3A_99 = tpu.memref_squeeze %dma_start3A_98 : memref<1x80x128xi32, #tpu.memory_space<hbm>> -> memref<80x128xi32, #tpu.memory_space<hbm>>
      %dma_start3A_100 = arith.constant 0 : i32
      %dma_start3A_101 = arith.constant 0 : i32
      %dma_start3A_102 = tpu.memref_slice %arg3[%add3A, %dma_start3A_100, %dma_start3A_101] : memref<32x80x128xi32, #tpu.memory_space<hbm>> -> memref<1x80x128xi32, #tpu.memory_space<hbm>>
      %dma_start3A_103 = tpu.memref_squeeze %dma_start3A_102 : memref<1x80x128xi32, #tpu.memory_space<hbm>> -> memref<80x128xi32, #tpu.memory_space<hbm>>
      tpu.enqueue_dma source(%dma_start3A_103 : memref<80x128xi32, #tpu.memory_space<hbm>>) target(%arg6 : memref<80x128xi32, #tpu.memory_space<vmem>>) target_semaphore(%run_scoped3A : memref<!tpu.dma_semaphore, #tpu.memory_space<semaphore_mem>>)
      %dma_wait3A_104 = arith.constant 0 : i32
      %dma_wait3A_105 = arith.constant 0 : i32
      %dma_wait3A_106 = tpu.memref_slice %arg3[%add3A, %dma_wait3A_104, %dma_wait3A_105] : memref<32x80x128xi32, #tpu.memory_space<hbm>> -> memref<1x80x128xi32, #tpu.memory_space<hbm>>
      %dma_wait3A_107 = tpu.memref_squeeze %dma_wait3A_106 : memref<1x80x128xi32, #tpu.memory_space<hbm>> -> memref<80x128xi32, #tpu.memory_space<hbm>>
      %dma_wait3A_108 = arith.constant 0 : i32
      %dma_wait3A_109 = arith.constant 0 : i32
      %dma_wait3A_110 = tpu.memref_slice %arg3[%add3A, %dma_wait3A_108, %dma_wait3A_109] : memref<32x80x128xi32, #tpu.memory_space<hbm>> -> memref<1x80x128xi32, #tpu.memory_space<hbm>>
      %dma_wait3A_111 = tpu.memref_squeeze %dma_wait3A_110 : memref<1x80x128xi32, #tpu.memory_space<hbm>> -> memref<80x128xi32, #tpu.memory_space<hbm>>
      tpu.wait_dma2 semaphore(%run_scoped3A : memref<!tpu.dma_semaphore, #tpu.memory_space<semaphore_mem>>) src(%dma_wait3A_111 : memref<80x128xi32, #tpu.memory_space<hbm>>) dst(%arg6 : memref<80x128xi32, #tpu.memory_space<vmem>>)
      tpu.yield
    }) : () -> ()
    "tpu.region"() ({
      %run_scoped3A = tpu.sem_alloc : memref<!tpu.dma_semaphore, #tpu.memory_space<semaphore_mem>>
      %dma_start3A_96 = arith.constant 0 : i32
      %dma_start3A_97 = arith.constant 0 : i32
      %dma_start3A_98 = tpu.memref_slice %arg4[%add3A, %dma_start3A_96, %dma_start3A_97] : memref<32x80x128xi32, #tpu.memory_space<hbm>> -> memref<1x80x128xi32, #tpu.memory_space<hbm>>
      %dma_start3A_99 = tpu.memref_squeeze %dma_start3A_98 : memref<1x80x128xi32, #tpu.memory_space<hbm>> -> memref<80x128xi32, #tpu.memory_space<hbm>>
      %dma_start3A_100 = arith.constant 0 : i32
      %dma_start3A_101 = arith.constant 0 : i32
      %dma_start3A_102 = tpu.memref_slice %arg4[%add3A, %dma_start3A_100, %dma_start3A_101] : memref<32x80x128xi32, #tpu.memory_space<hbm>> -> memref<1x80x128xi32, #tpu.memory_space<hbm>>
      %dma_start3A_103 = tpu.memref_squeeze %dma_start3A_102 : memref<1x80x128xi32, #tpu.memory_space<hbm>> -> memref<80x128xi32, #tpu.memory_space<hbm>>
      tpu.enqueue_dma source(%dma_start3A_103 : memref<80x128xi32, #tpu.memory_space<hbm>>) target(%arg7 : memref<80x128xi32, #tpu.memory_space<vmem>>) target_semaphore(%run_scoped3A : memref<!tpu.dma_semaphore, #tpu.memory_space<semaphore_mem>>)
      %dma_wait3A_104 = arith.constant 0 : i32
      %dma_wait3A_105 = arith.constant 0 : i32
      %dma_wait3A_106 = tpu.memref_slice %arg4[%add3A, %dma_wait3A_104, %dma_wait3A_105] : memref<32x80x128xi32, #tpu.memory_space<hbm>> -> memref<1x80x128xi32, #tpu.memory_space<hbm>>
      %dma_wait3A_107 = tpu.memref_squeeze %dma_wait3A_106 : memref<1x80x128xi32, #tpu.memory_space<hbm>> -> memref<80x128xi32, #tpu.memory_space<hbm>>
      %dma_wait3A_108 = arith.constant 0 : i32
      %dma_wait3A_109 = arith.constant 0 : i32
      %dma_wait3A_110 = tpu.memref_slice %arg4[%add3A, %dma_wait3A_108, %dma_wait3A_109] : memref<32x80x128xi32, #tpu.memory_space<hbm>> -> memref<1x80x128xi32, #tpu.memory_space<hbm>>
      %dma_wait3A_111 = tpu.memref_squeeze %dma_wait3A_110 : memref<1x80x128xi32, #tpu.memory_space<hbm>> -> memref<80x128xi32, #tpu.memory_space<hbm>>
      tpu.wait_dma2 semaphore(%run_scoped3A : memref<!tpu.dma_semaphore, #tpu.memory_space<semaphore_mem>>) src(%dma_wait3A_111 : memref<80x128xi32, #tpu.memory_space<hbm>>) dst(%arg7 : memref<80x128xi32, #tpu.memory_space<vmem>>)
      tpu.yield
    }) : () -> ()
    %broadcast_in_dim3A = arith.constant 0.000000e+00 : f32
    %broadcast_in_dim3A_1 = vector.broadcast %broadcast_in_dim3A : f32 to vector<16xf32>
    %scan3A = arith.constant 0 : i32
    %scan3A_2 = arith.constant 0 : i32
    %scan3A_3 = arith.constant 128 : i32
    %scan3A_4 = arith.addi %scan3A_2, %scan3A_3 : i32
    %scan3A_5 = arith.constant 1 : i32
    %scan3A_6 = scf.for %scan3A_96 = %scan3A_2 to %scan3A_4 step %scan3A_5 iter_args(%scan3A_97 = %scan3A) -> (i32)  : i32 {
      %scan3A_98 = arith.constant 0 : i32
      %scan3A_99 = arith.constant 0 : i32
      %scan3A_100 = arith.constant 8 : i32
      %scan3A_101 = arith.addi %scan3A_99, %scan3A_100 : i32
      %scan3A_102 = arith.constant 1 : i32
      %scan3A_103 = scf.for %scan3A_106 = %scan3A_99 to %scan3A_101 step %scan3A_102 iter_args(%scan3A_107 = %scan3A_98) -> (i32)  : i32 {
        %mul3A_108 = arith.constant 16 : i32
        %mul3A_109 = arith.muli %scan3A_106, %mul3A_108 : i32
        %swap3A = arith.index_cast %scan3A_96 : i32 to index
        %swap3A_110 = arith.index_cast %mul3A_109 : i32 to index
        %swap3A_111 = tpu.vector_load %arg8[%swap3A, %swap3A_110] {strides = array<i32>} : memref<128x128xf32, #tpu.memory_space<vmem>>, vector<1x16xf32>,
        %swap3A_112 = vector.shape_cast %swap3A_111 : vector<1x16xf32> to vector<16xf32>
        %swap3A_113 = vector.shape_cast %broadcast_in_dim3A_1 : vector<16xf32> to vector<1x16xf32>
        tpu.vector_store %arg8[%swap3A, %swap3A_110], %swap3A_113 {strides = array<i32>} : memref<128x128xf32, #tpu.memory_space<vmem>>, vector<1x16xf32>,
        %scan3A_114 = arith.constant 0 : i32
        scf.yield %scan3A_114 : i32
      }
      %scan3A_104 = arith.constant 8 : i32
      %scan3A_105 = arith.constant 0 : i32
      scf.yield %scan3A_105 : i32
    }
    %scan3A_7 = arith.constant 128 : i32
    %mul3A_8 = arith.constant 640 : i32
    %mul3A_9 = arith.muli %arg1, %mul3A_8 : i32
    %add3A_10 = arith.constant 0 : i32
    %add3A_11 = arith.addi %mul3A_9, %add3A_10 : i32
    "tpu.region"() ({
      %run_scoped3A = tpu.sem_alloc : memref<!tpu.dma_semaphore, #tpu.memory_space<semaphore_mem>>
      %dma_start3A_96 = arith.constant 0 : i32
      %dma_start3A_97 = tpu.memref_slice %arg9[%add3A_11, %dma_start3A_96] : memref<10240x128xf32, #tpu.memory_space<vmem_shared>> -> memref<128x128xf32, #tpu.memory_space<vmem_shared>>
      %dma_start3A_98 = arith.constant 0 : i32
      %dma_start3A_99 = tpu.memref_slice %arg9[%add3A_11, %dma_start3A_98] : memref<10240x128xf32, #tpu.memory_space<vmem_shared>> -> memref<128x128xf32, #tpu.memory_space<vmem_shared>>
      tpu.enqueue_dma source(%arg8 : memref<128x128xf32, #tpu.memory_space<vmem>>) target(%dma_start3A_99 : memref<128x128xf32, #tpu.memory_space<vmem_shared>>) target_semaphore(%run_scoped3A : memref<!tpu.dma_semaphore, #tpu.memory_space<semaphore_mem>>)
      %dma_wait3A_100 = arith.constant 0 : i32
      %dma_wait3A_101 = tpu.memref_slice %arg9[%add3A_11, %dma_wait3A_100] : memref<10240x128xf32, #tpu.memory_space<vmem_shared>> -> memref<128x128xf32, #tpu.memory_space<vmem_shared>>
      %dma_wait3A_102 = arith.constant 0 : i32
      %dma_wait3A_103 = tpu.memref_slice %arg9[%add3A_11, %dma_wait3A_102] : memref<10240x128xf32, #tpu.memory_space<vmem_shared>> -> memref<128x128xf32, #tpu.memory_space<vmem_shared>>
      tpu.wait_dma2 semaphore(%run_scoped3A : memref<!tpu.dma_semaphore, #tpu.memory_space<semaphore_mem>>) src(%arg8 : memref<128x128xf32, #tpu.memory_space<vmem>>) dst(%dma_wait3A_103 : memref<128x128xf32, #tpu.memory_space<vmem_shared>>)
      tpu.yield
    }) : () -> ()
    %add3A_12 = arith.constant 128 : i32
    %add3A_13 = arith.addi %mul3A_9, %add3A_12 : i32
    "tpu.region"() ({
      %run_scoped3A = tpu.sem_alloc : memref<!tpu.dma_semaphore, #tpu.memory_space<semaphore_mem>>
      %dma_start3A_96 = arith.constant 0 : i32
      %dma_start3A_97 = tpu.memref_slice %arg9[%add3A_13, %dma_start3A_96] : memref<10240x128xf32, #tpu.memory_space<vmem_shared>> -> memref<128x128xf32, #tpu.memory_space<vmem_shared>>
      %dma_start3A_98 = arith.constant 0 : i32
      %dma_start3A_99 = tpu.memref_slice %arg9[%add3A_13, %dma_start3A_98] : memref<10240x128xf32, #tpu.memory_space<vmem_shared>> -> memref<128x128xf32, #tpu.memory_space<vmem_shared>>
      tpu.enqueue_dma source(%arg8 : memref<128x128xf32, #tpu.memory_space<vmem>>) target(%dma_start3A_99 : memref<128x128xf32, #tpu.memory_space<vmem_shared>>) target_semaphore(%run_scoped3A : memref<!tpu.dma_semaphore, #tpu.memory_space<semaphore_mem>>)
      %dma_wait3A_100 = arith.constant 0 : i32
      %dma_wait3A_101 = tpu.memref_slice %arg9[%add3A_13, %dma_wait3A_100] : memref<10240x128xf32, #tpu.memory_space<vmem_shared>> -> memref<128x128xf32, #tpu.memory_space<vmem_shared>>
      %dma_wait3A_102 = arith.constant 0 : i32
      %dma_wait3A_103 = tpu.memref_slice %arg9[%add3A_13, %dma_wait3A_102] : memref<10240x128xf32, #tpu.memory_space<vmem_shared>> -> memref<128x128xf32, #tpu.memory_space<vmem_shared>>
      tpu.wait_dma2 semaphore(%run_scoped3A : memref<!tpu.dma_semaphore, #tpu.memory_space<semaphore_mem>>) src(%arg8 : memref<128x128xf32, #tpu.memory_space<vmem>>) dst(%dma_wait3A_103 : memref<128x128xf32, #tpu.memory_space<vmem_shared>>)
      tpu.yield
    }) : () -> ()
    %add3A_14 = arith.constant 256 : i32
    %add3A_15 = arith.addi %mul3A_9, %add3A_14 : i32
    "tpu.region"() ({
      %run_scoped3A = tpu.sem_alloc : memref<!tpu.dma_semaphore, #tpu.memory_space<semaphore_mem>>
      %dma_start3A_96 = arith.constant 0 : i32
      %dma_start3A_97 = tpu.memref_slice %arg9[%add3A_15, %dma_start3A_96] : memref<10240x128xf32, #tpu.memory_space<vmem_shared>> -> memref<128x128xf32, #tpu.memory_space<vmem_shared>>
      %dma_start3A_98 = arith.constant 0 : i32
      %dma_start3A_99 = tpu.memref_slice %arg9[%add3A_15, %dma_start3A_98] : memref<10240x128xf32, #tpu.memory_space<vmem_shared>> -> memref<128x128xf32, #tpu.memory_space<vmem_shared>>
      tpu.enqueue_dma source(%arg8 : memref<128x128xf32, #tpu.memory_space<vmem>>) target(%dma_start3A_99 : memref<128x128xf32, #tpu.memory_space<vmem_shared>>) target_semaphore(%run_scoped3A : memref<!tpu.dma_semaphore, #tpu.memory_space<semaphore_mem>>)
      %dma_wait3A_100 = arith.constant 0 : i32
      %dma_wait3A_101 = tpu.memref_slice %arg9[%add3A_15, %dma_wait3A_100] : memref<10240x128xf32, #tpu.memory_space<vmem_shared>> -> memref<128x128xf32, #tpu.memory_space<vmem_shared>>
      %dma_wait3A_102 = arith.constant 0 : i32
      %dma_wait3A_103 = tpu.memref_slice %arg9[%add3A_15, %dma_wait3A_102] : memref<10240x128xf32, #tpu.memory_space<vmem_shared>> -> memref<128x128xf32, #tpu.memory_space<vmem_shared>>
      tpu.wait_dma2 semaphore(%run_scoped3A : memref<!tpu.dma_semaphore, #tpu.memory_space<semaphore_mem>>) src(%arg8 : memref<128x128xf32, #tpu.memory_space<vmem>>) dst(%dma_wait3A_103 : memref<128x128xf32, #tpu.memory_space<vmem_shared>>)
      tpu.yield
    }) : () -> ()
    %add3A_16 = arith.constant 384 : i32
    %add3A_17 = arith.addi %mul3A_9, %add3A_16 : i32
    "tpu.region"() ({
      %run_scoped3A = tpu.sem_alloc : memref<!tpu.dma_semaphore, #tpu.memory_space<semaphore_mem>>
      %dma_start3A_96 = arith.constant 0 : i32
      %dma_start3A_97 = tpu.memref_slice %arg9[%add3A_17, %dma_start3A_96] : memref<10240x128xf32, #tpu.memory_space<vmem_shared>> -> memref<128x128xf32, #tpu.memory_space<vmem_shared>>
      %dma_start3A_98 = arith.constant 0 : i32
      %dma_start3A_99 = tpu.memref_slice %arg9[%add3A_17, %dma_start3A_98] : memref<10240x128xf32, #tpu.memory_space<vmem_shared>> -> memref<128x128xf32, #tpu.memory_space<vmem_shared>>
      tpu.enqueue_dma source(%arg8 : memref<128x128xf32, #tpu.memory_space<vmem>>) target(%dma_start3A_99 : memref<128x128xf32, #tpu.memory_space<vmem_shared>>) target_semaphore(%run_scoped3A : memref<!tpu.dma_semaphore, #tpu.memory_space<semaphore_mem>>)
      %dma_wait3A_100 = arith.constant 0 : i32
      %dma_wait3A_101 = tpu.memref_slice %arg9[%add3A_17, %dma_wait3A_100] : memref<10240x128xf32, #tpu.memory_space<vmem_shared>> -> memref<128x128xf32, #tpu.memory_space<vmem_shared>>
      %dma_wait3A_102 = arith.constant 0 : i32
      %dma_wait3A_103 = tpu.memref_slice %arg9[%add3A_17, %dma_wait3A_102] : memref<10240x128xf32, #tpu.memory_space<vmem_shared>> -> memref<128x128xf32, #tpu.memory_space<vmem_shared>>
      tpu.wait_dma2 semaphore(%run_scoped3A : memref<!tpu.dma_semaphore, #tpu.memory_space<semaphore_mem>>) src(%arg8 : memref<128x128xf32, #tpu.memory_space<vmem>>) dst(%dma_wait3A_103 : memref<128x128xf32, #tpu.memory_space<vmem_shared>>)
      tpu.yield
    }) : () -> ()
    %add3A_18 = arith.constant 512 : i32
    %add3A_19 = arith.addi %mul3A_9, %add3A_18 : i32
    "tpu.region"() ({
      %run_scoped3A = tpu.sem_alloc : memref<!tpu.dma_semaphore, #tpu.memory_space<semaphore_mem>>
      %dma_start3A_96 = arith.constant 0 : i32
      %dma_start3A_97 = tpu.memref_slice %arg9[%add3A_19, %dma_start3A_96] : memref<10240x128xf32, #tpu.memory_space<vmem_shared>> -> memref<128x128xf32, #tpu.memory_space<vmem_shared>>
      %dma_start3A_98 = arith.constant 0 : i32
      %dma_start3A_99 = tpu.memref_slice %arg9[%add3A_19, %dma_start3A_98] : memref<10240x128xf32, #tpu.memory_space<vmem_shared>> -> memref<128x128xf32, #tpu.memory_space<vmem_shared>>
      tpu.enqueue_dma source(%arg8 : memref<128x128xf32, #tpu.memory_space<vmem>>) target(%dma_start3A_99 : memref<128x128xf32, #tpu.memory_space<vmem_shared>>) target_semaphore(%run_scoped3A : memref<!tpu.dma_semaphore, #tpu.memory_space<semaphore_mem>>)
      %dma_wait3A_100 = arith.constant 0 : i32
      %dma_wait3A_101 = tpu.memref_slice %arg9[%add3A_19, %dma_wait3A_100] : memref<10240x128xf32, #tpu.memory_space<vmem_shared>> -> memref<128x128xf32, #tpu.memory_space<vmem_shared>>
      %dma_wait3A_102 = arith.constant 0 : i32
      %dma_wait3A_103 = tpu.memref_slice %arg9[%add3A_19, %dma_wait3A_102] : memref<10240x128xf32, #tpu.memory_space<vmem_shared>> -> memref<128x128xf32, #tpu.memory_space<vmem_shared>>
      tpu.wait_dma2 semaphore(%run_scoped3A : memref<!tpu.dma_semaphore, #tpu.memory_space<semaphore_mem>>) src(%arg8 : memref<128x128xf32, #tpu.memory_space<vmem>>) dst(%dma_wait3A_103 : memref<128x128xf32, #tpu.memory_space<vmem_shared>>)
      tpu.yield
    }) : () -> ()
    %barrier3A = arith.constant 0 : index
    tpu.barrier barrier_id(%barrier3A)
    %scan3A_20 = arith.constant 0 : i32
    %scan3A_21 = arith.constant 0 : i32
    %scan3A_22 = arith.constant 80 : i32
    %scan3A_23 = arith.addi %scan3A_21, %scan3A_22 : i32
    %scan3A_24 = arith.constant 1 : i32
    %scan3A_25 = scf.for %scan3A_96 = %scan3A_21 to %scan3A_23 step %scan3A_24 iter_args(%scan3A_97 = %scan3A_20) -> (i32)  : i32 {
      %dma_start3A_98 = arith.constant 0 : i32
      %dma_start3A_99 = tpu.memref_slice %arg6[%scan3A_96, %dma_start3A_98] : memref<80x128xi32, #tpu.memory_space<vmem>> -> memref<1x128xi32, #tpu.memory_space<vmem>>
      %dma_start3A_100 = tpu.memref_squeeze %dma_start3A_99 : memref<1x128xi32, #tpu.memory_space<vmem>> -> memref<128xi32, #tpu.memory_space<vmem>>
      %dma_start3A_101 = arith.constant 0 : i32
      %dma_start3A_102 = arith.constant 0 : i32
      %dma_start3A_103 = tpu.memref_slice %arg2[%dma_start3A_101, %dma_start3A_102] : memref<10240x128xf32, #tpu.memory_space<hbm>> -> memref<10240x128xf32, #tpu.memory_space<hbm>>
      tpu.enqueue_indirect_dma source(%dma_start3A_103 : memref<10240x128xf32, #tpu.memory_space<hbm>>) target(%arg8 : memref<128x128xf32, #tpu.memory_space<vmem>>) offsets(%dma_start3A_100 : memref<128xi32, #tpu.memory_space<vmem>>) semaphore(%arg10 : memref<!tpu.dma_semaphore, #tpu.memory_space<semaphore_mem>>)
      %dma_wait3A_104 = arith.constant 0 : i32
      %dma_wait3A_105 = tpu.memref_slice %arg6[%scan3A_96, %dma_wait3A_104] : memref<80x128xi32, #tpu.memory_space<vmem>> -> memref<1x128xi32, #tpu.memory_space<vmem>>
      %dma_wait3A_106 = tpu.memref_squeeze %dma_wait3A_105 : memref<1x128xi32, #tpu.memory_space<vmem>> -> memref<128xi32, #tpu.memory_space<vmem>>
      %dma_wait3A_107 = arith.constant 0 : i32
      %dma_wait3A_108 = arith.constant 0 : i32
      %dma_wait3A_109 = tpu.memref_slice %arg2[%dma_wait3A_107, %dma_wait3A_108] : memref<10240x128xf32, #tpu.memory_space<hbm>> -> memref<10240x128xf32, #tpu.memory_space<hbm>>
      tpu.wait_indirect_dma semaphore(%arg10 : memref<!tpu.dma_semaphore, #tpu.memory_space<semaphore_mem>>) src(%dma_wait3A_109 : memref<10240x128xf32, #tpu.memory_space<hbm>>) dst(%arg8 : memref<128x128xf32, #tpu.memory_space<vmem>>)
      "tpu.region"() ({
        %run_scoped3A = tpu.sem_alloc : memref<!tpu.dma_semaphore, #tpu.memory_space<semaphore_mem>>
        %dma_start3A_111 = arith.constant 0 : i32
        %dma_start3A_112 = tpu.memref_slice %arg7[%scan3A_96, %dma_start3A_111] : memref<80x128xi32, #tpu.memory_space<vmem>> -> memref<1x128xi32, #tpu.memory_space<vmem>>
        %dma_start3A_113 = tpu.memref_squeeze %dma_start3A_112 : memref<1x128xi32, #tpu.memory_space<vmem>> -> memref<128xi32, #tpu.memory_space<vmem>>
        %dma_start3A_114 = arith.constant 0 : i32
        %dma_start3A_115 = arith.constant 0 : i32
        %dma_start3A_116 = tpu.memref_slice %arg9[%dma_start3A_114, %dma_start3A_115] : memref<10240x128xf32, #tpu.memory_space<vmem_shared>> -> memref<10240x128xf32, #tpu.memory_space<vmem_shared>>
        tpu.enqueue_indirect_dma source(%arg8 : memref<128x128xf32, #tpu.memory_space<vmem>>) target(%dma_start3A_116 : memref<10240x128xf32, #tpu.memory_space<vmem_shared>>) offsets(%dma_start3A_113 : memref<128xi32, #tpu.memory_space<vmem>>) semaphore(%run_scoped3A : memref<!tpu.dma_semaphore, #tpu.memory_space<semaphore_mem>>) {add = true}
        %dma_wait3A_117 = arith.constant 0 : i32
        %dma_wait3A_118 = tpu.memref_slice %arg7[%scan3A_96, %dma_wait3A_117] : memref<80x128xi32, #tpu.memory_space<vmem>> -> memref<1x128xi32, #tpu.memory_space<vmem>>
        %dma_wait3A_119 = tpu.memref_squeeze %dma_wait3A_118 : memref<1x128xi32, #tpu.memory_space<vmem>> -> memref<128xi32, #tpu.memory_space<vmem>>
        %dma_wait3A_120 = arith.constant 0 : i32
        %dma_wait3A_121 = arith.constant 0 : i32
        %dma_wait3A_122 = tpu.memref_slice %arg9[%dma_wait3A_120, %dma_wait3A_121] : memref<10240x128xf32, #tpu.memory_space<vmem_shared>> -> memref<10240x128xf32, #tpu.memory_space<vmem_shared>>
        tpu.wait_indirect_dma semaphore(%run_scoped3A : memref<!tpu.dma_semaphore, #tpu.memory_space<semaphore_mem>>) src(%arg8 : memref<128x128xf32, #tpu.memory_space<vmem>>) dst(%dma_wait3A_122 : memref<10240x128xf32, #tpu.memory_space<vmem_shared>>)
        tpu.yield
      }) : () -> ()
      %scan3A_110 = arith.constant 0 : i32
      scf.yield %scan3A_110 : i32
    }
    %scan3A_26 = arith.constant 80 : i32
    %barrier3A_27 = arith.constant 0 : index
    tpu.barrier barrier_id(%barrier3A_27)
    %add3A_28 = arith.constant 0 : i32
    %add3A_29 = arith.addi %mul3A_9, %add3A_28 : i32
    %dma_start3A = arith.constant 0 : i32
    %dma_start3A_30 = tpu.memref_slice %arg5[%arg0, %add3A_29, %dma_start3A] : memref<2x10240x128xf32, #tpu.memory_space<hbm>> -> memref<1x128x128xf32, #tpu.memory_space<hbm>>
    %dma_start3A_31 = tpu.memref_squeeze %dma_start3A_30 : memref<1x128x128xf32, #tpu.memory_space<hbm>> -> memref<128x128xf32, #tpu.memory_space<hbm>>
    %dma_start3A_32 = arith.constant 0 : i32
    %dma_start3A_33 = tpu.memref_slice %arg9[%add3A_29, %dma_start3A_32] : memref<10240x128xf32, #tpu.memory_space<vmem_shared>> -> memref<128x128xf32, #tpu.memory_space<vmem_shared>>
    tpu.enqueue_dma source(%dma_start3A_33 : memref<128x128xf32, #tpu.memory_space<vmem_shared>>) target(%dma_start3A_31 : memref<128x128xf32, #tpu.memory_space<hbm>>) target_semaphore(%arg11 : memref<!tpu.dma_semaphore, #tpu.memory_space<semaphore_mem>>)
    %add3A_34 = arith.constant 128 : i32
    %add3A_35 = arith.addi %mul3A_9, %add3A_34 : i32
    %dma_start3A_36 = arith.constant 0 : i32
    %dma_start3A_37 = tpu.memref_slice %arg5[%arg0, %add3A_35, %dma_start3A_36] : memref<2x10240x128xf32, #tpu.memory_space<hbm>> -> memref<1x128x128xf32, #tpu.memory_space<hbm>>
    %dma_start3A_38 = tpu.memref_squeeze %dma_start3A_37 : memref<1x128x128xf32, #tpu.memory_space<hbm>> -> memref<128x128xf32, #tpu.memory_space<hbm>>
    %dma_start3A_39 = arith.constant 0 : i32
    %dma_start3A_40 = tpu.memref_slice %arg9[%add3A_35, %dma_start3A_39] : memref<10240x128xf32, #tpu.memory_space<vmem_shared>> -> memref<128x128xf32, #tpu.memory_space<vmem_shared>>
    tpu.enqueue_dma source(%dma_start3A_40 : memref<128x128xf32, #tpu.memory_space<vmem_shared>>) target(%dma_start3A_38 : memref<128x128xf32, #tpu.memory_space<hbm>>) target_semaphore(%arg11 : memref<!tpu.dma_semaphore, #tpu.memory_space<semaphore_mem>>)
    %add3A_41 = arith.constant 256 : i32
    %add3A_42 = arith.addi %mul3A_9, %add3A_41 : i32
    %dma_start3A_43 = arith.constant 0 : i32
    %dma_start3A_44 = tpu.memref_slice %arg5[%arg0, %add3A_42, %dma_start3A_43] : memref<2x10240x128xf32, #tpu.memory_space<hbm>> -> memref<1x128x128xf32, #tpu.memory_space<hbm>>
    %dma_start3A_45 = tpu.memref_squeeze %dma_start3A_44 : memref<1x128x128xf32, #tpu.memory_space<hbm>> -> memref<128x128xf32, #tpu.memory_space<hbm>>
    %dma_start3A_46 = arith.constant 0 : i32
    %dma_start3A_47 = tpu.memref_slice %arg9[%add3A_42, %dma_start3A_46] : memref<10240x128xf32, #tpu.memory_space<vmem_shared>> -> memref<128x128xf32, #tpu.memory_space<vmem_shared>>
    tpu.enqueue_dma source(%dma_start3A_47 : memref<128x128xf32, #tpu.memory_space<vmem_shared>>) target(%dma_start3A_45 : memref<128x128xf32, #tpu.memory_space<hbm>>) target_semaphore(%arg11 : memref<!tpu.dma_semaphore, #tpu.memory_space<semaphore_mem>>)
    %add3A_48 = arith.constant 384 : i32
    %add3A_49 = arith.addi %mul3A_9, %add3A_48 : i32
    %dma_start3A_50 = arith.constant 0 : i32
    %dma_start3A_51 = tpu.memref_slice %arg5[%arg0, %add3A_49, %dma_start3A_50] : memref<2x10240x128xf32, #tpu.memory_space<hbm>> -> memref<1x128x128xf32, #tpu.memory_space<hbm>>
    %dma_start3A_52 = tpu.memref_squeeze %dma_start3A_51 : memref<1x128x128xf32, #tpu.memory_space<hbm>> -> memref<128x128xf32, #tpu.memory_space<hbm>>
    %dma_start3A_53 = arith.constant 0 : i32
    %dma_start3A_54 = tpu.memref_slice %arg9[%add3A_49, %dma_start3A_53] : memref<10240x128xf32, #tpu.memory_space<vmem_shared>> -> memref<128x128xf32, #tpu.memory_space<vmem_shared>>
    tpu.enqueue_dma source(%dma_start3A_54 : memref<128x128xf32, #tpu.memory_space<vmem_shared>>) target(%dma_start3A_52 : memref<128x128xf32, #tpu.memory_space<hbm>>) target_semaphore(%arg11 : memref<!tpu.dma_semaphore, #tpu.memory_space<semaphore_mem>>)
    %add3A_55 = arith.constant 512 : i32
    %add3A_56 = arith.addi %mul3A_9, %add3A_55 : i32
    %dma_start3A_57 = arith.constant 0 : i32
    %dma_start3A_58 = tpu.memref_slice %arg5[%arg0, %add3A_56, %dma_start3A_57] : memref<2x10240x128xf32, #tpu.memory_space<hbm>> -> memref<1x128x128xf32, #tpu.memory_space<hbm>>
    %dma_start3A_59 = tpu.memref_squeeze %dma_start3A_58 : memref<1x128x128xf32, #tpu.memory_space<hbm>> -> memref<128x128xf32, #tpu.memory_space<hbm>>
    %dma_start3A_60 = arith.constant 0 : i32
    %dma_start3A_61 = tpu.memref_slice %arg9[%add3A_56, %dma_start3A_60] : memref<10240x128xf32, #tpu.memory_space<vmem_shared>> -> memref<128x128xf32, #tpu.memory_space<vmem_shared>>
    tpu.enqueue_dma source(%dma_start3A_61 : memref<128x128xf32, #tpu.memory_space<vmem_shared>>) target(%dma_start3A_59 : memref<128x128xf32, #tpu.memory_space<hbm>>) target_semaphore(%arg11 : memref<!tpu.dma_semaphore, #tpu.memory_space<semaphore_mem>>)
    %add3A_62 = arith.constant 0 : i32
    %add3A_63 = arith.addi %mul3A_9, %add3A_62 : i32
    %dma_wait3A = arith.constant 0 : i32
    %dma_wait3A_64 = tpu.memref_slice %arg5[%arg0, %add3A_63, %dma_wait3A] : memref<2x10240x128xf32, #tpu.memory_space<hbm>> -> memref<1x128x128xf32, #tpu.memory_space<hbm>>
    %dma_wait3A_65 = tpu.memref_squeeze %dma_wait3A_64 : memref<1x128x128xf32, #tpu.memory_space<hbm>> -> memref<128x128xf32, #tpu.memory_space<hbm>>
    %dma_wait3A_66 = arith.constant 0 : i32
    %dma_wait3A_67 = tpu.memref_slice %arg9[%add3A_63, %dma_wait3A_66] : memref<10240x128xf32, #tpu.memory_space<vmem_shared>> -> memref<128x128xf32, #tpu.memory_space<vmem_shared>>
    tpu.wait_dma2 semaphore(%arg11 : memref<!tpu.dma_semaphore, #tpu.memory_space<semaphore_mem>>) src(%dma_wait3A_67 : memref<128x128xf32, #tpu.memory_space<vmem_shared>>) dst(%dma_wait3A_65 : memref<128x128xf32, #tpu.memory_space<hbm>>)
    %add3A_68 = arith.constant 128 : i32
    %add3A_69 = arith.addi %mul3A_9, %add3A_68 : i32
    %dma_wait3A_70 = arith.constant 0 : i32
    %dma_wait3A_71 = tpu.memref_slice %arg5[%arg0, %add3A_69, %dma_wait3A_70] : memref<2x10240x128xf32, #tpu.memory_space<hbm>> -> memref<1x128x128xf32, #tpu.memory_space<hbm>>
    %dma_wait3A_72 = tpu.memref_squeeze %dma_wait3A_71 : memref<1x128x128xf32, #tpu.memory_space<hbm>> -> memref<128x128xf32, #tpu.memory_space<hbm>>
    %dma_wait3A_73 = arith.constant 0 : i32
    %dma_wait3A_74 = tpu.memref_slice %arg9[%add3A_69, %dma_wait3A_73] : memref<10240x128xf32, #tpu.memory_space<vmem_shared>> -> memref<128x128xf32, #tpu.memory_space<vmem_shared>>
    tpu.wait_dma2 semaphore(%arg11 : memref<!tpu.dma_semaphore, #tpu.memory_space<semaphore_mem>>) src(%dma_wait3A_74 : memref<128x128xf32, #tpu.memory_space<vmem_shared>>) dst(%dma_wait3A_72 : memref<128x128xf32, #tpu.memory_space<hbm>>)
    %add3A_75 = arith.constant 256 : i32
    %add3A_76 = arith.addi %mul3A_9, %add3A_75 : i32
    %dma_wait3A_77 = arith.constant 0 : i32
    %dma_wait3A_78 = tpu.memref_slice %arg5[%arg0, %add3A_76, %dma_wait3A_77] : memref<2x10240x128xf32, #tpu.memory_space<hbm>> -> memref<1x128x128xf32, #tpu.memory_space<hbm>>
    %dma_wait3A_79 = tpu.memref_squeeze %dma_wait3A_78 : memref<1x128x128xf32, #tpu.memory_space<hbm>> -> memref<128x128xf32, #tpu.memory_space<hbm>>
    %dma_wait3A_80 = arith.constant 0 : i32
    %dma_wait3A_81 = tpu.memref_slice %arg9[%add3A_76, %dma_wait3A_80] : memref<10240x128xf32, #tpu.memory_space<vmem_shared>> -> memref<128x128xf32, #tpu.memory_space<vmem_shared>>
    tpu.wait_dma2 semaphore(%arg11 : memref<!tpu.dma_semaphore, #tpu.memory_space<semaphore_mem>>) src(%dma_wait3A_81 : memref<128x128xf32, #tpu.memory_space<vmem_shared>>) dst(%dma_wait3A_79 : memref<128x128xf32, #tpu.memory_space<hbm>>)
    %add3A_82 = arith.constant 384 : i32
    %add3A_83 = arith.addi %mul3A_9, %add3A_82 : i32
    %dma_wait3A_84 = arith.constant 0 : i32
    %dma_wait3A_85 = tpu.memref_slice %arg5[%arg0, %add3A_83, %dma_wait3A_84] : memref<2x10240x128xf32, #tpu.memory_space<hbm>> -> memref<1x128x128xf32, #tpu.memory_space<hbm>>
    %dma_wait3A_86 = tpu.memref_squeeze %dma_wait3A_85 : memref<1x128x128xf32, #tpu.memory_space<hbm>> -> memref<128x128xf32, #tpu.memory_space<hbm>>
    %dma_wait3A_87 = arith.constant 0 : i32
    %dma_wait3A_88 = tpu.memref_slice %arg9[%add3A_83, %dma_wait3A_87] : memref<10240x128xf32, #tpu.memory_space<vmem_shared>> -> memref<128x128xf32, #tpu.memory_space<vmem_shared>>
    tpu.wait_dma2 semaphore(%arg11 : memref<!tpu.dma_semaphore, #tpu.memory_space<semaphore_mem>>) src(%dma_wait3A_88 : memref<128x128xf32, #tpu.memory_space<vmem_shared>>) dst(%dma_wait3A_86 : memref<128x128xf32, #tpu.memory_space<hbm>>)
    %add3A_89 = arith.constant 512 : i32
    %add3A_90 = arith.addi %mul3A_9, %add3A_89 : i32
    %dma_wait3A_91 = arith.constant 0 : i32
    %dma_wait3A_92 = tpu.memref_slice %arg5[%arg0, %add3A_90, %dma_wait3A_91] : memref<2x10240x128xf32, #tpu.memory_space<hbm>> -> memref<1x128x128xf32, #tpu.memory_space<hbm>>
    %dma_wait3A_93 = tpu.memref_squeeze %dma_wait3A_92 : memref<1x128x128xf32, #tpu.memory_space<hbm>> -> memref<128x128xf32, #tpu.memory_space<hbm>>
    %dma_wait3A_94 = arith.constant 0 : i32
    %dma_wait3A_95 = tpu.memref_slice %arg9[%add3A_90, %dma_wait3A_94] : memref<10240x128xf32, #tpu.memory_space<vmem_shared>> -> memref<128x128xf32, #tpu.memory_space<vmem_shared>>
    tpu.wait_dma2 semaphore(%arg11 : memref<!tpu.dma_semaphore, #tpu.memory_space<semaphore_mem>>) src(%dma_wait3A_95 : memref<128x128xf32, #tpu.memory_space<vmem_shared>>) dst(%dma_wait3A_93 : memref<128x128xf32, #tpu.memory_space<hbm>>)
    return
  }
}

#map = affine_map<(d0, d1) -> (0, 0)>
#map1 = affine_map<(d0, d1) -> (0, 0, 0)>
module attributes {stable_mosaic.version = 14 : i64} {
  func.func @_agg_kernel(%arg0: i32, %arg1: i32, %arg2: memref<10240x128xf32, #tpu.memory_space<hbm>>, %arg3: memref<32x80x128xi32, #tpu.memory_space<hbm>>, %arg4: memref<32x80x128xi32, #tpu.memory_space<hbm>>, %arg5: memref<2x10240x128xf32, #tpu.memory_space<hbm>>, %arg6: memref<80x128xi32, #tpu.memory_space<vmem>>, %arg7: memref<80x128xi32, #tpu.memory_space<vmem>>, %arg8: memref<128x128xf32, #tpu.memory_space<vmem>>, %arg9: memref<10240x128xf32, #tpu.memory_space<vmem_shared>>, %arg10: memref<!tpu.dma_semaphore, #tpu.memory_space<semaphore_mem>>, %arg11: memref<!tpu.dma_semaphore, #tpu.memory_space<semaphore_mem>>) attributes {dimension_semantics = [#tpu.dimension_semantics<core_parallel>, #tpu.dimension_semantics<subcore_parallel>], iteration_bounds = array<i64: 2, 16>, scalar_prefetch = 0 : i64, scratch_operands = 6 : i64, tpu.core_type = #tpu.core_type<sc_vector_subcore>, window_params = [{transform_indices = #map}, {transform_indices = #map1}, {transform_indices = #map1}, {transform_indices = #map1}]} {
    %mul3A = arith.constant 2 : i32
    %mul3A_0 = arith.muli %arg1, %mul3A : i32
    %add3A = arith.addi %mul3A_0, %arg0 : i32
    "tpu.region"() ({
      %run_scoped3A = tpu.sem_alloc : memref<!tpu.dma_semaphore, #tpu.memory_space<semaphore_mem>>
      %dma_start3A_96 = arith.constant 0 : i32
      %dma_start3A_97 = arith.constant 0 : i32
      %dma_start3A_98 = tpu.memref_slice %arg3[%add3A, %dma_start3A_96, %dma_start3A_97] : memref<32x80x128xi32, #tpu.memory_space<hbm>> -> memref<1x80x128xi32, #tpu.memory_space<hbm>>
      %dma_start3A_99 = tpu.memref_squeeze %dma_start3A_98 : memref<1x80x128xi32, #tpu.memory_space<hbm>> -> memref<80x128xi32, #tpu.memory_space<hbm>>
      %dma_start3A_100 = arith.constant 0 : i32
      %dma_start3A_101 = arith.constant 0 : i32
      %dma_start3A_102 = tpu.memref_slice %arg3[%add3A, %dma_start3A_100, %dma_start3A_101] : memref<32x80x128xi32, #tpu.memory_space<hbm>> -> memref<1x80x128xi32, #tpu.memory_space<hbm>>
      %dma_start3A_103 = tpu.memref_squeeze %dma_start3A_102 : memref<1x80x128xi32, #tpu.memory_space<hbm>> -> memref<80x128xi32, #tpu.memory_space<hbm>>
      tpu.enqueue_dma source(%dma_start3A_103 : memref<80x128xi32, #tpu.memory_space<hbm>>) target(%arg6 : memref<80x128xi32, #tpu.memory_space<vmem>>) target_semaphore(%run_scoped3A : memref<!tpu.dma_semaphore, #tpu.memory_space<semaphore_mem>>)
      %dma_wait3A_104 = arith.constant 0 : i32
      %dma_wait3A_105 = arith.constant 0 : i32
      %dma_wait3A_106 = tpu.memref_slice %arg3[%add3A, %dma_wait3A_104, %dma_wait3A_105] : memref<32x80x128xi32, #tpu.memory_space<hbm>> -> memref<1x80x128xi32, #tpu.memory_space<hbm>>
      %dma_wait3A_107 = tpu.memref_squeeze %dma_wait3A_106 : memref<1x80x128xi32, #tpu.memory_space<hbm>> -> memref<80x128xi32, #tpu.memory_space<hbm>>
      %dma_wait3A_108 = arith.constant 0 : i32
      %dma_wait3A_109 = arith.constant 0 : i32
      %dma_wait3A_110 = tpu.memref_slice %arg3[%add3A, %dma_wait3A_108, %dma_wait3A_109] : memref<32x80x128xi32, #tpu.memory_space<hbm>> -> memref<1x80x128xi32, #tpu.memory_space<hbm>>
      %dma_wait3A_111 = tpu.memref_squeeze %dma_wait3A_110 : memref<1x80x128xi32, #tpu.memory_space<hbm>> -> memref<80x128xi32, #tpu.memory_space<hbm>>
      tpu.wait_dma2 semaphore(%run_scoped3A : memref<!tpu.dma_semaphore, #tpu.memory_space<semaphore_mem>>) src(%dma_wait3A_111 : memref<80x128xi32, #tpu.memory_space<hbm>>) dst(%arg6 : memref<80x128xi32, #tpu.memory_space<vmem>>)
      tpu.yield
    }) : () -> ()
    "tpu.region"() ({
      %run_scoped3A = tpu.sem_alloc : memref<!tpu.dma_semaphore, #tpu.memory_space<semaphore_mem>>
      %dma_start3A_96 = arith.constant 0 : i32
      %dma_start3A_97 = arith.constant 0 : i32
      %dma_start3A_98 = tpu.memref_slice %arg4[%add3A, %dma_start3A_96, %dma_start3A_97] : memref<32x80x128xi32, #tpu.memory_space<hbm>> -> memref<1x80x128xi32, #tpu.memory_space<hbm>>
      %dma_start3A_99 = tpu.memref_squeeze %dma_start3A_98 : memref<1x80x128xi32, #tpu.memory_space<hbm>> -> memref<80x128xi32, #tpu.memory_space<hbm>>
      %dma_start3A_100 = arith.constant 0 : i32
      %dma_start3A_101 = arith.constant 0 : i32
      %dma_start3A_102 = tpu.memref_slice %arg4[%add3A, %dma_start3A_100, %dma_start3A_101] : memref<32x80x128xi32, #tpu.memory_space<hbm>> -> memref<1x80x128xi32, #tpu.memory_space<hbm>>
      %dma_start3A_103 = tpu.memref_squeeze %dma_start3A_102 : memref<1x80x128xi32, #tpu.memory_space<hbm>> -> memref<80x128xi32, #tpu.memory_space<hbm>>
      tpu.enqueue_dma source(%dma_start3A_103 : memref<80x128xi32, #tpu.memory_space<hbm>>) target(%arg7 : memref<80x128xi32, #tpu.memory_space<vmem>>) target_semaphore(%run_scoped3A : memref<!tpu.dma_semaphore, #tpu.memory_space<semaphore_mem>>)
      %dma_wait3A_104 = arith.constant 0 : i32
      %dma_wait3A_105 = arith.constant 0 : i32
      %dma_wait3A_106 = tpu.memref_slice %arg4[%add3A, %dma_wait3A_104, %dma_wait3A_105] : memref<32x80x128xi32, #tpu.memory_space<hbm>> -> memref<1x80x128xi32, #tpu.memory_space<hbm>>
      %dma_wait3A_107 = tpu.memref_squeeze %dma_wait3A_106 : memref<1x80x128xi32, #tpu.memory_space<hbm>> -> memref<80x128xi32, #tpu.memory_space<hbm>>
      %dma_wait3A_108 = arith.constant 0 : i32
      %dma_wait3A_109 = arith.constant 0 : i32
      %dma_wait3A_110 = tpu.memref_slice %arg4[%add3A, %dma_wait3A_108, %dma_wait3A_109] : memref<32x80x128xi32, #tpu.memory_space<hbm>> -> memref<1x80x128xi32, #tpu.memory_space<hbm>>
      %dma_wait3A_111 = tpu.memref_squeeze %dma_wait3A_110 : memref<1x80x128xi32, #tpu.memory_space<hbm>> -> memref<80x128xi32, #tpu.memory_space<hbm>>
      tpu.wait_dma2 semaphore(%run_scoped3A : memref<!tpu.dma_semaphore, #tpu.memory_space<semaphore_mem>>) src(%dma_wait3A_111 : memref<80x128xi32, #tpu.memory_space<hbm>>) dst(%arg7 : memref<80x128xi32, #tpu.memory_space<vmem>>)
      tpu.yield
    }) : () -> ()
    %broadcast_in_dim3A = arith.constant 0.000000e+00 : f32
    %broadcast_in_dim3A_1 = vector.broadcast %broadcast_in_dim3A : f32 to vector<16xf32>
    %scan3A = arith.constant 0 : i32
    %scan3A_2 = arith.constant 0 : i32
    %scan3A_3 = arith.constant 128 : i32
    %scan3A_4 = arith.addi %scan3A_2, %scan3A_3 : i32
    %scan3A_5 = arith.constant 1 : i32
    %scan3A_6 = scf.for %scan3A_96 = %scan3A_2 to %scan3A_4 step %scan3A_5 iter_args(%scan3A_97 = %scan3A) -> (i32)  : i32 {
      %scan3A_98 = arith.constant 0 : i32
      %scan3A_99 = arith.constant 0 : i32
      %scan3A_100 = arith.constant 8 : i32
      %scan3A_101 = arith.addi %scan3A_99, %scan3A_100 : i32
      %scan3A_102 = arith.constant 1 : i32
      %scan3A_103 = scf.for %scan3A_106 = %scan3A_99 to %scan3A_101 step %scan3A_102 iter_args(%scan3A_107 = %scan3A_98) -> (i32)  : i32 {
        %mul3A_108 = arith.constant 16 : i32
        %mul3A_109 = arith.muli %scan3A_106, %mul3A_108 : i32
        %swap3A = arith.index_cast %scan3A_96 : i32 to index
        %swap3A_110 = arith.index_cast %mul3A_109 : i32 to index
        %swap3A_111 = tpu.vector_load %arg8[%swap3A, %swap3A_110] {strides = array<i32>} : memref<128x128xf32, #tpu.memory_space<vmem>>, vector<1x16xf32>,
        %swap3A_112 = vector.shape_cast %swap3A_111 : vector<1x16xf32> to vector<16xf32>
        %swap3A_113 = vector.shape_cast %broadcast_in_dim3A_1 : vector<16xf32> to vector<1x16xf32>
        tpu.vector_store %arg8[%swap3A, %swap3A_110], %swap3A_113 {strides = array<i32>} : memref<128x128xf32, #tpu.memory_space<vmem>>, vector<1x16xf32>,
        %scan3A_114 = arith.constant 0 : i32
        scf.yield %scan3A_114 : i32
      }
      %scan3A_104 = arith.constant 8 : i32
      %scan3A_105 = arith.constant 0 : i32
      scf.yield %scan3A_105 : i32
    }
    %scan3A_7 = arith.constant 128 : i32
    %mul3A_8 = arith.constant 640 : i32
    %mul3A_9 = arith.muli %arg1, %mul3A_8 : i32
    %add3A_10 = arith.constant 0 : i32
    %add3A_11 = arith.addi %mul3A_9, %add3A_10 : i32
    "tpu.region"() ({
      %run_scoped3A = tpu.sem_alloc : memref<!tpu.dma_semaphore, #tpu.memory_space<semaphore_mem>>
      %dma_start3A_96 = arith.constant 0 : i32
      %dma_start3A_97 = tpu.memref_slice %arg9[%add3A_11, %dma_start3A_96] : memref<10240x128xf32, #tpu.memory_space<vmem_shared>> -> memref<128x128xf32, #tpu.memory_space<vmem_shared>>
      %dma_start3A_98 = arith.constant 0 : i32
      %dma_start3A_99 = tpu.memref_slice %arg9[%add3A_11, %dma_start3A_98] : memref<10240x128xf32, #tpu.memory_space<vmem_shared>> -> memref<128x128xf32, #tpu.memory_space<vmem_shared>>
      tpu.enqueue_dma source(%arg8 : memref<128x128xf32, #tpu.memory_space<vmem>>) target(%dma_start3A_99 : memref<128x128xf32, #tpu.memory_space<vmem_shared>>) target_semaphore(%run_scoped3A : memref<!tpu.dma_semaphore, #tpu.memory_space<semaphore_mem>>)
      %dma_wait3A_100 = arith.constant 0 : i32
      %dma_wait3A_101 = tpu.memref_slice %arg9[%add3A_11, %dma_wait3A_100] : memref<10240x128xf32, #tpu.memory_space<vmem_shared>> -> memref<128x128xf32, #tpu.memory_space<vmem_shared>>
      %dma_wait3A_102 = arith.constant 0 : i32
      %dma_wait3A_103 = tpu.memref_slice %arg9[%add3A_11, %dma_wait3A_102] : memref<10240x128xf32, #tpu.memory_space<vmem_shared>> -> memref<128x128xf32, #tpu.memory_space<vmem_shared>>
      tpu.wait_dma2 semaphore(%run_scoped3A : memref<!tpu.dma_semaphore, #tpu.memory_space<semaphore_mem>>) src(%arg8 : memref<128x128xf32, #tpu.memory_space<vmem>>) dst(%dma_wait3A_103 : memref<128x128xf32, #tpu.memory_space<vmem_shared>>)
      tpu.yield
    }) : () -> ()
    %add3A_12 = arith.constant 128 : i32
    %add3A_13 = arith.addi %mul3A_9, %add3A_12 : i32
    "tpu.region"() ({
      %run_scoped3A = tpu.sem_alloc : memref<!tpu.dma_semaphore, #tpu.memory_space<semaphore_mem>>
      %dma_start3A_96 = arith.constant 0 : i32
      %dma_start3A_97 = tpu.memref_slice %arg9[%add3A_13, %dma_start3A_96] : memref<10240x128xf32, #tpu.memory_space<vmem_shared>> -> memref<128x128xf32, #tpu.memory_space<vmem_shared>>
      %dma_start3A_98 = arith.constant 0 : i32
      %dma_start3A_99 = tpu.memref_slice %arg9[%add3A_13, %dma_start3A_98] : memref<10240x128xf32, #tpu.memory_space<vmem_shared>> -> memref<128x128xf32, #tpu.memory_space<vmem_shared>>
      tpu.enqueue_dma source(%arg8 : memref<128x128xf32, #tpu.memory_space<vmem>>) target(%dma_start3A_99 : memref<128x128xf32, #tpu.memory_space<vmem_shared>>) target_semaphore(%run_scoped3A : memref<!tpu.dma_semaphore, #tpu.memory_space<semaphore_mem>>)
      %dma_wait3A_100 = arith.constant 0 : i32
      %dma_wait3A_101 = tpu.memref_slice %arg9[%add3A_13, %dma_wait3A_100] : memref<10240x128xf32, #tpu.memory_space<vmem_shared>> -> memref<128x128xf32, #tpu.memory_space<vmem_shared>>
      %dma_wait3A_102 = arith.constant 0 : i32
      %dma_wait3A_103 = tpu.memref_slice %arg9[%add3A_13, %dma_wait3A_102] : memref<10240x128xf32, #tpu.memory_space<vmem_shared>> -> memref<128x128xf32, #tpu.memory_space<vmem_shared>>
      tpu.wait_dma2 semaphore(%run_scoped3A : memref<!tpu.dma_semaphore, #tpu.memory_space<semaphore_mem>>) src(%arg8 : memref<128x128xf32, #tpu.memory_space<vmem>>) dst(%dma_wait3A_103 : memref<128x128xf32, #tpu.memory_space<vmem_shared>>)
      tpu.yield
    }) : () -> ()
    %add3A_14 = arith.constant 256 : i32
    %add3A_15 = arith.addi %mul3A_9, %add3A_14 : i32
    "tpu.region"() ({
      %run_scoped3A = tpu.sem_alloc : memref<!tpu.dma_semaphore, #tpu.memory_space<semaphore_mem>>
      %dma_start3A_96 = arith.constant 0 : i32
      %dma_start3A_97 = tpu.memref_slice %arg9[%add3A_15, %dma_start3A_96] : memref<10240x128xf32, #tpu.memory_space<vmem_shared>> -> memref<128x128xf32, #tpu.memory_space<vmem_shared>>
      %dma_start3A_98 = arith.constant 0 : i32
      %dma_start3A_99 = tpu.memref_slice %arg9[%add3A_15, %dma_start3A_98] : memref<10240x128xf32, #tpu.memory_space<vmem_shared>> -> memref<128x128xf32, #tpu.memory_space<vmem_shared>>
      tpu.enqueue_dma source(%arg8 : memref<128x128xf32, #tpu.memory_space<vmem>>) target(%dma_start3A_99 : memref<128x128xf32, #tpu.memory_space<vmem_shared>>) target_semaphore(%run_scoped3A : memref<!tpu.dma_semaphore, #tpu.memory_space<semaphore_mem>>)
      %dma_wait3A_100 = arith.constant 0 : i32
      %dma_wait3A_101 = tpu.memref_slice %arg9[%add3A_15, %dma_wait3A_100] : memref<10240x128xf32, #tpu.memory_space<vmem_shared>> -> memref<128x128xf32, #tpu.memory_space<vmem_shared>>
      %dma_wait3A_102 = arith.constant 0 : i32
      %dma_wait3A_103 = tpu.memref_slice %arg9[%add3A_15, %dma_wait3A_102] : memref<10240x128xf32, #tpu.memory_space<vmem_shared>> -> memref<128x128xf32, #tpu.memory_space<vmem_shared>>
      tpu.wait_dma2 semaphore(%run_scoped3A : memref<!tpu.dma_semaphore, #tpu.memory_space<semaphore_mem>>) src(%arg8 : memref<128x128xf32, #tpu.memory_space<vmem>>) dst(%dma_wait3A_103 : memref<128x128xf32, #tpu.memory_space<vmem_shared>>)
      tpu.yield
    }) : () -> ()
    %add3A_16 = arith.constant 384 : i32
    %add3A_17 = arith.addi %mul3A_9, %add3A_16 : i32
    "tpu.region"() ({
      %run_scoped3A = tpu.sem_alloc : memref<!tpu.dma_semaphore, #tpu.memory_space<semaphore_mem>>
      %dma_start3A_96 = arith.constant 0 : i32
      %dma_start3A_97 = tpu.memref_slice %arg9[%add3A_17, %dma_start3A_96] : memref<10240x128xf32, #tpu.memory_space<vmem_shared>> -> memref<128x128xf32, #tpu.memory_space<vmem_shared>>
      %dma_start3A_98 = arith.constant 0 : i32
      %dma_start3A_99 = tpu.memref_slice %arg9[%add3A_17, %dma_start3A_98] : memref<10240x128xf32, #tpu.memory_space<vmem_shared>> -> memref<128x128xf32, #tpu.memory_space<vmem_shared>>
      tpu.enqueue_dma source(%arg8 : memref<128x128xf32, #tpu.memory_space<vmem>>) target(%dma_start3A_99 : memref<128x128xf32, #tpu.memory_space<vmem_shared>>) target_semaphore(%run_scoped3A : memref<!tpu.dma_semaphore, #tpu.memory_space<semaphore_mem>>)
      %dma_wait3A_100 = arith.constant 0 : i32
      %dma_wait3A_101 = tpu.memref_slice %arg9[%add3A_17, %dma_wait3A_100] : memref<10240x128xf32, #tpu.memory_space<vmem_shared>> -> memref<128x128xf32, #tpu.memory_space<vmem_shared>>
      %dma_wait3A_102 = arith.constant 0 : i32
      %dma_wait3A_103 = tpu.memref_slice %arg9[%add3A_17, %dma_wait3A_102] : memref<10240x128xf32, #tpu.memory_space<vmem_shared>> -> memref<128x128xf32, #tpu.memory_space<vmem_shared>>
      tpu.wait_dma2 semaphore(%run_scoped3A : memref<!tpu.dma_semaphore, #tpu.memory_space<semaphore_mem>>) src(%arg8 : memref<128x128xf32, #tpu.memory_space<vmem>>) dst(%dma_wait3A_103 : memref<128x128xf32, #tpu.memory_space<vmem_shared>>)
      tpu.yield
    }) : () -> ()
    %add3A_18 = arith.constant 512 : i32
    %add3A_19 = arith.addi %mul3A_9, %add3A_18 : i32
    "tpu.region"() ({
      %run_scoped3A = tpu.sem_alloc : memref<!tpu.dma_semaphore, #tpu.memory_space<semaphore_mem>>
      %dma_start3A_96 = arith.constant 0 : i32
      %dma_start3A_97 = tpu.memref_slice %arg9[%add3A_19, %dma_start3A_96] : memref<10240x128xf32, #tpu.memory_space<vmem_shared>> -> memref<128x128xf32, #tpu.memory_space<vmem_shared>>
      %dma_start3A_98 = arith.constant 0 : i32
      %dma_start3A_99 = tpu.memref_slice %arg9[%add3A_19, %dma_start3A_98] : memref<10240x128xf32, #tpu.memory_space<vmem_shared>> -> memref<128x128xf32, #tpu.memory_space<vmem_shared>>
      tpu.enqueue_dma source(%arg8 : memref<128x128xf32, #tpu.memory_space<vmem>>) target(%dma_start3A_99 : memref<128x128xf32, #tpu.memory_space<vmem_shared>>) target_semaphore(%run_scoped3A : memref<!tpu.dma_semaphore, #tpu.memory_space<semaphore_mem>>)
      %dma_wait3A_100 = arith.constant 0 : i32
      %dma_wait3A_101 = tpu.memref_slice %arg9[%add3A_19, %dma_wait3A_100] : memref<10240x128xf32, #tpu.memory_space<vmem_shared>> -> memref<128x128xf32, #tpu.memory_space<vmem_shared>>
      %dma_wait3A_102 = arith.constant 0 : i32
      %dma_wait3A_103 = tpu.memref_slice %arg9[%add3A_19, %dma_wait3A_102] : memref<10240x128xf32, #tpu.memory_space<vmem_shared>> -> memref<128x128xf32, #tpu.memory_space<vmem_shared>>
      tpu.wait_dma2 semaphore(%run_scoped3A : memref<!tpu.dma_semaphore, #tpu.memory_space<semaphore_mem>>) src(%arg8 : memref<128x128xf32, #tpu.memory_space<vmem>>) dst(%dma_wait3A_103 : memref<128x128xf32, #tpu.memory_space<vmem_shared>>)
      tpu.yield
    }) : () -> ()
    %barrier3A = arith.constant 0 : index
    tpu.barrier barrier_id(%barrier3A)
    %scan3A_20 = arith.constant 0 : i32
    %scan3A_21 = arith.constant 0 : i32
    %scan3A_22 = arith.constant 80 : i32
    %scan3A_23 = arith.addi %scan3A_21, %scan3A_22 : i32
    %scan3A_24 = arith.constant 1 : i32
    %scan3A_25 = scf.for %scan3A_96 = %scan3A_21 to %scan3A_23 step %scan3A_24 iter_args(%scan3A_97 = %scan3A_20) -> (i32)  : i32 {
      %dma_start3A_98 = arith.constant 0 : i32
      %dma_start3A_99 = tpu.memref_slice %arg6[%scan3A_96, %dma_start3A_98] : memref<80x128xi32, #tpu.memory_space<vmem>> -> memref<1x128xi32, #tpu.memory_space<vmem>>
      %dma_start3A_100 = tpu.memref_squeeze %dma_start3A_99 : memref<1x128xi32, #tpu.memory_space<vmem>> -> memref<128xi32, #tpu.memory_space<vmem>>
      %dma_start3A_101 = arith.constant 0 : i32
      %dma_start3A_102 = arith.constant 0 : i32
      %dma_start3A_103 = tpu.memref_slice %arg2[%dma_start3A_101, %dma_start3A_102] : memref<10240x128xf32, #tpu.memory_space<hbm>> -> memref<10240x128xf32, #tpu.memory_space<hbm>>
      tpu.enqueue_indirect_dma source(%dma_start3A_103 : memref<10240x128xf32, #tpu.memory_space<hbm>>) target(%arg8 : memref<128x128xf32, #tpu.memory_space<vmem>>) offsets(%dma_start3A_100 : memref<128xi32, #tpu.memory_space<vmem>>) semaphore(%arg10 : memref<!tpu.dma_semaphore, #tpu.memory_space<semaphore_mem>>)
      %dma_wait3A_104 = arith.constant 0 : i32
      %dma_wait3A_105 = tpu.memref_slice %arg6[%scan3A_96, %dma_wait3A_104] : memref<80x128xi32, #tpu.memory_space<vmem>> -> memref<1x128xi32, #tpu.memory_space<vmem>>
      %dma_wait3A_106 = tpu.memref_squeeze %dma_wait3A_105 : memref<1x128xi32, #tpu.memory_space<vmem>> -> memref<128xi32, #tpu.memory_space<vmem>>
      %dma_wait3A_107 = arith.constant 0 : i32
      %dma_wait3A_108 = arith.constant 0 : i32
      %dma_wait3A_109 = tpu.memref_slice %arg2[%dma_wait3A_107, %dma_wait3A_108] : memref<10240x128xf32, #tpu.memory_space<hbm>> -> memref<10240x128xf32, #tpu.memory_space<hbm>>
      tpu.wait_indirect_dma semaphore(%arg10 : memref<!tpu.dma_semaphore, #tpu.memory_space<semaphore_mem>>) src(%dma_wait3A_109 : memref<10240x128xf32, #tpu.memory_space<hbm>>) dst(%arg8 : memref<128x128xf32, #tpu.memory_space<vmem>>)
      "tpu.region"() ({
        %run_scoped3A = tpu.sem_alloc : memref<!tpu.dma_semaphore, #tpu.memory_space<semaphore_mem>>
        %dma_start3A_111 = arith.constant 0 : i32
        %dma_start3A_112 = tpu.memref_slice %arg7[%scan3A_96, %dma_start3A_111] : memref<80x128xi32, #tpu.memory_space<vmem>> -> memref<1x128xi32, #tpu.memory_space<vmem>>
        %dma_start3A_113 = tpu.memref_squeeze %dma_start3A_112 : memref<1x128xi32, #tpu.memory_space<vmem>> -> memref<128xi32, #tpu.memory_space<vmem>>
        %dma_start3A_114 = arith.constant 0 : i32
        %dma_start3A_115 = arith.constant 0 : i32
        %dma_start3A_116 = tpu.memref_slice %arg9[%dma_start3A_114, %dma_start3A_115] : memref<10240x128xf32, #tpu.memory_space<vmem_shared>> -> memref<10240x128xf32, #tpu.memory_space<vmem_shared>>
        tpu.enqueue_indirect_dma source(%arg8 : memref<128x128xf32, #tpu.memory_space<vmem>>) target(%dma_start3A_116 : memref<10240x128xf32, #tpu.memory_space<vmem_shared>>) offsets(%dma_start3A_113 : memref<128xi32, #tpu.memory_space<vmem>>) semaphore(%run_scoped3A : memref<!tpu.dma_semaphore, #tpu.memory_space<semaphore_mem>>) {add = true}
        %dma_wait3A_117 = arith.constant 0 : i32
        %dma_wait3A_118 = tpu.memref_slice %arg7[%scan3A_96, %dma_wait3A_117] : memref<80x128xi32, #tpu.memory_space<vmem>> -> memref<1x128xi32, #tpu.memory_space<vmem>>
        %dma_wait3A_119 = tpu.memref_squeeze %dma_wait3A_118 : memref<1x128xi32, #tpu.memory_space<vmem>> -> memref<128xi32, #tpu.memory_space<vmem>>
        %dma_wait3A_120 = arith.constant 0 : i32
        %dma_wait3A_121 = arith.constant 0 : i32
        %dma_wait3A_122 = tpu.memref_slice %arg9[%dma_wait3A_120, %dma_wait3A_121] : memref<10240x128xf32, #tpu.memory_space<vmem_shared>> -> memref<10240x128xf32, #tpu.memory_space<vmem_shared>>
        tpu.wait_indirect_dma semaphore(%run_scoped3A : memref<!tpu.dma_semaphore, #tpu.memory_space<semaphore_mem>>) src(%arg8 : memref<128x128xf32, #tpu.memory_space<vmem>>) dst(%dma_wait3A_122 : memref<10240x128xf32, #tpu.memory_space<vmem_shared>>)
        tpu.yield
      }) : () -> ()
      %scan3A_110 = arith.constant 0 : i32
      scf.yield %scan3A_110 : i32
    }
    %scan3A_26 = arith.constant 80 : i32
    %barrier3A_27 = arith.constant 0 : index
    tpu.barrier barrier_id(%barrier3A_27)
    %add3A_28 = arith.constant 0 : i32
    %add3A_29 = arith.addi %mul3A_9, %add3A_28 : i32
    %dma_start3A = arith.constant 0 : i32
    %dma_start3A_30 = tpu.memref_slice %arg5[%arg0, %add3A_29, %dma_start3A] : memref<2x10240x128xf32, #tpu.memory_space<hbm>> -> memref<1x128x128xf32, #tpu.memory_space<hbm>>
    %dma_start3A_31 = tpu.memref_squeeze %dma_start3A_30 : memref<1x128x128xf32, #tpu.memory_space<hbm>> -> memref<128x128xf32, #tpu.memory_space<hbm>>
    %dma_start3A_32 = arith.constant 0 : i32
    %dma_start3A_33 = tpu.memref_slice %arg9[%add3A_29, %dma_start3A_32] : memref<10240x128xf32, #tpu.memory_space<vmem_shared>> -> memref<128x128xf32, #tpu.memory_space<vmem_shared>>
    tpu.enqueue_dma source(%dma_start3A_33 : memref<128x128xf32, #tpu.memory_space<vmem_shared>>) target(%dma_start3A_31 : memref<128x128xf32, #tpu.memory_space<hbm>>) target_semaphore(%arg11 : memref<!tpu.dma_semaphore, #tpu.memory_space<semaphore_mem>>)
    %add3A_34 = arith.constant 128 : i32
    %add3A_35 = arith.addi %mul3A_9, %add3A_34 : i32
    %dma_start3A_36 = arith.constant 0 : i32
    %dma_start3A_37 = tpu.memref_slice %arg5[%arg0, %add3A_35, %dma_start3A_36] : memref<2x10240x128xf32, #tpu.memory_space<hbm>> -> memref<1x128x128xf32, #tpu.memory_space<hbm>>
    %dma_start3A_38 = tpu.memref_squeeze %dma_start3A_37 : memref<1x128x128xf32, #tpu.memory_space<hbm>> -> memref<128x128xf32, #tpu.memory_space<hbm>>
    %dma_start3A_39 = arith.constant 0 : i32
    %dma_start3A_40 = tpu.memref_slice %arg9[%add3A_35, %dma_start3A_39] : memref<10240x128xf32, #tpu.memory_space<vmem_shared>> -> memref<128x128xf32, #tpu.memory_space<vmem_shared>>
    tpu.enqueue_dma source(%dma_start3A_40 : memref<128x128xf32, #tpu.memory_space<vmem_shared>>) target(%dma_start3A_38 : memref<128x128xf32, #tpu.memory_space<hbm>>) target_semaphore(%arg11 : memref<!tpu.dma_semaphore, #tpu.memory_space<semaphore_mem>>)
    %add3A_41 = arith.constant 256 : i32
    %add3A_42 = arith.addi %mul3A_9, %add3A_41 : i32
    %dma_start3A_43 = arith.constant 0 : i32
    %dma_start3A_44 = tpu.memref_slice %arg5[%arg0, %add3A_42, %dma_start3A_43] : memref<2x10240x128xf32, #tpu.memory_space<hbm>> -> memref<1x128x128xf32, #tpu.memory_space<hbm>>
    %dma_start3A_45 = tpu.memref_squeeze %dma_start3A_44 : memref<1x128x128xf32, #tpu.memory_space<hbm>> -> memref<128x128xf32, #tpu.memory_space<hbm>>
    %dma_start3A_46 = arith.constant 0 : i32
    %dma_start3A_47 = tpu.memref_slice %arg9[%add3A_42, %dma_start3A_46] : memref<10240x128xf32, #tpu.memory_space<vmem_shared>> -> memref<128x128xf32, #tpu.memory_space<vmem_shared>>
    tpu.enqueue_dma source(%dma_start3A_47 : memref<128x128xf32, #tpu.memory_space<vmem_shared>>) target(%dma_start3A_45 : memref<128x128xf32, #tpu.memory_space<hbm>>) target_semaphore(%arg11 : memref<!tpu.dma_semaphore, #tpu.memory_space<semaphore_mem>>)
    %add3A_48 = arith.constant 384 : i32
    %add3A_49 = arith.addi %mul3A_9, %add3A_48 : i32
    %dma_start3A_50 = arith.constant 0 : i32
    %dma_start3A_51 = tpu.memref_slice %arg5[%arg0, %add3A_49, %dma_start3A_50] : memref<2x10240x128xf32, #tpu.memory_space<hbm>> -> memref<1x128x128xf32, #tpu.memory_space<hbm>>
    %dma_start3A_52 = tpu.memref_squeeze %dma_start3A_51 : memref<1x128x128xf32, #tpu.memory_space<hbm>> -> memref<128x128xf32, #tpu.memory_space<hbm>>
    %dma_start3A_53 = arith.constant 0 : i32
    %dma_start3A_54 = tpu.memref_slice %arg9[%add3A_49, %dma_start3A_53] : memref<10240x128xf32, #tpu.memory_space<vmem_shared>> -> memref<128x128xf32, #tpu.memory_space<vmem_shared>>
    tpu.enqueue_dma source(%dma_start3A_54 : memref<128x128xf32, #tpu.memory_space<vmem_shared>>) target(%dma_start3A_52 : memref<128x128xf32, #tpu.memory_space<hbm>>) target_semaphore(%arg11 : memref<!tpu.dma_semaphore, #tpu.memory_space<semaphore_mem>>)
    %add3A_55 = arith.constant 512 : i32
    %add3A_56 = arith.addi %mul3A_9, %add3A_55 : i32
    %dma_start3A_57 = arith.constant 0 : i32
    %dma_start3A_58 = tpu.memref_slice %arg5[%arg0, %add3A_56, %dma_start3A_57] : memref<2x10240x128xf32, #tpu.memory_space<hbm>> -> memref<1x128x128xf32, #tpu.memory_space<hbm>>
    %dma_start3A_59 = tpu.memref_squeeze %dma_start3A_58 : memref<1x128x128xf32, #tpu.memory_space<hbm>> -> memref<128x128xf32, #tpu.memory_space<hbm>>
    %dma_start3A_60 = arith.constant 0 : i32
    %dma_start3A_61 = tpu.memref_slice %arg9[%add3A_56, %dma_start3A_60] : memref<10240x128xf32, #tpu.memory_space<vmem_shared>> -> memref<128x128xf32, #tpu.memory_space<vmem_shared>>
    tpu.enqueue_dma source(%dma_start3A_61 : memref<128x128xf32, #tpu.memory_space<vmem_shared>>) target(%dma_start3A_59 : memref<128x128xf32, #tpu.memory_space<hbm>>) target_semaphore(%arg11 : memref<!tpu.dma_semaphore, #tpu.memory_space<semaphore_mem>>)
    %add3A_62 = arith.constant 0 : i32
    %add3A_63 = arith.addi %mul3A_9, %add3A_62 : i32
    %dma_wait3A = arith.constant 0 : i32
    %dma_wait3A_64 = tpu.memref_slice %arg5[%arg0, %add3A_63, %dma_wait3A] : memref<2x10240x128xf32, #tpu.memory_space<hbm>> -> memref<1x128x128xf32, #tpu.memory_space<hbm>>
    %dma_wait3A_65 = tpu.memref_squeeze %dma_wait3A_64 : memref<1x128x128xf32, #tpu.memory_space<hbm>> -> memref<128x128xf32, #tpu.memory_space<hbm>>
    %dma_wait3A_66 = arith.constant 0 : i32
    %dma_wait3A_67 = tpu.memref_slice %arg9[%add3A_63, %dma_wait3A_66] : memref<10240x128xf32, #tpu.memory_space<vmem_shared>> -> memref<128x128xf32, #tpu.memory_space<vmem_shared>>
    tpu.wait_dma2 semaphore(%arg11 : memref<!tpu.dma_semaphore, #tpu.memory_space<semaphore_mem>>) src(%dma_wait3A_67 : memref<128x128xf32, #tpu.memory_space<vmem_shared>>) dst(%dma_wait3A_65 : memref<128x128xf32, #tpu.memory_space<hbm>>)
    %add3A_68 = arith.constant 128 : i32
    %add3A_69 = arith.addi %mul3A_9, %add3A_68 : i32
    %dma_wait3A_70 = arith.constant 0 : i32
    %dma_wait3A_71 = tpu.memref_slice %arg5[%arg0, %add3A_69, %dma_wait3A_70] : memref<2x10240x128xf32, #tpu.memory_space<hbm>> -> memref<1x128x128xf32, #tpu.memory_space<hbm>>
    %dma_wait3A_72 = tpu.memref_squeeze %dma_wait3A_71 : memref<1x128x128xf32, #tpu.memory_space<hbm>> -> memref<128x128xf32, #tpu.memory_space<hbm>>
    %dma_wait3A_73 = arith.constant 0 : i32
    %dma_wait3A_74 = tpu.memref_slice %arg9[%add3A_69, %dma_wait3A_73] : memref<10240x128xf32, #tpu.memory_space<vmem_shared>> -> memref<128x128xf32, #tpu.memory_space<vmem_shared>>
    tpu.wait_dma2 semaphore(%arg11 : memref<!tpu.dma_semaphore, #tpu.memory_space<semaphore_mem>>) src(%dma_wait3A_74 : memref<128x128xf32, #tpu.memory_space<vmem_shared>>) dst(%dma_wait3A_72 : memref<128x128xf32, #tpu.memory_space<hbm>>)
    %add3A_75 = arith.constant 256 : i32
    %add3A_76 = arith.addi %mul3A_9, %add3A_75 : i32
    %dma_wait3A_77 = arith.constant 0 : i32
    %dma_wait3A_78 = tpu.memref_slice %arg5[%arg0, %add3A_76, %dma_wait3A_77] : memref<2x10240x128xf32, #tpu.memory_space<hbm>> -> memref<1x128x128xf32, #tpu.memory_space<hbm>>
    %dma_wait3A_79 = tpu.memref_squeeze %dma_wait3A_78 : memref<1x128x128xf32, #tpu.memory_space<hbm>> -> memref<128x128xf32, #tpu.memory_space<hbm>>
    %dma_wait3A_80 = arith.constant 0 : i32
    %dma_wait3A_81 = tpu.memref_slice %arg9[%add3A_76, %dma_wait3A_80] : memref<10240x128xf32, #tpu.memory_space<vmem_shared>> -> memref<128x128xf32, #tpu.memory_space<vmem_shared>>
    tpu.wait_dma2 semaphore(%arg11 : memref<!tpu.dma_semaphore, #tpu.memory_space<semaphore_mem>>) src(%dma_wait3A_81 : memref<128x128xf32, #tpu.memory_space<vmem_shared>>) dst(%dma_wait3A_79 : memref<128x128xf32, #tpu.memory_space<hbm>>)
    %add3A_82 = arith.constant 384 : i32
    %add3A_83 = arith.addi %mul3A_9, %add3A_82 : i32
    %dma_wait3A_84 = arith.constant 0 : i32
    %dma_wait3A_85 = tpu.memref_slice %arg5[%arg0, %add3A_83, %dma_wait3A_84] : memref<2x10240x128xf32, #tpu.memory_space<hbm>> -> memref<1x128x128xf32, #tpu.memory_space<hbm>>
    %dma_wait3A_86 = tpu.memref_squeeze %dma_wait3A_85 : memref<1x128x128xf32, #tpu.memory_space<hbm>> -> memref<128x128xf32, #tpu.memory_space<hbm>>
    %dma_wait3A_87 = arith.constant 0 : i32
    %dma_wait3A_88 = tpu.memref_slice %arg9[%add3A_83, %dma_wait3A_87] : memref<10240x128xf32, #tpu.memory_space<vmem_shared>> -> memref<128x128xf32, #tpu.memory_space<vmem_shared>>
    tpu.wait_dma2 semaphore(%arg11 : memref<!tpu.dma_semaphore, #tpu.memory_space<semaphore_mem>>) src(%dma_wait3A_88 : memref<128x128xf32, #tpu.memory_space<vmem_shared>>) dst(%dma_wait3A_86 : memref<128x128xf32, #tpu.memory_space<hbm>>)
    %add3A_89 = arith.constant 512 : i32
    %add3A_90 = arith.addi %mul3A_9, %add3A_89 : i32
    %dma_wait3A_91 = arith.constant 0 : i32
    %dma_wait3A_92 = tpu.memref_slice %arg5[%arg0, %add3A_90, %dma_wait3A_91] : memref<2x10240x128xf32, #tpu.memory_space<hbm>> -> memref<1x128x128xf32, #tpu.memory_space<hbm>>
    %dma_wait3A_93 = tpu.memref_squeeze %dma_wait3A_92 : memref<1x128x128xf32, #tpu.memory_space<hbm>> -> memref<128x128xf32, #tpu.memory_space<hbm>>
    %dma_wait3A_94 = arith.constant 0 : i32
    %dma_wait3A_95 = tpu.memref_slice %arg9[%add3A_90, %dma_wait3A_94] : memref<10240x128xf32, #tpu.memory_space<vmem_shared>> -> memref<128x128xf32, #tpu.memory_space<vmem_shared>>
    tpu.wait_dma2 semaphore(%arg11 : memref<!tpu.dma_semaphore, #tpu.memory_space<semaphore_mem>>) src(%dma_wait3A_95 : memref<128x128xf32, #tpu.memory_space<vmem_shared>>) dst(%dma_wait3A_93 : memref<128x128xf32, #tpu.memory_space<hbm>>)
    return
  }
}

module attributes {stable_mosaic.version = 14 : i64} {
  func.func @_tmid_body(%arg0: i32, %arg1: memref<2x1024x128xf32, #tpu.memory_space<vmem>>, %arg2: memref<1024x128xf32, #tpu.memory_space<vmem>>, %arg3: memref<1024x1xf32, #tpu.memory_space<vmem>>, %arg4: memref<1x128xf32, #tpu.memory_space<vmem>>, %arg5: memref<128x128xf32, #tpu.memory_space<vmem>>, %arg6: memref<1024x128xf32, #tpu.memory_space<vmem>>) attributes {dimension_semantics = [#tpu.dimension_semantics<arbitrary>], iteration_bounds = array<i64: 10>, scalar_prefetch = 0 : i64, scratch_operands = 0 : i64, tpu.core_type = #tpu.core_type<tc>, window_params = [{transform_indices = @transform_0, window_bounds = array<i64: 2, 1024, 128>}, {transform_indices = @transform_1, window_bounds = array<i64: 1024, 128>}, {transform_indices = @transform_2, window_bounds = array<i64: 1024, 1>}, {pipeline_mode = #tpu.pipeline_mode<synchronous>, transform_indices = @transform_3, window_bounds = array<i64: 1, 128>}, {pipeline_mode = #tpu.pipeline_mode<synchronous>, transform_indices = @transform_4, window_bounds = array<i64: 128, 128>}, {transform_indices = @transform_5, window_bounds = array<i64: 1024, 128>}]} {
    %get3A = arith.constant 0 : index
    %get3A_0 = arith.constant 0 : index
    %get3A_1 = vector.load %arg3[%get3A, %get3A_0] : memref<1024x1xf32, #tpu.memory_space<vmem>>, vector<1024x1xf32>
    %get3A_2 = arith.constant 0 : index
    %get3A_3 = arith.constant 0 : index
    %get3A_4 = arith.constant 0 : index
    %get3A_5 = vector.load %arg1[%get3A_2, %get3A_3, %get3A_4] : memref<2x1024x128xf32, #tpu.memory_space<vmem>>, vector<1x1024x128xf32>
    %get3A_6 = vector.shape_cast %get3A_5 : vector<1x1024x128xf32> to vector<1024x128xf32>
    %get3A_7 = arith.constant 1 : index
    %get3A_8 = arith.constant 0 : index
    %get3A_9 = arith.constant 0 : index
    %get3A_10 = vector.load %arg1[%get3A_7, %get3A_8, %get3A_9] : memref<2x1024x128xf32, #tpu.memory_space<vmem>>, vector<1x1024x128xf32>
    %get3A_11 = vector.shape_cast %get3A_10 : vector<1x1024x128xf32> to vector<1024x128xf32>
    %add3A = arith.addf %get3A_6, %get3A_11 : vector<1024x128xf32>
    %get3A_12 = arith.constant 0 : index
    %get3A_13 = arith.constant 0 : index
    %get3A_14 = vector.load %arg2[%get3A_12, %get3A_13] : memref<1024x128xf32, #tpu.memory_space<vmem>>, vector<1024x128xf32>
    %add3A_15 = arith.addf %add3A, %get3A_14 : vector<1024x128xf32>
    %mul3A = vector.broadcast %get3A_1 : vector<1024x1xf32> to vector<1024x128xf32>
    %mul3A_16 = arith.mulf %mul3A, %add3A_15 : vector<1024x128xf32>
    %get3A_17 = arith.constant 0 : index
    %get3A_18 = arith.constant 0 : index
    %get3A_19 = vector.load %arg4[%get3A_17, %get3A_18] : memref<1x128xf32, #tpu.memory_space<vmem>>, vector<1x128xf32>
    %add3A_20 = vector.broadcast %get3A_19 : vector<1x128xf32> to vector<1024x128xf32>
    %add3A_21 = arith.addf %mul3A_16, %add3A_20 : vector<1024x128xf32>
    %max3A = arith.constant 0.000000e+00 : f32
    %max3A_22 = vector.broadcast %max3A : f32 to vector<1024x128xf32>
    %max3A_23 = arith.maximumf %add3A_21, %max3A_22 : vector<1024x128xf32>
    %get3A_24 = arith.constant 0 : index
    %get3A_25 = arith.constant 0 : index
    %get3A_26 = vector.load %arg5[%get3A_24, %get3A_25] : memref<128x128xf32, #tpu.memory_space<vmem>>, vector<128x128xf32>
    %dot_general3A = arith.constant dense<0.000000e+00> : vector<1024x128xf32>
    %dot_general3A_27 = tpu.matmul %max3A_23, %get3A_26, %dot_general3A {dimension_numbers = #tpu.dot_dimension_numbers<[1], [0], [0], [1], [0, 0, 1, 1], [], []>, transpose_lhs_hint = false} : vector<1024x128xf32>, vector<128x128xf32>, vector<1024x128xf32> -> vector<1024x128xf32>
    %mul3A_28 = vector.broadcast %get3A_1 : vector<1024x1xf32> to vector<1024x128xf32>
    %mul3A_29 = arith.mulf %dot_general3A_27, %mul3A_28 : vector<1024x128xf32>
    %swap3A = arith.constant 0 : index
    %swap3A_30 = arith.constant 0 : index
    %swap3A_31 = vector.load %arg6[%swap3A, %swap3A_30] : memref<1024x128xf32, #tpu.memory_space<vmem>>, vector<1024x128xf32>
    tpu.vector_store %arg6[%swap3A, %swap3A_30], %mul3A_29 {strides = array<i32>} : memref<1024x128xf32, #tpu.memory_space<vmem>>, vector<1024x128xf32>,
    return
  }
  func.func @transform_0(%arg0: i32) -> (i32, i32, i32) {
    %c0_i32 = arith.constant 0 : i32
    %c0_i32_0 = arith.constant 0 : i32
    %c0_i32_1 = arith.constant 0 : i32
    return %c0_i32, %arg0, %c0_i32_0 : i32, i32, i32
  }
  func.func @transform_1(%arg0: i32) -> (i32, i32) {
    %c0_i32 = arith.constant 0 : i32
    %c0_i32_0 = arith.constant 0 : i32
    return %arg0, %c0_i32 : i32, i32
  }
  func.func @transform_2(%arg0: i32) -> (i32, i32) {
    %c0_i32 = arith.constant 0 : i32
    %c0_i32_0 = arith.constant 0 : i32
    return %arg0, %c0_i32 : i32, i32
  }
  func.func @transform_3(%arg0: i32) -> (i32, i32) {
    %c0_i32 = arith.constant 0 : i32
    %c0_i32_0 = arith.constant 0 : i32
    %c0_i32_1 = arith.constant 0 : i32
    return %c0_i32, %c0_i32_0 : i32, i32
  }
  func.func @transform_4(%arg0: i32) -> (i32, i32) {
    %c0_i32 = arith.constant 0 : i32
    %c0_i32_0 = arith.constant 0 : i32
    %c0_i32_1 = arith.constant 0 : i32
    return %c0_i32, %c0_i32_0 : i32, i32
  }
  func.func @transform_5(%arg0: i32) -> (i32, i32) {
    %c0_i32 = arith.constant 0 : i32
    %c0_i32_0 = arith.constant 0 : i32
    return %arg0, %c0_i32 : i32, i32
  }
}

module attributes {stable_mosaic.version = 14 : i64} {
  func.func @_t1_body(%arg0: i32, %arg1: memref<2x1024x128xf32, #tpu.memory_space<vmem>>, %arg2: memref<1024x128xf32, #tpu.memory_space<vmem>>, %arg3: memref<128x128xf32, #tpu.memory_space<vmem>>, %arg4: memref<1024x1xf32, #tpu.memory_space<vmem>>, %arg5: memref<1024x128xf32, #tpu.memory_space<vmem>>) attributes {dimension_semantics = [#tpu.dimension_semantics<arbitrary>], iteration_bounds = array<i64: 10>, scalar_prefetch = 0 : i64, scratch_operands = 0 : i64, tpu.core_type = #tpu.core_type<tc>, window_params = [{transform_indices = @transform_0, window_bounds = array<i64: 2, 1024, 128>}, {transform_indices = @transform_1, window_bounds = array<i64: 1024, 128>}, {pipeline_mode = #tpu.pipeline_mode<synchronous>, transform_indices = @transform_2, window_bounds = array<i64: 128, 128>}, {transform_indices = @transform_3, window_bounds = array<i64: 1024, 1>}, {transform_indices = @transform_4, window_bounds = array<i64: 1024, 128>}]} {
    %get3A = arith.constant 0 : index
    %get3A_0 = arith.constant 0 : index
    %get3A_1 = arith.constant 0 : index
    %get3A_2 = vector.load %arg1[%get3A, %get3A_0, %get3A_1] : memref<2x1024x128xf32, #tpu.memory_space<vmem>>, vector<1x1024x1xf32>
    %get3A_3 = vector.shape_cast %get3A_2 : vector<1x1024x1xf32> to vector<1024x1xf32>
    %get3A_4 = arith.constant 1 : index
    %get3A_5 = arith.constant 0 : index
    %get3A_6 = arith.constant 0 : index
    %get3A_7 = vector.load %arg1[%get3A_4, %get3A_5, %get3A_6] : memref<2x1024x128xf32, #tpu.memory_space<vmem>>, vector<1x1024x1xf32>
    %get3A_8 = vector.shape_cast %get3A_7 : vector<1x1024x1xf32> to vector<1024x1xf32>
    %add3A = arith.addf %get3A_3, %get3A_8 : vector<1024x1xf32>
    %add3A_9 = arith.constant 1.000000e+00 : f32
    %add3A_10 = vector.broadcast %add3A_9 : f32 to vector<1024x1xf32>
    %add3A_11 = arith.addf %add3A, %add3A_10 : vector<1024x1xf32>
    %rsqrt3A = math.rsqrt %add3A_11 : vector<1024x1xf32>
    %swap3A = arith.constant 0 : index
    %swap3A_12 = arith.constant 0 : index
    %swap3A_13 = vector.load %arg4[%swap3A, %swap3A_12] : memref<1024x1xf32, #tpu.memory_space<vmem>>, vector<1024x1xf32>
    tpu.vector_store %arg4[%swap3A, %swap3A_12], %rsqrt3A {strides = array<i32>} : memref<1024x1xf32, #tpu.memory_space<vmem>>, vector<1024x1xf32>,
    %get3A_14 = arith.constant 0 : index
    %get3A_15 = arith.constant 0 : index
    %get3A_16 = vector.load %arg2[%get3A_14, %get3A_15] : memref<1024x128xf32, #tpu.memory_space<vmem>>, vector<1024x128xf32>
    %get3A_17 = arith.constant 0 : index
    %get3A_18 = arith.constant 0 : index
    %get3A_19 = vector.load %arg3[%get3A_17, %get3A_18] : memref<128x128xf32, #tpu.memory_space<vmem>>, vector<128x128xf32>
    %dot_general3A = arith.constant dense<0.000000e+00> : vector<1024x128xf32>
    %dot_general3A_20 = tpu.matmul %get3A_16, %get3A_19, %dot_general3A {dimension_numbers = #tpu.dot_dimension_numbers<[1], [0], [0], [1], [0, 0, 1, 1], [], []>, transpose_lhs_hint = false} : vector<1024x128xf32>, vector<128x128xf32>, vector<1024x128xf32> -> vector<1024x128xf32>
    %mul3A = vector.broadcast %rsqrt3A : vector<1024x1xf32> to vector<1024x128xf32>
    %mul3A_21 = arith.mulf %dot_general3A_20, %mul3A : vector<1024x128xf32>
    %swap3A_22 = arith.constant 0 : index
    %swap3A_23 = arith.constant 0 : index
    %swap3A_24 = vector.load %arg5[%swap3A_22, %swap3A_23] : memref<1024x128xf32, #tpu.memory_space<vmem>>, vector<1024x128xf32>
    tpu.vector_store %arg5[%swap3A_22, %swap3A_23], %mul3A_21 {strides = array<i32>} : memref<1024x128xf32, #tpu.memory_space<vmem>>, vector<1024x128xf32>,
    return
  }
  func.func @transform_0(%arg0: i32) -> (i32, i32, i32) {
    %c0_i32 = arith.constant 0 : i32
    %c0_i32_0 = arith.constant 0 : i32
    %c0_i32_1 = arith.constant 0 : i32
    return %c0_i32, %arg0, %c0_i32_0 : i32, i32, i32
  }
  func.func @transform_1(%arg0: i32) -> (i32, i32) {
    %c0_i32 = arith.constant 0 : i32
    %c0_i32_0 = arith.constant 0 : i32
    return %arg0, %c0_i32 : i32, i32
  }
  func.func @transform_2(%arg0: i32) -> (i32, i32) {
    %c0_i32 = arith.constant 0 : i32
    %c0_i32_0 = arith.constant 0 : i32
    %c0_i32_1 = arith.constant 0 : i32
    return %c0_i32, %c0_i32_0 : i32, i32
  }
  func.func @transform_3(%arg0: i32) -> (i32, i32) {
    %c0_i32 = arith.constant 0 : i32
    %c0_i32_0 = arith.constant 0 : i32
    return %arg0, %c0_i32 : i32, i32
  }
  func.func @transform_4(%arg0: i32) -> (i32, i32) {
    %c0_i32 = arith.constant 0 : i32
    %c0_i32_0 = arith.constant 0 : i32
    return %arg0, %c0_i32 : i32, i32
  }
}

module attributes {stable_mosaic.version = 14 : i64} {
  func.func @_t6_body(%arg0: i32, %arg1: memref<2x1024x128xf32, #tpu.memory_space<vmem>>, %arg2: memref<1024x128xf32, #tpu.memory_space<vmem>>, %arg3: memref<1024x1xf32, #tpu.memory_space<vmem>>, %arg4: memref<1x128xf32, #tpu.memory_space<vmem>>, %arg5: memref<1x1x1024xi32, #tpu.memory_space<vmem>>, %arg6: memref<128x128xf32, #tpu.memory_space<vmem>>, %arg7: memref<1x128xf32, #tpu.memory_space<vmem>>, %arg8: memref<128x128xf32, #tpu.memory_space<vmem>>, %arg9: memref<1x128xf32, #tpu.memory_space<vmem>>, %arg10: memref<64x128xf32, #tpu.memory_space<vmem>>, %arg11: memref<64x128xf32, #tpu.memory_space<vmem>>, %arg12: memref<64x1xf32, #tpu.memory_space<vmem>>) attributes {dimension_semantics = [#tpu.dimension_semantics<arbitrary>], iteration_bounds = array<i64: 10>, scalar_prefetch = 0 : i64, scratch_operands = 2 : i64, tpu.core_type = #tpu.core_type<tc>, window_params = [{transform_indices = @transform_0, window_bounds = array<i64: 2, 1024, 128>}, {transform_indices = @transform_1, window_bounds = array<i64: 1024, 128>}, {transform_indices = @transform_2, window_bounds = array<i64: 1024, 1>}, {pipeline_mode = #tpu.pipeline_mode<synchronous>, transform_indices = @transform_3, window_bounds = array<i64: 1, 128>}, {transform_indices = @transform_4, window_bounds = array<i64: 1, 1, 1024>}, {pipeline_mode = #tpu.pipeline_mode<synchronous>, transform_indices = @transform_5, window_bounds = array<i64: 128, 128>}, {pipeline_mode = #tpu.pipeline_mode<synchronous>, transform_indices = @transform_6, window_bounds = array<i64: 1, 128>}, {pipeline_mode = #tpu.pipeline_mode<synchronous>, transform_indices = @transform_7, window_bounds = array<i64: 128, 128>}, {pipeline_mode = #tpu.pipeline_mode<synchronous>, transform_indices = @transform_8, window_bounds = array<i64: 1, 128>}, {pipeline_mode = #tpu.pipeline_mode<synchronous>, transform_indices = @transform_9, window_bounds = array<i64: 64, 128>}]} {
    %eq3A = arith.constant 0 : i32
    %eq3A_0 = arith.cmpi eq, %arg0, %eq3A : i32
    %convert_element_type3A = arith.extui %eq3A_0 : i1 to i32
    %cond3A = arith.constant 0 : i32
    %cond3A_1 = arith.cmpi ne, %convert_element_type3A, %cond3A : i32
    scf.if %cond3A_1 {
      %broadcast_in_dim3A_56 = arith.constant 0.000000e+00 : f32
      %broadcast_in_dim3A_57 = vector.broadcast %broadcast_in_dim3A_56 : f32 to vector<64x128xf32>
      %swap3A_58 = arith.constant 0 : index
      %swap3A_59 = arith.constant 0 : index
      %swap3A_60 = vector.load %arg11[%swap3A_58, %swap3A_59] : memref<64x128xf32, #tpu.memory_space<vmem>>, vector<64x128xf32>
      tpu.vector_store %arg11[%swap3A_58, %swap3A_59], %broadcast_in_dim3A_57 {strides = array<i32>} : memref<64x128xf32, #tpu.memory_space<vmem>>, vector<64x128xf32>,
      %broadcast_in_dim3A_61 = arith.constant 0.000000e+00 : f32
      %broadcast_in_dim3A_62 = vector.broadcast %broadcast_in_dim3A_61 : f32 to vector<64x1xf32>
      %swap3A_63 = arith.constant 0 : index
      %swap3A_64 = arith.constant 0 : index
      %swap3A_65 = vector.load %arg12[%swap3A_63, %swap3A_64] : memref<64x1xf32, #tpu.memory_space<vmem>>, vector<64x1xf32>
      tpu.vector_store %arg12[%swap3A_63, %swap3A_64], %broadcast_in_dim3A_62 {strides = array<i32>} : memref<64x1xf32, #tpu.memory_space<vmem>>, vector<64x1xf32>,
    } else {
    }
    %get3A = arith.constant 0 : index
    %get3A_2 = arith.constant 0 : index
    %get3A_3 = vector.load %arg3[%get3A, %get3A_2] : memref<1024x1xf32, #tpu.memory_space<vmem>>, vector<1024x1xf32>
    %get3A_4 = arith.constant 0 : index
    %get3A_5 = arith.constant 0 : index
    %get3A_6 = arith.constant 0 : index
    %get3A_7 = vector.load %arg1[%get3A_4, %get3A_5, %get3A_6] : memref<2x1024x128xf32, #tpu.memory_space<vmem>>, vector<1x1024x128xf32>
    %get3A_8 = vector.shape_cast %get3A_7 : vector<1x1024x128xf32> to vector<1024x128xf32>
    %get3A_9 = arith.constant 1 : index
    %get3A_10 = arith.constant 0 : index
    %get3A_11 = arith.constant 0 : index
    %get3A_12 = vector.load %arg1[%get3A_9, %get3A_10, %get3A_11] : memref<2x1024x128xf32, #tpu.memory_space<vmem>>, vector<1x1024x128xf32>
    %get3A_13 = vector.shape_cast %get3A_12 : vector<1x1024x128xf32> to vector<1024x128xf32>
    %add3A = arith.addf %get3A_8, %get3A_13 : vector<1024x128xf32>
    %get3A_14 = arith.constant 0 : index
    %get3A_15 = arith.constant 0 : index
    %get3A_16 = vector.load %arg2[%get3A_14, %get3A_15] : memref<1024x128xf32, #tpu.memory_space<vmem>>, vector<1024x128xf32>
    %add3A_17 = arith.addf %add3A, %get3A_16 : vector<1024x128xf32>
    %mul3A = vector.broadcast %get3A_3 : vector<1024x1xf32> to vector<1024x128xf32>
    %mul3A_18 = arith.mulf %mul3A, %add3A_17 : vector<1024x128xf32>
    %get3A_19 = arith.constant 0 : index
    %get3A_20 = arith.constant 0 : index
    %get3A_21 = vector.load %arg4[%get3A_19, %get3A_20] : memref<1x128xf32, #tpu.memory_space<vmem>>, vector<1x128xf32>
    %add3A_22 = vector.broadcast %get3A_21 : vector<1x128xf32> to vector<1024x128xf32>
    %add3A_23 = arith.addf %mul3A_18, %add3A_22 : vector<1024x128xf32>
    %max3A = arith.constant 0.000000e+00 : f32
    %max3A_24 = vector.broadcast %max3A : f32 to vector<1024x128xf32>
    %max3A_25 = arith.maximumf %add3A_23, %max3A_24 : vector<1024x128xf32>
    %get3A_26 = arith.constant 0 : index
    %get3A_27 = arith.constant 0 : index
    %get3A_28 = arith.constant 0 : index
    %get3A_29 = vector.load %arg5[%get3A_26, %get3A_27, %get3A_28] : memref<1x1x1024xi32, #tpu.memory_space<vmem>>, vector<1x1x1024xi32>
    %get3A_30 = vector.shape_cast %get3A_29 : vector<1x1x1024xi32> to vector<1024xi32>
    %broadcast_in_dim3A = vector.shape_cast %get3A_30 : vector<1024xi32> to vector<1x1024xi32>
    %iota3A = tpu.iota {dimensions = array<i32: 0>} : vector<64x1024xi32>
    %eq3A_31 = vector.broadcast %broadcast_in_dim3A : vector<1x1024xi32> to vector<64x1024xi32>
    %eq3A_32 = arith.cmpi eq, %eq3A_31, %iota3A : vector<64x1024xi32>
    %convert_element_type3A_33 = arith.extui %eq3A_32 : vector<64x1024xi1> to vector<64x1024xi32>
    %convert_element_type3A_34 = arith.sitofp %convert_element_type3A_33 : vector<64x1024xi32> to vector<64x1024xf32>
    %get3A_35 = arith.constant 0 : index
    %get3A_36 = arith.constant 0 : index
    %get3A_37 = vector.load %arg11[%get3A_35, %get3A_36] : memref<64x128xf32, #tpu.memory_space<vmem>>, vector<64x128xf32>
    %dot_general3A = arith.constant dense<0.000000e+00> : vector<64x128xf32>
    %dot_general3A_38 = tpu.matmul %convert_element_type3A_34, %max3A_25, %dot_general3A {dimension_numbers = #tpu.dot_dimension_numbers<[1], [0], [0], [1], [0, 0, 1, 1], [], []>, transpose_lhs_hint = false} : vector<64x1024xf32>, vector<1024x128xf32>, vector<64x128xf32> -> vector<64x128xf32>
    %add3A_39 = arith.addf %get3A_37, %dot_general3A_38 : vector<64x128xf32>
    %swap3A = arith.constant 0 : index
    %swap3A_40 = arith.constant 0 : index
    %swap3A_41 = vector.load %arg11[%swap3A, %swap3A_40] : memref<64x128xf32, #tpu.memory_space<vmem>>, vector<64x128xf32>
    tpu.vector_store %arg11[%swap3A, %swap3A_40], %add3A_39 {strides = array<i32>} : memref<64x128xf32, #tpu.memory_space<vmem>>, vector<64x128xf32>,
    %get3A_42 = arith.constant 0 : index
    %get3A_43 = arith.constant 0 : index
    %get3A_44 = vector.load %arg12[%get3A_42, %get3A_43] : memref<64x1xf32, #tpu.memory_space<vmem>>, vector<64x1xf32>
    %reduce_sum3A = arith.constant dense<0.000000e+00> : vector<64xf32>
    %reduce_sum3A_45 = vector.multi_reduction <add>, %convert_element_type3A_34, %reduce_sum3A [1] : vector<64x1024xf32> to vector<64xf32>
    %broadcast_in_dim3A_46 = vector.shape_cast %reduce_sum3A_45 : vector<64xf32> to vector<64x1xf32>
    %add3A_47 = arith.addf %get3A_44, %broadcast_in_dim3A_46 : vector<64x1xf32>
    %swap3A_48 = arith.constant 0 : index
    %swap3A_49 = arith.constant 0 : index
    %swap3A_50 = vector.load %arg12[%swap3A_48, %swap3A_49] : memref<64x1xf32, #tpu.memory_space<vmem>>, vector<64x1xf32>
    tpu.vector_store %arg12[%swap3A_48, %swap3A_49], %add3A_47 {strides = array<i32>} : memref<64x1xf32, #tpu.memory_space<vmem>>, vector<64x1xf32>,
    %eq3A_51 = arith.constant 9 : i32
    %eq3A_52 = arith.cmpi eq, %arg0, %eq3A_51 : i32
    %convert_element_type3A_53 = arith.extui %eq3A_52 : i1 to i32
    %cond3A_54 = arith.constant 0 : i32
    %cond3A_55 = arith.cmpi ne, %convert_element_type3A_53, %cond3A_54 : i32
    scf.if %cond3A_55 {
      %get3A_56 = arith.constant 0 : index
      %get3A_57 = arith.constant 0 : index
      %get3A_58 = vector.load %arg11[%get3A_56, %get3A_57] : memref<64x128xf32, #tpu.memory_space<vmem>>, vector<64x128xf32>
      %get3A_59 = arith.constant 0 : index
      %get3A_60 = arith.constant 0 : index
      %get3A_61 = vector.load %arg12[%get3A_59, %get3A_60] : memref<64x1xf32, #tpu.memory_space<vmem>>, vector<64x1xf32>
      %max3A_62 = arith.constant 1.000000e+00 : f32
      %max3A_63 = vector.broadcast %max3A_62 : f32 to vector<64x1xf32>
      %max3A_64 = arith.maximumf %get3A_61, %max3A_63 : vector<64x1xf32>
      %div3A = vector.broadcast %max3A_64 : vector<64x1xf32> to vector<64x128xf32>
      %div3A_65 = arith.divf %get3A_58, %div3A : vector<64x128xf32>
      %get3A_66 = arith.constant 0 : index
      %get3A_67 = arith.constant 0 : index
      %get3A_68 = vector.load %arg6[%get3A_66, %get3A_67] : memref<128x128xf32, #tpu.memory_space<vmem>>, vector<128x128xf32>
      %dot_general3A_69 = arith.constant dense<0.000000e+00> : vector<64x128xf32>
      %dot_general3A_70 = tpu.matmul %div3A_65, %get3A_68, %dot_general3A_69 {dimension_numbers = #tpu.dot_dimension_numbers<[1], [0], [0], [1], [0, 0, 1, 1], [], []>, transpose_lhs_hint = false} : vector<64x128xf32>, vector<128x128xf32>, vector<64x128xf32> -> vector<64x128xf32>
      %get3A_71 = arith.constant 0 : index
      %get3A_72 = arith.constant 0 : index
      %get3A_73 = vector.load %arg7[%get3A_71, %get3A_72] : memref<1x128xf32, #tpu.memory_space<vmem>>, vector<1x128xf32>
      %add3A_74 = vector.broadcast %get3A_73 : vector<1x128xf32> to vector<64x128xf32>
      %add3A_75 = arith.addf %dot_general3A_70, %add3A_74 : vector<64x128xf32>
      %max3A_76 = arith.constant 0.000000e+00 : f32
      %max3A_77 = vector.broadcast %max3A_76 : f32 to vector<64x128xf32>
      %max3A_78 = arith.maximumf %add3A_75, %max3A_77 : vector<64x128xf32>
      %get3A_79 = arith.constant 0 : index
      %get3A_80 = arith.constant 0 : index
      %get3A_81 = vector.load %arg8[%get3A_79, %get3A_80] : memref<128x128xf32, #tpu.memory_space<vmem>>, vector<128x128xf32>
      %dot_general3A_82 = arith.constant dense<0.000000e+00> : vector<64x128xf32>
      %dot_general3A_83 = tpu.matmul %max3A_78, %get3A_81, %dot_general3A_82 {dimension_numbers = #tpu.dot_dimension_numbers<[1], [0], [0], [1], [0, 0, 1, 1], [], []>, transpose_lhs_hint = false} : vector<64x128xf32>, vector<128x128xf32>, vector<64x128xf32> -> vector<64x128xf32>
      %get3A_84 = arith.constant 0 : index
      %get3A_85 = arith.constant 0 : index
      %get3A_86 = vector.load %arg9[%get3A_84, %get3A_85] : memref<1x128xf32, #tpu.memory_space<vmem>>, vector<1x128xf32>
      %add3A_87 = vector.broadcast %get3A_86 : vector<1x128xf32> to vector<64x128xf32>
      %add3A_88 = arith.addf %dot_general3A_83, %add3A_87 : vector<64x128xf32>
      %swap3A_89 = arith.constant 0 : index
      %swap3A_90 = arith.constant 0 : index
      %swap3A_91 = vector.load %arg10[%swap3A_89, %swap3A_90] : memref<64x128xf32, #tpu.memory_space<vmem>>, vector<64x128xf32>
      tpu.vector_store %arg10[%swap3A_89, %swap3A_90], %add3A_88 {strides = array<i32>} : memref<64x128xf32, #tpu.memory_space<vmem>>, vector<64x128xf32>,
    } else {
    }
    return
  }
  func.func @transform_0(%arg0: i32) -> (i32, i32, i32) {
    %c0_i32 = arith.constant 0 : i32
    %c0_i32_0 = arith.constant 0 : i32
    %c0_i32_1 = arith.constant 0 : i32
    return %c0_i32, %arg0, %c0_i32_0 : i32, i32, i32
  }
  func.func @transform_1(%arg0: i32) -> (i32, i32) {
    %c0_i32 = arith.constant 0 : i32
    %c0_i32_0 = arith.constant 0 : i32
    return %arg0, %c0_i32 : i32, i32
  }
  func.func @transform_2(%arg0: i32) -> (i32, i32) {
    %c0_i32 = arith.constant 0 : i32
    %c0_i32_0 = arith.constant 0 : i32
    return %arg0, %c0_i32 : i32, i32
  }
  func.func @transform_3(%arg0: i32) -> (i32, i32) {
    %c0_i32 = arith.constant 0 : i32
    %c0_i32_0 = arith.constant 0 : i32
    %c0_i32_1 = arith.constant 0 : i32
    return %c0_i32, %c0_i32_0 : i32, i32
  }
  func.func @transform_4(%arg0: i32) -> (i32, i32, i32) {
    %c0_i32 = arith.constant 0 : i32
    %c0_i32_0 = arith.constant 0 : i32
    %c0_i32_1 = arith.constant 0 : i32
    return %arg0, %c0_i32, %c0_i32_0 : i32, i32, i32
  }
  func.func @transform_5(%arg0: i32) -> (i32, i32) {
    %c0_i32 = arith.constant 0 : i32
    %c0_i32_0 = arith.constant 0 : i32
    %c0_i32_1 = arith.constant 0 : i32
    return %c0_i32, %c0_i32_0 : i32, i32
  }
  func.func @transform_6(%arg0: i32) -> (i32, i32) {
    %c0_i32 = arith.constant 0 : i32
    %c0_i32_0 = arith.constant 0 : i32
    %c0_i32_1 = arith.constant 0 : i32
    return %c0_i32, %c0_i32_0 : i32, i32
  }
  func.func @transform_7(%arg0: i32) -> (i32, i32) {
    %c0_i32 = arith.constant 0 : i32
    %c0_i32_0 = arith.constant 0 : i32
    %c0_i32_1 = arith.constant 0 : i32
    return %c0_i32, %c0_i32_0 : i32, i32
  }
  func.func @transform_8(%arg0: i32) -> (i32, i32) {
    %c0_i32 = arith.constant 0 : i32
    %c0_i32_0 = arith.constant 0 : i32
    %c0_i32_1 = arith.constant 0 : i32
    return %c0_i32, %c0_i32_0 : i32, i32
  }
  func.func @transform_9(%arg0: i32) -> (i32, i32) {
    %c0_i32 = arith.constant 0 : i32
    %c0_i32_0 = arith.constant 0 : i32
    %c0_i32_1 = arith.constant 0 : i32
    return %c0_i32, %c0_i32_0 : i32, i32
  }
}

</mosaic_0001>

<sc_bundles>
// kernel: kernel.14.cloned.1.call-start
scs
__scs_entry_jumppad:
0x0: {  	(pc) =	sbr.rel $0x88, $3  }
0x1: {  	(tag) =	ssettag $0x0;
	lr =	simm.s32 $0x1  }
0x2: {  	[smem:$0x3F90] =	sst lr;
	_ =	strace $0xD0000000  }
0x3: {  	_ = 	snop  }
0x4: {  	_ = 	snop  }
0x5: {  	_ = 	snop  }
0x6: {  	_ = 	snop  }
0x7: {  	_ = 	snop  }
__scs_overlays_trampoline_lowered:
0x8: {  	[smem:$0x3F9F] =	sst s0  }
0x9: {  	[smem:$0x3FA0] =	sst s1  }
0xa: {  	[smem:$0x3FA1] =	sst s2  }
0xb: {  	[smem:$0x3FA2] =	sst s3  }
0xc: {  	[smem:$0x3FA3] =	sst s4  }
0xd: {  	[smem:$0x3FA4] =	sst s5  }
0xe: {  	[smem:$0x3FA5] =	sst s6  }
0xf: {  	[smem:$0x3FA6] =	sst s7  }
0x10: {  	[smem:$0x3FA7] =	sst s8  }
0x11: {  	[smem:$0x3FA8] =	sst s9;
	s0 =	simm.s32 @!p0 $0x0  }
0x12: {  	s1 =	sld [smem:$0x3F8E];
	s0 =	simm.s32 @p0 $0x1  }
0x13: {  	[smem:$0x3FA9] =	sst s0;
	s0 =	simm.s32 @!p1 $0x0  }
0x14: {  	s2 =	sld [smem:$0x3F8D];
	s0 =	simm.s32 @p1 $0x1  }
0x15: {  	[smem:$0x3FAA] =	sst s0;
	s0 =	simm.s32 @!p2 $0x0  }
0x16: {  	s3 =	sld [smem:$0x3FDB];
	s0 =	simm.s32 @p2 $0x1  }
0x17: {  	s4 =	simm.s32 $0x1BF5;
	[smem:$0x3FAC] =	sst s0  }
0x18: {  	s0 =	sld [smem:$0x3F8F];
	_ =	swait.ge [sflag:s4], $0x0  }
0x19: {  	s7 =	sld [smem:$0x3F90]  }
0x1a: {  	s8 =	sadd.s32 $0xFFFFE003, lr  }
0x1b: {  	s9 =	sadd.s32 $0xFFFFFEF7, lr;
	s5 =	simm.s32 $0xFFFFFFFF;
	p2 =	slt.u32 s8, $0xFFFFF086  }
0x1c: {  	p1 =	slt.u32 s9, $0xF7A;
	s5 =	simm.s32 @!p2 $0x0  }
0x1d: {  	s5 =	simm.s32 @p1 $0x1;
	p0 =	seq.s32 s7, s2  }
0x1e: {  	s7 =	smul.u32 @!p0 $0xF7A, s2;
	p2 =	seq.s32 @!p0 s5, $0x0  }
0x1f: {  	s9 =	smul.u32 $0xF7A, s1;
	s8 =	simm.s32 @!p0 $0x1BF5;
	p2 =	por !p2, p0  }
0x20: {  	[sflag:s8] =	ssyncset.s32 @!p0 $0xFFFFF086;
	s6 =	sadd.s32 @!p0 s3, s7;
	s7 =	simm.s32 @!p0 $0x108  }
0x21: {  	s3 =	sadd.s32 s3, s9;
	s6 =	sadd.s32 @!p0 $0x88, s6;
	s7 =	simm.s32 @p2 $0x1082  }
0x22: {  	[simem:s7], [sflag:s8] =	dma.local @!p0 [hbm:s6], $0xF7A  }
0x23: {  	s9 =	sor.u32 $0xD0000000, s2;
	s6 =	simm.s32 $0x108;
	_ =	swait.ge @!p0 [sflag:s8], $0x0  }
0x24: {  	s3 =	sadd.s32 $0x88, s3;
	s6 =	simm.s32 @!p1 $0x1082;
	[sflag:s4] =	ssyncset.s32 $0xFFFFF086  }
0x25: {  	[simem:s6], [sflag:s4] =	dma.local [hbm:s3], $0xF7A  }
0x26: {  	[smem:$0x3F90] =	sst s1;
	(tag) =	ssettag s2;
	_ =	strace s9  }
0x27: {  	s1 =	sld [smem:$0x3FA0]  }
0x28: {  	s2 =	sld [smem:$0x3FA1]  }
0x29: {  	s4 =	sld [smem:$0x3FA3]  }
0x2a: {  	p0 =	seq.s32 s5, $0x0;
	s5 =	sld [smem:$0x3FA4]  }
0x2b: {  	s6 =	sld [smem:$0x3FA5]  }
0x2c: {  	s7 =	sld [smem:$0x3FA6]  }
0x2d: {  	s3 =	simm.s32 $0x108;
	s8 =	sld [smem:$0x3FA7]  }
0x2e: {  	s3 =	simm.s32 @!p0 $0x1082;
	s9 =	sld [smem:$0x3FA8]  }
0x2f: {  	lr =	sadd.s32 s0, s3;
	s0 =	sld [smem:$0x3F9F]  }
0x30: {  	s3 =	sld [smem:$0x3FA2]  }
0x31: {  	[smem:$0x3FAB] =	sst s10  }
0x32: {  	s10 =	sld [smem:$0x3FA9];
	_ =	sdelay $0x3  }
0x33: {  	p0 =	seq.s32 s10, $0x1;
	s10 =	sld [smem:$0x3FAB];
	_ =	sdelay $0x3  }
0x34: {  	[smem:$0x3FAB] =	sst s10  }
0x35: {  	s10 =	sld [smem:$0x3FAA];
	_ =	sdelay $0x3  }
0x36: {  	p1 =	seq.s32 s10, $0x1;
	s10 =	sld [smem:$0x3FAB];
	_ =	sdelay $0x3  }
0x37: {  	[smem:$0x3FAB] =	sst s10  }
0x38: {  	s10 =	sld [smem:$0x3FAC]  }
0x39: {  	_ = 	snop;
	(pc) =	sbr.ind lr, $3  }
0x3a: {  	_ = 	snop  }
0x3b: {  	_ = 	snop  }
0x3c: {  	p2 =	seq.s32 s10, $0x1;
	s10 =	sld [smem:$0x3FAB]  }
0x3d: {  	_ =	shalt  }
0x3e: {  	_ =	shalt  }
0x3f: {  	_ =	shalt  }
0x40: {  	_ =	shalt  }
0x41: {  	_ =	shalt  }
0x42: {  	_ =	shalt  }
0x43: {  	_ =	shalt  }
0x44: {  	_ =	shalt  }
0x45: {  	_ =	shalt  }
0x46: {  	_ =	shalt  }
0x47: {  	_ =	shalt  }
0x48: {  	_ =	shalt  }
0x49: {  	_ =	shalt  }
0x4a: {  	_ =	shalt  }
0x4b: {  	_ =	shalt  }
0x4c: {  	_ =	shalt  }
0x4d: {  	_ =	shalt  }
0x4e: {  	_ =	shalt  }
0x4f: {  	_ =	shalt  }
0x50: {  	_ =	shalt  }
0x51: {  	_ =	shalt  }
0x52: {  	_ =	shalt  }
0x53: {  	_ =	shalt  }
0x54: {  	_ =	shalt  }
0x55: {  	_ =	shalt  }
0x56: {  	_ =	shalt  }
0x57: {  	_ =	shalt  }
0x58: {  	_ =	shalt  }
0x59: {  	_ =	shalt  }
0x5a: {  	_ =	shalt  }
0x5b: {  	_ =	shalt  }
0x5c: {  	_ =	shalt  }
0x5d: {  	_ =	shalt  }
0x5e: {  	_ =	shalt  }
0x5f: {  	_ =	shalt  }
0x60: {  	_ =	shalt  }
0x61: {  	_ =	shalt  }
0x62: {  	_ =	shalt  }
0x63: {  	_ =	shalt  }
0x64: {  	_ =	shalt  }
0x65: {  	_ =	shalt  }
0x66: {  	_ =	shalt  }
0x67: {  	_ =	shalt  }
0x68: {  	_ =	shalt  }
0x69: {  	_ =	shalt  }
0x6a: {  	_ =	shalt  }
0x6b: {  	_ =	shalt  }
0x6c: {  	_ =	shalt  }
0x6d: {  	_ =	shalt  }
0x6e: {  	_ =	shalt  }
0x6f: {  	_ =	shalt  }
0x70: {  	_ =	shalt  }
0x71: {  	_ =	shalt  }
0x72: {  	_ =	shalt  }
0x73: {  	_ =	shalt  }
0x74: {  	_ =	shalt  }
0x75: {  	_ =	shalt  }
0x76: {  	_ =	shalt  }
0x77: {  	_ =	shalt  }
0x78: {  	_ =	shalt  }
0x79: {  	_ =	shalt  }
0x7a: {  	_ =	shalt  }
0x7b: {  	_ =	shalt  }
0x7c: {  	_ =	shalt  }
0x7d: {  	_ =	shalt  }
0x7e: {  	_ =	shalt  }
0x7f: {  	_ =	shalt  }
0x80: {  	_ =	shalt  }
0x81: {  	_ =	shalt  }
0x82: {  	_ =	shalt  }
0x83: {  	_ =	shalt  }
0x84: {  	_ =	shalt  }
0x85: {  	_ =	shalt  }
0x86: {  	_ =	shalt  }
0x87: {  	_ =	shalt  }
.Lfunc_end0:
.L_simem_size_0:
called_computation_lowered:
.L_overlay_start_0:
0x88: {  	s2 =	sld [smem:$0x3FD9]  }
0x89: {  	s3 =	sld [smem:$0x3FFE];
	_ =	sdelay $0x1  }
0x8a: {  	s1 =	srdreg.scid  }
0x8b: {  	s0 =	sand.u32 $0x1, s1  }
0x8c: {  	s16 =	sshll.u32 s0, $0xA;
	s2 =	sadd.s32 s3, s2  }
0x8d: {  	s2 =	sadd.s32 s2, s16  }
0x8e: {  	[smem:$0x3FB7] =	sst s2  }
0x8f: {  	_ = 	snop  }
0x90: {  	(tm) =	ssettm $0x1  }
0x91: {  	s17 =	sld [smem:$0x3FFB];
	_ =	sdelay $0x3  }
0x92: {  	_ =	strace s17  }
0x93: {  	s2 =	sld [smem:$0x3FFC];
	_ =	sdelay $0x3  }
0x94: {  	_ =	strace s2  }
0x95: {  	s2 =	sld [smem:$0x3FFD];
	_ =	sdelay $0x3  }
0x96: {  	_ =	strace s2  }
0x97: {  	_ =	strace $0x8FFFFFFF  }
0x98: {  	s18 =	sld [smem:$0x3FDB];
	_ =	sdelay $0x1  }
0x99: {  	s19 =	simm.s32 $_scs_section_size  }
0x9a: {  	s4 =	simm.s32 $_size__tile_overlayer_lowered;
	s5 =	simm.s32 $_tile_overlayer_lowered  }
0x9b: {  	s22 =	simm.s32 $0x1BFF;
	s21 =	sshll.u32 s5, $0x1;
	s2 =	sadd.s32 s19, s18  }
0x9c: {  	s6 =	simm.s32 $0x0;
	s20 =	sshll.u32 s4, $0x1;
	s4 =	sadd.s32 s21, s2  }
0x9d: {  	[timem:s6], [sflag:s22] =	dma.local [hbm:s4], s20  }
0x9e: {  	_ =	swait.ge [sflag:s22], s20  }
0x9f: {  	s3 =	ssub.s32 $0x0, s20;
	[sflag:s22] =	ssyncset.done $0x0  }
0xa0: {  	[sflag:s22] =	ssyncadd.s32 s3;
	_ =	sdelay $0x1  }
0xa1: {  	s23 =	simm.s32 $0x1B8B  }
0xa2: {  	_ =	swait.ge [sflag:s23], $0x1  }
0xa3: {  	[sflag:s23] =	ssyncset.done $0x0  }
0xa4: {  	s25 =	simm.s32 $0x1B8E;
	s24 =	sld [smem:$0x3FFE];
	[sflag:s23] =	ssyncadd.s32 $0xFFFFFFFF  }
0xa5: {  	s26 =	simm.s32 $execute0_lowered;
	[smem:$0x3FD2] =	sst s25  }
0xa6: {  	s4 =	sshll.u32 s26, $0x1;
	_ =	strace $0x80000046;
	[dreg:$0x1] =	wrdreg $0xFFFFFFFF  }
0xa7: {  	s28 =	simm.s32 $_size_execute0_lowered;
	s2 =	sadd.s32 s2, s4;
	[dreg:$0x0] =	wrdreg $0x0  }
0xa8: {  	s4 =	sshll.u32 s28, $0x1;
	[dreg:$0x2] =	wrdreg s2  }
0xa9: {  	[dreg:$0x3] =	wrdreg s4  }
0xaa: {  	[dreg:$0x4] =	wrdreg $0xC0  }
0xab: {  	_ =	task [dreg:s6], $0x5FFFF  }
0xac: {  	[dreg:$0x1] =	wrdreg $0xFFFFFFFF  }
0xad: {  	[dreg:$0x0] =	wrdreg $0x60  }
0xae: {  	[dreg:$0x2] =	wrdreg s24  }
0xaf: {  	[dreg:$0x3] =	wrdreg $0x90000  }
0xb0: {  	[dreg:$0x4] =	wrdreg $0x9  }
0xb1: {  	_ =	task.clear_ibuf [dreg:s6], $0x5FFFF;
	_ =	strace $0x90000046  }
0xb2: {  	s29 =	simm.s32 $0x9;
	_ =	strace $0x80000048  }
0xb3: {  	_ =	swait.ge [sflag:s29], $0x1  }
0xb4: {  	[sflag:s29] =	ssyncadd.s32 $0xFFFFFFFF  }
0xb5: {  	_ =	strace $0x90000048  }
0xb6: {  	_ =	sfence  }
0xb7: {  	s30 =	sld [smem:$0x0];
	_ =	sdelay $0x2  }
0xb8: {  	s31 =	sshll.u32 s1, $0xD;
	s1 =	sshrl.u32 s1, $0x2  }
0xb9: {  	s3 =	sand.u32 $0x4000, s31;
	s1 =	sadd.s32 s1, s30  }
0xba: {  	s0 =	sor.u32 s3, s0;
	s1 =	sshll.u32 s1, $0x11  }
0xbb: {  	s0 =	sor.u32 s1, s0  }
0xbc: {  	s0 =	sadd.s32 $0x8F2B, s0  }
0xbd: {  	[sflag:s0] =	ssyncadd.remote.s32 $0x1  }
0xbe: {  	_ =	sfence.sel $0xFFFF  }
0xbf: {  	[dreg:$0x0] =	wrdreg $0xFFFFFFFF;
	(pc) =	sbr.abs _section_cstart, $3  }
0xc0: {  	[dreg:$0x1] =	wrdreg $0xFFFFFFFF  }
0xc1: {  	_ =	task.clear_ibuf [dreg:s6], $0x2FFFF;
	_ =	strace $0x9FFFFFFF  }
0xc2: {  	(tm) =	ssettm $0x7FFFFFFF  }
0xc3: {  	_ =	shalt  }
tec
execute0_lowered:
.L_overlay_start_1:
0x0: {  	(tag) =	ssettag $0x1  }
0x1: {  	s5 =	rddreg [dreg:$0x0];
	s1 =	srdreg.scid  }
0x2: {  	s0 =	stileid.u32;
	s2 =	rddreg [dreg:$0x1];
	s3 =	simm.s32 $0x0  }
0x3: {  	s21 =	simm.s32 $0x80;
	s22 =	simm.s32 $0x1;
	s23 =	simm.s32 $0x2  }
0x4: {  	s24 =	simm.s32 $0x0;
	s8 =	sand.u32 $0x1, s1;
	s1 =	rddreg [dreg:$0x2]  }
0x5: {  	s4 =	sshll.u32 s0, $0x1;
	[smem:$0x7FF] =	sst s3;
	s10 =	smul.u32 $0x50000, s0  }
0x6: {  	s16 =	sadd.s32 $0x40E00, s5;
	s11 =	smul.u32 $0x14000, s0;
	s4 =	sor.u32 s8, s4  }
0x7: {  	_ =	strace $0x80000047;
	s7 =	ssub.s32 $0x2, s8;
	s14 =	smul.u32 $0x140000, s8  }
0x8: {  	s6 =	smul.u32 $0x500, s4;
	s4 =	sadd.s32 $0x18E00, s5;
	s9 =	sshrl.u32 s7, $0x1  }
0x9: {  	s29 =	sshrl.u32 s10, $0x2;
	s12 =	sadd.s32 $0x4000, s11;
	s15 =	sadd.s32 $0x8000, s11  }
0xa: {  	s18 =	sadd.s32 $0xC000, s11;
	s19 =	sadd.s32 $0x10000, s11;
	s17 =	ssub.s32 s7, s9  }
0xb: {  	s7 =	sadd.s32 s29, s2;
	s8 =	sadd.s32 s12, s2;
	s9 =	sadd.s32 s15, s2  }
0xc: {  	s10 =	sadd.s32 s18, s2;
	s13 =	sadd.s32 s11, s14;
	s20 =	sadd.s32 s14, s12  }
0xd: {  	s11 =	sadd.s32 s19, s2;
	s15 =	sadd.s32 s14, s15;
	s18 =	sadd.s32 s14, s18  }
0xe: {  	s19 =	sadd.s32 s14, s19;
	s6 =	sadd.s32 s6, s5;
	s13 =	sshrl.u32 s13, $0x3  }
0xf: {  	s30 =	sshrl.u32 s20, $0x3;
	s15 =	sshrl.u32 s15, $0x3;
	s18 =	sshrl.u32 s18, $0x3  }
0x10: {  	s31 =	sshrl.u32 s19, $0x3;
	s17 =	smax.u32 s17, $0x1;
	s19 =	simm.s32 $0x2800  }
0x11: {  	s20 =	simm.s32 $0x5000;
	s5 =	sadd.s32 $0x4E00, s6;
	s6 =	sadd.s32 $0xEE00, s6  }
0x12: {  	s12 =	sadd.s32 s16, s13;
	s13 =	sadd.s32 s16, s30;
	s14 =	sadd.s32 s16, s15  }
0x13: {  	v0 =	vimm.f32 $0.0e+00;
	s15 =	sadd.s32 s16, s18;
	s16 =	sadd.s32 s16, s31;
	s18 =	simm.s32 $0x3  }
.LBB2_1:
0x14: {  	[tilespmem:s3], [sflag:$0x3] =	stream.linear.gather [hbm4b:s5+s3], $0x2800, $0x38;
	[tilespmem:$0x1D000] =	vst v63  }
0x15: {  	_ =	swait.ge [sflag:s18], $0x2800  }
0x16: {  	[sflag:s18] =	ssyncset.done $0x0  }
0x17: {  	[sflag:s18] =	ssyncadd.s32 $0xFFFFD800  }
0x18: {  	[tilespmem:s19], [sflag:$0x3] =	stream.linear.gather [hbm4b:s6+s3], $0x2800, $0x38;
	[tilespmem:$0x1D000] =	vst v63  }
0x19: {  	_ =	swait.ge [sflag:s18], $0x2800  }
0x1a: {  	[sflag:s18] =	ssyncset.done $0x0  }
0x1b: {  	s25 =	simm.s32 $0x0;
	s26 =	simm.s32 $0x200;
	[sflag:s18] =	ssyncadd.s32 $0xFFFFD800  }
.LBB2_2:
0x1c: {  	p0 =	sne.s32 s26, $0xFE00;
	[tilespmem:s25+$0x5070] =	vst v0  }
0x1d: {  	[tilespmem:s25+$0x5000] =	vst v0  }
0x1e: {  	[tilespmem:s25+$0x5010] =	vst v0  }
.Ltmp0:
0x1f: {  	[tilespmem:s25+$0x5020] =	vst v0;
	(pc) =	sbr.rel @p0 .LBB2_2-.Ltmp0, $4  }
0x20: {  	[tilespmem:s25+$0x5030] =	vst v0  }
0x21: {  	[tilespmem:s25+$0x5040] =	vst v0  }
0x22: {  	[tilespmem:s25+$0x5050] =	vst v0  }
0x23: {  	[tilespmem:s25+$0x5060] =	vst v0;
	s25 =	sshra.s32 s26, $0x2;
	s26 =	sadd.s32 $0x200, s26  }
0x24: {  	[tilespmem:s25+$0x5070] =	vst v0  }
0x25: {  	[tilespmem:s25+$0x5000] =	vst v0  }
0x26: {  	[tilespmem:s25+$0x5010] =	vst v0  }
0x27: {  	[tilespmem:s25+$0x5020] =	vst v0  }
0x28: {  	[tilespmem:s25+$0x5030] =	vst v0  }
0x29: {  	[tilespmem:s25+$0x5040] =	vst v0  }
0x2a: {  	[tilespmem:s25+$0x5050] =	vst v0  }
0x2b: {  	[tilespmem:s25+$0x5060] =	vst v0  }
0x2c: {  	[spmem:s7] =	stream.linear.scatter [tilespmem:s20], [sflag:$0x3], $0x4000, $0x38;
	[tilespmem:$0x1D000] =	vst v63  }
0x2d: {  	_ =	swait.ge [sflag:s18], $0x4000  }
0x2e: {  	[sflag:s18] =	ssyncset.done $0x0  }
0x2f: {  	[sflag:s18] =	ssyncadd.s32 $0xFFFFC000  }
0x30: {  	[spmem:s8] =	stream.linear.scatter [tilespmem:s20], [sflag:$0x3], $0x4000, $0x38;
	[tilespmem:$0x1D000] =	vst v63  }
0x31: {  	_ =	swait.ge [sflag:s18], $0x4000  }
0x32: {  	[sflag:s18] =	ssyncset.done $0x0  }
0x33: {  	[sflag:s18] =	ssyncadd.s32 $0xFFFFC000  }
0x34: {  	[spmem:s9] =	stream.linear.scatter [tilespmem:s20], [sflag:$0x3], $0x4000, $0x38;
	[tilespmem:$0x1D000] =	vst v63  }
0x35: {  	_ =	swait.ge [sflag:s18], $0x4000  }
0x36: {  	[sflag:s18] =	ssyncset.done $0x0  }
0x37: {  	[sflag:s18] =	ssyncadd.s32 $0xFFFFC000  }
0x38: {  	[spmem:s10] =	stream.linear.scatter [tilespmem:s20], [sflag:$0x3], $0x4000, $0x38;
	[tilespmem:$0x1D000] =	vst v63  }
0x39: {  	_ =	swait.ge [sflag:s18], $0x4000  }
0x3a: {  	[sflag:s18] =	ssyncset.done $0x0  }
0x3b: {  	[sflag:s18] =	ssyncadd.s32 $0xFFFFC000  }
0x3c: {  	[spmem:s11] =	stream.linear.scatter [tilespmem:s20], [sflag:$0x3], $0x4000, $0x38;
	[tilespmem:$0x1D000] =	vst v63  }
0x3d: {  	_ =	swait.ge [sflag:s18], $0x4000  }
0x3e: {  	[sflag:s18] =	ssyncset.done $0x0  }
0x3f: {  	[sflag:s18] =	ssyncadd.s32 $0xFFFFC000  }
0x40: {  	s30 =	simm.s32 $0x0;
	[bflag:$0x0] =	sbarrier.arrive $0xFFFF  }
0x41: {  	[tilespmem:s20], [sflag:$0x1] =	stream.indirect.gather [hbm4b:s4+s21], $0x80, s30, s21, $0xb8;
	[tilespmem:$0x1D000] =	vst v63  }
0x42: {  	_ =	swait.ge [sflag:s22], $0x4000  }
0x43: {  	[sflag:s22] =	ssyncset.done $0x0  }
0x44: {  	s31 =	simm.s32 $0x2800;
	[sflag:s22] =	ssyncadd.s32 $0xFFFFC000  }
0x45: {  	[spmem:s2] =	stream.indirect.scatter.add.f32 [tilespmem:s20], [sflag:$0x3], $0x80, s31, s21, $0xb8;
	[tilespmem:$0x1D000] =	vst v63  }
0x46: {  	_ =	swait.ge [sflag:s18], $0x4000  }
0x47: {  	s25 =	simm.s32 $0x200;
	s26 =	simm.s32 $0x400;
	[sflag:s18] =	ssyncset.done $0x0  }
.LBB2_4:
0x48: {  	s28 =	sshra.s32 s25, $0x2  }
0x49: {  	[sflag:s18] =	ssyncadd.s32 $0xFFFFC000;
	s25 =	smov.u32 s26;
	s29 =	sadd.s32 $0x200, s26  }
0x4a: {  	[tilespmem:s20], [sflag:$0x1] =	stream.indirect.gather [hbm4b:s4+s21], $0x80, s28, s21, $0xb8;
	[tilespmem:$0x1D000] =	vst v63  }
0x4b: {  	p0 =	sne.s32 s26, $0x9E00;
	_ =	swait.ge [sflag:s22], $0x4000  }
.Ltmp1:
0x4c: {  	[sflag:s22] =	ssyncset.done $0x0;
	(pc) =	sbr.rel @p0 .LBB2_4-.Ltmp1, $4  }
0x4d: {  	s26 =	sadd.s32 $0x2800, s28;
	[sflag:s22] =	ssyncadd.s32 $0xFFFFC000  }
0x4e: {  	[spmem:s2] =	stream.indirect.scatter.add.f32 [tilespmem:s20], [sflag:$0x3], $0x80, s26, s21, $0xb8;
	[tilespmem:$0x1D000] =	vst v63  }
0x4f: {  	_ =	swait.ge [sflag:s18], $0x4000  }
0x50: {  	s26 =	smov.u32 s29;
	[sflag:s18] =	ssyncset.done $0x0  }
0x51: {  	s25 =	sshra.s32 s25, $0x2;
	[sflag:s18] =	ssyncadd.s32 $0xFFFFC000  }
0x52: {  	[tilespmem:s20], [sflag:$0x1] =	stream.indirect.gather [hbm4b:s4+s21], $0x80, s25, s21, $0xb8;
	[tilespmem:$0x1D000] =	vst v63  }
0x53: {  	_ =	swait.ge [sflag:s22], $0x4000  }
0x54: {  	[sflag:s22] =	ssyncset.done $0x0  }
0x55: {  	s25 =	sadd.s32 $0x2800, s25;
	[sflag:s22] =	ssyncadd.s32 $0xFFFFC000  }
0x56: {  	[spmem:s2] =	stream.indirect.scatter.add.f32 [tilespmem:s20], [sflag:$0x3], $0x80, s25, s21, $0xb8;
	[tilespmem:$0x1D000] =	vst v63  }
0x57: {  	s26 =	sshll.u32 s0, $0x6;
	_ =	swait.ge [sflag:s18], $0x4000  }
0x58: {  	s28 =	sshrl.u32 s8, $0x3;
	s29 =	sshrl.u32 s9, $0x3;
	[sflag:s18] =	ssyncset.done $0x0  }
0x59: {  	s30 =	sshrl.u32 s10, $0x3;
	s31 =	sshrl.u32 s11, $0x3;
	[sflag:s18] =	ssyncadd.s32 $0xFFFFC000  }
0x5a: {  	s25 =	sor.u32 $0x1C02, s26;
	s26 =	sshrl.u32 s7, $0x3;
	[bflag:$0x0] =	sbarrier.arrive $0xFFFF  }
0x5b: {  	[hbm:s12], [sflag:s25] =	dma.local [spmem:s26], $0x800  }
0x5c: {  	[hbm:s13], [sflag:s25] =	dma.local [spmem:s28], $0x800  }
0x5d: {  	[hbm:s14], [sflag:s25] =	dma.local [spmem:s29], $0x800  }
0x5e: {  	[hbm:s15], [sflag:s25] =	dma.local [spmem:s30], $0x800  }
0x5f: {  	[hbm:s16], [sflag:s25] =	dma.local [spmem:s31], $0x800  }
0x60: {  	_ =	swait.ge [sflag:s23], $0x800  }
0x61: {  	[sflag:s23] =	ssyncset.done $0x0  }
0x62: {  	[sflag:s23] =	ssyncadd.s32 $0xFFFFF800  }
0x63: {  	_ =	swait.ge [sflag:s23], $0x800  }
0x64: {  	[sflag:s23] =	ssyncset.done $0x0  }
0x65: {  	[sflag:s23] =	ssyncadd.s32 $0xFFFFF800  }
0x66: {  	_ =	swait.ge [sflag:s23], $0x800  }
0x67: {  	[sflag:s23] =	ssyncset.done $0x0  }
0x68: {  	s24 =	sadd.s32 $0x1, s24;
	[sflag:s23] =	ssyncadd.s32 $0xFFFFF800  }
0x69: {  	p0 =	sne.s32 s24, s17;
	_ =	swait.ge [sflag:s23], $0x800  }
.Ltmp2:
0x6a: {  	[sflag:s23] =	ssyncset.done $0x0;
	(pc) =	sbr.rel @p0 .LBB2_1-.Ltmp2, $4  }
0x6b: {  	[sflag:s23] =	ssyncadd.s32 $0xFFFFF800  }
0x6c: {  	_ =	swait.ge [sflag:s23], $0x800  }
0x6d: {  	[sflag:s23] =	ssyncset.done $0x0  }
0x6e: {  	[sflag:s23] =	ssyncadd.s32 $0xFFFFF800  }
0x6f: {  	_ =	sfence.sel $0x180000  }
0x70: {  	[bflag:$0x0] =	sbarrier.arrive $0xFFFF  }
0x71: {  	p0 =	sne.s32 s0, $0x0;
	_ =	strace $0x90000047  }
0x72: {  	s0 =	sadd.s32 @!p0 $0x100000, s1;
	[bflag:$0x2] =	sbarrier.arrive $0xFFFF  }
0x73: {  	[sflag:s0] =	ssyncadd.tile.s32 @!p0 $0x1;
	_ =	shalt  }
.Lfunc_end2:
_tile_overlayer_lowered:
.L_overlay_start_2:
0x74: {  	(tag) =	ssettag $0x2  }
0x75: {  	s0 =	rddreg [dreg:$0x0];
	s2 =	stileid.u32  }
0x76: {  	s1 =	rddreg [dreg:$0x1];
	p0 =	sne.s32 s2, $0x0  }
0x77: {  	s3 =	rddreg [dreg:$0x2];
	[bflag:$0x3] =	sbarrier.arrive $0xFFFF;
	s2 =	simm.s32 @!p0 $0x1C03  }
0x78: {  	[timem:s3], [sflag:s2] =	dma.local @!p0 [hbm:s0], s1  }
0x79: {  	s0 =	simm.s32 @!p0 $0x3  }
0x7a: {  	_ =	swait.ge @!p0 [sflag:s0], s1  }
0x7b: {  	s1 =	ssub.s32 @!p0 $0x0, s1;
	[sflag:s0] =	ssyncset.done @!p0 $0x0  }
0x7c: {  	[sflag:s0] =	ssyncadd.s32 @!p0 s1  }
0x7d: {  	[bflag:$0x3] =	sbarrier.arrive $0xFFFF  }
0x7e: {  	_ =	shalt  }

// kernel: kernel.17.cloned.1.call-start
scs
__scs_entry_jumppad:
0x0: {  	(pc) =	sbr.rel $0x88, $3  }
0x1: {  	(tag) =	ssettag $0x0;
	lr =	simm.s32 $0x1  }
0x2: {  	[smem:$0x3F90] =	sst lr;
	_ =	strace $0xD0000000  }
0x3: {  	_ = 	snop  }
0x4: {  	_ = 	snop  }
0x5: {  	_ = 	snop  }
0x6: {  	_ = 	snop  }
0x7: {  	_ = 	snop  }
__scs_overlays_trampoline_lowered:
0x8: {  	[smem:$0x3F9F] =	sst s0  }
0x9: {  	[smem:$0x3FA0] =	sst s1  }
0xa: {  	[smem:$0x3FA1] =	sst s2  }
0xb: {  	[smem:$0x3FA2] =	sst s3  }
0xc: {  	[smem:$0x3FA3] =	sst s4  }
0xd: {  	[smem:$0x3FA4] =	sst s5  }
0xe: {  	[smem:$0x3FA5] =	sst s6  }
0xf: {  	[smem:$0x3FA6] =	sst s7  }
0x10: {  	[smem:$0x3FA7] =	sst s8  }
0x11: {  	[smem:$0x3FA8] =	sst s9;
	s0 =	simm.s32 @!p0 $0x0  }
0x12: {  	s1 =	sld [smem:$0x3F8E];
	s0 =	simm.s32 @p0 $0x1  }
0x13: {  	[smem:$0x3FA9] =	sst s0;
	s0 =	simm.s32 @!p1 $0x0  }
0x14: {  	s2 =	sld [smem:$0x3F8D];
	s0 =	simm.s32 @p1 $0x1  }
0x15: {  	[smem:$0x3FAA] =	sst s0;
	s0 =	simm.s32 @!p2 $0x0  }
0x16: {  	s3 =	sld [smem:$0x3FDB];
	s0 =	simm.s32 @p2 $0x1  }
0x17: {  	s4 =	simm.s32 $0x1BF5;
	[smem:$0x3FAC] =	sst s0  }
0x18: {  	s0 =	sld [smem:$0x3F8F];
	_ =	swait.ge [sflag:s4], $0x0  }
0x19: {  	s7 =	sld [smem:$0x3F90]  }
0x1a: {  	s8 =	sadd.s32 $0xFFFFE003, lr  }
0x1b: {  	s9 =	sadd.s32 $0xFFFFFEF7, lr;
	s5 =	simm.s32 $0xFFFFFFFF;
	p2 =	slt.u32 s8, $0xFFFFF086  }
0x1c: {  	p1 =	slt.u32 s9, $0xF7A;
	s5 =	simm.s32 @!p2 $0x0  }
0x1d: {  	s5 =	simm.s32 @p1 $0x1;
	p0 =	seq.s32 s7, s2  }
0x1e: {  	s7 =	smul.u32 @!p0 $0xF7A, s2;
	p2 =	seq.s32 @!p0 s5, $0x0  }
0x1f: {  	s9 =	smul.u32 $0xF7A, s1;
	s8 =	simm.s32 @!p0 $0x1BF5;
	p2 =	por !p2, p0  }
0x20: {  	[sflag:s8] =	ssyncset.s32 @!p0 $0xFFFFF086;
	s6 =	sadd.s32 @!p0 s3, s7;
	s7 =	simm.s32 @!p0 $0x108  }
0x21: {  	s3 =	sadd.s32 s3, s9;
	s6 =	sadd.s32 @!p0 $0x88, s6;
	s7 =	simm.s32 @p2 $0x1082  }
0x22: {  	[simem:s7], [sflag:s8] =	dma.local @!p0 [hbm:s6], $0xF7A  }
0x23: {  	s9 =	sor.u32 $0xD0000000, s2;
	s6 =	simm.s32 $0x108;
	_ =	swait.ge @!p0 [sflag:s8], $0x0  }
0x24: {  	s3 =	sadd.s32 $0x88, s3;
	s6 =	simm.s32 @!p1 $0x1082;
	[sflag:s4] =	ssyncset.s32 $0xFFFFF086  }
0x25: {  	[simem:s6], [sflag:s4] =	dma.local [hbm:s3], $0xF7A  }
0x26: {  	[smem:$0x3F90] =	sst s1;
	(tag) =	ssettag s2;
	_ =	strace s9  }
0x27: {  	s1 =	sld [smem:$0x3FA0]  }
0x28: {  	s2 =	sld [smem:$0x3FA1]  }
0x29: {  	s4 =	sld [smem:$0x3FA3]  }
0x2a: {  	p0 =	seq.s32 s5, $0x0;
	s5 =	sld [smem:$0x3FA4]  }
0x2b: {  	s6 =	sld [smem:$0x3FA5]  }
0x2c: {  	s7 =	sld [smem:$0x3FA6]  }
0x2d: {  	s3 =	simm.s32 $0x108;
	s8 =	sld [smem:$0x3FA7]  }
0x2e: {  	s3 =	simm.s32 @!p0 $0x1082;
	s9 =	sld [smem:$0x3FA8]  }
0x2f: {  	lr =	sadd.s32 s0, s3;
	s0 =	sld [smem:$0x3F9F]  }
0x30: {  	s3 =	sld [smem:$0x3FA2]  }
0x31: {  	[smem:$0x3FAB] =	sst s10  }
0x32: {  	s10 =	sld [smem:$0x3FA9];
	_ =	sdelay $0x3  }
0x33: {  	p0 =	seq.s32 s10, $0x1;
	s10 =	sld [smem:$0x3FAB];
	_ =	sdelay $0x3  }
0x34: {  	[smem:$0x3FAB] =	sst s10  }
0x35: {  	s10 =	sld [smem:$0x3FAA];
	_ =	sdelay $0x3  }
0x36: {  	p1 =	seq.s32 s10, $0x1;
	s10 =	sld [smem:$0x3FAB];
	_ =	sdelay $0x3  }
0x37: {  	[smem:$0x3FAB] =	sst s10  }
0x38: {  	s10 =	sld [smem:$0x3FAC]  }
0x39: {  	_ = 	snop;
	(pc) =	sbr.ind lr, $3  }
0x3a: {  	_ = 	snop  }
0x3b: {  	_ = 	snop  }
0x3c: {  	p2 =	seq.s32 s10, $0x1;
	s10 =	sld [smem:$0x3FAB]  }
0x3d: {  	_ =	shalt  }
0x3e: {  	_ =	shalt  }
0x3f: {  	_ =	shalt  }
0x40: {  	_ =	shalt  }
0x41: {  	_ =	shalt  }
0x42: {  	_ =	shalt  }
0x43: {  	_ =	shalt  }
0x44: {  	_ =	shalt  }
0x45: {  	_ =	shalt  }
0x46: {  	_ =	shalt  }
0x47: {  	_ =	shalt  }
0x48: {  	_ =	shalt  }
0x49: {  	_ =	shalt  }
0x4a: {  	_ =	shalt  }
0x4b: {  	_ =	shalt  }
0x4c: {  	_ =	shalt  }
0x4d: {  	_ =	shalt  }
0x4e: {  	_ =	shalt  }
0x4f: {  	_ =	shalt  }
0x50: {  	_ =	shalt  }
0x51: {  	_ =	shalt  }
0x52: {  	_ =	shalt  }
0x53: {  	_ =	shalt  }
0x54: {  	_ =	shalt  }
0x55: {  	_ =	shalt  }
0x56: {  	_ =	shalt  }
0x57: {  	_ =	shalt  }
0x58: {  	_ =	shalt  }
0x59: {  	_ =	shalt  }
0x5a: {  	_ =	shalt  }
0x5b: {  	_ =	shalt  }
0x5c: {  	_ =	shalt  }
0x5d: {  	_ =	shalt  }
0x5e: {  	_ =	shalt  }
0x5f: {  	_ =	shalt  }
0x60: {  	_ =	shalt  }
0x61: {  	_ =	shalt  }
0x62: {  	_ =	shalt  }
0x63: {  	_ =	shalt  }
0x64: {  	_ =	shalt  }
0x65: {  	_ =	shalt  }
0x66: {  	_ =	shalt  }
0x67: {  	_ =	shalt  }
0x68: {  	_ =	shalt  }
0x69: {  	_ =	shalt  }
0x6a: {  	_ =	shalt  }
0x6b: {  	_ =	shalt  }
0x6c: {  	_ =	shalt  }
0x6d: {  	_ =	shalt  }
0x6e: {  	_ =	shalt  }
0x6f: {  	_ =	shalt  }
0x70: {  	_ =	shalt  }
0x71: {  	_ =	shalt  }
0x72: {  	_ =	shalt  }
0x73: {  	_ =	shalt  }
0x74: {  	_ =	shalt  }
0x75: {  	_ =	shalt  }
0x76: {  	_ =	shalt  }
0x77: {  	_ =	shalt  }
0x78: {  	_ =	shalt  }
0x79: {  	_ =	shalt  }
0x7a: {  	_ =	shalt  }
0x7b: {  	_ =	shalt  }
0x7c: {  	_ =	shalt  }
0x7d: {  	_ =	shalt  }
0x7e: {  	_ =	shalt  }
0x7f: {  	_ =	shalt  }
0x80: {  	_ =	shalt  }
0x81: {  	_ =	shalt  }
0x82: {  	_ =	shalt  }
0x83: {  	_ =	shalt  }
0x84: {  	_ =	shalt  }
0x85: {  	_ =	shalt  }
0x86: {  	_ =	shalt  }
0x87: {  	_ =	shalt  }
.Lfunc_end0:
.L_simem_size_0:
called_computation.1_lowered:
.L_overlay_start_0:
0x88: {  	s2 =	sld [smem:$0x3FD9]  }
0x89: {  	s3 =	sld [smem:$0x3FFE];
	_ =	sdelay $0x1  }
0x8a: {  	s1 =	srdreg.scid  }
0x8b: {  	s0 =	sand.u32 $0x1, s1  }
0x8c: {  	s16 =	sshll.u32 s0, $0xA;
	s2 =	sadd.s32 s3, s2  }
0x8d: {  	s2 =	sadd.s32 s2, s16  }
0x8e: {  	[smem:$0x3FB7] =	sst s2  }
0x8f: {  	_ = 	snop  }
0x90: {  	(tm) =	ssettm $0x1  }
0x91: {  	s17 =	sld [smem:$0x3FFB];
	_ =	sdelay $0x3  }
0x92: {  	_ =	strace s17  }
0x93: {  	s2 =	sld [smem:$0x3FFC];
	_ =	sdelay $0x3  }
0x94: {  	_ =	strace s2  }
0x95: {  	s2 =	sld [smem:$0x3FFD];
	_ =	sdelay $0x3  }
0x96: {  	_ =	strace s2  }
0x97: {  	_ =	strace $0x8FFFFFFF  }
0x98: {  	s18 =	sld [smem:$0x3FDB];
	_ =	sdelay $0x1  }
0x99: {  	s19 =	simm.s32 $_scs_section_size  }
0x9a: {  	s4 =	simm.s32 $_size__tile_overlayer_lowered;
	s5 =	simm.s32 $_tile_overlayer_lowered  }
0x9b: {  	s22 =	simm.s32 $0x1BFF;
	s21 =	sshll.u32 s5, $0x1;
	s2 =	sadd.s32 s19, s18  }
0x9c: {  	s6 =	simm.s32 $0x0;
	s20 =	sshll.u32 s4, $0x1;
	s4 =	sadd.s32 s21, s2  }
0x9d: {  	[timem:s6], [sflag:s22] =	dma.local [hbm:s4], s20  }
0x9e: {  	_ =	swait.ge [sflag:s22], s20  }
0x9f: {  	s3 =	ssub.s32 $0x0, s20;
	[sflag:s22] =	ssyncset.done $0x0  }
0xa0: {  	[sflag:s22] =	ssyncadd.s32 s3;
	_ =	sdelay $0x1  }
0xa1: {  	s23 =	simm.s32 $0x1B8B  }
0xa2: {  	_ =	swait.ge [sflag:s23], $0x1  }
0xa3: {  	[sflag:s23] =	ssyncset.done $0x0  }
0xa4: {  	s25 =	simm.s32 $0x1B8E;
	s24 =	sld [smem:$0x3FFE];
	[sflag:s23] =	ssyncadd.s32 $0xFFFFFFFF  }
0xa5: {  	s26 =	simm.s32 $execute0_lowered;
	[smem:$0x3FD2] =	sst s25  }
0xa6: {  	s4 =	sshll.u32 s26, $0x1;
	_ =	strace $0x80000049;
	[dreg:$0x1] =	wrdreg $0xFFFFFFFF  }
0xa7: {  	s28 =	simm.s32 $_size_execute0_lowered;
	s2 =	sadd.s32 s2, s4;
	[dreg:$0x0] =	wrdreg $0x0  }
0xa8: {  	s4 =	sshll.u32 s28, $0x1;
	[dreg:$0x2] =	wrdreg s2  }
0xa9: {  	[dreg:$0x3] =	wrdreg s4  }
0xaa: {  	[dreg:$0x4] =	wrdreg $0xC0  }
0xab: {  	_ =	task [dreg:s6], $0x5FFFF  }
0xac: {  	[dreg:$0x1] =	wrdreg $0xFFFFFFFF  }
0xad: {  	[dreg:$0x0] =	wrdreg $0x60  }
0xae: {  	[dreg:$0x2] =	wrdreg s24  }
0xaf: {  	[dreg:$0x3] =	wrdreg $0x90000  }
0xb0: {  	[dreg:$0x4] =	wrdreg $0x9  }
0xb1: {  	_ =	task.clear_ibuf [dreg:s6], $0x5FFFF;
	_ =	strace $0x90000049  }
0xb2: {  	s29 =	simm.s32 $0x9;
	_ =	strace $0x8000004B  }
0xb3: {  	_ =	swait.ge [sflag:s29], $0x1  }
0xb4: {  	[sflag:s29] =	ssyncadd.s32 $0xFFFFFFFF  }
0xb5: {  	_ =	strace $0x9000004B  }
0xb6: {  	_ =	sfence  }
0xb7: {  	s30 =	sld [smem:$0x0];
	_ =	sdelay $0x2  }
0xb8: {  	s31 =	sshll.u32 s1, $0xD;
	s1 =	sshrl.u32 s1, $0x2  }
0xb9: {  	s3 =	sand.u32 $0x4000, s31;
	s1 =	sadd.s32 s1, s30  }
0xba: {  	s0 =	sor.u32 s3, s0;
	s1 =	sshll.u32 s1, $0x11  }
0xbb: {  	s0 =	sor.u32 s1, s0  }
0xbc: {  	s0 =	sadd.s32 $0x8F2B, s0  }
0xbd: {  	[sflag:s0] =	ssyncadd.remote.s32 $0x1  }
0xbe: {  	_ =	sfence.sel $0xFFFF  }
0xbf: {  	[dreg:$0x0] =	wrdreg $0xFFFFFFFF;
	(pc) =	sbr.abs _section_cstart, $3  }
0xc0: {  	[dreg:$0x1] =	wrdreg $0xFFFFFFFF  }
0xc1: {  	_ =	task.clear_ibuf [dreg:s6], $0x2FFFF;
	_ =	strace $0x9FFFFFFF  }
0xc2: {  	(tm) =	ssettm $0x7FFFFFFF  }
0xc3: {  	_ =	shalt  }
tec
execute0_lowered:
.L_overlay_start_1:
0x0: {  	(tag) =	ssettag $0x1  }
0x1: {  	s5 =	rddreg [dreg:$0x0];
	s1 =	srdreg.scid  }
0x2: {  	s0 =	stileid.u32;
	s2 =	rddreg [dreg:$0x1];
	s3 =	simm.s32 $0x0  }
0x3: {  	s21 =	simm.s32 $0x80;
	s22 =	simm.s32 $0x1;
	s23 =	simm.s32 $0x2  }
0x4: {  	s24 =	simm.s32 $0x0;
	s8 =	sand.u32 $0x1, s1;
	s1 =	rddreg [dreg:$0x2]  }
0x5: {  	s4 =	sshll.u32 s0, $0x1;
	[smem:$0x7FF] =	sst s3;
	s10 =	smul.u32 $0x50000, s0  }
0x6: {  	s16 =	sadd.s32 $0x40E00, s5;
	s11 =	smul.u32 $0x14000, s0;
	s4 =	sor.u32 s8, s4  }
0x7: {  	_ =	strace $0x8000004A;
	s7 =	ssub.s32 $0x2, s8;
	s14 =	smul.u32 $0x140000, s8  }
0x8: {  	s6 =	smul.u32 $0x500, s4;
	s4 =	sadd.s32 $0x18E00, s5;
	s9 =	sshrl.u32 s7, $0x1  }
0x9: {  	s29 =	sshrl.u32 s10, $0x2;
	s12 =	sadd.s32 $0x4000, s11;
	s15 =	sadd.s32 $0x8000, s11  }
0xa: {  	s18 =	sadd.s32 $0xC000, s11;
	s19 =	sadd.s32 $0x10000, s11;
	s17 =	ssub.s32 s7, s9  }
0xb: {  	s7 =	sadd.s32 s29, s2;
	s8 =	sadd.s32 s12, s2;
	s9 =	sadd.s32 s15, s2  }
0xc: {  	s10 =	sadd.s32 s18, s2;
	s13 =	sadd.s32 s11, s14;
	s20 =	sadd.s32 s14, s12  }
0xd: {  	s11 =	sadd.s32 s19, s2;
	s15 =	sadd.s32 s14, s15;
	s18 =	sadd.s32 s14, s18  }
0xe: {  	s19 =	sadd.s32 s14, s19;
	s6 =	sadd.s32 s6, s5;
	s13 =	sshrl.u32 s13, $0x3  }
0xf: {  	s30 =	sshrl.u32 s20, $0x3;
	s15 =	sshrl.u32 s15, $0x3;
	s18 =	sshrl.u32 s18, $0x3  }
0x10: {  	s31 =	sshrl.u32 s19, $0x3;
	s17 =	smax.u32 s17, $0x1;
	s19 =	simm.s32 $0x2800  }
0x11: {  	s20 =	simm.s32 $0x5000;
	s5 =	sadd.s32 $0x4E00, s6;
	s6 =	sadd.s32 $0xEE00, s6  }
0x12: {  	s12 =	sadd.s32 s16, s13;
	s13 =	sadd.s32 s16, s30;
	s14 =	sadd.s32 s16, s15  }
0x13: {  	v0 =	vimm.f32 $0.0e+00;
	s15 =	sadd.s32 s16, s18;
	s16 =	sadd.s32 s16, s31;
	s18 =	simm.s32 $0x3  }
.LBB2_1:
0x14: {  	[tilespmem:s3], [sflag:$0x3] =	stream.linear.gather [hbm4b:s5+s3], $0x2800, $0x38;
	[tilespmem:$0x1D000] =	vst v63  }
0x15: {  	_ =	swait.ge [sflag:s18], $0x2800  }
0x16: {  	[sflag:s18] =	ssyncset.done $0x0  }
0x17: {  	[sflag:s18] =	ssyncadd.s32 $0xFFFFD800  }
0x18: {  	[tilespmem:s19], [sflag:$0x3] =	stream.linear.gather [hbm4b:s6+s3], $0x2800, $0x38;
	[tilespmem:$0x1D000] =	vst v63  }
0x19: {  	_ =	swait.ge [sflag:s18], $0x2800  }
0x1a: {  	[sflag:s18] =	ssyncset.done $0x0  }
0x1b: {  	s25 =	simm.s32 $0x0;
	s26 =	simm.s32 $0x200;
	[sflag:s18] =	ssyncadd.s32 $0xFFFFD800  }
.LBB2_2:
0x1c: {  	p0 =	sne.s32 s26, $0xFE00;
	[tilespmem:s25+$0x5070] =	vst v0  }
0x1d: {  	[tilespmem:s25+$0x5000] =	vst v0  }
0x1e: {  	[tilespmem:s25+$0x5010] =	vst v0  }
.Ltmp0:
0x1f: {  	[tilespmem:s25+$0x5020] =	vst v0;
	(pc) =	sbr.rel @p0 .LBB2_2-.Ltmp0, $4  }
0x20: {  	[tilespmem:s25+$0x5030] =	vst v0  }
0x21: {  	[tilespmem:s25+$0x5040] =	vst v0  }
0x22: {  	[tilespmem:s25+$0x5050] =	vst v0  }
0x23: {  	[tilespmem:s25+$0x5060] =	vst v0;
	s25 =	sshra.s32 s26, $0x2;
	s26 =	sadd.s32 $0x200, s26  }
0x24: {  	[tilespmem:s25+$0x5070] =	vst v0  }
0x25: {  	[tilespmem:s25+$0x5000] =	vst v0  }
0x26: {  	[tilespmem:s25+$0x5010] =	vst v0  }
0x27: {  	[tilespmem:s25+$0x5020] =	vst v0  }
0x28: {  	[tilespmem:s25+$0x5030] =	vst v0  }
0x29: {  	[tilespmem:s25+$0x5040] =	vst v0  }
0x2a: {  	[tilespmem:s25+$0x5050] =	vst v0  }
0x2b: {  	[tilespmem:s25+$0x5060] =	vst v0  }
0x2c: {  	[spmem:s7] =	stream.linear.scatter [tilespmem:s20], [sflag:$0x3], $0x4000, $0x38;
	[tilespmem:$0x1D000] =	vst v63  }
0x2d: {  	_ =	swait.ge [sflag:s18], $0x4000  }
0x2e: {  	[sflag:s18] =	ssyncset.done $0x0  }
0x2f: {  	[sflag:s18] =	ssyncadd.s32 $0xFFFFC000  }
0x30: {  	[spmem:s8] =	stream.linear.scatter [tilespmem:s20], [sflag:$0x3], $0x4000, $0x38;
	[tilespmem:$0x1D000] =	vst v63  }
0x31: {  	_ =	swait.ge [sflag:s18], $0x4000  }
0x32: {  	[sflag:s18] =	ssyncset.done $0x0  }
0x33: {  	[sflag:s18] =	ssyncadd.s32 $0xFFFFC000  }
0x34: {  	[spmem:s9] =	stream.linear.scatter [tilespmem:s20], [sflag:$0x3], $0x4000, $0x38;
	[tilespmem:$0x1D000] =	vst v63  }
0x35: {  	_ =	swait.ge [sflag:s18], $0x4000  }
0x36: {  	[sflag:s18] =	ssyncset.done $0x0  }
0x37: {  	[sflag:s18] =	ssyncadd.s32 $0xFFFFC000  }
0x38: {  	[spmem:s10] =	stream.linear.scatter [tilespmem:s20], [sflag:$0x3], $0x4000, $0x38;
	[tilespmem:$0x1D000] =	vst v63  }
0x39: {  	_ =	swait.ge [sflag:s18], $0x4000  }
0x3a: {  	[sflag:s18] =	ssyncset.done $0x0  }
0x3b: {  	[sflag:s18] =	ssyncadd.s32 $0xFFFFC000  }
0x3c: {  	[spmem:s11] =	stream.linear.scatter [tilespmem:s20], [sflag:$0x3], $0x4000, $0x38;
	[tilespmem:$0x1D000] =	vst v63  }
0x3d: {  	_ =	swait.ge [sflag:s18], $0x4000  }
0x3e: {  	[sflag:s18] =	ssyncset.done $0x0  }
0x3f: {  	[sflag:s18] =	ssyncadd.s32 $0xFFFFC000  }
0x40: {  	s30 =	simm.s32 $0x0;
	[bflag:$0x0] =	sbarrier.arrive $0xFFFF  }
0x41: {  	[tilespmem:s20], [sflag:$0x1] =	stream.indirect.gather [hbm4b:s4+s21], $0x80, s30, s21, $0xb8;
	[tilespmem:$0x1D000] =	vst v63  }
0x42: {  	_ =	swait.ge [sflag:s22], $0x4000  }
0x43: {  	[sflag:s22] =	ssyncset.done $0x0  }
0x44: {  	s31 =	simm.s32 $0x2800;
	[sflag:s22] =	ssyncadd.s32 $0xFFFFC000  }
0x45: {  	[spmem:s2] =	stream.indirect.scatter.add.f32 [tilespmem:s20], [sflag:$0x3], $0x80, s31, s21, $0xb8;
	[tilespmem:$0x1D000] =	vst v63  }
0x46: {  	_ =	swait.ge [sflag:s18], $0x4000  }
0x47: {  	s25 =	simm.s32 $0x200;
	s26 =	simm.s32 $0x400;
	[sflag:s18] =	ssyncset.done $0x0  }
.LBB2_4:
0x48: {  	s28 =	sshra.s32 s25, $0x2  }
0x49: {  	[sflag:s18] =	ssyncadd.s32 $0xFFFFC000;
	s25 =	smov.u32 s26;
	s29 =	sadd.s32 $0x200, s26  }
0x4a: {  	[tilespmem:s20], [sflag:$0x1] =	stream.indirect.gather [hbm4b:s4+s21], $0x80, s28, s21, $0xb8;
	[tilespmem:$0x1D000] =	vst v63  }
0x4b: {  	p0 =	sne.s32 s26, $0x9E00;
	_ =	swait.ge [sflag:s22], $0x4000  }
.Ltmp1:
0x4c: {  	[sflag:s22] =	ssyncset.done $0x0;
	(pc) =	sbr.rel @p0 .LBB2_4-.Ltmp1, $4  }
0x4d: {  	s26 =	sadd.s32 $0x2800, s28;
	[sflag:s22] =	ssyncadd.s32 $0xFFFFC000  }
0x4e: {  	[spmem:s2] =	stream.indirect.scatter.add.f32 [tilespmem:s20], [sflag:$0x3], $0x80, s26, s21, $0xb8;
	[tilespmem:$0x1D000] =	vst v63  }
0x4f: {  	_ =	swait.ge [sflag:s18], $0x4000  }
0x50: {  	s26 =	smov.u32 s29;
	[sflag:s18] =	ssyncset.done $0x0  }
0x51: {  	s25 =	sshra.s32 s25, $0x2;
	[sflag:s18] =	ssyncadd.s32 $0xFFFFC000  }
0x52: {  	[tilespmem:s20], [sflag:$0x1] =	stream.indirect.gather [hbm4b:s4+s21], $0x80, s25, s21, $0xb8;
	[tilespmem:$0x1D000] =	vst v63  }
0x53: {  	_ =	swait.ge [sflag:s22], $0x4000  }
0x54: {  	[sflag:s22] =	ssyncset.done $0x0  }
0x55: {  	s25 =	sadd.s32 $0x2800, s25;
	[sflag:s22] =	ssyncadd.s32 $0xFFFFC000  }
0x56: {  	[spmem:s2] =	stream.indirect.scatter.add.f32 [tilespmem:s20], [sflag:$0x3], $0x80, s25, s21, $0xb8;
	[tilespmem:$0x1D000] =	vst v63  }
0x57: {  	s26 =	sshll.u32 s0, $0x6;
	_ =	swait.ge [sflag:s18], $0x4000  }
0x58: {  	s28 =	sshrl.u32 s8, $0x3;
	s29 =	sshrl.u32 s9, $0x3;
	[sflag:s18] =	ssyncset.done $0x0  }
0x59: {  	s30 =	sshrl.u32 s10, $0x3;
	s31 =	sshrl.u32 s11, $0x3;
	[sflag:s18] =	ssyncadd.s32 $0xFFFFC000  }
0x5a: {  	s25 =	sor.u32 $0x1C02, s26;
	s26 =	sshrl.u32 s7, $0x3;
	[bflag:$0x0] =	sbarrier.arrive $0xFFFF  }
0x5b: {  	[hbm:s12], [sflag:s25] =	dma.local [spmem:s26], $0x800  }
0x5c: {  	[hbm:s13], [sflag:s25] =	dma.local [spmem:s28], $0x800  }
0x5d: {  	[hbm:s14], [sflag:s25] =	dma.local [spmem:s29], $0x800  }
0x5e: {  	[hbm:s15], [sflag:s25] =	dma.local [spmem:s30], $0x800  }
0x5f: {  	[hbm:s16], [sflag:s25] =	dma.local [spmem:s31], $0x800  }
0x60: {  	_ =	swait.ge [sflag:s23], $0x800  }
0x61: {  	[sflag:s23] =	ssyncset.done $0x0  }
0x62: {  	[sflag:s23] =	ssyncadd.s32 $0xFFFFF800  }
0x63: {  	_ =	swait.ge [sflag:s23], $0x800  }
0x64: {  	[sflag:s23] =	ssyncset.done $0x0  }
0x65: {  	[sflag:s23] =	ssyncadd.s32 $0xFFFFF800  }
0x66: {  	_ =	swait.ge [sflag:s23], $0x800  }
0x67: {  	[sflag:s23] =	ssyncset.done $0x0  }
0x68: {  	s24 =	sadd.s32 $0x1, s24;
	[sflag:s23] =	ssyncadd.s32 $0xFFFFF800  }
0x69: {  	p0 =	sne.s32 s24, s17;
	_ =	swait.ge [sflag:s23], $0x800  }
.Ltmp2:
0x6a: {  	[sflag:s23] =	ssyncset.done $0x0;
	(pc) =	sbr.rel @p0 .LBB2_1-.Ltmp2, $4  }
0x6b: {  	[sflag:s23] =	ssyncadd.s32 $0xFFFFF800  }
0x6c: {  	_ =	swait.ge [sflag:s23], $0x800  }
0x6d: {  	[sflag:s23] =	ssyncset.done $0x0  }
0x6e: {  	[sflag:s23] =	ssyncadd.s32 $0xFFFFF800  }
0x6f: {  	_ =	sfence.sel $0x180000  }
0x70: {  	[bflag:$0x0] =	sbarrier.arrive $0xFFFF  }
0x71: {  	p0 =	sne.s32 s0, $0x0;
	_ =	strace $0x9000004A  }
0x72: {  	s0 =	sadd.s32 @!p0 $0x100000, s1;
	[bflag:$0x2] =	sbarrier.arrive $0xFFFF  }
0x73: {  	[sflag:s0] =	ssyncadd.tile.s32 @!p0 $0x1;
	_ =	shalt  }
.Lfunc_end2:
_tile_overlayer_lowered:
.L_overlay_start_2:
0x74: {  	(tag) =	ssettag $0x2  }
0x75: {  	s0 =	rddreg [dreg:$0x0];
	s2 =	stileid.u32  }
0x76: {  	s1 =	rddreg [dreg:$0x1];
	p0 =	sne.s32 s2, $0x0  }
0x77: {  	s3 =	rddreg [dreg:$0x2];
	[bflag:$0x3] =	sbarrier.arrive $0xFFFF;
	s2 =	simm.s32 @!p0 $0x1C03  }
0x78: {  	[timem:s3], [sflag:s2] =	dma.local @!p0 [hbm:s0], s1  }
0x79: {  	s0 =	simm.s32 @!p0 $0x3  }
0x7a: {  	_ =	swait.ge @!p0 [sflag:s0], s1  }
0x7b: {  	s1 =	ssub.s32 @!p0 $0x0, s1;
	[sflag:s0] =	ssyncset.done @!p0 $0x0  }
0x7c: {  	[sflag:s0] =	ssyncadd.s32 @!p0 s1  }
0x7d: {  	[bflag:$0x3] =	sbarrier.arrive $0xFFFF  }
0x7e: {  	_ =	shalt  }

// kernel: kernel.20.cloned.1.call-start
scs
__scs_entry_jumppad:
0x0: {  	(pc) =	sbr.rel $0x88, $3  }
0x1: {  	(tag) =	ssettag $0x0;
	lr =	simm.s32 $0x1  }
0x2: {  	[smem:$0x3F90] =	sst lr;
	_ =	strace $0xD0000000  }
0x3: {  	_ = 	snop  }
0x4: {  	_ = 	snop  }
0x5: {  	_ = 	snop  }
0x6: {  	_ = 	snop  }
0x7: {  	_ = 	snop  }
__scs_overlays_trampoline_lowered:
0x8: {  	[smem:$0x3F9F] =	sst s0  }
0x9: {  	[smem:$0x3FA0] =	sst s1  }
0xa: {  	[smem:$0x3FA1] =	sst s2  }
0xb: {  	[smem:$0x3FA2] =	sst s3  }
0xc: {  	[smem:$0x3FA3] =	sst s4  }
0xd: {  	[smem:$0x3FA4] =	sst s5  }
0xe: {  	[smem:$0x3FA5] =	sst s6  }
0xf: {  	[smem:$0x3FA6] =	sst s7  }
0x10: {  	[smem:$0x3FA7] =	sst s8  }
0x11: {  	[smem:$0x3FA8] =	sst s9;
	s0 =	simm.s32 @!p0 $0x0  }
0x12: {  	s1 =	sld [smem:$0x3F8E];
	s0 =	simm.s32 @p0 $0x1  }
0x13: {  	[smem:$0x3FA9] =	sst s0;
	s0 =	simm.s32 @!p1 $0x0  }
0x14: {  	s2 =	sld [smem:$0x3F8D];
	s0 =	simm.s32 @p1 $0x1  }
0x15: {  	[smem:$0x3FAA] =	sst s0;
	s0 =	simm.s32 @!p2 $0x0  }
0x16: {  	s3 =	sld [smem:$0x3FDB];
	s0 =	simm.s32 @p2 $0x1  }
0x17: {  	s4 =	simm.s32 $0x1BF5;
	[smem:$0x3FAC] =	sst s0  }
0x18: {  	s0 =	sld [smem:$0x3F8F];
	_ =	swait.ge [sflag:s4], $0x0  }
0x19: {  	s7 =	sld [smem:$0x3F90]  }
0x1a: {  	s8 =	sadd.s32 $0xFFFFE003, lr  }
0x1b: {  	s9 =	sadd.s32 $0xFFFFFEF7, lr;
	s5 =	simm.s32 $0xFFFFFFFF;
	p2 =	slt.u32 s8, $0xFFFFF086  }
0x1c: {  	p1 =	slt.u32 s9, $0xF7A;
	s5 =	simm.s32 @!p2 $0x0  }
0x1d: {  	s5 =	simm.s32 @p1 $0x1;
	p0 =	seq.s32 s7, s2  }
0x1e: {  	s7 =	smul.u32 @!p0 $0xF7A, s2;
	p2 =	seq.s32 @!p0 s5, $0x0  }
0x1f: {  	s9 =	smul.u32 $0xF7A, s1;
	s8 =	simm.s32 @!p0 $0x1BF5;
	p2 =	por !p2, p0  }
0x20: {  	[sflag:s8] =	ssyncset.s32 @!p0 $0xFFFFF086;
	s6 =	sadd.s32 @!p0 s3, s7;
	s7 =	simm.s32 @!p0 $0x108  }
0x21: {  	s3 =	sadd.s32 s3, s9;
	s6 =	sadd.s32 @!p0 $0x88, s6;
	s7 =	simm.s32 @p2 $0x1082  }
0x22: {  	[simem:s7], [sflag:s8] =	dma.local @!p0 [hbm:s6], $0xF7A  }
0x23: {  	s9 =	sor.u32 $0xD0000000, s2;
	s6 =	simm.s32 $0x108;
	_ =	swait.ge @!p0 [sflag:s8], $0x0  }
0x24: {  	s3 =	sadd.s32 $0x88, s3;
	s6 =	simm.s32 @!p1 $0x1082;
	[sflag:s4] =	ssyncset.s32 $0xFFFFF086  }
0x25: {  	[simem:s6], [sflag:s4] =	dma.local [hbm:s3], $0xF7A  }
0x26: {  	[smem:$0x3F90] =	sst s1;
	(tag) =	ssettag s2;
	_ =	strace s9  }
0x27: {  	s1 =	sld [smem:$0x3FA0]  }
0x28: {  	s2 =	sld [smem:$0x3FA1]  }
0x29: {  	s4 =	sld [smem:$0x3FA3]  }
0x2a: {  	p0 =	seq.s32 s5, $0x0;
	s5 =	sld [smem:$0x3FA4]  }
0x2b: {  	s6 =	sld [smem:$0x3FA5]  }
0x2c: {  	s7 =	sld [smem:$0x3FA6]  }
0x2d: {  	s3 =	simm.s32 $0x108;
	s8 =	sld [smem:$0x3FA7]  }
0x2e: {  	s3 =	simm.s32 @!p0 $0x1082;
	s9 =	sld [smem:$0x3FA8]  }
0x2f: {  	lr =	sadd.s32 s0, s3;
	s0 =	sld [smem:$0x3F9F]  }
0x30: {  	s3 =	sld [smem:$0x3FA2]  }
0x31: {  	[smem:$0x3FAB] =	sst s10  }
0x32: {  	s10 =	sld [smem:$0x3FA9];
	_ =	sdelay $0x3  }
0x33: {  	p0 =	seq.s32 s10, $0x1;
	s10 =	sld [smem:$0x3FAB];
	_ =	sdelay $0x3  }
0x34: {  	[smem:$0x3FAB] =	sst s10  }
0x35: {  	s10 =	sld [smem:$0x3FAA];
	_ =	sdelay $0x3  }
0x36: {  	p1 =	seq.s32 s10, $0x1;
	s10 =	sld [smem:$0x3FAB];
	_ =	sdelay $0x3  }
0x37: {  	[smem:$0x3FAB] =	sst s10  }
0x38: {  	s10 =	sld [smem:$0x3FAC]  }
0x39: {  	_ = 	snop;
	(pc) =	sbr.ind lr, $3  }
0x3a: {  	_ = 	snop  }
0x3b: {  	_ = 	snop  }
0x3c: {  	p2 =	seq.s32 s10, $0x1;
	s10 =	sld [smem:$0x3FAB]  }
0x3d: {  	_ =	shalt  }
0x3e: {  	_ =	shalt  }
0x3f: {  	_ =	shalt  }
0x40: {  	_ =	shalt  }
0x41: {  	_ =	shalt  }
0x42: {  	_ =	shalt  }
0x43: {  	_ =	shalt  }
0x44: {  	_ =	shalt  }
0x45: {  	_ =	shalt  }
0x46: {  	_ =	shalt  }
0x47: {  	_ =	shalt  }
0x48: {  	_ =	shalt  }
0x49: {  	_ =	shalt  }
0x4a: {  	_ =	shalt  }
0x4b: {  	_ =	shalt  }
0x4c: {  	_ =	shalt  }
0x4d: {  	_ =	shalt  }
0x4e: {  	_ =	shalt  }
0x4f: {  	_ =	shalt  }
0x50: {  	_ =	shalt  }
0x51: {  	_ =	shalt  }
0x52: {  	_ =	shalt  }
0x53: {  	_ =	shalt  }
0x54: {  	_ =	shalt  }
0x55: {  	_ =	shalt  }
0x56: {  	_ =	shalt  }
0x57: {  	_ =	shalt  }
0x58: {  	_ =	shalt  }
0x59: {  	_ =	shalt  }
0x5a: {  	_ =	shalt  }
0x5b: {  	_ =	shalt  }
0x5c: {  	_ =	shalt  }
0x5d: {  	_ =	shalt  }
0x5e: {  	_ =	shalt  }
0x5f: {  	_ =	shalt  }
0x60: {  	_ =	shalt  }
0x61: {  	_ =	shalt  }
0x62: {  	_ =	shalt  }
0x63: {  	_ =	shalt  }
0x64: {  	_ =	shalt  }
0x65: {  	_ =	shalt  }
0x66: {  	_ =	shalt  }
0x67: {  	_ =	shalt  }
0x68: {  	_ =	shalt  }
0x69: {  	_ =	shalt  }
0x6a: {  	_ =	shalt  }
0x6b: {  	_ =	shalt  }
0x6c: {  	_ =	shalt  }
0x6d: {  	_ =	shalt  }
0x6e: {  	_ =	shalt  }
0x6f: {  	_ =	shalt  }
0x70: {  	_ =	shalt  }
0x71: {  	_ =	shalt  }
0x72: {  	_ =	shalt  }
0x73: {  	_ =	shalt  }
0x74: {  	_ =	shalt  }
0x75: {  	_ =	shalt  }
0x76: {  	_ =	shalt  }
0x77: {  	_ =	shalt  }
0x78: {  	_ =	shalt  }
0x79: {  	_ =	shalt  }
0x7a: {  	_ =	shalt  }
0x7b: {  	_ =	shalt  }
0x7c: {  	_ =	shalt  }
0x7d: {  	_ =	shalt  }
0x7e: {  	_ =	shalt  }
0x7f: {  	_ =	shalt  }
0x80: {  	_ =	shalt  }
0x81: {  	_ =	shalt  }
0x82: {  	_ =	shalt  }
0x83: {  	_ =	shalt  }
0x84: {  	_ =	shalt  }
0x85: {  	_ =	shalt  }
0x86: {  	_ =	shalt  }
0x87: {  	_ =	shalt  }
.Lfunc_end0:
.L_simem_size_0:
called_computation.2_lowered:
.L_overlay_start_0:
0x88: {  	s2 =	sld [smem:$0x3FD9]  }
0x89: {  	s3 =	sld [smem:$0x3FFE];
	_ =	sdelay $0x1  }
0x8a: {  	s1 =	srdreg.scid  }
0x8b: {  	s0 =	sand.u32 $0x1, s1  }
0x8c: {  	s16 =	sshll.u32 s0, $0xA;
	s2 =	sadd.s32 s3, s2  }
0x8d: {  	s2 =	sadd.s32 s2, s16  }
0x8e: {  	[smem:$0x3FB7] =	sst s2  }
0x8f: {  	_ = 	snop  }
0x90: {  	(tm) =	ssettm $0x1  }
0x91: {  	s17 =	sld [smem:$0x3FFB];
	_ =	sdelay $0x3  }
0x92: {  	_ =	strace s17  }
0x93: {  	s2 =	sld [smem:$0x3FFC];
	_ =	sdelay $0x3  }
0x94: {  	_ =	strace s2  }
0x95: {  	s2 =	sld [smem:$0x3FFD];
	_ =	sdelay $0x3  }
0x96: {  	_ =	strace s2  }
0x97: {  	_ =	strace $0x8FFFFFFF  }
0x98: {  	s18 =	sld [smem:$0x3FDB];
	_ =	sdelay $0x1  }
0x99: {  	s19 =	simm.s32 $_scs_section_size  }
0x9a: {  	s4 =	simm.s32 $_size__tile_overlayer_lowered;
	s5 =	simm.s32 $_tile_overlayer_lowered  }
0x9b: {  	s22 =	simm.s32 $0x1BFF;
	s21 =	sshll.u32 s5, $0x1;
	s2 =	sadd.s32 s19, s18  }
0x9c: {  	s6 =	simm.s32 $0x0;
	s20 =	sshll.u32 s4, $0x1;
	s4 =	sadd.s32 s21, s2  }
0x9d: {  	[timem:s6], [sflag:s22] =	dma.local [hbm:s4], s20  }
0x9e: {  	_ =	swait.ge [sflag:s22], s20  }
0x9f: {  	s3 =	ssub.s32 $0x0, s20;
	[sflag:s22] =	ssyncset.done $0x0  }
0xa0: {  	[sflag:s22] =	ssyncadd.s32 s3;
	_ =	sdelay $0x1  }
0xa1: {  	s23 =	simm.s32 $0x1B8B  }
0xa2: {  	_ =	swait.ge [sflag:s23], $0x1  }
0xa3: {  	[sflag:s23] =	ssyncset.done $0x0  }
0xa4: {  	s25 =	simm.s32 $0x1B8E;
	s24 =	sld [smem:$0x3FFE];
	[sflag:s23] =	ssyncadd.s32 $0xFFFFFFFF  }
0xa5: {  	s26 =	simm.s32 $execute0_lowered;
	[smem:$0x3FD2] =	sst s25  }
0xa6: {  	s4 =	sshll.u32 s26, $0x1;
	_ =	strace $0x8000004C;
	[dreg:$0x1] =	wrdreg $0xFFFFFFFF  }
0xa7: {  	s28 =	simm.s32 $_size_execute0_lowered;
	s2 =	sadd.s32 s2, s4;
	[dreg:$0x0] =	wrdreg $0x0  }
0xa8: {  	s4 =	sshll.u32 s28, $0x1;
	[dreg:$0x2] =	wrdreg s2  }
0xa9: {  	[dreg:$0x3] =	wrdreg s4  }
0xaa: {  	[dreg:$0x4] =	wrdreg $0xC0  }
0xab: {  	_ =	task [dreg:s6], $0x5FFFF  }
0xac: {  	[dreg:$0x1] =	wrdreg $0xFFFFFFFF  }
0xad: {  	[dreg:$0x0] =	wrdreg $0x60  }
0xae: {  	[dreg:$0x2] =	wrdreg s24  }
0xaf: {  	[dreg:$0x3] =	wrdreg $0x90000  }
0xb0: {  	[dreg:$0x4] =	wrdreg $0x9  }
0xb1: {  	_ =	task.clear_ibuf [dreg:s6], $0x5FFFF;
	_ =	strace $0x9000004C  }
0xb2: {  	s29 =	simm.s32 $0x9;
	_ =	strace $0x8000004E  }
0xb3: {  	_ =	swait.ge [sflag:s29], $0x1  }
0xb4: {  	[sflag:s29] =	ssyncadd.s32 $0xFFFFFFFF  }
0xb5: {  	_ =	strace $0x9000004E  }
0xb6: {  	_ =	sfence  }
0xb7: {  	s30 =	sld [smem:$0x0];
	_ =	sdelay $0x2  }
0xb8: {  	s31 =	sshll.u32 s1, $0xD;
	s1 =	sshrl.u32 s1, $0x2  }
0xb9: {  	s3 =	sand.u32 $0x4000, s31;
	s1 =	sadd.s32 s1, s30  }
0xba: {  	s0 =	sor.u32 s3, s0;
	s1 =	sshll.u32 s1, $0x11  }
0xbb: {  	s0 =	sor.u32 s1, s0  }
0xbc: {  	s0 =	sadd.s32 $0x8F2B, s0  }
0xbd: {  	[sflag:s0] =	ssyncadd.remote.s32 $0x1  }
0xbe: {  	_ =	sfence.sel $0xFFFF  }
0xbf: {  	[dreg:$0x0] =	wrdreg $0xFFFFFFFF;
	(pc) =	sbr.abs _section_cstart, $3  }
0xc0: {  	[dreg:$0x1] =	wrdreg $0xFFFFFFFF  }
0xc1: {  	_ =	task.clear_ibuf [dreg:s6], $0x2FFFF;
	_ =	strace $0x9FFFFFFF  }
0xc2: {  	(tm) =	ssettm $0x7FFFFFFF  }
0xc3: {  	_ =	shalt  }
tec
execute0_lowered:
.L_overlay_start_1:
0x0: {  	(tag) =	ssettag $0x1  }
0x1: {  	s5 =	rddreg [dreg:$0x0];
	s1 =	srdreg.scid  }
0x2: {  	s0 =	stileid.u32;
	s2 =	rddreg [dreg:$0x1];
	s3 =	simm.s32 $0x0  }
0x3: {  	s21 =	simm.s32 $0x80;
	s22 =	simm.s32 $0x1;
	s23 =	simm.s32 $0x2  }
0x4: {  	s24 =	simm.s32 $0x0;
	s8 =	sand.u32 $0x1, s1;
	s1 =	rddreg [dreg:$0x2]  }
0x5: {  	s4 =	sshll.u32 s0, $0x1;
	[smem:$0x7FF] =	sst s3;
	s10 =	smul.u32 $0x50000, s0  }
0x6: {  	s16 =	sadd.s32 $0x40E00, s5;
	s11 =	smul.u32 $0x14000, s0;
	s4 =	sor.u32 s8, s4  }
0x7: {  	_ =	strace $0x8000004D;
	s7 =	ssub.s32 $0x2, s8;
	s14 =	smul.u32 $0x140000, s8  }
0x8: {  	s6 =	smul.u32 $0x500, s4;
	s4 =	sadd.s32 $0x18E00, s5;
	s9 =	sshrl.u32 s7, $0x1  }
0x9: {  	s29 =	sshrl.u32 s10, $0x2;
	s12 =	sadd.s32 $0x4000, s11;
	s15 =	sadd.s32 $0x8000, s11  }
0xa: {  	s18 =	sadd.s32 $0xC000, s11;
	s19 =	sadd.s32 $0x10000, s11;
	s17 =	ssub.s32 s7, s9  }
0xb: {  	s7 =	sadd.s32 s29, s2;
	s8 =	sadd.s32 s12, s2;
	s9 =	sadd.s32 s15, s2  }
0xc: {  	s10 =	sadd.s32 s18, s2;
	s13 =	sadd.s32 s11, s14;
	s20 =	sadd.s32 s14, s12  }
0xd: {  	s11 =	sadd.s32 s19, s2;
	s15 =	sadd.s32 s14, s15;
	s18 =	sadd.s32 s14, s18  }
0xe: {  	s19 =	sadd.s32 s14, s19;
	s6 =	sadd.s32 s6, s5;
	s13 =	sshrl.u32 s13, $0x3  }
0xf: {  	s30 =	sshrl.u32 s20, $0x3;
	s15 =	sshrl.u32 s15, $0x3;
	s18 =	sshrl.u32 s18, $0x3  }
0x10: {  	s31 =	sshrl.u32 s19, $0x3;
	s17 =	smax.u32 s17, $0x1;
	s19 =	simm.s32 $0x2800  }
0x11: {  	s20 =	simm.s32 $0x5000;
	s5 =	sadd.s32 $0x4E00, s6;
	s6 =	sadd.s32 $0xEE00, s6  }
0x12: {  	s12 =	sadd.s32 s16, s13;
	s13 =	sadd.s32 s16, s30;
	s14 =	sadd.s32 s16, s15  }
0x13: {  	v0 =	vimm.f32 $0.0e+00;
	s15 =	sadd.s32 s16, s18;
	s16 =	sadd.s32 s16, s31;
	s18 =	simm.s32 $0x3  }
.LBB2_1:
0x14: {  	[tilespmem:s3], [sflag:$0x3] =	stream.linear.gather [hbm4b:s5+s3], $0x2800, $0x38;
	[tilespmem:$0x1D000] =	vst v63  }
0x15: {  	_ =	swait.ge [sflag:s18], $0x2800  }
0x16: {  	[sflag:s18] =	ssyncset.done $0x0  }
0x17: {  	[sflag:s18] =	ssyncadd.s32 $0xFFFFD800  }
0x18: {  	[tilespmem:s19], [sflag:$0x3] =	stream.linear.gather [hbm4b:s6+s3], $0x2800, $0x38;
	[tilespmem:$0x1D000] =	vst v63  }
0x19: {  	_ =	swait.ge [sflag:s18], $0x2800  }
0x1a: {  	[sflag:s18] =	ssyncset.done $0x0  }
0x1b: {  	s25 =	simm.s32 $0x0;
	s26 =	simm.s32 $0x200;
	[sflag:s18] =	ssyncadd.s32 $0xFFFFD800  }
.LBB2_2:
0x1c: {  	p0 =	sne.s32 s26, $0xFE00;
	[tilespmem:s25+$0x5070] =	vst v0  }
0x1d: {  	[tilespmem:s25+$0x5000] =	vst v0  }
0x1e: {  	[tilespmem:s25+$0x5010] =	vst v0  }
.Ltmp0:
0x1f: {  	[tilespmem:s25+$0x5020] =	vst v0;
	(pc) =	sbr.rel @p0 .LBB2_2-.Ltmp0, $4  }
0x20: {  	[tilespmem:s25+$0x5030] =	vst v0  }
0x21: {  	[tilespmem:s25+$0x5040] =	vst v0  }
0x22: {  	[tilespmem:s25+$0x5050] =	vst v0  }
0x23: {  	[tilespmem:s25+$0x5060] =	vst v0;
	s25 =	sshra.s32 s26, $0x2;
	s26 =	sadd.s32 $0x200, s26  }
0x24: {  	[tilespmem:s25+$0x5070] =	vst v0  }
0x25: {  	[tilespmem:s25+$0x5000] =	vst v0  }
0x26: {  	[tilespmem:s25+$0x5010] =	vst v0  }
0x27: {  	[tilespmem:s25+$0x5020] =	vst v0  }
0x28: {  	[tilespmem:s25+$0x5030] =	vst v0  }
0x29: {  	[tilespmem:s25+$0x5040] =	vst v0  }
0x2a: {  	[tilespmem:s25+$0x5050] =	vst v0  }
0x2b: {  	[tilespmem:s25+$0x5060] =	vst v0  }
0x2c: {  	[spmem:s7] =	stream.linear.scatter [tilespmem:s20], [sflag:$0x3], $0x4000, $0x38;
	[tilespmem:$0x1D000] =	vst v63  }
0x2d: {  	_ =	swait.ge [sflag:s18], $0x4000  }
0x2e: {  	[sflag:s18] =	ssyncset.done $0x0  }
0x2f: {  	[sflag:s18] =	ssyncadd.s32 $0xFFFFC000  }
0x30: {  	[spmem:s8] =	stream.linear.scatter [tilespmem:s20], [sflag:$0x3], $0x4000, $0x38;
	[tilespmem:$0x1D000] =	vst v63  }
0x31: {  	_ =	swait.ge [sflag:s18], $0x4000  }
0x32: {  	[sflag:s18] =	ssyncset.done $0x0  }
0x33: {  	[sflag:s18] =	ssyncadd.s32 $0xFFFFC000  }
0x34: {  	[spmem:s9] =	stream.linear.scatter [tilespmem:s20], [sflag:$0x3], $0x4000, $0x38;
	[tilespmem:$0x1D000] =	vst v63  }
0x35: {  	_ =	swait.ge [sflag:s18], $0x4000  }
0x36: {  	[sflag:s18] =	ssyncset.done $0x0  }
0x37: {  	[sflag:s18] =	ssyncadd.s32 $0xFFFFC000  }
0x38: {  	[spmem:s10] =	stream.linear.scatter [tilespmem:s20], [sflag:$0x3], $0x4000, $0x38;
	[tilespmem:$0x1D000] =	vst v63  }
0x39: {  	_ =	swait.ge [sflag:s18], $0x4000  }
0x3a: {  	[sflag:s18] =	ssyncset.done $0x0  }
0x3b: {  	[sflag:s18] =	ssyncadd.s32 $0xFFFFC000  }
0x3c: {  	[spmem:s11] =	stream.linear.scatter [tilespmem:s20], [sflag:$0x3], $0x4000, $0x38;
	[tilespmem:$0x1D000] =	vst v63  }
0x3d: {  	_ =	swait.ge [sflag:s18], $0x4000  }
0x3e: {  	[sflag:s18] =	ssyncset.done $0x0  }
0x3f: {  	[sflag:s18] =	ssyncadd.s32 $0xFFFFC000  }
0x40: {  	s30 =	simm.s32 $0x0;
	[bflag:$0x0] =	sbarrier.arrive $0xFFFF  }
0x41: {  	[tilespmem:s20], [sflag:$0x1] =	stream.indirect.gather [hbm4b:s4+s21], $0x80, s30, s21, $0xb8;
	[tilespmem:$0x1D000] =	vst v63  }
0x42: {  	_ =	swait.ge [sflag:s22], $0x4000  }
0x43: {  	[sflag:s22] =	ssyncset.done $0x0  }
0x44: {  	s31 =	simm.s32 $0x2800;
	[sflag:s22] =	ssyncadd.s32 $0xFFFFC000  }
0x45: {  	[spmem:s2] =	stream.indirect.scatter.add.f32 [tilespmem:s20], [sflag:$0x3], $0x80, s31, s21, $0xb8;
	[tilespmem:$0x1D000] =	vst v63  }
0x46: {  	_ =	swait.ge [sflag:s18], $0x4000  }
0x47: {  	s25 =	simm.s32 $0x200;
	s26 =	simm.s32 $0x400;
	[sflag:s18] =	ssyncset.done $0x0  }
.LBB2_4:
0x48: {  	s28 =	sshra.s32 s25, $0x2  }
0x49: {  	[sflag:s18] =	ssyncadd.s32 $0xFFFFC000;
	s25 =	smov.u32 s26;
	s29 =	sadd.s32 $0x200, s26  }
0x4a: {  	[tilespmem:s20], [sflag:$0x1] =	stream.indirect.gather [hbm4b:s4+s21], $0x80, s28, s21, $0xb8;
	[tilespmem:$0x1D000] =	vst v63  }
0x4b: {  	p0 =	sne.s32 s26, $0x9E00;
	_ =	swait.ge [sflag:s22], $0x4000  }
.Ltmp1:
0x4c: {  	[sflag:s22] =	ssyncset.done $0x0;
	(pc) =	sbr.rel @p0 .LBB2_4-.Ltmp1, $4  }
0x4d: {  	s26 =	sadd.s32 $0x2800, s28;
	[sflag:s22] =	ssyncadd.s32 $0xFFFFC000  }
0x4e: {  	[spmem:s2] =	stream.indirect.scatter.add.f32 [tilespmem:s20], [sflag:$0x3], $0x80, s26, s21, $0xb8;
	[tilespmem:$0x1D000] =	vst v63  }
0x4f: {  	_ =	swait.ge [sflag:s18], $0x4000  }
0x50: {  	s26 =	smov.u32 s29;
	[sflag:s18] =	ssyncset.done $0x0  }
0x51: {  	s25 =	sshra.s32 s25, $0x2;
	[sflag:s18] =	ssyncadd.s32 $0xFFFFC000  }
0x52: {  	[tilespmem:s20], [sflag:$0x1] =	stream.indirect.gather [hbm4b:s4+s21], $0x80, s25, s21, $0xb8;
	[tilespmem:$0x1D000] =	vst v63  }
0x53: {  	_ =	swait.ge [sflag:s22], $0x4000  }
0x54: {  	[sflag:s22] =	ssyncset.done $0x0  }
0x55: {  	s25 =	sadd.s32 $0x2800, s25;
	[sflag:s22] =	ssyncadd.s32 $0xFFFFC000  }
0x56: {  	[spmem:s2] =	stream.indirect.scatter.add.f32 [tilespmem:s20], [sflag:$0x3], $0x80, s25, s21, $0xb8;
	[tilespmem:$0x1D000] =	vst v63  }
0x57: {  	s26 =	sshll.u32 s0, $0x6;
	_ =	swait.ge [sflag:s18], $0x4000  }
0x58: {  	s28 =	sshrl.u32 s8, $0x3;
	s29 =	sshrl.u32 s9, $0x3;
	[sflag:s18] =	ssyncset.done $0x0  }
0x59: {  	s30 =	sshrl.u32 s10, $0x3;
	s31 =	sshrl.u32 s11, $0x3;
	[sflag:s18] =	ssyncadd.s32 $0xFFFFC000  }
0x5a: {  	s25 =	sor.u32 $0x1C02, s26;
	s26 =	sshrl.u32 s7, $0x3;
	[bflag:$0x0] =	sbarrier.arrive $0xFFFF  }
0x5b: {  	[hbm:s12], [sflag:s25] =	dma.local [spmem:s26], $0x800  }
0x5c: {  	[hbm:s13], [sflag:s25] =	dma.local [spmem:s28], $0x800  }
0x5d: {  	[hbm:s14], [sflag:s25] =	dma.local [spmem:s29], $0x800  }
0x5e: {  	[hbm:s15], [sflag:s25] =	dma.local [spmem:s30], $0x800  }
0x5f: {  	[hbm:s16], [sflag:s25] =	dma.local [spmem:s31], $0x800  }
0x60: {  	_ =	swait.ge [sflag:s23], $0x800  }
0x61: {  	[sflag:s23] =	ssyncset.done $0x0  }
0x62: {  	[sflag:s23] =	ssyncadd.s32 $0xFFFFF800  }
0x63: {  	_ =	swait.ge [sflag:s23], $0x800  }
0x64: {  	[sflag:s23] =	ssyncset.done $0x0  }
0x65: {  	[sflag:s23] =	ssyncadd.s32 $0xFFFFF800  }
0x66: {  	_ =	swait.ge [sflag:s23], $0x800  }
0x67: {  	[sflag:s23] =	ssyncset.done $0x0  }
0x68: {  	s24 =	sadd.s32 $0x1, s24;
	[sflag:s23] =	ssyncadd.s32 $0xFFFFF800  }
0x69: {  	p0 =	sne.s32 s24, s17;
	_ =	swait.ge [sflag:s23], $0x800  }
.Ltmp2:
0x6a: {  	[sflag:s23] =	ssyncset.done $0x0;
	(pc) =	sbr.rel @p0 .LBB2_1-.Ltmp2, $4  }
0x6b: {  	[sflag:s23] =	ssyncadd.s32 $0xFFFFF800  }
0x6c: {  	_ =	swait.ge [sflag:s23], $0x800  }
0x6d: {  	[sflag:s23] =	ssyncset.done $0x0  }
0x6e: {  	[sflag:s23] =	ssyncadd.s32 $0xFFFFF800  }
0x6f: {  	_ =	sfence.sel $0x180000  }
0x70: {  	[bflag:$0x0] =	sbarrier.arrive $0xFFFF  }
0x71: {  	p0 =	sne.s32 s0, $0x0;
	_ =	strace $0x9000004D  }
0x72: {  	s0 =	sadd.s32 @!p0 $0x100000, s1;
	[bflag:$0x2] =	sbarrier.arrive $0xFFFF  }
0x73: {  	[sflag:s0] =	ssyncadd.tile.s32 @!p0 $0x1;
	_ =	shalt  }
.Lfunc_end2:
_tile_overlayer_lowered:
.L_overlay_start_2:
0x74: {  	(tag) =	ssettag $0x2  }
0x75: {  	s0 =	rddreg [dreg:$0x0];
	s2 =	stileid.u32  }
0x76: {  	s1 =	rddreg [dreg:$0x1];
	p0 =	sne.s32 s2, $0x0  }
0x77: {  	s3 =	rddreg [dreg:$0x2];
	[bflag:$0x3] =	sbarrier.arrive $0xFFFF;
	s2 =	simm.s32 @!p0 $0x1C03  }
0x78: {  	[timem:s3], [sflag:s2] =	dma.local @!p0 [hbm:s0], s1  }
0x79: {  	s0 =	simm.s32 @!p0 $0x3  }
0x7a: {  	_ =	swait.ge @!p0 [sflag:s0], s1  }
0x7b: {  	s1 =	ssub.s32 @!p0 $0x0, s1;
	[sflag:s0] =	ssyncset.done @!p0 $0x0  }
0x7c: {  	[sflag:s0] =	ssyncadd.s32 @!p0 s1  }
0x7d: {  	[bflag:$0x3] =	sbarrier.arrive $0xFFFF  }
0x7e: {  	_ =	shalt  }

// kernel: kernel.23.cloned.1.call-start
scs
__scs_entry_jumppad:
0x0: {  	(pc) =	sbr.rel $0x88, $3  }
0x1: {  	(tag) =	ssettag $0x0;
	lr =	simm.s32 $0x1  }
0x2: {  	[smem:$0x3F90] =	sst lr;
	_ =	strace $0xD0000000  }
0x3: {  	_ = 	snop  }
0x4: {  	_ = 	snop  }
0x5: {  	_ = 	snop  }
0x6: {  	_ = 	snop  }
0x7: {  	_ = 	snop  }
__scs_overlays_trampoline_lowered:
0x8: {  	[smem:$0x3F9F] =	sst s0  }
0x9: {  	[smem:$0x3FA0] =	sst s1  }
0xa: {  	[smem:$0x3FA1] =	sst s2  }
0xb: {  	[smem:$0x3FA2] =	sst s3  }
0xc: {  	[smem:$0x3FA3] =	sst s4  }
0xd: {  	[smem:$0x3FA4] =	sst s5  }
0xe: {  	[smem:$0x3FA5] =	sst s6  }
0xf: {  	[smem:$0x3FA6] =	sst s7  }
0x10: {  	[smem:$0x3FA7] =	sst s8  }
0x11: {  	[smem:$0x3FA8] =	sst s9;
	s0 =	simm.s32 @!p0 $0x0  }
0x12: {  	s1 =	sld [smem:$0x3F8E];
	s0 =	simm.s32 @p0 $0x1  }
0x13: {  	[smem:$0x3FA9] =	sst s0;
	s0 =	simm.s32 @!p1 $0x0  }
0x14: {  	s2 =	sld [smem:$0x3F8D];
	s0 =	simm.s32 @p1 $0x1  }
0x15: {  	[smem:$0x3FAA] =	sst s0;
	s0 =	simm.s32 @!p2 $0x0  }
0x16: {  	s3 =	sld [smem:$0x3FDB];
	s0 =	simm.s32 @p2 $0x1  }
0x17: {  	s4 =	simm.s32 $0x1BF5;
	[smem:$0x3FAC] =	sst s0  }
0x18: {  	s0 =	sld [smem:$0x3F8F];
	_ =	swait.ge [sflag:s4], $0x0  }
0x19: {  	s7 =	sld [smem:$0x3F90]  }
0x1a: {  	s8 =	sadd.s32 $0xFFFFE003, lr  }
0x1b: {  	s9 =	sadd.s32 $0xFFFFFEF7, lr;
	s5 =	simm.s32 $0xFFFFFFFF;
	p2 =	slt.u32 s8, $0xFFFFF086  }
0x1c: {  	p1 =	slt.u32 s9, $0xF7A;
	s5 =	simm.s32 @!p2 $0x0  }
0x1d: {  	s5 =	simm.s32 @p1 $0x1;
	p0 =	seq.s32 s7, s2  }
0x1e: {  	s7 =	smul.u32 @!p0 $0xF7A, s2;
	p2 =	seq.s32 @!p0 s5, $0x0  }
0x1f: {  	s9 =	smul.u32 $0xF7A, s1;
	s8 =	simm.s32 @!p0 $0x1BF5;
	p2 =	por !p2, p0  }
0x20: {  	[sflag:s8] =	ssyncset.s32 @!p0 $0xFFFFF086;
	s6 =	sadd.s32 @!p0 s3, s7;
	s7 =	simm.s32 @!p0 $0x108  }
0x21: {  	s3 =	sadd.s32 s3, s9;
	s6 =	sadd.s32 @!p0 $0x88, s6;
	s7 =	simm.s32 @p2 $0x1082  }
0x22: {  	[simem:s7], [sflag:s8] =	dma.local @!p0 [hbm:s6], $0xF7A  }
0x23: {  	s9 =	sor.u32 $0xD0000000, s2;
	s6 =	simm.s32 $0x108;
	_ =	swait.ge @!p0 [sflag:s8], $0x0  }
0x24: {  	s3 =	sadd.s32 $0x88, s3;
	s6 =	simm.s32 @!p1 $0x1082;
	[sflag:s4] =	ssyncset.s32 $0xFFFFF086  }
0x25: {  	[simem:s6], [sflag:s4] =	dma.local [hbm:s3], $0xF7A  }
0x26: {  	[smem:$0x3F90] =	sst s1;
	(tag) =	ssettag s2;
	_ =	strace s9  }
0x27: {  	s1 =	sld [smem:$0x3FA0]  }
0x28: {  	s2 =	sld [smem:$0x3FA1]  }
0x29: {  	s4 =	sld [smem:$0x3FA3]  }
0x2a: {  	p0 =	seq.s32 s5, $0x0;
	s5 =	sld [smem:$0x3FA4]  }
0x2b: {  	s6 =	sld [smem:$0x3FA5]  }
0x2c: {  	s7 =	sld [smem:$0x3FA6]  }
0x2d: {  	s3 =	simm.s32 $0x108;
	s8 =	sld [smem:$0x3FA7]  }
0x2e: {  	s3 =	simm.s32 @!p0 $0x1082;
	s9 =	sld [smem:$0x3FA8]  }
0x2f: {  	lr =	sadd.s32 s0, s3;
	s0 =	sld [smem:$0x3F9F]  }
0x30: {  	s3 =	sld [smem:$0x3FA2]  }
0x31: {  	[smem:$0x3FAB] =	sst s10  }
0x32: {  	s10 =	sld [smem:$0x3FA9];
	_ =	sdelay $0x3  }
0x33: {  	p0 =	seq.s32 s10, $0x1;
	s10 =	sld [smem:$0x3FAB];
	_ =	sdelay $0x3  }
0x34: {  	[smem:$0x3FAB] =	sst s10  }
0x35: {  	s10 =	sld [smem:$0x3FAA];
	_ =	sdelay $0x3  }
0x36: {  	p1 =	seq.s32 s10, $0x1;
	s10 =	sld [smem:$0x3FAB];
	_ =	sdelay $0x3  }
0x37: {  	[smem:$0x3FAB] =	sst s10  }
0x38: {  	s10 =	sld [smem:$0x3FAC]  }
0x39: {  	_ = 	snop;
	(pc) =	sbr.ind lr, $3  }
0x3a: {  	_ = 	snop  }
0x3b: {  	_ = 	snop  }
0x3c: {  	p2 =	seq.s32 s10, $0x1;
	s10 =	sld [smem:$0x3FAB]  }
0x3d: {  	_ =	shalt  }
0x3e: {  	_ =	shalt  }
0x3f: {  	_ =	shalt  }
0x40: {  	_ =	shalt  }
0x41: {  	_ =	shalt  }
0x42: {  	_ =	shalt  }
0x43: {  	_ =	shalt  }
0x44: {  	_ =	shalt  }
0x45: {  	_ =	shalt  }
0x46: {  	_ =	shalt  }
0x47: {  	_ =	shalt  }
0x48: {  	_ =	shalt  }
0x49: {  	_ =	shalt  }
0x4a: {  	_ =	shalt  }
0x4b: {  	_ =	shalt  }
0x4c: {  	_ =	shalt  }
0x4d: {  	_ =	shalt  }
0x4e: {  	_ =	shalt  }
0x4f: {  	_ =	shalt  }
0x50: {  	_ =	shalt  }
0x51: {  	_ =	shalt  }
0x52: {  	_ =	shalt  }
0x53: {  	_ =	shalt  }
0x54: {  	_ =	shalt  }
0x55: {  	_ =	shalt  }
0x56: {  	_ =	shalt  }
0x57: {  	_ =	shalt  }
0x58: {  	_ =	shalt  }
0x59: {  	_ =	shalt  }
0x5a: {  	_ =	shalt  }
0x5b: {  	_ =	shalt  }
0x5c: {  	_ =	shalt  }
0x5d: {  	_ =	shalt  }
0x5e: {  	_ =	shalt  }
0x5f: {  	_ =	shalt  }
0x60: {  	_ =	shalt  }
0x61: {  	_ =	shalt  }
0x62: {  	_ =	shalt  }
0x63: {  	_ =	shalt  }
0x64: {  	_ =	shalt  }
0x65: {  	_ =	shalt  }
0x66: {  	_ =	shalt  }
0x67: {  	_ =	shalt  }
0x68: {  	_ =	shalt  }
0x69: {  	_ =	shalt  }
0x6a: {  	_ =	shalt  }
0x6b: {  	_ =	shalt  }
0x6c: {  	_ =	shalt  }
0x6d: {  	_ =	shalt  }
0x6e: {  	_ =	shalt  }
0x6f: {  	_ =	shalt  }
0x70: {  	_ =	shalt  }
0x71: {  	_ =	shalt  }
0x72: {  	_ =	shalt  }
0x73: {  	_ =	shalt  }
0x74: {  	_ =	shalt  }
0x75: {  	_ =	shalt  }
0x76: {  	_ =	shalt  }
0x77: {  	_ =	shalt  }
0x78: {  	_ =	shalt  }
0x79: {  	_ =	shalt  }
0x7a: {  	_ =	shalt  }
0x7b: {  	_ =	shalt  }
0x7c: {  	_ =	shalt  }
0x7d: {  	_ =	shalt  }
0x7e: {  	_ =	shalt  }
0x7f: {  	_ =	shalt  }
0x80: {  	_ =	shalt  }
0x81: {  	_ =	shalt  }
0x82: {  	_ =	shalt  }
0x83: {  	_ =	shalt  }
0x84: {  	_ =	shalt  }
0x85: {  	_ =	shalt  }
0x86: {  	_ =	shalt  }
0x87: {  	_ =	shalt  }
.Lfunc_end0:
.L_simem_size_0:
called_computation.3_lowered:
.L_overlay_start_0:
0x88: {  	s2 =	sld [smem:$0x3FD9]  }
0x89: {  	s3 =	sld [smem:$0x3FFE];
	_ =	sdelay $0x1  }
0x8a: {  	s1 =	srdreg.scid  }
0x8b: {  	s0 =	sand.u32 $0x1, s1  }
0x8c: {  	s16 =	sshll.u32 s0, $0xA;
	s2 =	sadd.s32 s3, s2  }
0x8d: {  	s2 =	sadd.s32 s2, s16  }
0x8e: {  	[smem:$0x3FB7] =	sst s2  }
0x8f: {  	_ = 	snop  }
0x90: {  	(tm) =	ssettm $0x1  }
0x91: {  	s17 =	sld [smem:$0x3FFB];
	_ =	sdelay $0x3  }
0x92: {  	_ =	strace s17  }
0x93: {  	s2 =	sld [smem:$0x3FFC];
	_ =	sdelay $0x3  }
0x94: {  	_ =	strace s2  }
0x95: {  	s2 =	sld [smem:$0x3FFD];
	_ =	sdelay $0x3  }
0x96: {  	_ =	strace s2  }
0x97: {  	_ =	strace $0x8FFFFFFF  }
0x98: {  	s18 =	sld [smem:$0x3FDB];
	_ =	sdelay $0x1  }
0x99: {  	s19 =	simm.s32 $_scs_section_size  }
0x9a: {  	s4 =	simm.s32 $_size__tile_overlayer_lowered;
	s5 =	simm.s32 $_tile_overlayer_lowered  }
0x9b: {  	s22 =	simm.s32 $0x1BFF;
	s21 =	sshll.u32 s5, $0x1;
	s2 =	sadd.s32 s19, s18  }
0x9c: {  	s6 =	simm.s32 $0x0;
	s20 =	sshll.u32 s4, $0x1;
	s4 =	sadd.s32 s21, s2  }
0x9d: {  	[timem:s6], [sflag:s22] =	dma.local [hbm:s4], s20  }
0x9e: {  	_ =	swait.ge [sflag:s22], s20  }
0x9f: {  	s3 =	ssub.s32 $0x0, s20;
	[sflag:s22] =	ssyncset.done $0x0  }
0xa0: {  	[sflag:s22] =	ssyncadd.s32 s3;
	_ =	sdelay $0x1  }
0xa1: {  	s23 =	simm.s32 $0x1B8B  }
0xa2: {  	_ =	swait.ge [sflag:s23], $0x1  }
0xa3: {  	[sflag:s23] =	ssyncset.done $0x0  }
0xa4: {  	s25 =	simm.s32 $0x1B8E;
	s24 =	sld [smem:$0x3FFE];
	[sflag:s23] =	ssyncadd.s32 $0xFFFFFFFF  }
0xa5: {  	s26 =	simm.s32 $execute0_lowered;
	[smem:$0x3FD2] =	sst s25  }
0xa6: {  	s4 =	sshll.u32 s26, $0x1;
	_ =	strace $0x8000004F;
	[dreg:$0x1] =	wrdreg $0xFFFFFFFF  }
0xa7: {  	s28 =	simm.s32 $_size_execute0_lowered;
	s2 =	sadd.s32 s2, s4;
	[dreg:$0x0] =	wrdreg $0x0  }
0xa8: {  	s4 =	sshll.u32 s28, $0x1;
	[dreg:$0x2] =	wrdreg s2  }
0xa9: {  	[dreg:$0x3] =	wrdreg s4  }
0xaa: {  	[dreg:$0x4] =	wrdreg $0xC0  }
0xab: {  	_ =	task [dreg:s6], $0x5FFFF  }
0xac: {  	[dreg:$0x1] =	wrdreg $0xFFFFFFFF  }
0xad: {  	[dreg:$0x0] =	wrdreg $0x60  }
0xae: {  	[dreg:$0x2] =	wrdreg s24  }
0xaf: {  	[dreg:$0x3] =	wrdreg $0x90000  }
0xb0: {  	[dreg:$0x4] =	wrdreg $0x9  }
0xb1: {  	_ =	task.clear_ibuf [dreg:s6], $0x5FFFF;
	_ =	strace $0x9000004F  }
0xb2: {  	s29 =	simm.s32 $0x9;
	_ =	strace $0x80000051  }
0xb3: {  	_ =	swait.ge [sflag:s29], $0x1  }
0xb4: {  	[sflag:s29] =	ssyncadd.s32 $0xFFFFFFFF  }
0xb5: {  	_ =	strace $0x90000051  }
0xb6: {  	_ =	sfence  }
0xb7: {  	s30 =	sld [smem:$0x0];
	_ =	sdelay $0x2  }
0xb8: {  	s31 =	sshll.u32 s1, $0xD;
	s1 =	sshrl.u32 s1, $0x2  }
0xb9: {  	s3 =	sand.u32 $0x4000, s31;
	s1 =	sadd.s32 s1, s30  }
0xba: {  	s0 =	sor.u32 s3, s0;
	s1 =	sshll.u32 s1, $0x11  }
0xbb: {  	s0 =	sor.u32 s1, s0  }
0xbc: {  	s0 =	sadd.s32 $0x8F2B, s0  }
0xbd: {  	[sflag:s0] =	ssyncadd.remote.s32 $0x1  }
0xbe: {  	_ =	sfence.sel $0xFFFF  }
0xbf: {  	[dreg:$0x0] =	wrdreg $0xFFFFFFFF;
	(pc) =	sbr.abs _section_cstart, $3  }
0xc0: {  	[dreg:$0x1] =	wrdreg $0xFFFFFFFF  }
0xc1: {  	_ =	task.clear_ibuf [dreg:s6], $0x2FFFF;
	_ =	strace $0x9FFFFFFF  }
0xc2: {  	(tm) =	ssettm $0x7FFFFFFF  }
0xc3: {  	_ =	shalt  }
tec
execute0_lowered:
.L_overlay_start_1:
0x0: {  	(tag) =	ssettag $0x1  }
0x1: {  	s5 =	rddreg [dreg:$0x0];
	s1 =	srdreg.scid  }
0x2: {  	s0 =	stileid.u32;
	s2 =	rddreg [dreg:$0x1];
	s3 =	simm.s32 $0x0  }
0x3: {  	s21 =	simm.s32 $0x80;
	s22 =	simm.s32 $0x1;
	s23 =	simm.s32 $0x2  }
0x4: {  	s24 =	simm.s32 $0x0;
	s8 =	sand.u32 $0x1, s1;
	s1 =	rddreg [dreg:$0x2]  }
0x5: {  	s4 =	sshll.u32 s0, $0x1;
	[smem:$0x7FF] =	sst s3;
	s10 =	smul.u32 $0x50000, s0  }
0x6: {  	s16 =	sadd.s32 $0x40E00, s5;
	s11 =	smul.u32 $0x14000, s0;
	s4 =	sor.u32 s8, s4  }
0x7: {  	_ =	strace $0x80000050;
	s7 =	ssub.s32 $0x2, s8;
	s14 =	smul.u32 $0x140000, s8  }
0x8: {  	s6 =	smul.u32 $0x500, s4;
	s4 =	sadd.s32 $0x18E00, s5;
	s9 =	sshrl.u32 s7, $0x1  }
0x9: {  	s29 =	sshrl.u32 s10, $0x2;
	s12 =	sadd.s32 $0x4000, s11;
	s15 =	sadd.s32 $0x8000, s11  }
0xa: {  	s18 =	sadd.s32 $0xC000, s11;
	s19 =	sadd.s32 $0x10000, s11;
	s17 =	ssub.s32 s7, s9  }
0xb: {  	s7 =	sadd.s32 s29, s2;
	s8 =	sadd.s32 s12, s2;
	s9 =	sadd.s32 s15, s2  }
0xc: {  	s10 =	sadd.s32 s18, s2;
	s13 =	sadd.s32 s11, s14;
	s20 =	sadd.s32 s14, s12  }
0xd: {  	s11 =	sadd.s32 s19, s2;
	s15 =	sadd.s32 s14, s15;
	s18 =	sadd.s32 s14, s18  }
0xe: {  	s19 =	sadd.s32 s14, s19;
	s6 =	sadd.s32 s6, s5;
	s13 =	sshrl.u32 s13, $0x3  }
0xf: {  	s30 =	sshrl.u32 s20, $0x3;
	s15 =	sshrl.u32 s15, $0x3;
	s18 =	sshrl.u32 s18, $0x3  }
0x10: {  	s31 =	sshrl.u32 s19, $0x3;
	s17 =	smax.u32 s17, $0x1;
	s19 =	simm.s32 $0x2800  }
0x11: {  	s20 =	simm.s32 $0x5000;
	s5 =	sadd.s32 $0x4E00, s6;
	s6 =	sadd.s32 $0xEE00, s6  }
0x12: {  	s12 =	sadd.s32 s16, s13;
	s13 =	sadd.s32 s16, s30;
	s14 =	sadd.s32 s16, s15  }
0x13: {  	v0 =	vimm.f32 $0.0e+00;
	s15 =	sadd.s32 s16, s18;
	s16 =	sadd.s32 s16, s31;
	s18 =	simm.s32 $0x3  }
.LBB2_1:
0x14: {  	[tilespmem:s3], [sflag:$0x3] =	stream.linear.gather [hbm4b:s5+s3], $0x2800, $0x38;
	[tilespmem:$0x1D000] =	vst v63  }
0x15: {  	_ =	swait.ge [sflag:s18], $0x2800  }
0x16: {  	[sflag:s18] =	ssyncset.done $0x0  }
0x17: {  	[sflag:s18] =	ssyncadd.s32 $0xFFFFD800  }
0x18: {  	[tilespmem:s19], [sflag:$0x3] =	stream.linear.gather [hbm4b:s6+s3], $0x2800, $0x38;
	[tilespmem:$0x1D000] =	vst v63  }
0x19: {  	_ =	swait.ge [sflag:s18], $0x2800  }
0x1a: {  	[sflag:s18] =	ssyncset.done $0x0  }
0x1b: {  	s25 =	simm.s32 $0x0;
	s26 =	simm.s32 $0x200;
	[sflag:s18] =	ssyncadd.s32 $0xFFFFD800  }
.LBB2_2:
0x1c: {  	p0 =	sne.s32 s26, $0xFE00;
	[tilespmem:s25+$0x5070] =	vst v0  }
0x1d: {  	[tilespmem:s25+$0x5000] =	vst v0  }
0x1e: {  	[tilespmem:s25+$0x5010] =	vst v0  }
.Ltmp0:
0x1f: {  	[tilespmem:s25+$0x5020] =	vst v0;
	(pc) =	sbr.rel @p0 .LBB2_2-.Ltmp0, $4  }
0x20: {  	[tilespmem:s25+$0x5030] =	vst v0  }
0x21: {  	[tilespmem:s25+$0x5040] =	vst v0  }
0x22: {  	[tilespmem:s25+$0x5050] =	vst v0  }
0x23: {  	[tilespmem:s25+$0x5060] =	vst v0;
	s25 =	sshra.s32 s26, $0x2;
	s26 =	sadd.s32 $0x200, s26  }
0x24: {  	[tilespmem:s25+$0x5070] =	vst v0  }
0x25: {  	[tilespmem:s25+$0x5000] =	vst v0  }
0x26: {  	[tilespmem:s25+$0x5010] =	vst v0  }
0x27: {  	[tilespmem:s25+$0x5020] =	vst v0  }
0x28: {  	[tilespmem:s25+$0x5030] =	vst v0  }
0x29: {  	[tilespmem:s25+$0x5040] =	vst v0  }
0x2a: {  	[tilespmem:s25+$0x5050] =	vst v0  }
0x2b: {  	[tilespmem:s25+$0x5060] =	vst v0  }
0x2c: {  	[spmem:s7] =	stream.linear.scatter [tilespmem:s20], [sflag:$0x3], $0x4000, $0x38;
	[tilespmem:$0x1D000] =	vst v63  }
0x2d: {  	_ =	swait.ge [sflag:s18], $0x4000  }
0x2e: {  	[sflag:s18] =	ssyncset.done $0x0  }
0x2f: {  	[sflag:s18] =	ssyncadd.s32 $0xFFFFC000  }
0x30: {  	[spmem:s8] =	stream.linear.scatter [tilespmem:s20], [sflag:$0x3], $0x4000, $0x38;
	[tilespmem:$0x1D000] =	vst v63  }
0x31: {  	_ =	swait.ge [sflag:s18], $0x4000  }
0x32: {  	[sflag:s18] =	ssyncset.done $0x0  }
0x33: {  	[sflag:s18] =	ssyncadd.s32 $0xFFFFC000  }
0x34: {  	[spmem:s9] =	stream.linear.scatter [tilespmem:s20], [sflag:$0x3], $0x4000, $0x38;
	[tilespmem:$0x1D000] =	vst v63  }
0x35: {  	_ =	swait.ge [sflag:s18], $0x4000  }
0x36: {  	[sflag:s18] =	ssyncset.done $0x0  }
0x37: {  	[sflag:s18] =	ssyncadd.s32 $0xFFFFC000  }
0x38: {  	[spmem:s10] =	stream.linear.scatter [tilespmem:s20], [sflag:$0x3], $0x4000, $0x38;
	[tilespmem:$0x1D000] =	vst v63  }
0x39: {  	_ =	swait.ge [sflag:s18], $0x4000  }
0x3a: {  	[sflag:s18] =	ssyncset.done $0x0  }
0x3b: {  	[sflag:s18] =	ssyncadd.s32 $0xFFFFC000  }
0x3c: {  	[spmem:s11] =	stream.linear.scatter [tilespmem:s20], [sflag:$0x3], $0x4000, $0x38;
	[tilespmem:$0x1D000] =	vst v63  }
0x3d: {  	_ =	swait.ge [sflag:s18], $0x4000  }
0x3e: {  	[sflag:s18] =	ssyncset.done $0x0  }
0x3f: {  	[sflag:s18] =	ssyncadd.s32 $0xFFFFC000  }
0x40: {  	s30 =	simm.s32 $0x0;
	[bflag:$0x0] =	sbarrier.arrive $0xFFFF  }
0x41: {  	[tilespmem:s20], [sflag:$0x1] =	stream.indirect.gather [hbm4b:s4+s21], $0x80, s30, s21, $0xb8;
	[tilespmem:$0x1D000] =	vst v63  }
0x42: {  	_ =	swait.ge [sflag:s22], $0x4000  }
0x43: {  	[sflag:s22] =	ssyncset.done $0x0  }
0x44: {  	s31 =	simm.s32 $0x2800;
	[sflag:s22] =	ssyncadd.s32 $0xFFFFC000  }
0x45: {  	[spmem:s2] =	stream.indirect.scatter.add.f32 [tilespmem:s20], [sflag:$0x3], $0x80, s31, s21, $0xb8;
	[tilespmem:$0x1D000] =	vst v63  }
0x46: {  	_ =	swait.ge [sflag:s18], $0x4000  }
0x47: {  	s25 =	simm.s32 $0x200;
	s26 =	simm.s32 $0x400;
	[sflag:s18] =	ssyncset.done $0x0  }
.LBB2_4:
0x48: {  	s28 =	sshra.s32 s25, $0x2  }
0x49: {  	[sflag:s18] =	ssyncadd.s32 $0xFFFFC000;
	s25 =	smov.u32 s26;
	s29 =	sadd.s32 $0x200, s26  }
0x4a: {  	[tilespmem:s20], [sflag:$0x1] =	stream.indirect.gather [hbm4b:s4+s21], $0x80, s28, s21, $0xb8;
	[tilespmem:$0x1D000] =	vst v63  }
0x4b: {  	p0 =	sne.s32 s26, $0x9E00;
	_ =	swait.ge [sflag:s22], $0x4000  }
.Ltmp1:
0x4c: {  	[sflag:s22] =	ssyncset.done $0x0;
	(pc) =	sbr.rel @p0 .LBB2_4-.Ltmp1, $4  }
0x4d: {  	s26 =	sadd.s32 $0x2800, s28;
	[sflag:s22] =	ssyncadd.s32 $0xFFFFC000  }
0x4e: {  	[spmem:s2] =	stream.indirect.scatter.add.f32 [tilespmem:s20], [sflag:$0x3], $0x80, s26, s21, $0xb8;
	[tilespmem:$0x1D000] =	vst v63  }
0x4f: {  	_ =	swait.ge [sflag:s18], $0x4000  }
0x50: {  	s26 =	smov.u32 s29;
	[sflag:s18] =	ssyncset.done $0x0  }
0x51: {  	s25 =	sshra.s32 s25, $0x2;
	[sflag:s18] =	ssyncadd.s32 $0xFFFFC000  }
0x52: {  	[tilespmem:s20], [sflag:$0x1] =	stream.indirect.gather [hbm4b:s4+s21], $0x80, s25, s21, $0xb8;
	[tilespmem:$0x1D000] =	vst v63  }
0x53: {  	_ =	swait.ge [sflag:s22], $0x4000  }
0x54: {  	[sflag:s22] =	ssyncset.done $0x0  }
0x55: {  	s25 =	sadd.s32 $0x2800, s25;
	[sflag:s22] =	ssyncadd.s32 $0xFFFFC000  }
0x56: {  	[spmem:s2] =	stream.indirect.scatter.add.f32 [tilespmem:s20], [sflag:$0x3], $0x80, s25, s21, $0xb8;
	[tilespmem:$0x1D000] =	vst v63  }
0x57: {  	s26 =	sshll.u32 s0, $0x6;
	_ =	swait.ge [sflag:s18], $0x4000  }
0x58: {  	s28 =	sshrl.u32 s8, $0x3;
	s29 =	sshrl.u32 s9, $0x3;
	[sflag:s18] =	ssyncset.done $0x0  }
0x59: {  	s30 =	sshrl.u32 s10, $0x3;
	s31 =	sshrl.u32 s11, $0x3;
	[sflag:s18] =	ssyncadd.s32 $0xFFFFC000  }
0x5a: {  	s25 =	sor.u32 $0x1C02, s26;
	s26 =	sshrl.u32 s7, $0x3;
	[bflag:$0x0] =	sbarrier.arrive $0xFFFF  }
0x5b: {  	[hbm:s12], [sflag:s25] =	dma.local [spmem:s26], $0x800  }
0x5c: {  	[hbm:s13], [sflag:s25] =	dma.local [spmem:s28], $0x800  }
0x5d: {  	[hbm:s14], [sflag:s25] =	dma.local [spmem:s29], $0x800  }
0x5e: {  	[hbm:s15], [sflag:s25] =	dma.local [spmem:s30], $0x800  }
0x5f: {  	[hbm:s16], [sflag:s25] =	dma.local [spmem:s31], $0x800  }
0x60: {  	_ =	swait.ge [sflag:s23], $0x800  }
0x61: {  	[sflag:s23] =	ssyncset.done $0x0  }
0x62: {  	[sflag:s23] =	ssyncadd.s32 $0xFFFFF800  }
0x63: {  	_ =	swait.ge [sflag:s23], $0x800  }
0x64: {  	[sflag:s23] =	ssyncset.done $0x0  }
0x65: {  	[sflag:s23] =	ssyncadd.s32 $0xFFFFF800  }
0x66: {  	_ =	swait.ge [sflag:s23], $0x800  }
0x67: {  	[sflag:s23] =	ssyncset.done $0x0  }
0x68: {  	s24 =	sadd.s32 $0x1, s24;
	[sflag:s23] =	ssyncadd.s32 $0xFFFFF800  }
0x69: {  	p0 =	sne.s32 s24, s17;
	_ =	swait.ge [sflag:s23], $0x800  }
.Ltmp2:
0x6a: {  	[sflag:s23] =	ssyncset.done $0x0;
	(pc) =	sbr.rel @p0 .LBB2_1-.Ltmp2, $4  }
0x6b: {  	[sflag:s23] =	ssyncadd.s32 $0xFFFFF800  }
0x6c: {  	_ =	swait.ge [sflag:s23], $0x800  }
0x6d: {  	[sflag:s23] =	ssyncset.done $0x0  }
0x6e: {  	[sflag:s23] =	ssyncadd.s32 $0xFFFFF800  }
0x6f: {  	_ =	sfence.sel $0x180000  }
0x70: {  	[bflag:$0x0] =	sbarrier.arrive $0xFFFF  }
0x71: {  	p0 =	sne.s32 s0, $0x0;
	_ =	strace $0x90000050  }
0x72: {  	s0 =	sadd.s32 @!p0 $0x100000, s1;
	[bflag:$0x2] =	sbarrier.arrive $0xFFFF  }
0x73: {  	[sflag:s0] =	ssyncadd.tile.s32 @!p0 $0x1;
	_ =	shalt  }
.Lfunc_end2:
_tile_overlayer_lowered:
.L_overlay_start_2:
0x74: {  	(tag) =	ssettag $0x2  }
0x75: {  	s0 =	rddreg [dreg:$0x0];
	s2 =	stileid.u32  }
0x76: {  	s1 =	rddreg [dreg:$0x1];
	p0 =	sne.s32 s2, $0x0  }
0x77: {  	s3 =	rddreg [dreg:$0x2];
	[bflag:$0x3] =	sbarrier.arrive $0xFFFF;
	s2 =	simm.s32 @!p0 $0x1C03  }
0x78: {  	[timem:s3], [sflag:s2] =	dma.local @!p0 [hbm:s0], s1  }
0x79: {  	s0 =	simm.s32 @!p0 $0x3  }
0x7a: {  	_ =	swait.ge @!p0 [sflag:s0], s1  }
0x7b: {  	s1 =	ssub.s32 @!p0 $0x0, s1;
	[sflag:s0] =	ssyncset.done @!p0 $0x0  }
0x7c: {  	[sflag:s0] =	ssyncadd.s32 @!p0 s1  }
0x7d: {  	[bflag:$0x3] =	sbarrier.arrive $0xFFFF  }
0x7e: {  	_ =	shalt  }

// kernel: kernel.26.cloned.1.call-start
scs
__scs_entry_jumppad:
0x0: {  	(pc) =	sbr.rel $0x88, $3  }
0x1: {  	(tag) =	ssettag $0x0;
	lr =	simm.s32 $0x1  }
0x2: {  	[smem:$0x3F90] =	sst lr;
	_ =	strace $0xD0000000  }
0x3: {  	_ = 	snop  }
0x4: {  	_ = 	snop  }
0x5: {  	_ = 	snop  }
0x6: {  	_ = 	snop  }
0x7: {  	_ = 	snop  }
__scs_overlays_trampoline_lowered:
0x8: {  	[smem:$0x3F9F] =	sst s0  }
0x9: {  	[smem:$0x3FA0] =	sst s1  }
0xa: {  	[smem:$0x3FA1] =	sst s2  }
0xb: {  	[smem:$0x3FA2] =	sst s3  }
0xc: {  	[smem:$0x3FA3] =	sst s4  }
0xd: {  	[smem:$0x3FA4] =	sst s5  }
0xe: {  	[smem:$0x3FA5] =	sst s6  }
0xf: {  	[smem:$0x3FA6] =	sst s7  }
0x10: {  	[smem:$0x3FA7] =	sst s8  }
0x11: {  	[smem:$0x3FA8] =	sst s9;
	s0 =	simm.s32 @!p0 $0x0  }
0x12: {  	s1 =	sld [smem:$0x3F8E];
	s0 =	simm.s32 @p0 $0x1  }
0x13: {  	[smem:$0x3FA9] =	sst s0;
	s0 =	simm.s32 @!p1 $0x0  }
0x14: {  	s2 =	sld [smem:$0x3F8D];
	s0 =	simm.s32 @p1 $0x1  }
0x15: {  	[smem:$0x3FAA] =	sst s0;
	s0 =	simm.s32 @!p2 $0x0  }
0x16: {  	s3 =	sld [smem:$0x3FDB];
	s0 =	simm.s32 @p2 $0x1  }
0x17: {  	s4 =	simm.s32 $0x1BF5;
	[smem:$0x3FAC] =	sst s0  }
0x18: {  	s0 =	sld [smem:$0x3F8F];
	_ =	swait.ge [sflag:s4], $0x0  }
0x19: {  	s7 =	sld [smem:$0x3F90]  }
0x1a: {  	s8 =	sadd.s32 $0xFFFFE003, lr  }
0x1b: {  	s9 =	sadd.s32 $0xFFFFFEF7, lr;
	s5 =	simm.s32 $0xFFFFFFFF;
	p2 =	slt.u32 s8, $0xFFFFF086  }
0x1c: {  	p1 =	slt.u32 s9, $0xF7A;
	s5 =	simm.s32 @!p2 $0x0  }
0x1d: {  	s5 =	simm.s32 @p1 $0x1;
	p0 =	seq.s32 s7, s2  }
0x1e: {  	s7 =	smul.u32 @!p0 $0xF7A, s2;
	p2 =	seq.s32 @!p0 s5, $0x0  }
0x1f: {  	s9 =	smul.u32 $0xF7A, s1;
	s8 =	simm.s32 @!p0 $0x1BF5;
	p2 =	por !p2, p0  }
0x20: {  	[sflag:s8] =	ssyncset.s32 @!p0 $0xFFFFF086;
	s6 =	sadd.s32 @!p0 s3, s7;
	s7 =	simm.s32 @!p0 $0x108  }
0x21: {  	s3 =	sadd.s32 s3, s9;
	s6 =	sadd.s32 @!p0 $0x88, s6;
	s7 =	simm.s32 @p2 $0x1082  }
0x22: {  	[simem:s7], [sflag:s8] =	dma.local @!p0 [hbm:s6], $0xF7A  }
0x23: {  	s9 =	sor.u32 $0xD0000000, s2;
	s6 =	simm.s32 $0x108;
	_ =	swait.ge @!p0 [sflag:s8], $0x0  }
0x24: {  	s3 =	sadd.s32 $0x88, s3;
	s6 =	simm.s32 @!p1 $0x1082;
	[sflag:s4] =	ssyncset.s32 $0xFFFFF086  }
0x25: {  	[simem:s6], [sflag:s4] =	dma.local [hbm:s3], $0xF7A  }
0x26: {  	[smem:$0x3F90] =	sst s1;
	(tag) =	ssettag s2;
	_ =	strace s9  }
0x27: {  	s1 =	sld [smem:$0x3FA0]  }
0x28: {  	s2 =	sld [smem:$0x3FA1]  }
0x29: {  	s4 =	sld [smem:$0x3FA3]  }
0x2a: {  	p0 =	seq.s32 s5, $0x0;
	s5 =	sld [smem:$0x3FA4]  }
0x2b: {  	s6 =	sld [smem:$0x3FA5]  }
0x2c: {  	s7 =	sld [smem:$0x3FA6]  }
0x2d: {  	s3 =	simm.s32 $0x108;
	s8 =	sld [smem:$0x3FA7]  }
0x2e: {  	s3 =	simm.s32 @!p0 $0x1082;
	s9 =	sld [smem:$0x3FA8]  }
0x2f: {  	lr =	sadd.s32 s0, s3;
	s0 =	sld [smem:$0x3F9F]  }
0x30: {  	s3 =	sld [smem:$0x3FA2]  }
0x31: {  	[smem:$0x3FAB] =	sst s10  }
0x32: {  	s10 =	sld [smem:$0x3FA9];
	_ =	sdelay $0x3  }
0x33: {  	p0 =	seq.s32 s10, $0x1;
	s10 =	sld [smem:$0x3FAB];
	_ =	sdelay $0x3  }
0x34: {  	[smem:$0x3FAB] =	sst s10  }
0x35: {  	s10 =	sld [smem:$0x3FAA];
	_ =	sdelay $0x3  }
0x36: {  	p1 =	seq.s32 s10, $0x1;
	s10 =	sld [smem:$0x3FAB];
	_ =	sdelay $0x3  }
0x37: {  	[smem:$0x3FAB] =	sst s10  }
0x38: {  	s10 =	sld [smem:$0x3FAC]  }
0x39: {  	_ = 	snop;
	(pc) =	sbr.ind lr, $3  }
0x3a: {  	_ = 	snop  }
0x3b: {  	_ = 	snop  }
0x3c: {  	p2 =	seq.s32 s10, $0x1;
	s10 =	sld [smem:$0x3FAB]  }
0x3d: {  	_ =	shalt  }
0x3e: {  	_ =	shalt  }
0x3f: {  	_ =	shalt  }
0x40: {  	_ =	shalt  }
0x41: {  	_ =	shalt  }
0x42: {  	_ =	shalt  }
0x43: {  	_ =	shalt  }
0x44: {  	_ =	shalt  }
0x45: {  	_ =	shalt  }
0x46: {  	_ =	shalt  }
0x47: {  	_ =	shalt  }
0x48: {  	_ =	shalt  }
0x49: {  	_ =	shalt  }
0x4a: {  	_ =	shalt  }
0x4b: {  	_ =	shalt  }
0x4c: {  	_ =	shalt  }
0x4d: {  	_ =	shalt  }
0x4e: {  	_ =	shalt  }
0x4f: {  	_ =	shalt  }
0x50: {  	_ =	shalt  }
0x51: {  	_ =	shalt  }
0x52: {  	_ =	shalt  }
0x53: {  	_ =	shalt  }
0x54: {  	_ =	shalt  }
0x55: {  	_ =	shalt  }
0x56: {  	_ =	shalt  }
0x57: {  	_ =	shalt  }
0x58: {  	_ =	shalt  }
0x59: {  	_ =	shalt  }
0x5a: {  	_ =	shalt  }
0x5b: {  	_ =	shalt  }
0x5c: {  	_ =	shalt  }
0x5d: {  	_ =	shalt  }
0x5e: {  	_ =	shalt  }
0x5f: {  	_ =	shalt  }
0x60: {  	_ =	shalt  }
0x61: {  	_ =	shalt  }
0x62: {  	_ =	shalt  }
0x63: {  	_ =	shalt  }
0x64: {  	_ =	shalt  }
0x65: {  	_ =	shalt  }
0x66: {  	_ =	shalt  }
0x67: {  	_ =	shalt  }
0x68: {  	_ =	shalt  }
0x69: {  	_ =	shalt  }
0x6a: {  	_ =	shalt  }
0x6b: {  	_ =	shalt  }
0x6c: {  	_ =	shalt  }
0x6d: {  	_ =	shalt  }
0x6e: {  	_ =	shalt  }
0x6f: {  	_ =	shalt  }
0x70: {  	_ =	shalt  }
0x71: {  	_ =	shalt  }
0x72: {  	_ =	shalt  }
0x73: {  	_ =	shalt  }
0x74: {  	_ =	shalt  }
0x75: {  	_ =	shalt  }
0x76: {  	_ =	shalt  }
0x77: {  	_ =	shalt  }
0x78: {  	_ =	shalt  }
0x79: {  	_ =	shalt  }
0x7a: {  	_ =	shalt  }
0x7b: {  	_ =	shalt  }
0x7c: {  	_ =	shalt  }
0x7d: {  	_ =	shalt  }
0x7e: {  	_ =	shalt  }
0x7f: {  	_ =	shalt  }
0x80: {  	_ =	shalt  }
0x81: {  	_ =	shalt  }
0x82: {  	_ =	shalt  }
0x83: {  	_ =	shalt  }
0x84: {  	_ =	shalt  }
0x85: {  	_ =	shalt  }
0x86: {  	_ =	shalt  }
0x87: {  	_ =	shalt  }
.Lfunc_end0:
.L_simem_size_0:
called_computation.4_lowered:
.L_overlay_start_0:
0x88: {  	s2 =	sld [smem:$0x3FD9]  }
0x89: {  	s3 =	sld [smem:$0x3FFE];
	_ =	sdelay $0x1  }
0x8a: {  	s1 =	srdreg.scid  }
0x8b: {  	s0 =	sand.u32 $0x1, s1  }
0x8c: {  	s16 =	sshll.u32 s0, $0xA;
	s2 =	sadd.s32 s3, s2  }
0x8d: {  	s2 =	sadd.s32 s2, s16  }
0x8e: {  	[smem:$0x3FB7] =	sst s2  }
0x8f: {  	_ = 	snop  }
0x90: {  	(tm) =	ssettm $0x1  }
0x91: {  	s17 =	sld [smem:$0x3FFB];
	_ =	sdelay $0x3  }
0x92: {  	_ =	strace s17  }
0x93: {  	s2 =	sld [smem:$0x3FFC];
	_ =	sdelay $0x3  }
0x94: {  	_ =	strace s2  }
0x95: {  	s2 =	sld [smem:$0x3FFD];
	_ =	sdelay $0x3  }
0x96: {  	_ =	strace s2  }
0x97: {  	_ =	strace $0x8FFFFFFF  }
0x98: {  	s18 =	sld [smem:$0x3FDB];
	_ =	sdelay $0x1  }
0x99: {  	s19 =	simm.s32 $_scs_section_size  }
0x9a: {  	s4 =	simm.s32 $_size__tile_overlayer_lowered;
	s5 =	simm.s32 $_tile_overlayer_lowered  }
0x9b: {  	s22 =	simm.s32 $0x1BFF;
	s21 =	sshll.u32 s5, $0x1;
	s2 =	sadd.s32 s19, s18  }
0x9c: {  	s6 =	simm.s32 $0x0;
	s20 =	sshll.u32 s4, $0x1;
	s4 =	sadd.s32 s21, s2  }
0x9d: {  	[timem:s6], [sflag:s22] =	dma.local [hbm:s4], s20  }
0x9e: {  	_ =	swait.ge [sflag:s22], s20  }
0x9f: {  	s3 =	ssub.s32 $0x0, s20;
	[sflag:s22] =	ssyncset.done $0x0  }
0xa0: {  	[sflag:s22] =	ssyncadd.s32 s3;
	_ =	sdelay $0x1  }
0xa1: {  	s23 =	simm.s32 $0x1B8B  }
0xa2: {  	_ =	swait.ge [sflag:s23], $0x1  }
0xa3: {  	[sflag:s23] =	ssyncset.done $0x0  }
0xa4: {  	s25 =	simm.s32 $0x1B8E;
	s24 =	sld [smem:$0x3FFE];
	[sflag:s23] =	ssyncadd.s32 $0xFFFFFFFF  }
0xa5: {  	s26 =	simm.s32 $execute0_lowered;
	[smem:$0x3FD2] =	sst s25  }
0xa6: {  	s4 =	sshll.u32 s26, $0x1;
	_ =	strace $0x80000052;
	[dreg:$0x1] =	wrdreg $0xFFFFFFFF  }
0xa7: {  	s28 =	simm.s32 $_size_execute0_lowered;
	s2 =	sadd.s32 s2, s4;
	[dreg:$0x0] =	wrdreg $0x0  }
0xa8: {  	s4 =	sshll.u32 s28, $0x1;
	[dreg:$0x2] =	wrdreg s2  }
0xa9: {  	[dreg:$0x3] =	wrdreg s4  }
0xaa: {  	[dreg:$0x4] =	wrdreg $0xC0  }
0xab: {  	_ =	task [dreg:s6], $0x5FFFF  }
0xac: {  	[dreg:$0x1] =	wrdreg $0xFFFFFFFF  }
0xad: {  	[dreg:$0x0] =	wrdreg $0x60  }
0xae: {  	[dreg:$0x2] =	wrdreg s24  }
0xaf: {  	[dreg:$0x3] =	wrdreg $0x90000  }
0xb0: {  	[dreg:$0x4] =	wrdreg $0x9  }
0xb1: {  	_ =	task.clear_ibuf [dreg:s6], $0x5FFFF;
	_ =	strace $0x90000052  }
0xb2: {  	s29 =	simm.s32 $0x9;
	_ =	strace $0x80000054  }
0xb3: {  	_ =	swait.ge [sflag:s29], $0x1  }
0xb4: {  	[sflag:s29] =	ssyncadd.s32 $0xFFFFFFFF  }
0xb5: {  	_ =	strace $0x90000054  }
0xb6: {  	_ =	sfence  }
0xb7: {  	s30 =	sld [smem:$0x0];
	_ =	sdelay $0x2  }
0xb8: {  	s31 =	sshll.u32 s1, $0xD;
	s1 =	sshrl.u32 s1, $0x2  }
0xb9: {  	s3 =	sand.u32 $0x4000, s31;
	s1 =	sadd.s32 s1, s30  }
0xba: {  	s0 =	sor.u32 s3, s0;
	s1 =	sshll.u32 s1, $0x11  }
0xbb: {  	s0 =	sor.u32 s1, s0  }
0xbc: {  	s0 =	sadd.s32 $0x8F2B, s0  }
0xbd: {  	[sflag:s0] =	ssyncadd.remote.s32 $0x1  }
0xbe: {  	_ =	sfence.sel $0xFFFF  }
0xbf: {  	[dreg:$0x0] =	wrdreg $0xFFFFFFFF;
	(pc) =	sbr.abs _section_cstart, $3  }
0xc0: {  	[dreg:$0x1] =	wrdreg $0xFFFFFFFF  }
0xc1: {  	_ =	task.clear_ibuf [dreg:s6], $0x2FFFF;
	_ =	strace $0x9FFFFFFF  }
0xc2: {  	(tm) =	ssettm $0x7FFFFFFF  }
0xc3: {  	_ =	shalt  }
tec
execute0_lowered:
.L_overlay_start_1:
0x0: {  	(tag) =	ssettag $0x1  }
0x1: {  	s5 =	rddreg [dreg:$0x0];
	s1 =	srdreg.scid  }
0x2: {  	s0 =	stileid.u32;
	s2 =	rddreg [dreg:$0x1];
	s3 =	simm.s32 $0x0  }
0x3: {  	s21 =	simm.s32 $0x80;
	s22 =	simm.s32 $0x1;
	s23 =	simm.s32 $0x2  }
0x4: {  	s24 =	simm.s32 $0x0;
	s8 =	sand.u32 $0x1, s1;
	s1 =	rddreg [dreg:$0x2]  }
0x5: {  	s4 =	sshll.u32 s0, $0x1;
	[smem:$0x7FF] =	sst s3;
	s10 =	smul.u32 $0x50000, s0  }
0x6: {  	s16 =	sadd.s32 $0x40E00, s5;
	s11 =	smul.u32 $0x14000, s0;
	s4 =	sor.u32 s8, s4  }
0x7: {  	_ =	strace $0x80000053;
	s7 =	ssub.s32 $0x2, s8;
	s14 =	smul.u32 $0x140000, s8  }
0x8: {  	s6 =	smul.u32 $0x500, s4;
	s4 =	sadd.s32 $0x18E00, s5;
	s9 =	sshrl.u32 s7, $0x1  }
0x9: {  	s29 =	sshrl.u32 s10, $0x2;
	s12 =	sadd.s32 $0x4000, s11;
	s15 =	sadd.s32 $0x8000, s11  }
0xa: {  	s18 =	sadd.s32 $0xC000, s11;
	s19 =	sadd.s32 $0x10000, s11;
	s17 =	ssub.s32 s7, s9  }
0xb: {  	s7 =	sadd.s32 s29, s2;
	s8 =	sadd.s32 s12, s2;
	s9 =	sadd.s32 s15, s2  }
0xc: {  	s10 =	sadd.s32 s18, s2;
	s13 =	sadd.s32 s11, s14;
	s20 =	sadd.s32 s14, s12  }
0xd: {  	s11 =	sadd.s32 s19, s2;
	s15 =	sadd.s32 s14, s15;
	s18 =	sadd.s32 s14, s18  }
0xe: {  	s19 =	sadd.s32 s14, s19;
	s6 =	sadd.s32 s6, s5;
	s13 =	sshrl.u32 s13, $0x3  }
0xf: {  	s30 =	sshrl.u32 s20, $0x3;
	s15 =	sshrl.u32 s15, $0x3;
	s18 =	sshrl.u32 s18, $0x3  }
0x10: {  	s31 =	sshrl.u32 s19, $0x3;
	s17 =	smax.u32 s17, $0x1;
	s19 =	simm.s32 $0x2800  }
0x11: {  	s20 =	simm.s32 $0x5000;
	s5 =	sadd.s32 $0x4E00, s6;
	s6 =	sadd.s32 $0xEE00, s6  }
0x12: {  	s12 =	sadd.s32 s16, s13;
	s13 =	sadd.s32 s16, s30;
	s14 =	sadd.s32 s16, s15  }
0x13: {  	v0 =	vimm.f32 $0.0e+00;
	s15 =	sadd.s32 s16, s18;
	s16 =	sadd.s32 s16, s31;
	s18 =	simm.s32 $0x3  }
.LBB2_1:
0x14: {  	[tilespmem:s3], [sflag:$0x3] =	stream.linear.gather [hbm4b:s5+s3], $0x2800, $0x38;
	[tilespmem:$0x1D000] =	vst v63  }
0x15: {  	_ =	swait.ge [sflag:s18], $0x2800  }
0x16: {  	[sflag:s18] =	ssyncset.done $0x0  }
0x17: {  	[sflag:s18] =	ssyncadd.s32 $0xFFFFD800  }
0x18: {  	[tilespmem:s19], [sflag:$0x3] =	stream.linear.gather [hbm4b:s6+s3], $0x2800, $0x38;
	[tilespmem:$0x1D000] =	vst v63  }
0x19: {  	_ =	swait.ge [sflag:s18], $0x2800  }
0x1a: {  	[sflag:s18] =	ssyncset.done $0x0  }
0x1b: {  	s25 =	simm.s32 $0x0;
	s26 =	simm.s32 $0x200;
	[sflag:s18] =	ssyncadd.s32 $0xFFFFD800  }
.LBB2_2:
0x1c: {  	p0 =	sne.s32 s26, $0xFE00;
	[tilespmem:s25+$0x5070] =	vst v0  }
0x1d: {  	[tilespmem:s25+$0x5000] =	vst v0  }
0x1e: {  	[tilespmem:s25+$0x5010] =	vst v0  }
.Ltmp0:
0x1f: {  	[tilespmem:s25+$0x5020] =	vst v0;
	(pc) =	sbr.rel @p0 .LBB2_2-.Ltmp0, $4  }
0x20: {  	[tilespmem:s25+$0x5030] =	vst v0  }
0x21: {  	[tilespmem:s25+$0x5040] =	vst v0  }
0x22: {  	[tilespmem:s25+$0x5050] =	vst v0  }
0x23: {  	[tilespmem:s25+$0x5060] =	vst v0;
	s25 =	sshra.s32 s26, $0x2;
	s26 =	sadd.s32 $0x200, s26  }
0x24: {  	[tilespmem:s25+$0x5070] =	vst v0  }
0x25: {  	[tilespmem:s25+$0x5000] =	vst v0  }
0x26: {  	[tilespmem:s25+$0x5010] =	vst v0  }
0x27: {  	[tilespmem:s25+$0x5020] =	vst v0  }
0x28: {  	[tilespmem:s25+$0x5030] =	vst v0  }
0x29: {  	[tilespmem:s25+$0x5040] =	vst v0  }
0x2a: {  	[tilespmem:s25+$0x5050] =	vst v0  }
0x2b: {  	[tilespmem:s25+$0x5060] =	vst v0  }
0x2c: {  	[spmem:s7] =	stream.linear.scatter [tilespmem:s20], [sflag:$0x3], $0x4000, $0x38;
	[tilespmem:$0x1D000] =	vst v63  }
0x2d: {  	_ =	swait.ge [sflag:s18], $0x4000  }
0x2e: {  	[sflag:s18] =	ssyncset.done $0x0  }
0x2f: {  	[sflag:s18] =	ssyncadd.s32 $0xFFFFC000  }
0x30: {  	[spmem:s8] =	stream.linear.scatter [tilespmem:s20], [sflag:$0x3], $0x4000, $0x38;
	[tilespmem:$0x1D000] =	vst v63  }
0x31: {  	_ =	swait.ge [sflag:s18], $0x4000  }
0x32: {  	[sflag:s18] =	ssyncset.done $0x0  }
0x33: {  	[sflag:s18] =	ssyncadd.s32 $0xFFFFC000  }
0x34: {  	[spmem:s9] =	stream.linear.scatter [tilespmem:s20], [sflag:$0x3], $0x4000, $0x38;
	[tilespmem:$0x1D000] =	vst v63  }
0x35: {  	_ =	swait.ge [sflag:s18], $0x4000  }
0x36: {  	[sflag:s18] =	ssyncset.done $0x0  }
0x37: {  	[sflag:s18] =	ssyncadd.s32 $0xFFFFC000  }
0x38: {  	[spmem:s10] =	stream.linear.scatter [tilespmem:s20], [sflag:$0x3], $0x4000, $0x38;
	[tilespmem:$0x1D000] =	vst v63  }
0x39: {  	_ =	swait.ge [sflag:s18], $0x4000  }
0x3a: {  	[sflag:s18] =	ssyncset.done $0x0  }
0x3b: {  	[sflag:s18] =	ssyncadd.s32 $0xFFFFC000  }
0x3c: {  	[spmem:s11] =	stream.linear.scatter [tilespmem:s20], [sflag:$0x3], $0x4000, $0x38;
	[tilespmem:$0x1D000] =	vst v63  }
0x3d: {  	_ =	swait.ge [sflag:s18], $0x4000  }
0x3e: {  	[sflag:s18] =	ssyncset.done $0x0  }
0x3f: {  	[sflag:s18] =	ssyncadd.s32 $0xFFFFC000  }
0x40: {  	s30 =	simm.s32 $0x0;
	[bflag:$0x0] =	sbarrier.arrive $0xFFFF  }
0x41: {  	[tilespmem:s20], [sflag:$0x1] =	stream.indirect.gather [hbm4b:s4+s21], $0x80, s30, s21, $0xb8;
	[tilespmem:$0x1D000] =	vst v63  }
0x42: {  	_ =	swait.ge [sflag:s22], $0x4000  }
0x43: {  	[sflag:s22] =	ssyncset.done $0x0  }
0x44: {  	s31 =	simm.s32 $0x2800;
	[sflag:s22] =	ssyncadd.s32 $0xFFFFC000  }
0x45: {  	[spmem:s2] =	stream.indirect.scatter.add.f32 [tilespmem:s20], [sflag:$0x3], $0x80, s31, s21, $0xb8;
	[tilespmem:$0x1D000] =	vst v63  }
0x46: {  	_ =	swait.ge [sflag:s18], $0x4000  }
0x47: {  	s25 =	simm.s32 $0x200;
	s26 =	simm.s32 $0x400;
	[sflag:s18] =	ssyncset.done $0x0  }
.LBB2_4:
0x48: {  	s28 =	sshra.s32 s25, $0x2  }
0x49: {  	[sflag:s18] =	ssyncadd.s32 $0xFFFFC000;
	s25 =	smov.u32 s26;
	s29 =	sadd.s32 $0x200, s26  }
0x4a: {  	[tilespmem:s20], [sflag:$0x1] =	stream.indirect.gather [hbm4b:s4+s21], $0x80, s28, s21, $0xb8;
	[tilespmem:$0x1D000] =	vst v63  }
0x4b: {  	p0 =	sne.s32 s26, $0x9E00;
	_ =	swait.ge [sflag:s22], $0x4000  }
.Ltmp1:
0x4c: {  	[sflag:s22] =	ssyncset.done $0x0;
	(pc) =	sbr.rel @p0 .LBB2_4-.Ltmp1, $4  }
0x4d: {  	s26 =	sadd.s32 $0x2800, s28;
	[sflag:s22] =	ssyncadd.s32 $0xFFFFC000  }
0x4e: {  	[spmem:s2] =	stream.indirect.scatter.add.f32 [tilespmem:s20], [sflag:$0x3], $0x80, s26, s21, $0xb8;
	[tilespmem:$0x1D000] =	vst v63  }
0x4f: {  	_ =	swait.ge [sflag:s18], $0x4000  }
0x50: {  	s26 =	smov.u32 s29;
	[sflag:s18] =	ssyncset.done $0x0  }
0x51: {  	s25 =	sshra.s32 s25, $0x2;
	[sflag:s18] =	ssyncadd.s32 $0xFFFFC000  }
0x52: {  	[tilespmem:s20], [sflag:$0x1] =	stream.indirect.gather [hbm4b:s4+s21], $0x80, s25, s21, $0xb8;
	[tilespmem:$0x1D000] =	vst v63  }
0x53: {  	_ =	swait.ge [sflag:s22], $0x4000  }
0x54: {  	[sflag:s22] =	ssyncset.done $0x0  }
0x55: {  	s25 =	sadd.s32 $0x2800, s25;
	[sflag:s22] =	ssyncadd.s32 $0xFFFFC000  }
0x56: {  	[spmem:s2] =	stream.indirect.scatter.add.f32 [tilespmem:s20], [sflag:$0x3], $0x80, s25, s21, $0xb8;
	[tilespmem:$0x1D000] =	vst v63  }
0x57: {  	s26 =	sshll.u32 s0, $0x6;
	_ =	swait.ge [sflag:s18], $0x4000  }
0x58: {  	s28 =	sshrl.u32 s8, $0x3;
	s29 =	sshrl.u32 s9, $0x3;
	[sflag:s18] =	ssyncset.done $0x0  }
0x59: {  	s30 =	sshrl.u32 s10, $0x3;
	s31 =	sshrl.u32 s11, $0x3;
	[sflag:s18] =	ssyncadd.s32 $0xFFFFC000  }
0x5a: {  	s25 =	sor.u32 $0x1C02, s26;
	s26 =	sshrl.u32 s7, $0x3;
	[bflag:$0x0] =	sbarrier.arrive $0xFFFF  }
0x5b: {  	[hbm:s12], [sflag:s25] =	dma.local [spmem:s26], $0x800  }
0x5c: {  	[hbm:s13], [sflag:s25] =	dma.local [spmem:s28], $0x800  }
0x5d: {  	[hbm:s14], [sflag:s25] =	dma.local [spmem:s29], $0x800  }
0x5e: {  	[hbm:s15], [sflag:s25] =	dma.local [spmem:s30], $0x800  }
0x5f: {  	[hbm:s16], [sflag:s25] =	dma.local [spmem:s31], $0x800  }
0x60: {  	_ =	swait.ge [sflag:s23], $0x800  }
0x61: {  	[sflag:s23] =	ssyncset.done $0x0  }
0x62: {  	[sflag:s23] =	ssyncadd.s32 $0xFFFFF800  }
0x63: {  	_ =	swait.ge [sflag:s23], $0x800  }
0x64: {  	[sflag:s23] =	ssyncset.done $0x0  }
0x65: {  	[sflag:s23] =	ssyncadd.s32 $0xFFFFF800  }
0x66: {  	_ =	swait.ge [sflag:s23], $0x800  }
0x67: {  	[sflag:s23] =	ssyncset.done $0x0  }
0x68: {  	s24 =	sadd.s32 $0x1, s24;
	[sflag:s23] =	ssyncadd.s32 $0xFFFFF800  }
0x69: {  	p0 =	sne.s32 s24, s17;
	_ =	swait.ge [sflag:s23], $0x800  }
.Ltmp2:
0x6a: {  	[sflag:s23] =	ssyncset.done $0x0;
	(pc) =	sbr.rel @p0 .LBB2_1-.Ltmp2, $4  }
0x6b: {  	[sflag:s23] =	ssyncadd.s32 $0xFFFFF800  }
0x6c: {  	_ =	swait.ge [sflag:s23], $0x800  }
0x6d: {  	[sflag:s23] =	ssyncset.done $0x0  }
0x6e: {  	[sflag:s23] =	ssyncadd.s32 $0xFFFFF800  }
0x6f: {  	_ =	sfence.sel $0x180000  }
0x70: {  	[bflag:$0x0] =	sbarrier.arrive $0xFFFF  }
0x71: {  	p0 =	sne.s32 s0, $0x0;
	_ =	strace $0x90000053  }
0x72: {  	s0 =	sadd.s32 @!p0 $0x100000, s1;
	[bflag:$0x2] =	sbarrier.arrive $0xFFFF  }
0x73: {  	[sflag:s0] =	ssyncadd.tile.s32 @!p0 $0x1;
	_ =	shalt  }
.Lfunc_end2:
_tile_overlayer_lowered:
.L_overlay_start_2:
0x74: {  	(tag) =	ssettag $0x2  }
0x75: {  	s0 =	rddreg [dreg:$0x0];
	s2 =	stileid.u32  }
0x76: {  	s1 =	rddreg [dreg:$0x1];
	p0 =	sne.s32 s2, $0x0  }
0x77: {  	s3 =	rddreg [dreg:$0x2];
	[bflag:$0x3] =	sbarrier.arrive $0xFFFF;
	s2 =	simm.s32 @!p0 $0x1C03  }
0x78: {  	[timem:s3], [sflag:s2] =	dma.local @!p0 [hbm:s0], s1  }
0x79: {  	s0 =	simm.s32 @!p0 $0x3  }
0x7a: {  	_ =	swait.ge @!p0 [sflag:s0], s1  }
0x7b: {  	s1 =	ssub.s32 @!p0 $0x0, s1;
	[sflag:s0] =	ssyncset.done @!p0 $0x0  }
0x7c: {  	[sflag:s0] =	ssyncadd.s32 @!p0 s1  }
0x7d: {  	[bflag:$0x3] =	sbarrier.arrive $0xFFFF  }
0x7e: {  	_ =	shalt  }

// kernel: kernel.29.cloned.1.call-start
scs
__scs_entry_jumppad:
0x0: {  	(pc) =	sbr.rel $0x88, $3  }
0x1: {  	(tag) =	ssettag $0x0;
	lr =	simm.s32 $0x1  }
0x2: {  	[smem:$0x3F90] =	sst lr;
	_ =	strace $0xD0000000  }
0x3: {  	_ = 	snop  }
0x4: {  	_ = 	snop  }
0x5: {  	_ = 	snop  }
0x6: {  	_ = 	snop  }
0x7: {  	_ = 	snop  }
__scs_overlays_trampoline_lowered:
0x8: {  	[smem:$0x3F9F] =	sst s0  }
0x9: {  	[smem:$0x3FA0] =	sst s1  }
0xa: {  	[smem:$0x3FA1] =	sst s2  }
0xb: {  	[smem:$0x3FA2] =	sst s3  }
0xc: {  	[smem:$0x3FA3] =	sst s4  }
0xd: {  	[smem:$0x3FA4] =	sst s5  }
0xe: {  	[smem:$0x3FA5] =	sst s6  }
0xf: {  	[smem:$0x3FA6] =	sst s7  }
0x10: {  	[smem:$0x3FA7] =	sst s8  }
0x11: {  	[smem:$0x3FA8] =	sst s9;
	s0 =	simm.s32 @!p0 $0x0  }
0x12: {  	s1 =	sld [smem:$0x3F8E];
	s0 =	simm.s32 @p0 $0x1  }
0x13: {  	[smem:$0x3FA9] =	sst s0;
	s0 =	simm.s32 @!p1 $0x0  }
0x14: {  	s2 =	sld [smem:$0x3F8D];
	s0 =	simm.s32 @p1 $0x1  }
0x15: {  	[smem:$0x3FAA] =	sst s0;
	s0 =	simm.s32 @!p2 $0x0  }
0x16: {  	s3 =	sld [smem:$0x3FDB];
	s0 =	simm.s32 @p2 $0x1  }
0x17: {  	s4 =	simm.s32 $0x1BF5;
	[smem:$0x3FAC] =	sst s0  }
0x18: {  	s0 =	sld [smem:$0x3F8F];
	_ =	swait.ge [sflag:s4], $0x0  }
0x19: {  	s7 =	sld [smem:$0x3F90]  }
0x1a: {  	s8 =	sadd.s32 $0xFFFFE003, lr  }
0x1b: {  	s9 =	sadd.s32 $0xFFFFFEF7, lr;
	s5 =	simm.s32 $0xFFFFFFFF;
	p2 =	slt.u32 s8, $0xFFFFF086  }
0x1c: {  	p1 =	slt.u32 s9, $0xF7A;
	s5 =	simm.s32 @!p2 $0x0  }
0x1d: {  	s5 =	simm.s32 @p1 $0x1;
	p0 =	seq.s32 s7, s2  }
0x1e: {  	s7 =	smul.u32 @!p0 $0xF7A, s2;
	p2 =	seq.s32 @!p0 s5, $0x0  }
0x1f: {  	s9 =	smul.u32 $0xF7A, s1;
	s8 =	simm.s32 @!p0 $0x1BF5;
	p2 =	por !p2, p0  }
0x20: {  	[sflag:s8] =	ssyncset.s32 @!p0 $0xFFFFF086;
	s6 =	sadd.s32 @!p0 s3, s7;
	s7 =	simm.s32 @!p0 $0x108  }
0x21: {  	s3 =	sadd.s32 s3, s9;
	s6 =	sadd.s32 @!p0 $0x88, s6;
	s7 =	simm.s32 @p2 $0x1082  }
0x22: {  	[simem:s7], [sflag:s8] =	dma.local @!p0 [hbm:s6], $0xF7A  }
0x23: {  	s9 =	sor.u32 $0xD0000000, s2;
	s6 =	simm.s32 $0x108;
	_ =	swait.ge @!p0 [sflag:s8], $0x0  }
0x24: {  	s3 =	sadd.s32 $0x88, s3;
	s6 =	simm.s32 @!p1 $0x1082;
	[sflag:s4] =	ssyncset.s32 $0xFFFFF086  }
0x25: {  	[simem:s6], [sflag:s4] =	dma.local [hbm:s3], $0xF7A  }
0x26: {  	[smem:$0x3F90] =	sst s1;
	(tag) =	ssettag s2;
	_ =	strace s9  }
0x27: {  	s1 =	sld [smem:$0x3FA0]  }
0x28: {  	s2 =	sld [smem:$0x3FA1]  }
0x29: {  	s4 =	sld [smem:$0x3FA3]  }
0x2a: {  	p0 =	seq.s32 s5, $0x0;
	s5 =	sld [smem:$0x3FA4]  }
0x2b: {  	s6 =	sld [smem:$0x3FA5]  }
0x2c: {  	s7 =	sld [smem:$0x3FA6]  }
0x2d: {  	s3 =	simm.s32 $0x108;
	s8 =	sld [smem:$0x3FA7]  }
0x2e: {  	s3 =	simm.s32 @!p0 $0x1082;
	s9 =	sld [smem:$0x3FA8]  }
0x2f: {  	lr =	sadd.s32 s0, s3;
	s0 =	sld [smem:$0x3F9F]  }
0x30: {  	s3 =	sld [smem:$0x3FA2]  }
0x31: {  	[smem:$0x3FAB] =	sst s10  }
0x32: {  	s10 =	sld [smem:$0x3FA9];
	_ =	sdelay $0x3  }
0x33: {  	p0 =	seq.s32 s10, $0x1;
	s10 =	sld [smem:$0x3FAB];
	_ =	sdelay $0x3  }
0x34: {  	[smem:$0x3FAB] =	sst s10  }
0x35: {  	s10 =	sld [smem:$0x3FAA];
	_ =	sdelay $0x3  }
0x36: {  	p1 =	seq.s32 s10, $0x1;
	s10 =	sld [smem:$0x3FAB];
	_ =	sdelay $0x3  }
0x37: {  	[smem:$0x3FAB] =	sst s10  }
0x38: {  	s10 =	sld [smem:$0x3FAC]  }
0x39: {  	_ = 	snop;
	(pc) =	sbr.ind lr, $3  }
0x3a: {  	_ = 	snop  }
0x3b: {  	_ = 	snop  }
0x3c: {  	p2 =	seq.s32 s10, $0x1;
	s10 =	sld [smem:$0x3FAB]  }
0x3d: {  	_ =	shalt  }
0x3e: {  	_ =	shalt  }
0x3f: {  	_ =	shalt  }
0x40: {  	_ =	shalt  }
0x41: {  	_ =	shalt  }
0x42: {  	_ =	shalt  }
0x43: {  	_ =	shalt  }
0x44: {  	_ =	shalt  }
0x45: {  	_ =	shalt  }
0x46: {  	_ =	shalt  }
0x47: {  	_ =	shalt  }
0x48: {  	_ =	shalt  }
0x49: {  	_ =	shalt  }
0x4a: {  	_ =	shalt  }
0x4b: {  	_ =	shalt  }
0x4c: {  	_ =	shalt  }
0x4d: {  	_ =	shalt  }
0x4e: {  	_ =	shalt  }
0x4f: {  	_ =	shalt  }
0x50: {  	_ =	shalt  }
0x51: {  	_ =	shalt  }
0x52: {  	_ =	shalt  }
0x53: {  	_ =	shalt  }
0x54: {  	_ =	shalt  }
0x55: {  	_ =	shalt  }
0x56: {  	_ =	shalt  }
0x57: {  	_ =	shalt  }
0x58: {  	_ =	shalt  }
0x59: {  	_ =	shalt  }
0x5a: {  	_ =	shalt  }
0x5b: {  	_ =	shalt  }
0x5c: {  	_ =	shalt  }
0x5d: {  	_ =	shalt  }
0x5e: {  	_ =	shalt  }
0x5f: {  	_ =	shalt  }
0x60: {  	_ =	shalt  }
0x61: {  	_ =	shalt  }
0x62: {  	_ =	shalt  }
0x63: {  	_ =	shalt  }
0x64: {  	_ =	shalt  }
0x65: {  	_ =	shalt  }
0x66: {  	_ =	shalt  }
0x67: {  	_ =	shalt  }
0x68: {  	_ =	shalt  }
0x69: {  	_ =	shalt  }
0x6a: {  	_ =	shalt  }
0x6b: {  	_ =	shalt  }
0x6c: {  	_ =	shalt  }
0x6d: {  	_ =	shalt  }
0x6e: {  	_ =	shalt  }
0x6f: {  	_ =	shalt  }
0x70: {  	_ =	shalt  }
0x71: {  	_ =	shalt  }
0x72: {  	_ =	shalt  }
0x73: {  	_ =	shalt  }
0x74: {  	_ =	shalt  }
0x75: {  	_ =	shalt  }
0x76: {  	_ =	shalt  }
0x77: {  	_ =	shalt  }
0x78: {  	_ =	shalt  }
0x79: {  	_ =	shalt  }
0x7a: {  	_ =	shalt  }
0x7b: {  	_ =	shalt  }
0x7c: {  	_ =	shalt  }
0x7d: {  	_ =	shalt  }
0x7e: {  	_ =	shalt  }
0x7f: {  	_ =	shalt  }
0x80: {  	_ =	shalt  }
0x81: {  	_ =	shalt  }
0x82: {  	_ =	shalt  }
0x83: {  	_ =	shalt  }
0x84: {  	_ =	shalt  }
0x85: {  	_ =	shalt  }
0x86: {  	_ =	shalt  }
0x87: {  	_ =	shalt  }
.Lfunc_end0:
.L_simem_size_0:
called_computation.5_lowered:
.L_overlay_start_0:
0x88: {  	s2 =	sld [smem:$0x3FD9]  }
0x89: {  	s3 =	sld [smem:$0x3FFE];
	_ =	sdelay $0x1  }
0x8a: {  	s1 =	srdreg.scid  }
0x8b: {  	s0 =	sand.u32 $0x1, s1  }
0x8c: {  	s16 =	sshll.u32 s0, $0xA;
	s2 =	sadd.s32 s3, s2  }
0x8d: {  	s2 =	sadd.s32 s2, s16  }
0x8e: {  	[smem:$0x3FB7] =	sst s2  }
0x8f: {  	_ = 	snop  }
0x90: {  	(tm) =	ssettm $0x1  }
0x91: {  	s17 =	sld [smem:$0x3FFB];
	_ =	sdelay $0x3  }
0x92: {  	_ =	strace s17  }
0x93: {  	s2 =	sld [smem:$0x3FFC];
	_ =	sdelay $0x3  }
0x94: {  	_ =	strace s2  }
0x95: {  	s2 =	sld [smem:$0x3FFD];
	_ =	sdelay $0x3  }
0x96: {  	_ =	strace s2  }
0x97: {  	_ =	strace $0x8FFFFFFF  }
0x98: {  	s18 =	sld [smem:$0x3FDB];
	_ =	sdelay $0x1  }
0x99: {  	s19 =	simm.s32 $_scs_section_size  }
0x9a: {  	s4 =	simm.s32 $_size__tile_overlayer_lowered;
	s5 =	simm.s32 $_tile_overlayer_lowered  }
0x9b: {  	s22 =	simm.s32 $0x1BFF;
	s21 =	sshll.u32 s5, $0x1;
	s2 =	sadd.s32 s19, s18  }
0x9c: {  	s6 =	simm.s32 $0x0;
	s20 =	sshll.u32 s4, $0x1;
	s4 =	sadd.s32 s21, s2  }
0x9d: {  	[timem:s6], [sflag:s22] =	dma.local [hbm:s4], s20  }
0x9e: {  	_ =	swait.ge [sflag:s22], s20  }
0x9f: {  	s3 =	ssub.s32 $0x0, s20;
	[sflag:s22] =	ssyncset.done $0x0  }
0xa0: {  	[sflag:s22] =	ssyncadd.s32 s3;
	_ =	sdelay $0x1  }
0xa1: {  	s23 =	simm.s32 $0x1B8B  }
0xa2: {  	_ =	swait.ge [sflag:s23], $0x1  }
0xa3: {  	[sflag:s23] =	ssyncset.done $0x0  }
0xa4: {  	s25 =	simm.s32 $0x1B8E;
	s24 =	sld [smem:$0x3FFE];
	[sflag:s23] =	ssyncadd.s32 $0xFFFFFFFF  }
0xa5: {  	s26 =	simm.s32 $execute0_lowered;
	[smem:$0x3FD2] =	sst s25  }
0xa6: {  	s4 =	sshll.u32 s26, $0x1;
	_ =	strace $0x80000055;
	[dreg:$0x1] =	wrdreg $0xFFFFFFFF  }
0xa7: {  	s28 =	simm.s32 $_size_execute0_lowered;
	s2 =	sadd.s32 s2, s4;
	[dreg:$0x0] =	wrdreg $0x0  }
0xa8: {  	s4 =	sshll.u32 s28, $0x1;
	[dreg:$0x2] =	wrdreg s2  }
0xa9: {  	[dreg:$0x3] =	wrdreg s4  }
0xaa: {  	[dreg:$0x4] =	wrdreg $0xC0  }
0xab: {  	_ =	task [dreg:s6], $0x5FFFF  }
0xac: {  	[dreg:$0x1] =	wrdreg $0xFFFFFFFF  }
0xad: {  	[dreg:$0x0] =	wrdreg $0x60  }
0xae: {  	[dreg:$0x2] =	wrdreg s24  }
0xaf: {  	[dreg:$0x3] =	wrdreg $0x90000  }
0xb0: {  	[dreg:$0x4] =	wrdreg $0x9  }
0xb1: {  	_ =	task.clear_ibuf [dreg:s6], $0x5FFFF;
	_ =	strace $0x90000055  }
0xb2: {  	s29 =	simm.s32 $0x9;
	_ =	strace $0x80000057  }
0xb3: {  	_ =	swait.ge [sflag:s29], $0x1  }
0xb4: {  	[sflag:s29] =	ssyncadd.s32 $0xFFFFFFFF  }
0xb5: {  	_ =	strace $0x90000057  }
0xb6: {  	_ =	sfence  }
0xb7: {  	s30 =	sld [smem:$0x0];
	_ =	sdelay $0x2  }
0xb8: {  	s31 =	sshll.u32 s1, $0xD;
	s1 =	sshrl.u32 s1, $0x2  }
0xb9: {  	s3 =	sand.u32 $0x4000, s31;
	s1 =	sadd.s32 s1, s30  }
0xba: {  	s0 =	sor.u32 s3, s0;
	s1 =	sshll.u32 s1, $0x11  }
0xbb: {  	s0 =	sor.u32 s1, s0  }
0xbc: {  	s0 =	sadd.s32 $0x8F2B, s0  }
0xbd: {  	[sflag:s0] =	ssyncadd.remote.s32 $0x1  }
0xbe: {  	_ =	sfence.sel $0xFFFF  }
0xbf: {  	[dreg:$0x0] =	wrdreg $0xFFFFFFFF;
	(pc) =	sbr.abs _section_cstart, $3  }
0xc0: {  	[dreg:$0x1] =	wrdreg $0xFFFFFFFF  }
0xc1: {  	_ =	task.clear_ibuf [dreg:s6], $0x2FFFF;
	_ =	strace $0x9FFFFFFF  }
0xc2: {  	(tm) =	ssettm $0x7FFFFFFF  }
0xc3: {  	_ =	shalt  }
tec
execute0_lowered:
.L_overlay_start_1:
0x0: {  	(tag) =	ssettag $0x1  }
0x1: {  	s5 =	rddreg [dreg:$0x0];
	s1 =	srdreg.scid  }
0x2: {  	s0 =	stileid.u32;
	s2 =	rddreg [dreg:$0x1];
	s3 =	simm.s32 $0x0  }
0x3: {  	s21 =	simm.s32 $0x80;
	s22 =	simm.s32 $0x1;
	s23 =	simm.s32 $0x2  }
0x4: {  	s24 =	simm.s32 $0x0;
	s8 =	sand.u32 $0x1, s1;
	s1 =	rddreg [dreg:$0x2]  }
0x5: {  	s4 =	sshll.u32 s0, $0x1;
	[smem:$0x7FF] =	sst s3;
	s10 =	smul.u32 $0x50000, s0  }
0x6: {  	s16 =	sadd.s32 $0x40E00, s5;
	s11 =	smul.u32 $0x14000, s0;
	s4 =	sor.u32 s8, s4  }
0x7: {  	_ =	strace $0x80000056;
	s7 =	ssub.s32 $0x2, s8;
	s14 =	smul.u32 $0x140000, s8  }
0x8: {  	s6 =	smul.u32 $0x500, s4;
	s4 =	sadd.s32 $0x18E00, s5;
	s9 =	sshrl.u32 s7, $0x1  }
0x9: {  	s29 =	sshrl.u32 s10, $0x2;
	s12 =	sadd.s32 $0x4000, s11;
	s15 =	sadd.s32 $0x8000, s11  }
0xa: {  	s18 =	sadd.s32 $0xC000, s11;
	s19 =	sadd.s32 $0x10000, s11;
	s17 =	ssub.s32 s7, s9  }
0xb: {  	s7 =	sadd.s32 s29, s2;
	s8 =	sadd.s32 s12, s2;
	s9 =	sadd.s32 s15, s2  }
0xc: {  	s10 =	sadd.s32 s18, s2;
	s13 =	sadd.s32 s11, s14;
	s20 =	sadd.s32 s14, s12  }
0xd: {  	s11 =	sadd.s32 s19, s2;
	s15 =	sadd.s32 s14, s15;
	s18 =	sadd.s32 s14, s18  }
0xe: {  	s19 =	sadd.s32 s14, s19;
	s6 =	sadd.s32 s6, s5;
	s13 =	sshrl.u32 s13, $0x3  }
0xf: {  	s30 =	sshrl.u32 s20, $0x3;
	s15 =	sshrl.u32 s15, $0x3;
	s18 =	sshrl.u32 s18, $0x3  }
0x10: {  	s31 =	sshrl.u32 s19, $0x3;
	s17 =	smax.u32 s17, $0x1;
	s19 =	simm.s32 $0x2800  }
0x11: {  	s20 =	simm.s32 $0x5000;
	s5 =	sadd.s32 $0x4E00, s6;
	s6 =	sadd.s32 $0xEE00, s6  }
0x12: {  	s12 =	sadd.s32 s16, s13;
	s13 =	sadd.s32 s16, s30;
	s14 =	sadd.s32 s16, s15  }
0x13: {  	v0 =	vimm.f32 $0.0e+00;
	s15 =	sadd.s32 s16, s18;
	s16 =	sadd.s32 s16, s31;
	s18 =	simm.s32 $0x3  }
.LBB2_1:
0x14: {  	[tilespmem:s3], [sflag:$0x3] =	stream.linear.gather [hbm4b:s5+s3], $0x2800, $0x38;
	[tilespmem:$0x1D000] =	vst v63  }
0x15: {  	_ =	swait.ge [sflag:s18], $0x2800  }
0x16: {  	[sflag:s18] =	ssyncset.done $0x0  }
0x17: {  	[sflag:s18] =	ssyncadd.s32 $0xFFFFD800  }
0x18: {  	[tilespmem:s19], [sflag:$0x3] =	stream.linear.gather [hbm4b:s6+s3], $0x2800, $0x38;
	[tilespmem:$0x1D000] =	vst v63  }
0x19: {  	_ =	swait.ge [sflag:s18], $0x2800  }
0x1a: {  	[sflag:s18] =	ssyncset.done $0x0  }
0x1b: {  	s25 =	simm.s32 $0x0;
	s26 =	simm.s32 $0x200;
	[sflag:s18] =	ssyncadd.s32 $0xFFFFD800  }
.LBB2_2:
0x1c: {  	p0 =	sne.s32 s26, $0xFE00;
	[tilespmem:s25+$0x5070] =	vst v0  }
0x1d: {  	[tilespmem:s25+$0x5000] =	vst v0  }
0x1e: {  	[tilespmem:s25+$0x5010] =	vst v0  }
.Ltmp0:
0x1f: {  	[tilespmem:s25+$0x5020] =	vst v0;
	(pc) =	sbr.rel @p0 .LBB2_2-.Ltmp0, $4  }
0x20: {  	[tilespmem:s25+$0x5030] =	vst v0  }
0x21: {  	[tilespmem:s25+$0x5040] =	vst v0  }
0x22: {  	[tilespmem:s25+$0x5050] =	vst v0  }
0x23: {  	[tilespmem:s25+$0x5060] =	vst v0;
	s25 =	sshra.s32 s26, $0x2;
	s26 =	sadd.s32 $0x200, s26  }
0x24: {  	[tilespmem:s25+$0x5070] =	vst v0  }
0x25: {  	[tilespmem:s25+$0x5000] =	vst v0  }
0x26: {  	[tilespmem:s25+$0x5010] =	vst v0  }
0x27: {  	[tilespmem:s25+$0x5020] =	vst v0  }
0x28: {  	[tilespmem:s25+$0x5030] =	vst v0  }
0x29: {  	[tilespmem:s25+$0x5040] =	vst v0  }
0x2a: {  	[tilespmem:s25+$0x5050] =	vst v0  }
0x2b: {  	[tilespmem:s25+$0x5060] =	vst v0  }
0x2c: {  	[spmem:s7] =	stream.linear.scatter [tilespmem:s20], [sflag:$0x3], $0x4000, $0x38;
	[tilespmem:$0x1D000] =	vst v63  }
0x2d: {  	_ =	swait.ge [sflag:s18], $0x4000  }
0x2e: {  	[sflag:s18] =	ssyncset.done $0x0  }
0x2f: {  	[sflag:s18] =	ssyncadd.s32 $0xFFFFC000  }
0x30: {  	[spmem:s8] =	stream.linear.scatter [tilespmem:s20], [sflag:$0x3], $0x4000, $0x38;
	[tilespmem:$0x1D000] =	vst v63  }
0x31: {  	_ =	swait.ge [sflag:s18], $0x4000  }
0x32: {  	[sflag:s18] =	ssyncset.done $0x0  }
0x33: {  	[sflag:s18] =	ssyncadd.s32 $0xFFFFC000  }
0x34: {  	[spmem:s9] =	stream.linear.scatter [tilespmem:s20], [sflag:$0x3], $0x4000, $0x38;
	[tilespmem:$0x1D000] =	vst v63  }
0x35: {  	_ =	swait.ge [sflag:s18], $0x4000  }
0x36: {  	[sflag:s18] =	ssyncset.done $0x0  }
0x37: {  	[sflag:s18] =	ssyncadd.s32 $0xFFFFC000  }
0x38: {  	[spmem:s10] =	stream.linear.scatter [tilespmem:s20], [sflag:$0x3], $0x4000, $0x38;
	[tilespmem:$0x1D000] =	vst v63  }
0x39: {  	_ =	swait.ge [sflag:s18], $0x4000  }
0x3a: {  	[sflag:s18] =	ssyncset.done $0x0  }
0x3b: {  	[sflag:s18] =	ssyncadd.s32 $0xFFFFC000  }
0x3c: {  	[spmem:s11] =	stream.linear.scatter [tilespmem:s20], [sflag:$0x3], $0x4000, $0x38;
	[tilespmem:$0x1D000] =	vst v63  }
0x3d: {  	_ =	swait.ge [sflag:s18], $0x4000  }
0x3e: {  	[sflag:s18] =	ssyncset.done $0x0  }
0x3f: {  	[sflag:s18] =	ssyncadd.s32 $0xFFFFC000  }
0x40: {  	s30 =	simm.s32 $0x0;
	[bflag:$0x0] =	sbarrier.arrive $0xFFFF  }
0x41: {  	[tilespmem:s20], [sflag:$0x1] =	stream.indirect.gather [hbm4b:s4+s21], $0x80, s30, s21, $0xb8;
	[tilespmem:$0x1D000] =	vst v63  }
0x42: {  	_ =	swait.ge [sflag:s22], $0x4000  }
0x43: {  	[sflag:s22] =	ssyncset.done $0x0  }
0x44: {  	s31 =	simm.s32 $0x2800;
	[sflag:s22] =	ssyncadd.s32 $0xFFFFC000  }
0x45: {  	[spmem:s2] =	stream.indirect.scatter.add.f32 [tilespmem:s20], [sflag:$0x3], $0x80, s31, s21, $0xb8;
	[tilespmem:$0x1D000] =	vst v63  }
0x46: {  	_ =	swait.ge [sflag:s18], $0x4000  }
0x47: {  	s25 =	simm.s32 $0x200;
	s26 =	simm.s32 $0x400;
	[sflag:s18] =	ssyncset.done $0x0  }
.LBB2_4:
0x48: {  	s28 =	sshra.s32 s25, $0x2  }
0x49: {  	[sflag:s18] =	ssyncadd.s32 $0xFFFFC000;
	s25 =	smov.u32 s26;
	s29 =	sadd.s32 $0x200, s26  }
0x4a: {  	[tilespmem:s20], [sflag:$0x1] =	stream.indirect.gather [hbm4b:s4+s21], $0x80, s28, s21, $0xb8;
	[tilespmem:$0x1D000] =	vst v63  }
0x4b: {  	p0 =	sne.s32 s26, $0x9E00;
	_ =	swait.ge [sflag:s22], $0x4000  }
.Ltmp1:
0x4c: {  	[sflag:s22] =	ssyncset.done $0x0;
	(pc) =	sbr.rel @p0 .LBB2_4-.Ltmp1, $4  }
0x4d: {  	s26 =	sadd.s32 $0x2800, s28;
	[sflag:s22] =	ssyncadd.s32 $0xFFFFC000  }
0x4e: {  	[spmem:s2] =	stream.indirect.scatter.add.f32 [tilespmem:s20], [sflag:$0x3], $0x80, s26, s21, $0xb8;
	[tilespmem:$0x1D000] =	vst v63  }
0x4f: {  	_ =	swait.ge [sflag:s18], $0x4000  }
0x50: {  	s26 =	smov.u32 s29;
	[sflag:s18] =	ssyncset.done $0x0  }
0x51: {  	s25 =	sshra.s32 s25, $0x2;
	[sflag:s18] =	ssyncadd.s32 $0xFFFFC000  }
0x52: {  	[tilespmem:s20], [sflag:$0x1] =	stream.indirect.gather [hbm4b:s4+s21], $0x80, s25, s21, $0xb8;
	[tilespmem:$0x1D000] =	vst v63  }
0x53: {  	_ =	swait.ge [sflag:s22], $0x4000  }
0x54: {  	[sflag:s22] =	ssyncset.done $0x0  }
0x55: {  	s25 =	sadd.s32 $0x2800, s25;
	[sflag:s22] =	ssyncadd.s32 $0xFFFFC000  }
0x56: {  	[spmem:s2] =	stream.indirect.scatter.add.f32 [tilespmem:s20], [sflag:$0x3], $0x80, s25, s21, $0xb8;
	[tilespmem:$0x1D000] =	vst v63  }
0x57: {  	s26 =	sshll.u32 s0, $0x6;
	_ =	swait.ge [sflag:s18], $0x4000  }
0x58: {  	s28 =	sshrl.u32 s8, $0x3;
	s29 =	sshrl.u32 s9, $0x3;
	[sflag:s18] =	ssyncset.done $0x0  }
0x59: {  	s30 =	sshrl.u32 s10, $0x3;
	s31 =	sshrl.u32 s11, $0x3;
	[sflag:s18] =	ssyncadd.s32 $0xFFFFC000  }
0x5a: {  	s25 =	sor.u32 $0x1C02, s26;
	s26 =	sshrl.u32 s7, $0x3;
	[bflag:$0x0] =	sbarrier.arrive $0xFFFF  }
0x5b: {  	[hbm:s12], [sflag:s25] =	dma.local [spmem:s26], $0x800  }
0x5c: {  	[hbm:s13], [sflag:s25] =	dma.local [spmem:s28], $0x800  }
0x5d: {  	[hbm:s14], [sflag:s25] =	dma.local [spmem:s29], $0x800  }
0x5e: {  	[hbm:s15], [sflag:s25] =	dma.local [spmem:s30], $0x800  }
0x5f: {  	[hbm:s16], [sflag:s25] =	dma.local [spmem:s31], $0x800  }
0x60: {  	_ =	swait.ge [sflag:s23], $0x800  }
0x61: {  	[sflag:s23] =	ssyncset.done $0x0  }
0x62: {  	[sflag:s23] =	ssyncadd.s32 $0xFFFFF800  }
0x63: {  	_ =	swait.ge [sflag:s23], $0x800  }
0x64: {  	[sflag:s23] =	ssyncset.done $0x0  }
0x65: {  	[sflag:s23] =	ssyncadd.s32 $0xFFFFF800  }
0x66: {  	_ =	swait.ge [sflag:s23], $0x800  }
0x67: {  	[sflag:s23] =	ssyncset.done $0x0  }
0x68: {  	s24 =	sadd.s32 $0x1, s24;
	[sflag:s23] =	ssyncadd.s32 $0xFFFFF800  }
0x69: {  	p0 =	sne.s32 s24, s17;
	_ =	swait.ge [sflag:s23], $0x800  }
.Ltmp2:
0x6a: {  	[sflag:s23] =	ssyncset.done $0x0;
	(pc) =	sbr.rel @p0 .LBB2_1-.Ltmp2, $4  }
0x6b: {  	[sflag:s23] =	ssyncadd.s32 $0xFFFFF800  }
0x6c: {  	_ =	swait.ge [sflag:s23], $0x800  }
0x6d: {  	[sflag:s23] =	ssyncset.done $0x0  }
0x6e: {  	[sflag:s23] =	ssyncadd.s32 $0xFFFFF800  }
0x6f: {  	_ =	sfence.sel $0x180000  }
0x70: {  	[bflag:$0x0] =	sbarrier.arrive $0xFFFF  }
0x71: {  	p0 =	sne.s32 s0, $0x0;
	_ =	strace $0x90000056  }
0x72: {  	s0 =	sadd.s32 @!p0 $0x100000, s1;
	[bflag:$0x2] =	sbarrier.arrive $0xFFFF  }
0x73: {  	[sflag:s0] =	ssyncadd.tile.s32 @!p0 $0x1;
	_ =	shalt  }
.Lfunc_end2:
_tile_overlayer_lowered:
.L_overlay_start_2:
0x74: {  	(tag) =	ssettag $0x2  }
0x75: {  	s0 =	rddreg [dreg:$0x0];
	s2 =	stileid.u32  }
0x76: {  	s1 =	rddreg [dreg:$0x1];
	p0 =	sne.s32 s2, $0x0  }
0x77: {  	s3 =	rddreg [dreg:$0x2];
	[bflag:$0x3] =	sbarrier.arrive $0xFFFF;
	s2 =	simm.s32 @!p0 $0x1C03  }
0x78: {  	[timem:s3], [sflag:s2] =	dma.local @!p0 [hbm:s0], s1  }
0x79: {  	s0 =	simm.s32 @!p0 $0x3  }
0x7a: {  	_ =	swait.ge @!p0 [sflag:s0], s1  }
0x7b: {  	s1 =	ssub.s32 @!p0 $0x0, s1;
	[sflag:s0] =	ssyncset.done @!p0 $0x0  }
0x7c: {  	[sflag:s0] =	ssyncadd.s32 @!p0 s1  }
0x7d: {  	[bflag:$0x3] =	sbarrier.arrive $0xFFFF  }
0x7e: {  	_ =	shalt  }

</sc_bundles>
